<compile_context>
chip_gen: v7x
topology: tpu7x:2x2x1
jax: 0.10.2.dev20260603
libtpu: 0.0.44.dev20260713+nightly
codegen_flags: <defaults>
</compile_context>

<pallas_src>
import functools

import jax
import jax.numpy as jnp
from jax import lax
from jax.experimental import pallas as pl
from jax.experimental.pallas import tpu as pltpu
from jax.experimental.pallas import tpu_sc as plsc

N = 10000
E = 320000
K = 640000
D = 128

NC = 2
NS = 16
NW = NC * NS

_mesh = plsc.VectorSubcoreMesh(core_axis_name="c", subcore_axis_name="s")


_G_PER_W = E // NW
_G_CH = 1000
_G_NCH = _G_PER_W // _G_CH


@functools.partial(
    pl.kernel,
    out_type=jax.ShapeDtypeStruct((E, D), jnp.float32),
    mesh=_mesh,
    scratch_types=[
        pltpu.VMEM((_G_CH,), jnp.int32),
        pltpu.VMEM((_G_CH, D), jnp.float32),
        pltpu.SemaphoreType.DMA,
    ],
)
def _sc_gather(table_hbm, idx_hbm, out_hbm, idx_v, rows_v, sem):
    wid = lax.axis_index("s") * NC + lax.axis_index("c")
    base = wid * _G_PER_W

    def chunk(j, carry):
        off = base + j * _G_CH
        pltpu.sync_copy(idx_hbm.at[pl.ds(off, _G_CH)], idx_v)
        pltpu.async_copy(table_hbm.at[idx_v], rows_v, sem).wait()
        pltpu.sync_copy(rows_v, out_hbm.at[pl.ds(off, _G_CH)])
        return carry

    lax.fori_loop(0, _G_NCH, chunk, 0)


_S2_PER_W = E // NW
_S2_CH = 200
_S2_NCH = _S2_PER_W // _S2_CH
_S2_NPAD = 10240
_S2_NROWS = _S2_NPAD // NS


@functools.partial(
    pl.kernel,
    out_type=jax.ShapeDtypeStruct((NC, _S2_NPAD, D), jnp.float32),
    mesh=_mesh,
    scratch_types=[
        pltpu.VMEM_SHARED((_S2_NPAD, D), jnp.float32),
        pltpu.VMEM((_S2_CH,), jnp.int32),
        pltpu.VMEM((_S2_CH, D), jnp.float32),
    ],
)
def _sc_scatter_mj(m_hbm, tgt_hbm, zeros_hbm, out_hbm, acc_sh, tvec, mbuf):
    cid = lax.axis_index("c")
    sid = lax.axis_index("s")
    wid = sid * NC + cid
    base = wid * _S2_PER_W
    rbase = sid * _S2_NROWS

    pltpu.sync_copy(zeros_hbm.at[pl.ds(rbase, _S2_NROWS)],
                    acc_sh.at[pl.ds(rbase, _S2_NROWS)])
    plsc.subcore_barrier()

    def chunk(j, carry):
        off = base + j * _S2_CH
        pltpu.sync_copy(tgt_hbm.at[pl.ds(off, _S2_CH)], tvec)
        pltpu.sync_copy(m_hbm.at[pl.ds(off, _S2_CH)], mbuf)
        pltpu.sync_copy(mbuf, acc_sh.at[tvec], add=True)
        return carry

    lax.fori_loop(0, _S2_NCH, chunk, 0)
    plsc.subcore_barrier()
    pltpu.sync_copy(acc_sh.at[pl.ds(rbase, _S2_NROWS)],
                    out_hbm.at[cid, pl.ds(rbase, _S2_NROWS)])


_W = 3200
_WPAD = _W + 128
_WPC = (E // _W) // NC
_SEG = 4000
_KSL = K // NS
_NSEG = _KSL // _SEG
_SB = 48
_LCAP = 8192
_ZR = _WPAD // NS
_FR = _W // NS


@functools.partial(
    pl.kernel,
    out_type=(jax.ShapeDtypeStruct((E, D), jnp.float32),
              jax.ShapeDtypeStruct((E, D), jnp.float32)),
    mesh=_mesh,
    compiler_params=pltpu.CompilerParams(needs_layout_passes=False),
    scratch_types=[
        pltpu.VMEM_SHARED((_WPAD, D), jnp.float32),
        pltpu.VMEM_SHARED((_WPAD, D), jnp.float32),
        pltpu.VMEM((2 * _SEG,), jnp.int32),
        pltpu.VMEM((2 * _SEG,), jnp.int32),
        pltpu.VMEM((_LCAP,), jnp.int32),
        pltpu.VMEM((_LCAP,), jnp.int32),
        pltpu.VMEM((2, _SB), jnp.int32),
        pltpu.VMEM((2, _SB), jnp.int32),
        pltpu.VMEM((2, _SB), jnp.int32),
        pltpu.VMEM((2, _SB, D), jnp.float32),
        pltpu.VMEM((2, _SB, D), jnp.float32),
        pltpu.VMEM((2, _SB, D), jnp.float32),
        pltpu.VMEM((_SB, D), jnp.float32),
        pltpu.SemaphoreType.DMA,
        pltpu.SemaphoreType.DMA,
    ],
)
def _sc_s1(a_hbm, b_hbm, m_hbm, ns_hbm, n_hbm, z_hbm, s_out, r_out,
           win_s, win_r, s_ch, n_ch, list_s, list_n, a_idx, n_idx, row_idx,
           a_buf, b_buf, m_buf, g_buf, sem_st, sem_g):
    cid = lax.axis_index("c")
    sid = lax.axis_index("s")
    kbase = sid * _KSL

    def stage_issue(g, slot):
        koff = kbase + g * _SEG
        pltpu.async_copy(ns_hbm.at[pl.ds(koff, _SEG)],
                         s_ch.at[pl.ds(slot * _SEG, _SEG)], sem_st)
        pltpu.async_copy(n_hbm.at[pl.ds(koff, _SEG)],
                         n_ch.at[pl.ds(slot * _SEG, _SEG)], sem_st)

    def stage_wait(slot):
        pltpu.make_async_copy(ns_hbm.at[pl.ds(0, _SEG)],
                              s_ch.at[pl.ds(slot * _SEG, _SEG)], sem_st).wait()
        pltpu.make_async_copy(n_hbm.at[pl.ds(0, _SEG)],
                              n_ch.at[pl.ds(slot * _SEG, _SEG)], sem_st).wait()

    def gather_issue(base, bi, slot):
        off = bi * _SB
        for q in range(_SB // 16):
            sv = list_s[pl.ds(off + q * 16, 16)]
            nv = list_n[pl.ds(off + q * 16, 16)]
            a_idx[slot, pl.ds(q * 16, 16)] = jnp.minimum(sv + base, E - 1)
            row_idx[slot, pl.ds(q * 16, 16)] = sv
            n_idx[slot, pl.ds(q * 16, 16)] = nv
        pltpu.async_copy(a_hbm.at[a_idx.at[slot]], a_buf.at[slot], sem_g)
        pltpu.async_copy(b_hbm.at[n_idx.at[slot]], b_buf.at[slot], sem_g)
        pltpu.async_copy(m_hbm.at[n_idx.at[slot]], m_buf.at[slot], sem_g)

    def gather_wait(slot):
        pltpu.make_async_copy(a_hbm.at[a_idx.at[slot]], a_buf.at[slot], sem_g).wait()
        pltpu.make_async_copy(b_hbm.at[n_idx.at[slot]], b_buf.at[slot], sem_g).wait()
        pltpu.make_async_copy(m_hbm.at[n_idx.at[slot]], m_buf.at[slot], sem_g).wait()

    def drain(base, nb):
        @pl.when(nb > 0)
        def _():
            gather_issue(base, 0, 0)

            def body(bi, cur):
                nxt = 1 - cur
                gather_wait(cur)

                @pl.when(bi + 1 < nb)
                def _():
                    gather_issue(base, bi + 1, nxt)

                def row(i, carry_r):
                    for j in range(D // 16):
                        av = a_buf[cur, i, pl.ds(j * 16, 16)]
                        bv = b_buf[cur, i, pl.ds(j * 16, 16)]
                        mv = m_buf[cur, i, pl.ds(j * 16, 16)]
                        g_buf[i, pl.ds(j * 16, 16)] = mv / (1.0 + jnp.exp(-(av + bv)))
                    return carry_r

                lax.fori_loop(0, _SB, row, 0)
                pltpu.sync_copy(m_buf.at[cur], win_s.at[row_idx.at[cur]], add=True)
                pltpu.sync_copy(g_buf, win_r.at[row_idx.at[cur]], add=True)
                return nxt

            lax.fori_loop(0, nb, body, 0)

    def pad_lists(cnt):
        for q in range(_SB // 16):
            list_s[pl.ds(cnt + q * 16, 16)] = jnp.full((16,), _W, jnp.int32)
            list_n[pl.ds(cnt + q * 16, 16)] = jnp.zeros((16,), jnp.int32)

    def window(wi, carry_w):
        base = (cid * _WPC + wi) * _W
        pltpu.sync_copy(z_hbm.at[pl.ds(sid * _ZR, _ZR)],
                        win_s.at[pl.ds(sid * _ZR, _ZR)])
        pltpu.sync_copy(z_hbm.at[pl.ds(sid * _ZR, _ZR)],
                        win_r.at[pl.ds(sid * _ZR, _ZR)])
        plsc.subcore_barrier()
        stage_issue(0, 0)

        def segment(g, cnt_in):
            slot = g % 2
            stage_wait(slot)

            @pl.when(g + 1 < _NSEG)
            def _():
                stage_issue(g + 1, 1 - slot)

            def scan_step(t, cnt):
                s16 = s_ch[pl.ds(slot * _SEG + t * 16, 16)]
                n16 = n_ch[pl.ds(slot * _SEG + t * 16, 16)]
                msk = (s16 >= base) & (s16 < base + _W)
                plsc.store_compressed(list_s.at[pl.ds(cnt, 16)], s16 - base, mask=msk)
                plsc.store_compressed(list_n.at[pl.ds(cnt, 16)], n16, mask=msk)
                return cnt + jnp.sum(msk.astype(jnp.int32))

            cnt = lax.fori_loop(0, _SEG // 16, scan_step, cnt_in)

            def spill(c):
                nfull = c // _SB
                drain(base, nfull)
                rem = c - nfull * _SB
                for q in range(_SB // 16):
                    list_s[pl.ds(q * 16, 16)] = list_s[pl.ds(nfull * _SB + q * 16, 16)]
                    list_n[pl.ds(q * 16, 16)] = list_n[pl.ds(nfull * _SB + q * 16, 16)]
                return rem

            return lax.cond(cnt > _LCAP - _SEG - _SB, spill, lambda c: c, cnt)

        cnt = lax.fori_loop(0, _NSEG, segment, 0)
        pad_lists(cnt)
        drain(base, (cnt + _SB - 1) // _SB)
        plsc.subcore_barrier()
        pltpu.sync_copy(win_s.at[pl.ds(sid * _FR, _FR)],
                        s_out.at[pl.ds(base + sid * _FR, _FR)])
        pltpu.sync_copy(win_r.at[pl.ds(sid * _FR, _FR)],
                        r_out.at[pl.ds(base + sid * _FR, _FR)])
        plsc.subcore_barrier()
        return carry_w

    lax.fori_loop(0, _WPC, window, 0)


_BLK = 2000


def _tc2_body(h_src, f_bond, f_mess, wh, wf, bc, wrm, zpre, a_r, wpre, b_r):
    acc = jnp.dot(h_src[...], wh[...], preferred_element_type=jnp.float32)
    acc += jnp.dot(f_bond[...], wf[...], preferred_element_type=jnp.float32)
    acc += bc[...]
    zpre[...] = acc[:, :D]
    a_r[...] = acc[:, D:2 * D]
    wpre[...] = acc[:, 2 * D:]
    b_r[...] = jnp.dot(f_mess[...], wrm[...], preferred_element_type=jnp.float32)


def _tc2(h_src, f_bond, f_mess, wh, wf, bc, wrm):
    grid = (E // _BLK,)
    row_spec = pl.BlockSpec((_BLK, D), lambda i: (i, 0))
    full = lambda shape: pl.BlockSpec(shape, lambda i: (0, 0))
    return pl.pallas_call(
        _tc2_body,
        grid=grid,
        in_specs=[
            row_spec, row_spec, row_spec,
            full((D, 3 * D)), full((D, 3 * D)), full((1, 3 * D)), full((D, D)),
        ],
        out_specs=[row_spec, row_spec, row_spec, row_spec],
        out_shape=[jax.ShapeDtypeStruct((E, D), jnp.float32)] * 4,
    )(h_src, f_bond, f_mess, wh, wf, bc, wrm)


def _tc3_body(zpre, wpre, s, r, wzs, ut, m_new):
    z = jax.nn.sigmoid(zpre[...] + jnp.dot(s[...], wzs[...], preferred_element_type=jnp.float32))
    mn = jnp.tanh(wpre[...] + jnp.dot(r[...], ut[...], preferred_element_type=jnp.float32))
    m_new[...] = (1.0 - z) * s[...] + z * mn


def _tc3(zpre, wpre, s, r, wzs, ut):
    grid = (E // _BLK,)
    row_spec = pl.BlockSpec((_BLK, D), lambda i: (i, 0))
    full = lambda shape: pl.BlockSpec(shape, lambda i: (0, 0))
    return pl.pallas_call(
        _tc3_body,
        grid=grid,
        in_specs=[row_spec, row_spec, row_spec, row_spec, full((D, D)), full((D, D))],
        out_specs=row_spec,
        out_shape=jax.ShapeDtypeStruct((E, D), jnp.float32),
    )(zpre, wpre, s, r, wzs, ut)


_NBLK = 2000


def _tc4_body(f_node, mj, on, om, ob, h_j):
    acc = jnp.dot(f_node[...], on[...], preferred_element_type=jnp.float32)
    mjs = mj[0] + mj[1]
    acc += jnp.dot(mjs, om[...], preferred_element_type=jnp.float32)
    acc += ob[...]
    h_j[...] = acc * 0.5 * (1.0 + lax.erf(acc * (2.0 ** -0.5)))


def _tc4(f_node, mj_parts, on, om, ob):
    grid = (N // _NBLK,)
    row_spec = pl.BlockSpec((_NBLK, D), lambda i: (i, 0))
    mj_spec = pl.BlockSpec((2, _NBLK, D), lambda i: (0, i, 0))
    full = lambda shape: pl.BlockSpec(shape, lambda i: (0,) * len(shape))
    return pl.pallas_call(
        _tc4_body,
        grid=grid,
        in_specs=[row_spec, mj_spec, full((D, D)), full((D, D)), full((1, D))],
        out_specs=row_spec,
        out_shape=jax.ShapeDtypeStruct((N, D), jnp.float32),
    )(f_node, mj_parts, on, om, ob)


def kernel(f_mess, f_node, bond_idx, bond_neibor, f_bond,
           Wz_w, Wz_b, Wr_w, Wr_b, W_w, W_b, U_w, out_w, out_b):
    src = bond_idx[0]
    tgt = bond_idx[1]
    nei_src = bond_neibor[0]
    nei = bond_neibor[1]

    wh = jnp.concatenate([Wz_w[:, :D].T, Wr_w[:, :D].T, W_w[:, :D].T], axis=1)
    wf = jnp.concatenate([Wz_w[:, D:2 * D].T, Wr_w[:, D:2 * D].T, W_w[:, D:].T], axis=1)
    bc = jnp.concatenate([Wz_b, Wr_b, W_b]).reshape(1, 3 * D)
    wrm = Wr_w[:, 2 * D:].T
    wzs = Wz_w[:, 2 * D:].T
    ut = U_w.T
    on = out_w[:, :D].T
    om = out_w[:, D:].T
    ob = out_b.reshape(1, D)

    h_src = _sc_gather(f_node, src)
    zpre, a_r, wpre, b_r = _tc2(h_src, f_bond, f_mess, wh, wf, bc, wrm)

    zeros_w = jnp.zeros((_WPAD, D), jnp.float32)
    s_ij, r_ij = _sc_s1(a_r, b_r, f_mess, nei_src, nei, zeros_w)

    m_new = _tc3(zpre, wpre, s_ij, r_ij, wzs, ut)

    zeros_nd = jnp.zeros((_S2_NPAD, D), jnp.float32)
    mj_parts = _sc_scatter_mj(m_new, tgt, zeros_nd)[:, :N]

    h_j = _tc4(f_node, mj_parts, on, om, ob)
    return (h_j, m_new)

# --- scband reference (transcript-rebuilt; emitter-appended) ---
"""Pipeline reference for scband-dmpnn-65240553226771 (READ-ONLY COPY).

The authoritative reference and input builder live on the scoring server;
editing this copy changes nothing except your own understanding.
"""

import jax, jax.numpy as jnp
import numpy as np

N = 10000
E = 320000
K = 640000
D = 128


def _lin(key, out_f, in_f):
    k1, k2 = jax.random.split(key)
    bound = 1.0 / np.sqrt(in_f)
    w = jax.random.uniform(k1, (out_f, in_f), minval=-bound, maxval=bound, dtype=jnp.float32)
    b = jax.random.uniform(k2, (out_f,), minval=-bound, maxval=bound, dtype=jnp.float32)
    return w, b


def setup_inputs(seed: int = 0) -> dict:
    key = jax.random.key(seed)
    ks = jax.random.split(key, 10)
    f_mess = jax.random.normal(ks[0], (E, D), dtype=jnp.float32)
    f_node = jax.random.normal(ks[1], (N, D), dtype=jnp.float32)
    f_bond = jax.random.normal(ks[2], (E, D), dtype=jnp.float32)
    bond_idx = jax.random.randint(ks[3], (2, E), 0, N, dtype=jnp.int32)
    bond_neibor = jax.random.randint(ks[4], (2, K), 0, E, dtype=jnp.int32)
    Wz_w, Wz_b = _lin(ks[5], D, 3 * D)
    Wr_w, Wr_b = _lin(ks[6], D, 3 * D)
    W_w, W_b = _lin(ks[7], D, 2 * D)
    bu = 1.0 / np.sqrt(D)
    U_w = jax.random.uniform(ks[8], (D, D), minval=-bu, maxval=bu, dtype=jnp.float32)
    out_w, out_b = _lin(ks[9], D, 2 * D)
    return {
        'f_mess': f_mess, 'f_node': f_node, 'bond_idx': bond_idx,
        'bond_neibor': bond_neibor, 'f_bond': f_bond,
        'Wz_w': Wz_w, 'Wz_b': Wz_b, 'Wr_w': Wr_w, 'Wr_b': Wr_b,
        'W_w': W_w, 'W_b': W_b, 'U_w': U_w, 'out_w': out_w, 'out_b': out_b,
    }


def reference(f_mess, f_node, bond_idx, bond_neibor, f_bond,
              Wz_w, Wz_b, Wr_w, Wr_b, W_w, W_b, U_w, out_w, out_b):
    src = bond_idx[0]
    tgt = bond_idx[1]
    nei_src = bond_neibor[0]
    nei = bond_neibor[1]
    bond_num = src.shape[0]
    h_ij = jnp.concatenate([jnp.take(f_node, src, axis=0), f_bond], axis=-1)
    h_ki = jnp.take(h_ij, nei_src, axis=0)
    m_ij = f_mess
    m_ki = jnp.take(m_ij, nei, axis=0)
    s_ij = jax.ops.segment_sum(m_ki, nei_src, num_segments=bond_num)
    z_ij = jax.nn.sigmoid(jnp.concatenate([h_ij, s_ij], axis=-1) @ Wz_w.T + Wz_b)
    r_ki = jax.nn.sigmoid(jnp.concatenate([h_ki, m_ki], axis=-1) @ Wr_w.T + Wr_b)
    r_ij = jax.ops.segment_sum(r_ki * m_ki, nei_src, num_segments=bond_num)
    m_new = jnp.tanh(h_ij @ W_w.T + W_b + r_ij @ U_w.T)
    m_new = (1.0 - z_ij) * s_ij + z_ij * m_new
    m_j = jax.ops.segment_sum(m_new, tgt, num_segments=f_node.shape[0])
    h_j = jax.nn.gelu(jnp.concatenate([f_node, m_j], axis=-1) @ out_w.T + out_b, approximate=False)
    return (h_j, m_new)

if __name__ == "__main__":
    import jax
    _d = setup_inputs()
    print(jax.jit(kernel)(*tuple(_d.values())))

</pallas_src>

<mosaic_0001>
#map = affine_map<(d0, d1) -> (0, 0)>
#map1 = affine_map<(d0, d1) -> (0)>
module attributes {stable_mosaic.version = 14 : i64} {
  func.func @_sc_s1(%arg0: i32, %arg1: i32, %arg2: memref<320000x128xf32, #tpu.memory_space<hbm>>, %arg3: memref<320000x128xf32, #tpu.memory_space<hbm>>, %arg4: memref<320000x128xf32, #tpu.memory_space<hbm>>, %arg5: memref<640000xi32, #tpu.memory_space<hbm>>, %arg6: memref<640000xi32, #tpu.memory_space<hbm>>, %arg7: memref<3328x128xf32, #tpu.memory_space<hbm>>, %arg8: memref<320000x128xf32, #tpu.memory_space<hbm>>, %arg9: memref<320000x128xf32, #tpu.memory_space<hbm>>, %arg10: memref<3328x128xf32, #tpu.memory_space<vmem_shared>>, %arg11: memref<3328x128xf32, #tpu.memory_space<vmem_shared>>, %arg12: memref<8000xi32, #tpu.memory_space<vmem>>, %arg13: memref<8000xi32, #tpu.memory_space<vmem>>, %arg14: memref<8192xi32, #tpu.memory_space<vmem>>, %arg15: memref<8192xi32, #tpu.memory_space<vmem>>, %arg16: memref<2x48xi32, #tpu.memory_space<vmem>>, %arg17: memref<2x48xi32, #tpu.memory_space<vmem>>, %arg18: memref<2x48xi32, #tpu.memory_space<vmem>>, %arg19: memref<2x48x128xf32, #tpu.memory_space<vmem>>, %arg20: memref<2x48x128xf32, #tpu.memory_space<vmem>>, %arg21: memref<2x48x128xf32, #tpu.memory_space<vmem>>, %arg22: memref<48x128xf32, #tpu.memory_space<vmem>>, %arg23: memref<!tpu.dma_semaphore, #tpu.memory_space<semaphore_mem>>, %arg24: memref<!tpu.dma_semaphore, #tpu.memory_space<semaphore_mem>>) attributes {dimension_semantics = [#tpu.dimension_semantics<core_parallel>, #tpu.dimension_semantics<subcore_parallel>], iteration_bounds = array<i64: 2, 16>, scalar_prefetch = 0 : i64, scratch_operands = 15 : i64, tpu.core_type = #tpu.core_type<sc_vector_subcore>, window_params = [{transform_indices = #map}, {transform_indices = #map}, {transform_indices = #map}, {transform_indices = #map1}, {transform_indices = #map1}, {transform_indices = #map}, {transform_indices = #map}, {transform_indices = #map}]} {
    %mul3A = arith.constant 40000 : i32
    %mul3A_0 = arith.muli %arg1, %mul3A : i32
    %scan3A = arith.constant 0 : i32
    %scan3A_1 = arith.constant 0 : i32
    %scan3A_2 = arith.constant 50 : i32
    %scan3A_3 = arith.addi %scan3A_1, %scan3A_2 : i32
    %scan3A_4 = arith.constant 1 : i32
    scf.for %scan3A_6 = %scan3A_1 to %scan3A_3 step %scan3A_4  : i32 {
      %mul3A_7 = arith.constant 50 : i32
      %mul3A_8 = arith.muli %arg0, %mul3A_7 : i32
      %add3A = arith.addi %mul3A_8, %scan3A_6 : i32
      %mul3A_9 = arith.constant 3200 : i32
      %mul3A_10 = arith.muli %add3A, %mul3A_9 : i32
      %mul3A_11 = arith.constant 208 : i32
      %mul3A_12 = arith.muli %arg1, %mul3A_11 : i32
      %mul3A_13 = arith.constant 208 : i32
      %mul3A_14 = arith.muli %arg1, %mul3A_13 : i32
      "tpu.region"() ({
        %run_scoped3A = tpu.sem_alloc : memref<!tpu.dma_semaphore, #tpu.memory_space<semaphore_mem>>
        %dma_start3A_107 = arith.constant 0 : i32
        %dma_start3A_108 = tpu.memref_slice %arg10[%mul3A_14, %dma_start3A_107] : memref<3328x128xf32, #tpu.memory_space<vmem_shared>> -> memref<208x128xf32, #tpu.memory_space<vmem_shared>>
        %dma_start3A_109 = arith.constant 0 : i32
        %dma_start3A_110 = tpu.memref_slice %arg7[%mul3A_12, %dma_start3A_109] : memref<3328x128xf32, #tpu.memory_space<hbm>> -> memref<208x128xf32, #tpu.memory_space<hbm>>
        tpu.enqueue_dma source(%dma_start3A_110 : memref<208x128xf32, #tpu.memory_space<hbm>>) target(%dma_start3A_108 : memref<208x128xf32, #tpu.memory_space<vmem_shared>>) target_semaphore(%run_scoped3A : memref<!tpu.dma_semaphore, #tpu.memory_space<semaphore_mem>>)
        %dma_wait3A = arith.constant 0 : i32
        %dma_wait3A_111 = tpu.memref_slice %arg10[%mul3A_14, %dma_wait3A] : memref<3328x128xf32, #tpu.memory_space<vmem_shared>> -> memref<208x128xf32, #tpu.memory_space<vmem_shared>>
        %dma_wait3A_112 = arith.constant 0 : i32
        %dma_wait3A_113 = tpu.memref_slice %arg7[%mul3A_12, %dma_wait3A_112] : memref<3328x128xf32, #tpu.memory_space<hbm>> -> memref<208x128xf32, #tpu.memory_space<hbm>>
        tpu.wait_dma2 semaphore(%run_scoped3A : memref<!tpu.dma_semaphore, #tpu.memory_space<semaphore_mem>>) src(%dma_wait3A_113 : memref<208x128xf32, #tpu.memory_space<hbm>>) dst(%dma_wait3A_111 : memref<208x128xf32, #tpu.memory_space<vmem_shared>>)
        tpu.yield
      }) : () -> ()
      %mul3A_15 = arith.constant 208 : i32
      %mul3A_16 = arith.muli %arg1, %mul3A_15 : i32
      %mul3A_17 = arith.constant 208 : i32
      %mul3A_18 = arith.muli %arg1, %mul3A_17 : i32
      "tpu.region"() ({
        %run_scoped3A = tpu.sem_alloc : memref<!tpu.dma_semaphore, #tpu.memory_space<semaphore_mem>>
        %dma_start3A_107 = arith.constant 0 : i32
        %dma_start3A_108 = tpu.memref_slice %arg11[%mul3A_18, %dma_start3A_107] : memref<3328x128xf32, #tpu.memory_space<vmem_shared>> -> memref<208x128xf32, #tpu.memory_space<vmem_shared>>
        %dma_start3A_109 = arith.constant 0 : i32
        %dma_start3A_110 = tpu.memref_slice %arg7[%mul3A_16, %dma_start3A_109] : memref<3328x128xf32, #tpu.memory_space<hbm>> -> memref<208x128xf32, #tpu.memory_space<hbm>>
        tpu.enqueue_dma source(%dma_start3A_110 : memref<208x128xf32, #tpu.memory_space<hbm>>) target(%dma_start3A_108 : memref<208x128xf32, #tpu.memory_space<vmem_shared>>) target_semaphore(%run_scoped3A : memref<!tpu.dma_semaphore, #tpu.memory_space<semaphore_mem>>)
        %dma_wait3A = arith.constant 0 : i32
        %dma_wait3A_111 = tpu.memref_slice %arg11[%mul3A_18, %dma_wait3A] : memref<3328x128xf32, #tpu.memory_space<vmem_shared>> -> memref<208x128xf32, #tpu.memory_space<vmem_shared>>
        %dma_wait3A_112 = arith.constant 0 : i32
        %dma_wait3A_113 = tpu.memref_slice %arg7[%mul3A_16, %dma_wait3A_112] : memref<3328x128xf32, #tpu.memory_space<hbm>> -> memref<208x128xf32, #tpu.memory_space<hbm>>
        tpu.wait_dma2 semaphore(%run_scoped3A : memref<!tpu.dma_semaphore, #tpu.memory_space<semaphore_mem>>) src(%dma_wait3A_113 : memref<208x128xf32, #tpu.memory_space<hbm>>) dst(%dma_wait3A_111 : memref<208x128xf32, #tpu.memory_space<vmem_shared>>)
        tpu.yield
      }) : () -> ()
      %barrier3A = arith.constant 0 : index
      tpu.barrier barrier_id(%barrier3A)
      %add3A_19 = arith.constant 0 : i32
      %add3A_20 = arith.addi %mul3A_0, %add3A_19 : i32
      %dma_start3A = arith.constant 0 : i32
      %dma_start3A_21 = tpu.memref_slice %arg12[%dma_start3A] : memref<8000xi32, #tpu.memory_space<vmem>> -> memref<4000xi32, #tpu.memory_space<vmem>>
      %dma_start3A_22 = tpu.memref_slice %arg5[%add3A_20] : memref<640000xi32, #tpu.memory_space<hbm>> -> memref<4000xi32, #tpu.memory_space<hbm>>
      %dma_start3A_23 = arith.constant 0 : i32
      %dma_start3A_24 = tpu.memref_slice %arg12[%dma_start3A_23] : memref<8000xi32, #tpu.memory_space<vmem>> -> memref<4000xi32, #tpu.memory_space<vmem>>
      %dma_start3A_25 = tpu.memref_slice %arg5[%add3A_20] : memref<640000xi32, #tpu.memory_space<hbm>> -> memref<4000xi32, #tpu.memory_space<hbm>>
      tpu.enqueue_dma source(%dma_start3A_25 : memref<4000xi32, #tpu.memory_space<hbm>>) target(%dma_start3A_24 : memref<4000xi32, #tpu.memory_space<vmem>>) target_semaphore(%arg23 : memref<!tpu.dma_semaphore, #tpu.memory_space<semaphore_mem>>)
      %dma_start3A_26 = arith.constant 0 : i32
      %dma_start3A_27 = tpu.memref_slice %arg13[%dma_start3A_26] : memref<8000xi32, #tpu.memory_space<vmem>> -> memref<4000xi32, #tpu.memory_space<vmem>>
      %dma_start3A_28 = tpu.memref_slice %arg6[%add3A_20] : memref<640000xi32, #tpu.memory_space<hbm>> -> memref<4000xi32, #tpu.memory_space<hbm>>
      %dma_start3A_29 = arith.constant 0 : i32
      %dma_start3A_30 = tpu.memref_slice %arg13[%dma_start3A_29] : memref<8000xi32, #tpu.memory_space<vmem>> -> memref<4000xi32, #tpu.memory_space<vmem>>
      %dma_start3A_31 = tpu.memref_slice %arg6[%add3A_20] : memref<640000xi32, #tpu.memory_space<hbm>> -> memref<4000xi32, #tpu.memory_space<hbm>>
      tpu.enqueue_dma source(%dma_start3A_31 : memref<4000xi32, #tpu.memory_space<hbm>>) target(%dma_start3A_30 : memref<4000xi32, #tpu.memory_space<vmem>>) target_semaphore(%arg23 : memref<!tpu.dma_semaphore, #tpu.memory_space<semaphore_mem>>)
      %scan3A_32 = arith.constant 0 : i32
      %scan3A_33 = arith.constant 0 : i32
      %scan3A_34 = arith.constant 10 : i32
      %scan3A_35 = arith.addi %scan3A_33, %scan3A_34 : i32
      %scan3A_36 = arith.constant 1 : i32
      %scan3A_37 = scf.for %scan3A_107 = %scan3A_33 to %scan3A_35 step %scan3A_36 iter_args(%scan3A_108 = %scan3A_32) -> (i32)  : i32 {
        %jit3A_109 = arith.constant 2 : i32
        %eq3A = arith.constant 0 : i32
        %eq3A_110 = arith.cmpi eq, %jit3A_109, %eq3A : i32
        %jit3A_111 = arith.constant 1 : i32
        %select_n3A_112 = arith.select %eq3A_110, %jit3A_111, %jit3A_109 : i32
        %rem3A_113 = arith.remsi %scan3A_107, %select_n3A_112 : i32
        %ne3A_114 = arith.constant 0 : i32
        %ne3A_115 = arith.cmpi ne, %rem3A_113, %ne3A_114 : i32
        %lt3A = arith.constant 0 : i32
        %lt3A_116 = arith.cmpi slt, %rem3A_113, %lt3A : i32
        %lt3A_117 = arith.constant 0 : i32
        %lt3A_118 = arith.cmpi slt, %select_n3A_112, %lt3A_117 : i32
        %ne3A_119 = arith.xori %lt3A_116, %lt3A_118 : i1
        %and3A_120 = arith.andi %ne3A_119, %ne3A_115 : i1
        %add3A_121 = arith.addi %rem3A_113, %select_n3A_112 : i32
        %select_n3A_122 = arith.select %and3A_120, %add3A_121, %rem3A_113 : i32
        %mul3A_123 = arith.constant 4000 : i32
        %mul3A_124 = arith.muli %select_n3A_122, %mul3A_123 : i32
        %dma_wait3A = tpu.memref_slice %arg12[%mul3A_124] : memref<8000xi32, #tpu.memory_space<vmem>> -> memref<4000xi32, #tpu.memory_space<vmem>>
        %dma_wait3A_125 = arith.constant 0 : i32
        %dma_wait3A_126 = tpu.memref_slice %arg5[%dma_wait3A_125] : memref<640000xi32, #tpu.memory_space<hbm>> -> memref<4000xi32, #tpu.memory_space<hbm>>
        %dma_wait3A_127 = tpu.memref_slice %arg12[%mul3A_124] : memref<8000xi32, #tpu.memory_space<vmem>> -> memref<4000xi32, #tpu.memory_space<vmem>>
        %dma_wait3A_128 = arith.constant 0 : i32
        %dma_wait3A_129 = tpu.memref_slice %arg5[%dma_wait3A_128] : memref<640000xi32, #tpu.memory_space<hbm>> -> memref<4000xi32, #tpu.memory_space<hbm>>
        tpu.wait_dma2 semaphore(%arg23 : memref<!tpu.dma_semaphore, #tpu.memory_space<semaphore_mem>>) src(%dma_wait3A_129 : memref<4000xi32, #tpu.memory_space<hbm>>) dst(%dma_wait3A_127 : memref<4000xi32, #tpu.memory_space<vmem>>)
        %mul3A_130 = arith.constant 4000 : i32
        %mul3A_131 = arith.muli %select_n3A_122, %mul3A_130 : i32
        %dma_wait3A_132 = tpu.memref_slice %arg13[%mul3A_131] : memref<8000xi32, #tpu.memory_space<vmem>> -> memref<4000xi32, #tpu.memory_space<vmem>>
        %dma_wait3A_133 = arith.constant 0 : i32
        %dma_wait3A_134 = tpu.memref_slice %arg6[%dma_wait3A_133] : memref<640000xi32, #tpu.memory_space<hbm>> -> memref<4000xi32, #tpu.memory_space<hbm>>
        %dma_wait3A_135 = tpu.memref_slice %arg13[%mul3A_131] : memref<8000xi32, #tpu.memory_space<vmem>> -> memref<4000xi32, #tpu.memory_space<vmem>>
        %dma_wait3A_136 = arith.constant 0 : i32
        %dma_wait3A_137 = tpu.memref_slice %arg6[%dma_wait3A_136] : memref<640000xi32, #tpu.memory_space<hbm>> -> memref<4000xi32, #tpu.memory_space<hbm>>
        tpu.wait_dma2 semaphore(%arg23 : memref<!tpu.dma_semaphore, #tpu.memory_space<semaphore_mem>>) src(%dma_wait3A_137 : memref<4000xi32, #tpu.memory_space<hbm>>) dst(%dma_wait3A_135 : memref<4000xi32, #tpu.memory_space<vmem>>)
        %add3A_138 = arith.constant 1 : i32
        %add3A_139 = arith.addi %scan3A_107, %add3A_138 : i32
        %lt3A_140 = arith.constant 10 : i32
        %lt3A_141 = arith.cmpi slt, %add3A_139, %lt3A_140 : i32
        %convert_element_type3A_142 = arith.extui %lt3A_141 : i1 to i32
        %cond3A_143 = arith.constant 0 : i32
        %cond3A_144 = arith.cmpi ne, %convert_element_type3A_142, %cond3A_143 : i32
        scf.if %cond3A_144 {
          %add3A_157 = arith.constant 1 : i32
          %add3A_158 = arith.addi %scan3A_107, %add3A_157 : i32
          %sub3A_159 = arith.constant 1 : i32
          %sub3A_160 = arith.subi %sub3A_159, %select_n3A_122 : i32
          %mul3A_161 = arith.constant 4000 : i32
          %mul3A_162 = arith.muli %add3A_158, %mul3A_161 : i32
          %add3A_163 = arith.addi %mul3A_0, %mul3A_162 : i32
          %mul3A_164 = arith.constant 4000 : i32
          %mul3A_165 = arith.muli %sub3A_160, %mul3A_164 : i32
          %dma_start3A_166 = tpu.memref_slice %arg12[%mul3A_165] : memref<8000xi32, #tpu.memory_space<vmem>> -> memref<4000xi32, #tpu.memory_space<vmem>>
          %dma_start3A_167 = tpu.memref_slice %arg5[%add3A_163] : memref<640000xi32, #tpu.memory_space<hbm>> -> memref<4000xi32, #tpu.memory_space<hbm>>
          %dma_start3A_168 = tpu.memref_slice %arg12[%mul3A_165] : memref<8000xi32, #tpu.memory_space<vmem>> -> memref<4000xi32, #tpu.memory_space<vmem>>
          %dma_start3A_169 = tpu.memref_slice %arg5[%add3A_163] : memref<640000xi32, #tpu.memory_space<hbm>> -> memref<4000xi32, #tpu.memory_space<hbm>>
          tpu.enqueue_dma source(%dma_start3A_169 : memref<4000xi32, #tpu.memory_space<hbm>>) target(%dma_start3A_168 : memref<4000xi32, #tpu.memory_space<vmem>>) target_semaphore(%arg23 : memref<!tpu.dma_semaphore, #tpu.memory_space<semaphore_mem>>)
          %mul3A_170 = arith.constant 4000 : i32
          %mul3A_171 = arith.muli %sub3A_160, %mul3A_170 : i32
          %dma_start3A_172 = tpu.memref_slice %arg13[%mul3A_171] : memref<8000xi32, #tpu.memory_space<vmem>> -> memref<4000xi32, #tpu.memory_space<vmem>>
          %dma_start3A_173 = tpu.memref_slice %arg6[%add3A_163] : memref<640000xi32, #tpu.memory_space<hbm>> -> memref<4000xi32, #tpu.memory_space<hbm>>
          %dma_start3A_174 = tpu.memref_slice %arg13[%mul3A_171] : memref<8000xi32, #tpu.memory_space<vmem>> -> memref<4000xi32, #tpu.memory_space<vmem>>
          %dma_start3A_175 = tpu.memref_slice %arg6[%add3A_163] : memref<640000xi32, #tpu.memory_space<hbm>> -> memref<4000xi32, #tpu.memory_space<hbm>>
          tpu.enqueue_dma source(%dma_start3A_175 : memref<4000xi32, #tpu.memory_space<hbm>>) target(%dma_start3A_174 : memref<4000xi32, #tpu.memory_space<vmem>>) target_semaphore(%arg23 : memref<!tpu.dma_semaphore, #tpu.memory_space<semaphore_mem>>)
        } else {
        }
        %scan3A_145 = arith.constant 0 : i32
        %scan3A_146 = arith.constant 250 : i32
        %scan3A_147 = arith.addi %scan3A_145, %scan3A_146 : i32
        %scan3A_148 = arith.constant 1 : i32
        %scan3A_149 = scf.for %scan3A_157 = %scan3A_145 to %scan3A_147 step %scan3A_148 iter_args(%scan3A_158 = %scan3A_108) -> (i32)  : i32 {
          %mul3A_159 = arith.constant 4000 : i32
          %mul3A_160 = arith.muli %select_n3A_122, %mul3A_159 : i32
          %mul3A_161 = arith.constant 16 : i32
          %mul3A_162 = arith.muli %scan3A_157, %mul3A_161 : i32
          %add3A_163 = arith.addi %mul3A_160, %mul3A_162 : i32
          %get3A = arith.index_cast %add3A_163 : i32 to index
          %get3A_164 = tpu.vector_load %arg12[%get3A] {strides = array<i32>} : memref<8000xi32, #tpu.memory_space<vmem>>, vector<16xi32>,
          %mul3A_165 = arith.constant 4000 : i32
          %mul3A_166 = arith.muli %select_n3A_122, %mul3A_165 : i32
          %mul3A_167 = arith.constant 16 : i32
          %mul3A_168 = arith.muli %scan3A_157, %mul3A_167 : i32
          %add3A_169 = arith.addi %mul3A_166, %mul3A_168 : i32
          %get3A_170 = arith.index_cast %add3A_169 : i32 to index
          %get3A_171 = tpu.vector_load %arg13[%get3A_170] {strides = array<i32>} : memref<8000xi32, #tpu.memory_space<vmem>>, vector<16xi32>,
          %ge3A = vector.broadcast %mul3A_10 : i32 to vector<16xi32>
          %ge3A_172 = arith.cmpi sge, %get3A_164, %ge3A : vector<16xi32>
          %add3A_173 = arith.constant 3200 : i32
          %add3A_174 = arith.addi %mul3A_10, %add3A_173 : i32
          %lt3A_175 = vector.broadcast %add3A_174 : i32 to vector<16xi32>
          %lt3A_176 = arith.cmpi slt, %get3A_164, %lt3A_175 : vector<16xi32>
          %and3A_177 = arith.andi %ge3A_172, %lt3A_176 : vector<16xi1>
          %sub3A_178 = vector.broadcast %mul3A_10 : i32 to vector<16xi32>
          %sub3A_179 = arith.subi %get3A_164, %sub3A_178 : vector<16xi32>
          %swap3A_180 = arith.index_cast %scan3A_158 : i32 to index
          %swap3A_181 = tpu.vector_load %arg14[%swap3A_180] masked %and3A_177 {strides = array<i32>} : memref<8192xi32, #tpu.memory_space<vmem>>, vector<16xi32>, vector<16xi1>
          tpu.vector_store %arg14[%swap3A_180], %sub3A_179 masked %and3A_177 {strides = array<i32>} : memref<8192xi32, #tpu.memory_space<vmem>>, vector<16xi32>, vector<16xi1>
          %swap3A_182 = arith.index_cast %scan3A_158 : i32 to index
          %swap3A_183 = tpu.vector_load %arg15[%swap3A_182] masked %and3A_177 {strides = array<i32>} : memref<8192xi32, #tpu.memory_space<vmem>>, vector<16xi32>, vector<16xi1>
          tpu.vector_store %arg15[%swap3A_182], %get3A_171 masked %and3A_177 {strides = array<i32>} : memref<8192xi32, #tpu.memory_space<vmem>>, vector<16xi32>, vector<16xi1>
          %convert_element_type3A_184 = arith.extui %and3A_177 : vector<16xi1> to vector<16xi32>
          %reduce_sum3A = arith.constant true
          %reduce_sum3A_185 = vector.broadcast %reduce_sum3A : i1 to vector<16xi1>
          %reduce_sum3A_186 = tpu.scan <sum>, %convert_element_type3A_184 masked %reduce_sum3A_185 : vector<16xi32>, vector<16xi1> -> vector<16xi32>
          %reduce_sum3A_187 = vector.extract %reduce_sum3A_186[15] : i32 from vector<16xi32>
          %add3A_188 = arith.addi %scan3A_158, %reduce_sum3A_187 : i32
          scf.yield %add3A_188 : i32
        }
        %scan3A_150 = arith.constant 250 : i32
        %gt3A_151 = arith.constant 4144 : i32
        %gt3A_152 = arith.cmpi sgt, %scan3A_149, %gt3A_151 : i32
        %convert_element_type3A_153 = arith.extui %gt3A_152 : i1 to i32
        %cond3A_154 = arith.constant 0 : i32
        %cond3A_155 = arith.cmpi ne, %convert_element_type3A_153, %cond3A_154 : i32
        %cond3A_156 = scf.if %cond3A_155 -> (i32) {
          %jit3A_157 = arith.constant 48 : i32
          %div3A_158 = arith.divsi %scan3A_149, %jit3A_157 : i32
          %sign3A_159 = arith.constant 0 : i32
          %sign3A_160 = arith.cmpi sgt, %scan3A_149, %sign3A_159 : i32
          %sign3A_161 = arith.extui %sign3A_160 : i1 to i32
          %sign3A_162 = arith.constant 0 : i32
          %sign3A_163 = arith.cmpi slt, %scan3A_149, %sign3A_162 : i32
          %sign3A_164 = arith.extui %sign3A_163 : i1 to i32
          %sign3A_165 = arith.subi %sign3A_161, %sign3A_164 : i32
          %sign3A_166 = arith.constant 0 : i32
          %sign3A_167 = arith.cmpi sgt, %jit3A_157, %sign3A_166 : i32
          %sign3A_168 = arith.extui %sign3A_167 : i1 to i32
          %sign3A_169 = arith.constant 0 : i32
          %sign3A_170 = arith.cmpi slt, %jit3A_157, %sign3A_169 : i32
          %sign3A_171 = arith.extui %sign3A_170 : i1 to i32
          %sign3A_172 = arith.subi %sign3A_168, %sign3A_171 : i32
          %ne3A_173 = arith.cmpi ne, %sign3A_165, %sign3A_172 : i32
          %rem3A_174 = arith.remsi %scan3A_149, %jit3A_157 : i32
          %ne3A_175 = arith.constant 0 : i32
          %ne3A_176 = arith.cmpi ne, %rem3A_174, %ne3A_175 : i32
          %and3A_177 = arith.andi %ne3A_173, %ne3A_176 : i1
          %sub3A_178 = arith.constant 1 : i32
          %sub3A_179 = arith.subi %div3A_158, %sub3A_178 : i32
          %select_n3A_180 = arith.select %and3A_177, %sub3A_179, %div3A_158 : i32
          %gt3A_181 = arith.constant 0 : i32
          %gt3A_182 = arith.cmpi sgt, %select_n3A_180, %gt3A_181 : i32
          %convert_element_type3A_183 = arith.extui %gt3A_182 : i1 to i32
          %cond3A_184 = arith.constant 0 : i32
          %cond3A_185 = arith.cmpi ne, %convert_element_type3A_183, %cond3A_184 : i32
          scf.if %cond3A_185 {
            %get3A_236 = arith.constant 0 : index
            %get3A_237 = tpu.vector_load %arg14[%get3A_236] {strides = array<i32>} : memref<8192xi32, #tpu.memory_space<vmem>>, vector<16xi32>,
            %get3A_238 = arith.constant 0 : index
            %get3A_239 = tpu.vector_load %arg15[%get3A_238] {strides = array<i32>} : memref<8192xi32, #tpu.memory_space<vmem>>, vector<16xi32>,
            %add3A_240 = vector.broadcast %mul3A_10 : i32 to vector<16xi32>
            %add3A_241 = arith.addi %get3A_237, %add3A_240 : vector<16xi32>
            %min3A = arith.constant 319999 : i32
            %min3A_242 = vector.broadcast %min3A : i32 to vector<16xi32>
            %min3A_243 = arith.minsi %add3A_241, %min3A_242 : vector<16xi32>
            %swap3A_244 = arith.constant 0 : i32
            %swap3A_245 = arith.index_cast %swap3A_244 : i32 to index
            %swap3A_246 = arith.constant 0 : index
            %swap3A_247 = tpu.vector_load %arg16[%swap3A_245, %swap3A_246] {strides = array<i32>} : memref<2x48xi32, #tpu.memory_space<vmem>>, vector<16xi32>,
            tpu.vector_store %arg16[%swap3A_245, %swap3A_246], %min3A_243 {strides = array<i32>} : memref<2x48xi32, #tpu.memory_space<vmem>>, vector<16xi32>,
            %swap3A_248 = arith.constant 0 : i32
            %swap3A_249 = arith.index_cast %swap3A_248 : i32 to index
            %swap3A_250 = arith.constant 0 : index
            %swap3A_251 = tpu.vector_load %arg18[%swap3A_249, %swap3A_250] {strides = array<i32>} : memref<2x48xi32, #tpu.memory_space<vmem>>, vector<16xi32>,
            tpu.vector_store %arg18[%swap3A_249, %swap3A_250], %get3A_237 {strides = array<i32>} : memref<2x48xi32, #tpu.memory_space<vmem>>, vector<16xi32>,
            %swap3A_252 = arith.constant 0 : i32
            %swap3A_253 = arith.index_cast %swap3A_252 : i32 to index
            %swap3A_254 = arith.constant 0 : index
            %swap3A_255 = tpu.vector_load %arg17[%swap3A_253, %swap3A_254] {strides = array<i32>} : memref<2x48xi32, #tpu.memory_space<vmem>>, vector<16xi32>,
            tpu.vector_store %arg17[%swap3A_253, %swap3A_254], %get3A_239 {strides = array<i32>} : memref<2x48xi32, #tpu.memory_space<vmem>>, vector<16xi32>,
            %get3A_256 = arith.constant 16 : index
            %get3A_257 = tpu.vector_load %arg14[%get3A_256] {strides = array<i32>} : memref<8192xi32, #tpu.memory_space<vmem>>, vector<16xi32>,
            %get3A_258 = arith.constant 16 : index
            %get3A_259 = tpu.vector_load %arg15[%get3A_258] {strides = array<i32>} : memref<8192xi32, #tpu.memory_space<vmem>>, vector<16xi32>,
            %add3A_260 = vector.broadcast %mul3A_10 : i32 to vector<16xi32>
            %add3A_261 = arith.addi %get3A_257, %add3A_260 : vector<16xi32>
            %min3A_262 = arith.constant 319999 : i32
            %min3A_263 = vector.broadcast %min3A_262 : i32 to vector<16xi32>
            %min3A_264 = arith.minsi %add3A_261, %min3A_263 : vector<16xi32>
            %swap3A_265 = arith.constant 0 : i32
            %swap3A_266 = arith.index_cast %swap3A_265 : i32 to index
            %swap3A_267 = arith.constant 16 : index
            %swap3A_268 = tpu.vector_load %arg16[%swap3A_266, %swap3A_267] {strides = array<i32>} : memref<2x48xi32, #tpu.memory_space<vmem>>, vector<16xi32>,
            tpu.vector_store %arg16[%swap3A_266, %swap3A_267], %min3A_264 {strides = array<i32>} : memref<2x48xi32, #tpu.memory_space<vmem>>, vector<16xi32>,
            %swap3A_269 = arith.constant 0 : i32
            %swap3A_270 = arith.index_cast %swap3A_269 : i32 to index
            %swap3A_271 = arith.constant 16 : index
            %swap3A_272 = tpu.vector_load %arg18[%swap3A_270, %swap3A_271] {strides = array<i32>} : memref<2x48xi32, #tpu.memory_space<vmem>>, vector<16xi32>,
            tpu.vector_store %arg18[%swap3A_270, %swap3A_271], %get3A_257 {strides = array<i32>} : memref<2x48xi32, #tpu.memory_space<vmem>>, vector<16xi32>,
            %swap3A_273 = arith.constant 0 : i32
            %swap3A_274 = arith.index_cast %swap3A_273 : i32 to index
            %swap3A_275 = arith.constant 16 : index
            %swap3A_276 = tpu.vector_load %arg17[%swap3A_274, %swap3A_275] {strides = array<i32>} : memref<2x48xi32, #tpu.memory_space<vmem>>, vector<16xi32>,
            tpu.vector_store %arg17[%swap3A_274, %swap3A_275], %get3A_259 {strides = array<i32>} : memref<2x48xi32, #tpu.memory_space<vmem>>, vector<16xi32>,
            %get3A_277 = arith.constant 32 : index
            %get3A_278 = tpu.vector_load %arg14[%get3A_277] {strides = array<i32>} : memref<8192xi32, #tpu.memory_space<vmem>>, vector<16xi32>,
            %get3A_279 = arith.constant 32 : index
            %get3A_280 = tpu.vector_load %arg15[%get3A_279] {strides = array<i32>} : memref<8192xi32, #tpu.memory_space<vmem>>, vector<16xi32>,
            %add3A_281 = vector.broadcast %mul3A_10 : i32 to vector<16xi32>
            %add3A_282 = arith.addi %get3A_278, %add3A_281 : vector<16xi32>
            %min3A_283 = arith.constant 319999 : i32
            %min3A_284 = vector.broadcast %min3A_283 : i32 to vector<16xi32>
            %min3A_285 = arith.minsi %add3A_282, %min3A_284 : vector<16xi32>
            %swap3A_286 = arith.constant 0 : i32
            %swap3A_287 = arith.index_cast %swap3A_286 : i32 to index
            %swap3A_288 = arith.constant 32 : index
            %swap3A_289 = tpu.vector_load %arg16[%swap3A_287, %swap3A_288] {strides = array<i32>} : memref<2x48xi32, #tpu.memory_space<vmem>>, vector<16xi32>,
            tpu.vector_store %arg16[%swap3A_287, %swap3A_288], %min3A_285 {strides = array<i32>} : memref<2x48xi32, #tpu.memory_space<vmem>>, vector<16xi32>,
            %swap3A_290 = arith.constant 0 : i32
            %swap3A_291 = arith.index_cast %swap3A_290 : i32 to index
            %swap3A_292 = arith.constant 32 : index
            %swap3A_293 = tpu.vector_load %arg18[%swap3A_291, %swap3A_292] {strides = array<i32>} : memref<2x48xi32, #tpu.memory_space<vmem>>, vector<16xi32>,
            tpu.vector_store %arg18[%swap3A_291, %swap3A_292], %get3A_278 {strides = array<i32>} : memref<2x48xi32, #tpu.memory_space<vmem>>, vector<16xi32>,
            %swap3A_294 = arith.constant 0 : i32
            %swap3A_295 = arith.index_cast %swap3A_294 : i32 to index
            %swap3A_296 = arith.constant 32 : index
            %swap3A_297 = tpu.vector_load %arg17[%swap3A_295, %swap3A_296] {strides = array<i32>} : memref<2x48xi32, #tpu.memory_space<vmem>>, vector<16xi32>,
            tpu.vector_store %arg17[%swap3A_295, %swap3A_296], %get3A_280 {strides = array<i32>} : memref<2x48xi32, #tpu.memory_space<vmem>>, vector<16xi32>,
            %dma_start3A_298 = arith.constant 0 : i32
            %dma_start3A_299 = arith.constant 0 : i32
            %dma_start3A_300 = arith.constant 0 : i32
            %dma_start3A_301 = arith.constant 0 : i32
            %dma_start3A_302 = tpu.memref_slice %arg19[%dma_start3A_299, %dma_start3A_300, %dma_start3A_301] : memref<2x48x128xf32, #tpu.memory_space<vmem>> -> memref<1x48x128xf32, #tpu.memory_space<vmem>>
            %dma_start3A_303 = tpu.memref_squeeze %dma_start3A_302 : memref<1x48x128xf32, #tpu.memory_space<vmem>> -> memref<48x128xf32, #tpu.memory_space<vmem>>
            %dma_start3A_304 = arith.constant 0 : i32
            %dma_start3A_305 = tpu.memref_slice %arg16[%dma_start3A_298, %dma_start3A_304] : memref<2x48xi32, #tpu.memory_space<vmem>> -> memref<1x48xi32, #tpu.memory_space<vmem>>
            %dma_start3A_306 = tpu.memref_squeeze %dma_start3A_305 : memref<1x48xi32, #tpu.memory_space<vmem>> -> memref<48xi32, #tpu.memory_space<vmem>>
            %dma_start3A_307 = arith.constant 0 : i32
            %dma_start3A_308 = arith.constant 0 : i32
            %dma_start3A_309 = tpu.memref_slice %arg2[%dma_start3A_307, %dma_start3A_308] : memref<320000x128xf32, #tpu.memory_space<hbm>> -> memref<320000x128xf32, #tpu.memory_space<hbm>>
            tpu.enqueue_indirect_dma source(%dma_start3A_309 : memref<320000x128xf32, #tpu.memory_space<hbm>>) target(%dma_start3A_303 : memref<48x128xf32, #tpu.memory_space<vmem>>) offsets(%dma_start3A_306 : memref<48xi32, #tpu.memory_space<vmem>>) semaphore(%arg24 : memref<!tpu.dma_semaphore, #tpu.memory_space<semaphore_mem>>)
            %dma_start3A_310 = arith.constant 0 : i32
            %dma_start3A_311 = arith.constant 0 : i32
            %dma_start3A_312 = arith.constant 0 : i32
            %dma_start3A_313 = arith.constant 0 : i32
            %dma_start3A_314 = tpu.memref_slice %arg20[%dma_start3A_311, %dma_start3A_312, %dma_start3A_313] : memref<2x48x128xf32, #tpu.memory_space<vmem>> -> memref<1x48x128xf32, #tpu.memory_space<vmem>>
            %dma_start3A_315 = tpu.memref_squeeze %dma_start3A_314 : memref<1x48x128xf32, #tpu.memory_space<vmem>> -> memref<48x128xf32, #tpu.memory_space<vmem>>
            %dma_start3A_316 = arith.constant 0 : i32
            %dma_start3A_317 = tpu.memref_slice %arg17[%dma_start3A_310, %dma_start3A_316] : memref<2x48xi32, #tpu.memory_space<vmem>> -> memref<1x48xi32, #tpu.memory_space<vmem>>
            %dma_start3A_318 = tpu.memref_squeeze %dma_start3A_317 : memref<1x48xi32, #tpu.memory_space<vmem>> -> memref<48xi32, #tpu.memory_space<vmem>>
            %dma_start3A_319 = arith.constant 0 : i32
            %dma_start3A_320 = arith.constant 0 : i32
            %dma_start3A_321 = tpu.memref_slice %arg3[%dma_start3A_319, %dma_start3A_320] : memref<320000x128xf32, #tpu.memory_space<hbm>> -> memref<320000x128xf32, #tpu.memory_space<hbm>>
            tpu.enqueue_indirect_dma source(%dma_start3A_321 : memref<320000x128xf32, #tpu.memory_space<hbm>>) target(%dma_start3A_315 : memref<48x128xf32, #tpu.memory_space<vmem>>) offsets(%dma_start3A_318 : memref<48xi32, #tpu.memory_space<vmem>>) semaphore(%arg24 : memref<!tpu.dma_semaphore, #tpu.memory_space<semaphore_mem>>)
            %dma_start3A_322 = arith.constant 0 : i32
            %dma_start3A_323 = arith.constant 0 : i32
            %dma_start3A_324 = arith.constant 0 : i32
            %dma_start3A_325 = arith.constant 0 : i32
            %dma_start3A_326 = tpu.memref_slice %arg21[%dma_start3A_323, %dma_start3A_324, %dma_start3A_325] : memref<2x48x128xf32, #tpu.memory_space<vmem>> -> memref<1x48x128xf32, #tpu.memory_space<vmem>>
            %dma_start3A_327 = tpu.memref_squeeze %dma_start3A_326 : memref<1x48x128xf32, #tpu.memory_space<vmem>> -> memref<48x128xf32, #tpu.memory_space<vmem>>
            %dma_start3A_328 = arith.constant 0 : i32
            %dma_start3A_329 = tpu.memref_slice %arg17[%dma_start3A_322, %dma_start3A_328] : memref<2x48xi32, #tpu.memory_space<vmem>> -> memref<1x48xi32, #tpu.memory_space<vmem>>
            %dma_start3A_330 = tpu.memref_squeeze %dma_start3A_329 : memref<1x48xi32, #tpu.memory_space<vmem>> -> memref<48xi32, #tpu.memory_space<vmem>>
            %dma_start3A_331 = arith.constant 0 : i32
            %dma_start3A_332 = arith.constant 0 : i32
            %dma_start3A_333 = tpu.memref_slice %arg4[%dma_start3A_331, %dma_start3A_332] : memref<320000x128xf32, #tpu.memory_space<hbm>> -> memref<320000x128xf32, #tpu.memory_space<hbm>>
            tpu.enqueue_indirect_dma source(%dma_start3A_333 : memref<320000x128xf32, #tpu.memory_space<hbm>>) target(%dma_start3A_327 : memref<48x128xf32, #tpu.memory_space<vmem>>) offsets(%dma_start3A_330 : memref<48xi32, #tpu.memory_space<vmem>>) semaphore(%arg24 : memref<!tpu.dma_semaphore, #tpu.memory_space<semaphore_mem>>)
            %while3A = arith.constant 0 : i32
            %while3A_334 = arith.constant 0 : i32
            %while3A_335 = arith.subi %select_n3A_180, %while3A : i32
            %while3A_336 = arith.addi %while3A, %while3A_335 : i32
            %while3A_337 = arith.constant 1 : i32
            %while3A_338 = arith.divsi %while3A_335, %while3A_337 : i32
            %while3A_339 = arith.muli %while3A_338, %while3A_337 : i32
            %while3A_340 = arith.addi %while3A, %while3A_339 : i32
            %while3A_341 = arith.constant 1 : i32
            %while3A_342 = scf.for %while3A_345 = %while3A to %while3A_340 step %while3A_341 iter_args(%while3A_346 = %while3A_334) -> (i32)  : i32 {
              %sub3A_347 = arith.constant 1 : i32
              %sub3A_348 = arith.subi %sub3A_347, %while3A_346 : i32
              %dma_wait3A_349 = arith.constant 0 : i32
              %dma_wait3A_350 = arith.constant 0 : i32
              %dma_wait3A_351 = tpu.memref_slice %arg19[%while3A_346, %dma_wait3A_349, %dma_wait3A_350] : memref<2x48x128xf32, #tpu.memory_space<vmem>> -> memref<1x48x128xf32, #tpu.memory_space<vmem>>
              %dma_wait3A_352 = tpu.memref_squeeze %dma_wait3A_351 : memref<1x48x128xf32, #tpu.memory_space<vmem>> -> memref<48x128xf32, #tpu.memory_space<vmem>>
              %dma_wait3A_353 = arith.constant 0 : i32
              %dma_wait3A_354 = tpu.memref_slice %arg16[%while3A_346, %dma_wait3A_353] : memref<2x48xi32, #tpu.memory_space<vmem>> -> memref<1x48xi32, #tpu.memory_space<vmem>>
              %dma_wait3A_355 = tpu.memref_squeeze %dma_wait3A_354 : memref<1x48xi32, #tpu.memory_space<vmem>> -> memref<48xi32, #tpu.memory_space<vmem>>
              %dma_wait3A_356 = arith.constant 0 : i32
              %dma_wait3A_357 = arith.constant 0 : i32
              %dma_wait3A_358 = tpu.memref_slice %arg2[%dma_wait3A_356, %dma_wait3A_357] : memref<320000x128xf32, #tpu.memory_space<hbm>> -> memref<320000x128xf32, #tpu.memory_space<hbm>>
              tpu.wait_indirect_dma semaphore(%arg24 : memref<!tpu.dma_semaphore, #tpu.memory_space<semaphore_mem>>) src(%dma_wait3A_358 : memref<320000x128xf32, #tpu.memory_space<hbm>>) dst(%dma_wait3A_352 : memref<48x128xf32, #tpu.memory_space<vmem>>)
              %dma_wait3A_359 = arith.constant 0 : i32
              %dma_wait3A_360 = arith.constant 0 : i32
              %dma_wait3A_361 = tpu.memref_slice %arg20[%while3A_346, %dma_wait3A_359, %dma_wait3A_360] : memref<2x48x128xf32, #tpu.memory_space<vmem>> -> memref<1x48x128xf32, #tpu.memory_space<vmem>>
              %dma_wait3A_362 = tpu.memref_squeeze %dma_wait3A_361 : memref<1x48x128xf32, #tpu.memory_space<vmem>> -> memref<48x128xf32, #tpu.memory_space<vmem>>
              %dma_wait3A_363 = arith.constant 0 : i32
              %dma_wait3A_364 = tpu.memref_slice %arg17[%while3A_346, %dma_wait3A_363] : memref<2x48xi32, #tpu.memory_space<vmem>> -> memref<1x48xi32, #tpu.memory_space<vmem>>
              %dma_wait3A_365 = tpu.memref_squeeze %dma_wait3A_364 : memref<1x48xi32, #tpu.memory_space<vmem>> -> memref<48xi32, #tpu.memory_space<vmem>>
              %dma_wait3A_366 = arith.constant 0 : i32
              %dma_wait3A_367 = arith.constant 0 : i32
              %dma_wait3A_368 = tpu.memref_slice %arg3[%dma_wait3A_366, %dma_wait3A_367] : memref<320000x128xf32, #tpu.memory_space<hbm>> -> memref<320000x128xf32, #tpu.memory_space<hbm>>
              tpu.wait_indirect_dma semaphore(%arg24 : memref<!tpu.dma_semaphore, #tpu.memory_space<semaphore_mem>>) src(%dma_wait3A_368 : memref<320000x128xf32, #tpu.memory_space<hbm>>) dst(%dma_wait3A_362 : memref<48x128xf32, #tpu.memory_space<vmem>>)
              %dma_wait3A_369 = arith.constant 0 : i32
              %dma_wait3A_370 = arith.constant 0 : i32
              %dma_wait3A_371 = tpu.memref_slice %arg21[%while3A_346, %dma_wait3A_369, %dma_wait3A_370] : memref<2x48x128xf32, #tpu.memory_space<vmem>> -> memref<1x48x128xf32, #tpu.memory_space<vmem>>
              %dma_wait3A_372 = tpu.memref_squeeze %dma_wait3A_371 : memref<1x48x128xf32, #tpu.memory_space<vmem>> -> memref<48x128xf32, #tpu.memory_space<vmem>>
              %dma_wait3A_373 = arith.constant 0 : i32
              %dma_wait3A_374 = tpu.memref_slice %arg17[%while3A_346, %dma_wait3A_373] : memref<2x48xi32, #tpu.memory_space<vmem>> -> memref<1x48xi32, #tpu.memory_space<vmem>>
              %dma_wait3A_375 = tpu.memref_squeeze %dma_wait3A_374 : memref<1x48xi32, #tpu.memory_space<vmem>> -> memref<48xi32, #tpu.memory_space<vmem>>
              %dma_wait3A_376 = arith.constant 0 : i32
              %dma_wait3A_377 = arith.constant 0 : i32
              %dma_wait3A_378 = tpu.memref_slice %arg4[%dma_wait3A_376, %dma_wait3A_377] : memref<320000x128xf32, #tpu.memory_space<hbm>> -> memref<320000x128xf32, #tpu.memory_space<hbm>>
              tpu.wait_indirect_dma semaphore(%arg24 : memref<!tpu.dma_semaphore, #tpu.memory_space<semaphore_mem>>) src(%dma_wait3A_378 : memref<320000x128xf32, #tpu.memory_space<hbm>>) dst(%dma_wait3A_372 : memref<48x128xf32, #tpu.memory_space<vmem>>)
              %add3A_379 = arith.constant 1 : i32
              %add3A_380 = arith.addi %while3A_345, %add3A_379 : i32
              %lt3A_381 = arith.cmpi slt, %add3A_380, %select_n3A_180 : i32
              %convert_element_type3A_382 = arith.extui %lt3A_381 : i1 to i32
              %cond3A_383 = arith.constant 0 : i32
              %cond3A_384 = arith.cmpi ne, %convert_element_type3A_382, %cond3A_383 : i32
              scf.if %cond3A_384 {
                %add3A_391 = arith.constant 1 : i32
                %add3A_392 = arith.addi %while3A_345, %add3A_391 : i32
                %mul3A_393 = arith.constant 48 : i32
                %mul3A_394 = arith.muli %add3A_392, %mul3A_393 : i32
                %add3A_395 = arith.constant 0 : i32
                %add3A_396 = arith.addi %mul3A_394, %add3A_395 : i32
                %get3A_397 = arith.index_cast %add3A_396 : i32 to index
                %get3A_398 = tpu.vector_load %arg14[%get3A_397] {strides = array<i32>} : memref<8192xi32, #tpu.memory_space<vmem>>, vector<16xi32>,
                %add3A_399 = arith.constant 0 : i32
                %add3A_400 = arith.addi %mul3A_394, %add3A_399 : i32
                %get3A_401 = arith.index_cast %add3A_400 : i32 to index
                %get3A_402 = tpu.vector_load %arg15[%get3A_401] {strides = array<i32>} : memref<8192xi32, #tpu.memory_space<vmem>>, vector<16xi32>,
                %add3A_403 = vector.broadcast %mul3A_10 : i32 to vector<16xi32>
                %add3A_404 = arith.addi %get3A_398, %add3A_403 : vector<16xi32>
                %min3A_405 = arith.constant 319999 : i32
                %min3A_406 = vector.broadcast %min3A_405 : i32 to vector<16xi32>
                %min3A_407 = arith.minsi %add3A_404, %min3A_406 : vector<16xi32>
                %swap3A_408 = arith.index_cast %sub3A_348 : i32 to index
                %swap3A_409 = arith.constant 0 : index
                %swap3A_410 = tpu.vector_load %arg16[%swap3A_408, %swap3A_409] {strides = array<i32>} : memref<2x48xi32, #tpu.memory_space<vmem>>, vector<16xi32>,
                tpu.vector_store %arg16[%swap3A_408, %swap3A_409], %min3A_407 {strides = array<i32>} : memref<2x48xi32, #tpu.memory_space<vmem>>, vector<16xi32>,
                %swap3A_411 = arith.index_cast %sub3A_348 : i32 to index
                %swap3A_412 = arith.constant 0 : index
                %swap3A_413 = tpu.vector_load %arg18[%swap3A_411, %swap3A_412] {strides = array<i32>} : memref<2x48xi32, #tpu.memory_space<vmem>>, vector<16xi32>,
                tpu.vector_store %arg18[%swap3A_411, %swap3A_412], %get3A_398 {strides = array<i32>} : memref<2x48xi32, #tpu.memory_space<vmem>>, vector<16xi32>,
                %swap3A_414 = arith.index_cast %sub3A_348 : i32 to index
                %swap3A_415 = arith.constant 0 : index
                %swap3A_416 = tpu.vector_load %arg17[%swap3A_414, %swap3A_415] {strides = array<i32>} : memref<2x48xi32, #tpu.memory_space<vmem>>, vector<16xi32>,
                tpu.vector_store %arg17[%swap3A_414, %swap3A_415], %get3A_402 {strides = array<i32>} : memref<2x48xi32, #tpu.memory_space<vmem>>, vector<16xi32>,
                %add3A_417 = arith.constant 16 : i32
                %add3A_418 = arith.addi %mul3A_394, %add3A_417 : i32
                %get3A_419 = arith.index_cast %add3A_418 : i32 to index
                %get3A_420 = tpu.vector_load %arg14[%get3A_419] {strides = array<i32>} : memref<8192xi32, #tpu.memory_space<vmem>>, vector<16xi32>,
                %add3A_421 = arith.constant 16 : i32
                %add3A_422 = arith.addi %mul3A_394, %add3A_421 : i32
                %get3A_423 = arith.index_cast %add3A_422 : i32 to index
                %get3A_424 = tpu.vector_load %arg15[%get3A_423] {strides = array<i32>} : memref<8192xi32, #tpu.memory_space<vmem>>, vector<16xi32>,
                %add3A_425 = vector.broadcast %mul3A_10 : i32 to vector<16xi32>
                %add3A_426 = arith.addi %get3A_420, %add3A_425 : vector<16xi32>
                %min3A_427 = arith.constant 319999 : i32
                %min3A_428 = vector.broadcast %min3A_427 : i32 to vector<16xi32>
                %min3A_429 = arith.minsi %add3A_426, %min3A_428 : vector<16xi32>
                %swap3A_430 = arith.index_cast %sub3A_348 : i32 to index
                %swap3A_431 = arith.constant 16 : index
                %swap3A_432 = tpu.vector_load %arg16[%swap3A_430, %swap3A_431] {strides = array<i32>} : memref<2x48xi32, #tpu.memory_space<vmem>>, vector<16xi32>,
                tpu.vector_store %arg16[%swap3A_430, %swap3A_431], %min3A_429 {strides = array<i32>} : memref<2x48xi32, #tpu.memory_space<vmem>>, vector<16xi32>,
                %swap3A_433 = arith.index_cast %sub3A_348 : i32 to index
                %swap3A_434 = arith.constant 16 : index
                %swap3A_435 = tpu.vector_load %arg18[%swap3A_433, %swap3A_434] {strides = array<i32>} : memref<2x48xi32, #tpu.memory_space<vmem>>, vector<16xi32>,
                tpu.vector_store %arg18[%swap3A_433, %swap3A_434], %get3A_420 {strides = array<i32>} : memref<2x48xi32, #tpu.memory_space<vmem>>, vector<16xi32>,
                %swap3A_436 = arith.index_cast %sub3A_348 : i32 to index
                %swap3A_437 = arith.constant 16 : index
                %swap3A_438 = tpu.vector_load %arg17[%swap3A_436, %swap3A_437] {strides = array<i32>} : memref<2x48xi32, #tpu.memory_space<vmem>>, vector<16xi32>,
                tpu.vector_store %arg17[%swap3A_436, %swap3A_437], %get3A_424 {strides = array<i32>} : memref<2x48xi32, #tpu.memory_space<vmem>>, vector<16xi32>,
                %add3A_439 = arith.constant 32 : i32
                %add3A_440 = arith.addi %mul3A_394, %add3A_439 : i32
                %get3A_441 = arith.index_cast %add3A_440 : i32 to index
                %get3A_442 = tpu.vector_load %arg14[%get3A_441] {strides = array<i32>} : memref<8192xi32, #tpu.memory_space<vmem>>, vector<16xi32>,
                %add3A_443 = arith.constant 32 : i32
                %add3A_444 = arith.addi %mul3A_394, %add3A_443 : i32
                %get3A_445 = arith.index_cast %add3A_444 : i32 to index
                %get3A_446 = tpu.vector_load %arg15[%get3A_445] {strides = array<i32>} : memref<8192xi32, #tpu.memory_space<vmem>>, vector<16xi32>,
                %add3A_447 = vector.broadcast %mul3A_10 : i32 to vector<16xi32>
                %add3A_448 = arith.addi %get3A_442, %add3A_447 : vector<16xi32>
                %min3A_449 = arith.constant 319999 : i32
                %min3A_450 = vector.broadcast %min3A_449 : i32 to vector<16xi32>
                %min3A_451 = arith.minsi %add3A_448, %min3A_450 : vector<16xi32>
                %swap3A_452 = arith.index_cast %sub3A_348 : i32 to index
                %swap3A_453 = arith.constant 32 : index
                %swap3A_454 = tpu.vector_load %arg16[%swap3A_452, %swap3A_453] {strides = array<i32>} : memref<2x48xi32, #tpu.memory_space<vmem>>, vector<16xi32>,
                tpu.vector_store %arg16[%swap3A_452, %swap3A_453], %min3A_451 {strides = array<i32>} : memref<2x48xi32, #tpu.memory_space<vmem>>, vector<16xi32>,
                %swap3A_455 = arith.index_cast %sub3A_348 : i32 to index
                %swap3A_456 = arith.constant 32 : index
                %swap3A_457 = tpu.vector_load %arg18[%swap3A_455, %swap3A_456] {strides = array<i32>} : memref<2x48xi32, #tpu.memory_space<vmem>>, vector<16xi32>,
                tpu.vector_store %arg18[%swap3A_455, %swap3A_456], %get3A_442 {strides = array<i32>} : memref<2x48xi32, #tpu.memory_space<vmem>>, vector<16xi32>,
                %swap3A_458 = arith.index_cast %sub3A_348 : i32 to index
                %swap3A_459 = arith.constant 32 : index
                %swap3A_460 = tpu.vector_load %arg17[%swap3A_458, %swap3A_459] {strides = array<i32>} : memref<2x48xi32, #tpu.memory_space<vmem>>, vector<16xi32>,
                tpu.vector_store %arg17[%swap3A_458, %swap3A_459], %get3A_446 {strides = array<i32>} : memref<2x48xi32, #tpu.memory_space<vmem>>, vector<16xi32>,
                %dma_start3A_461 = arith.constant 0 : i32
                %dma_start3A_462 = arith.constant 0 : i32
                %dma_start3A_463 = tpu.memref_slice %arg19[%sub3A_348, %dma_start3A_461, %dma_start3A_462] : memref<2x48x128xf32, #tpu.memory_space<vmem>> -> memref<1x48x128xf32, #tpu.memory_space<vmem>>
                %dma_start3A_464 = tpu.memref_squeeze %dma_start3A_463 : memref<1x48x128xf32, #tpu.memory_space<vmem>> -> memref<48x128xf32, #tpu.memory_space<vmem>>
                %dma_start3A_465 = arith.constant 0 : i32
                %dma_start3A_466 = tpu.memref_slice %arg16[%sub3A_348, %dma_start3A_465] : memref<2x48xi32, #tpu.memory_space<vmem>> -> memref<1x48xi32, #tpu.memory_space<vmem>>
                %dma_start3A_467 = tpu.memref_squeeze %dma_start3A_466 : memref<1x48xi32, #tpu.memory_space<vmem>> -> memref<48xi32, #tpu.memory_space<vmem>>
                %dma_start3A_468 = arith.constant 0 : i32
                %dma_start3A_469 = arith.constant 0 : i32
                %dma_start3A_470 = tpu.memref_slice %arg2[%dma_start3A_468, %dma_start3A_469] : memref<320000x128xf32, #tpu.memory_space<hbm>> -> memref<320000x128xf32, #tpu.memory_space<hbm>>
                tpu.enqueue_indirect_dma source(%dma_start3A_470 : memref<320000x128xf32, #tpu.memory_space<hbm>>) target(%dma_start3A_464 : memref<48x128xf32, #tpu.memory_space<vmem>>) offsets(%dma_start3A_467 : memref<48xi32, #tpu.memory_space<vmem>>) semaphore(%arg24 : memref<!tpu.dma_semaphore, #tpu.memory_space<semaphore_mem>>)
                %dma_start3A_471 = arith.constant 0 : i32
                %dma_start3A_472 = arith.constant 0 : i32
                %dma_start3A_473 = tpu.memref_slice %arg20[%sub3A_348, %dma_start3A_471, %dma_start3A_472] : memref<2x48x128xf32, #tpu.memory_space<vmem>> -> memref<1x48x128xf32, #tpu.memory_space<vmem>>
                %dma_start3A_474 = tpu.memref_squeeze %dma_start3A_473 : memref<1x48x128xf32, #tpu.memory_space<vmem>> -> memref<48x128xf32, #tpu.memory_space<vmem>>
                %dma_start3A_475 = arith.constant 0 : i32
                %dma_start3A_476 = tpu.memref_slice %arg17[%sub3A_348, %dma_start3A_475] : memref<2x48xi32, #tpu.memory_space<vmem>> -> memref<1x48xi32, #tpu.memory_space<vmem>>
                %dma_start3A_477 = tpu.memref_squeeze %dma_start3A_476 : memref<1x48xi32, #tpu.memory_space<vmem>> -> memref<48xi32, #tpu.memory_space<vmem>>
                %dma_start3A_478 = arith.constant 0 : i32
                %dma_start3A_479 = arith.constant 0 : i32
                %dma_start3A_480 = tpu.memref_slice %arg3[%dma_start3A_478, %dma_start3A_479] : memref<320000x128xf32, #tpu.memory_space<hbm>> -> memref<320000x128xf32, #tpu.memory_space<hbm>>
                tpu.enqueue_indirect_dma source(%dma_start3A_480 : memref<320000x128xf32, #tpu.memory_space<hbm>>) target(%dma_start3A_474 : memref<48x128xf32, #tpu.memory_space<vmem>>) offsets(%dma_start3A_477 : memref<48xi32, #tpu.memory_space<vmem>>) semaphore(%arg24 : memref<!tpu.dma_semaphore, #tpu.memory_space<semaphore_mem>>)
                %dma_start3A_481 = arith.constant 0 : i32
                %dma_start3A_482 = arith.constant 0 : i32
                %dma_start3A_483 = tpu.memref_slice %arg21[%sub3A_348, %dma_start3A_481, %dma_start3A_482] : memref<2x48x128xf32, #tpu.memory_space<vmem>> -> memref<1x48x128xf32, #tpu.memory_space<vmem>>
                %dma_start3A_484 = tpu.memref_squeeze %dma_start3A_483 : memref<1x48x128xf32, #tpu.memory_space<vmem>> -> memref<48x128xf32, #tpu.memory_space<vmem>>
                %dma_start3A_485 = arith.constant 0 : i32
                %dma_start3A_486 = tpu.memref_slice %arg17[%sub3A_348, %dma_start3A_485] : memref<2x48xi32, #tpu.memory_space<vmem>> -> memref<1x48xi32, #tpu.memory_space<vmem>>
                %dma_start3A_487 = tpu.memref_squeeze %dma_start3A_486 : memref<1x48xi32, #tpu.memory_space<vmem>> -> memref<48xi32, #tpu.memory_space<vmem>>
                %dma_start3A_488 = arith.constant 0 : i32
                %dma_start3A_489 = arith.constant 0 : i32
                %dma_start3A_490 = tpu.memref_slice %arg4[%dma_start3A_488, %dma_start3A_489] : memref<320000x128xf32, #tpu.memory_space<hbm>> -> memref<320000x128xf32, #tpu.memory_space<hbm>>
                tpu.enqueue_indirect_dma source(%dma_start3A_490 : memref<320000x128xf32, #tpu.memory_space<hbm>>) target(%dma_start3A_484 : memref<48x128xf32, #tpu.memory_space<vmem>>) offsets(%dma_start3A_487 : memref<48xi32, #tpu.memory_space<vmem>>) semaphore(%arg24 : memref<!tpu.dma_semaphore, #tpu.memory_space<semaphore_mem>>)
              } else {
              }
              %scan3A_385 = arith.constant 0 : i32
              %scan3A_386 = arith.constant 0 : i32
              %scan3A_387 = arith.constant 48 : i32
              %scan3A_388 = arith.addi %scan3A_386, %scan3A_387 : i32
              %scan3A_389 = arith.constant 1 : i32
              scf.for %scan3A_391 = %scan3A_386 to %scan3A_388 step %scan3A_389  : i32 {
                %get3A_392 = arith.index_cast %while3A_346 : i32 to index
                %get3A_393 = arith.index_cast %scan3A_391 : i32 to index
                %get3A_394 = arith.constant 0 : index
                %get3A_395 = tpu.vector_load %arg19[%get3A_392, %get3A_393, %get3A_394] {strides = array<i32>} : memref<2x48x128xf32, #tpu.memory_space<vmem>>, vector<16xf32>,
                %get3A_396 = arith.index_cast %while3A_346 : i32 to index
                %get3A_397 = arith.index_cast %scan3A_391 : i32 to index
                %get3A_398 = arith.constant 0 : index
                %get3A_399 = tpu.vector_load %arg20[%get3A_396, %get3A_397, %get3A_398] {strides = array<i32>} : memref<2x48x128xf32, #tpu.memory_space<vmem>>, vector<16xf32>,
                %get3A_400 = arith.index_cast %while3A_346 : i32 to index
                %get3A_401 = arith.index_cast %scan3A_391 : i32 to index
                %get3A_402 = arith.constant 0 : index
                %get3A_403 = tpu.vector_load %arg21[%get3A_400, %get3A_401, %get3A_402] {strides = array<i32>} : memref<2x48x128xf32, #tpu.memory_space<vmem>>, vector<16xf32>,
                %add3A_404 = arith.addf %get3A_395, %get3A_399 : vector<16xf32>
                %neg3A = arith.constant 0.000000e+00 : f32
                %neg3A_405 = vector.broadcast %neg3A : f32 to vector<16xf32>
                %neg3A_406 = arith.subf %neg3A_405, %add3A_404 : vector<16xf32>
                %exp3A = math.exp %neg3A_406 : vector<16xf32>
                %add3A_407 = arith.constant 1.000000e+00 : f32
                %add3A_408 = vector.broadcast %add3A_407 : f32 to vector<16xf32>
                %add3A_409 = arith.addf %add3A_408, %exp3A : vector<16xf32>
                %div3A_410 = arith.divf %get3A_403, %add3A_409 : vector<16xf32>
                %swap3A_411 = arith.index_cast %scan3A_391 : i32 to index
                %swap3A_412 = arith.constant 0 : index
                %swap3A_413 = tpu.vector_load %arg22[%swap3A_411, %swap3A_412] {strides = array<i32>} : memref<48x128xf32, #tpu.memory_space<vmem>>, vector<16xf32>,
                tpu.vector_store %arg22[%swap3A_411, %swap3A_412], %div3A_410 {strides = array<i32>} : memref<48x128xf32, #tpu.memory_space<vmem>>, vector<16xf32>,
                %get3A_414 = arith.index_cast %while3A_346 : i32 to index
                %get3A_415 = arith.index_cast %scan3A_391 : i32 to index
                %get3A_416 = arith.constant 16 : index
                %get3A_417 = tpu.vector_load %arg19[%get3A_414, %get3A_415, %get3A_416] {strides = array<i32>} : memref<2x48x128xf32, #tpu.memory_space<vmem>>, vector<16xf32>,
                %get3A_418 = arith.index_cast %while3A_346 : i32 to index
                %get3A_419 = arith.index_cast %scan3A_391 : i32 to index
                %get3A_420 = arith.constant 16 : index
                %get3A_421 = tpu.vector_load %arg20[%get3A_418, %get3A_419, %get3A_420] {strides = array<i32>} : memref<2x48x128xf32, #tpu.memory_space<vmem>>, vector<16xf32>,
                %get3A_422 = arith.index_cast %while3A_346 : i32 to index
                %get3A_423 = arith.index_cast %scan3A_391 : i32 to index
                %get3A_424 = arith.constant 16 : index
                %get3A_425 = tpu.vector_load %arg21[%get3A_422, %get3A_423, %get3A_424] {strides = array<i32>} : memref<2x48x128xf32, #tpu.memory_space<vmem>>, vector<16xf32>,
                %add3A_426 = arith.addf %get3A_417, %get3A_421 : vector<16xf32>
                %neg3A_427 = arith.constant 0.000000e+00 : f32
                %neg3A_428 = vector.broadcast %neg3A_427 : f32 to vector<16xf32>
                %neg3A_429 = arith.subf %neg3A_428, %add3A_426 : vector<16xf32>
                %exp3A_430 = math.exp %neg3A_429 : vector<16xf32>
                %add3A_431 = arith.constant 1.000000e+00 : f32
                %add3A_432 = vector.broadcast %add3A_431 : f32 to vector<16xf32>
                %add3A_433 = arith.addf %add3A_432, %exp3A_430 : vector<16xf32>
                %div3A_434 = arith.divf %get3A_425, %add3A_433 : vector<16xf32>
                %swap3A_435 = arith.index_cast %scan3A_391 : i32 to index
                %swap3A_436 = arith.constant 16 : index
                %swap3A_437 = tpu.vector_load %arg22[%swap3A_435, %swap3A_436] {strides = array<i32>} : memref<48x128xf32, #tpu.memory_space<vmem>>, vector<16xf32>,
                tpu.vector_store %arg22[%swap3A_435, %swap3A_436], %div3A_434 {strides = array<i32>} : memref<48x128xf32, #tpu.memory_space<vmem>>, vector<16xf32>,
                %get3A_438 = arith.index_cast %while3A_346 : i32 to index
                %get3A_439 = arith.index_cast %scan3A_391 : i32 to index
                %get3A_440 = arith.constant 32 : index
                %get3A_441 = tpu.vector_load %arg19[%get3A_438, %get3A_439, %get3A_440] {strides = array<i32>} : memref<2x48x128xf32, #tpu.memory_space<vmem>>, vector<16xf32>,
                %get3A_442 = arith.index_cast %while3A_346 : i32 to index
                %get3A_443 = arith.index_cast %scan3A_391 : i32 to index
                %get3A_444 = arith.constant 32 : index
                %get3A_445 = tpu.vector_load %arg20[%get3A_442, %get3A_443, %get3A_444] {strides = array<i32>} : memref<2x48x128xf32, #tpu.memory_space<vmem>>, vector<16xf32>,
                %get3A_446 = arith.index_cast %while3A_346 : i32 to index
                %get3A_447 = arith.index_cast %scan3A_391 : i32 to index
                %get3A_448 = arith.constant 32 : index
                %get3A_449 = tpu.vector_load %arg21[%get3A_446, %get3A_447, %get3A_448] {strides = array<i32>} : memref<2x48x128xf32, #tpu.memory_space<vmem>>, vector<16xf32>,
                %add3A_450 = arith.addf %get3A_441, %get3A_445 : vector<16xf32>
                %neg3A_451 = arith.constant 0.000000e+00 : f32
                %neg3A_452 = vector.broadcast %neg3A_451 : f32 to vector<16xf32>
                %neg3A_453 = arith.subf %neg3A_452, %add3A_450 : vector<16xf32>
                %exp3A_454 = math.exp %neg3A_453 : vector<16xf32>
                %add3A_455 = arith.constant 1.000000e+00 : f32
                %add3A_456 = vector.broadcast %add3A_455 : f32 to vector<16xf32>
                %add3A_457 = arith.addf %add3A_456, %exp3A_454 : vector<16xf32>
                %div3A_458 = arith.divf %get3A_449, %add3A_457 : vector<16xf32>
                %swap3A_459 = arith.index_cast %scan3A_391 : i32 to index
                %swap3A_460 = arith.constant 32 : index
                %swap3A_461 = tpu.vector_load %arg22[%swap3A_459, %swap3A_460] {strides = array<i32>} : memref<48x128xf32, #tpu.memory_space<vmem>>, vector<16xf32>,
                tpu.vector_store %arg22[%swap3A_459, %swap3A_460], %div3A_458 {strides = array<i32>} : memref<48x128xf32, #tpu.memory_space<vmem>>, vector<16xf32>,
                %get3A_462 = arith.index_cast %while3A_346 : i32 to index
                %get3A_463 = arith.index_cast %scan3A_391 : i32 to index
                %get3A_464 = arith.constant 48 : index
                %get3A_465 = tpu.vector_load %arg19[%get3A_462, %get3A_463, %get3A_464] {strides = array<i32>} : memref<2x48x128xf32, #tpu.memory_space<vmem>>, vector<16xf32>,
                %get3A_466 = arith.index_cast %while3A_346 : i32 to index
                %get3A_467 = arith.index_cast %scan3A_391 : i32 to index
                %get3A_468 = arith.constant 48 : index
                %get3A_469 = tpu.vector_load %arg20[%get3A_466, %get3A_467, %get3A_468] {strides = array<i32>} : memref<2x48x128xf32, #tpu.memory_space<vmem>>, vector<16xf32>,
                %get3A_470 = arith.index_cast %while3A_346 : i32 to index
                %get3A_471 = arith.index_cast %scan3A_391 : i32 to index
                %get3A_472 = arith.constant 48 : index
                %get3A_473 = tpu.vector_load %arg21[%get3A_470, %get3A_471, %get3A_472] {strides = array<i32>} : memref<2x48x128xf32, #tpu.memory_space<vmem>>, vector<16xf32>,
                %add3A_474 = arith.addf %get3A_465, %get3A_469 : vector<16xf32>
                %neg3A_475 = arith.constant 0.000000e+00 : f32
                %neg3A_476 = vector.broadcast %neg3A_475 : f32 to vector<16xf32>
                %neg3A_477 = arith.subf %neg3A_476, %add3A_474 : vector<16xf32>
                %exp3A_478 = math.exp %neg3A_477 : vector<16xf32>
                %add3A_479 = arith.constant 1.000000e+00 : f32
                %add3A_480 = vector.broadcast %add3A_479 : f32 to vector<16xf32>
                %add3A_481 = arith.addf %add3A_480, %exp3A_478 : vector<16xf32>
                %div3A_482 = arith.divf %get3A_473, %add3A_481 : vector<16xf32>
                %swap3A_483 = arith.index_cast %scan3A_391 : i32 to index
                %swap3A_484 = arith.constant 48 : index
                %swap3A_485 = tpu.vector_load %arg22[%swap3A_483, %swap3A_484] {strides = array<i32>} : memref<48x128xf32, #tpu.memory_space<vmem>>, vector<16xf32>,
                tpu.vector_store %arg22[%swap3A_483, %swap3A_484], %div3A_482 {strides = array<i32>} : memref<48x128xf32, #tpu.memory_space<vmem>>, vector<16xf32>,
                %get3A_486 = arith.index_cast %while3A_346 : i32 to index
                %get3A_487 = arith.index_cast %scan3A_391 : i32 to index
                %get3A_488 = arith.constant 64 : index
                %get3A_489 = tpu.vector_load %arg19[%get3A_486, %get3A_487, %get3A_488] {strides = array<i32>} : memref<2x48x128xf32, #tpu.memory_space<vmem>>, vector<16xf32>,
                %get3A_490 = arith.index_cast %while3A_346 : i32 to index
                %get3A_491 = arith.index_cast %scan3A_391 : i32 to index
                %get3A_492 = arith.constant 64 : index
                %get3A_493 = tpu.vector_load %arg20[%get3A_490, %get3A_491, %get3A_492] {strides = array<i32>} : memref<2x48x128xf32, #tpu.memory_space<vmem>>, vector<16xf32>,
                %get3A_494 = arith.index_cast %while3A_346 : i32 to index
                %get3A_495 = arith.index_cast %scan3A_391 : i32 to index
                %get3A_496 = arith.constant 64 : index
                %get3A_497 = tpu.vector_load %arg21[%get3A_494, %get3A_495, %get3A_496] {strides = array<i32>} : memref<2x48x128xf32, #tpu.memory_space<vmem>>, vector<16xf32>,
                %add3A_498 = arith.addf %get3A_489, %get3A_493 : vector<16xf32>
                %neg3A_499 = arith.constant 0.000000e+00 : f32
                %neg3A_500 = vector.broadcast %neg3A_499 : f32 to vector<16xf32>
                %neg3A_501 = arith.subf %neg3A_500, %add3A_498 : vector<16xf32>
                %exp3A_502 = math.exp %neg3A_501 : vector<16xf32>
                %add3A_503 = arith.constant 1.000000e+00 : f32
                %add3A_504 = vector.broadcast %add3A_503 : f32 to vector<16xf32>
                %add3A_505 = arith.addf %add3A_504, %exp3A_502 : vector<16xf32>
                %div3A_506 = arith.divf %get3A_497, %add3A_505 : vector<16xf32>
                %swap3A_507 = arith.index_cast %scan3A_391 : i32 to index
                %swap3A_508 = arith.constant 64 : index
                %swap3A_509 = tpu.vector_load %arg22[%swap3A_507, %swap3A_508] {strides = array<i32>} : memref<48x128xf32, #tpu.memory_space<vmem>>, vector<16xf32>,
                tpu.vector_store %arg22[%swap3A_507, %swap3A_508], %div3A_506 {strides = array<i32>} : memref<48x128xf32, #tpu.memory_space<vmem>>, vector<16xf32>,
                %get3A_510 = arith.index_cast %while3A_346 : i32 to index
                %get3A_511 = arith.index_cast %scan3A_391 : i32 to index
                %get3A_512 = arith.constant 80 : index
                %get3A_513 = tpu.vector_load %arg19[%get3A_510, %get3A_511, %get3A_512] {strides = array<i32>} : memref<2x48x128xf32, #tpu.memory_space<vmem>>, vector<16xf32>,
                %get3A_514 = arith.index_cast %while3A_346 : i32 to index
                %get3A_515 = arith.index_cast %scan3A_391 : i32 to index
                %get3A_516 = arith.constant 80 : index
                %get3A_517 = tpu.vector_load %arg20[%get3A_514, %get3A_515, %get3A_516] {strides = array<i32>} : memref<2x48x128xf32, #tpu.memory_space<vmem>>, vector<16xf32>,
                %get3A_518 = arith.index_cast %while3A_346 : i32 to index
                %get3A_519 = arith.index_cast %scan3A_391 : i32 to index
                %get3A_520 = arith.constant 80 : index
                %get3A_521 = tpu.vector_load %arg21[%get3A_518, %get3A_519, %get3A_520] {strides = array<i32>} : memref<2x48x128xf32, #tpu.memory_space<vmem>>, vector<16xf32>,
                %add3A_522 = arith.addf %get3A_513, %get3A_517 : vector<16xf32>
                %neg3A_523 = arith.constant 0.000000e+00 : f32
                %neg3A_524 = vector.broadcast %neg3A_523 : f32 to vector<16xf32>
                %neg3A_525 = arith.subf %neg3A_524, %add3A_522 : vector<16xf32>
                %exp3A_526 = math.exp %neg3A_525 : vector<16xf32>
                %add3A_527 = arith.constant 1.000000e+00 : f32
                %add3A_528 = vector.broadcast %add3A_527 : f32 to vector<16xf32>
                %add3A_529 = arith.addf %add3A_528, %exp3A_526 : vector<16xf32>
                %div3A_530 = arith.divf %get3A_521, %add3A_529 : vector<16xf32>
                %swap3A_531 = arith.index_cast %scan3A_391 : i32 to index
                %swap3A_532 = arith.constant 80 : index
                %swap3A_533 = tpu.vector_load %arg22[%swap3A_531, %swap3A_532] {strides = array<i32>} : memref<48x128xf32, #tpu.memory_space<vmem>>, vector<16xf32>,
                tpu.vector_store %arg22[%swap3A_531, %swap3A_532], %div3A_530 {strides = array<i32>} : memref<48x128xf32, #tpu.memory_space<vmem>>, vector<16xf32>,
                %get3A_534 = arith.index_cast %while3A_346 : i32 to index
                %get3A_535 = arith.index_cast %scan3A_391 : i32 to index
                %get3A_536 = arith.constant 96 : index
                %get3A_537 = tpu.vector_load %arg19[%get3A_534, %get3A_535, %get3A_536] {strides = array<i32>} : memref<2x48x128xf32, #tpu.memory_space<vmem>>, vector<16xf32>,
                %get3A_538 = arith.index_cast %while3A_346 : i32 to index
                %get3A_539 = arith.index_cast %scan3A_391 : i32 to index
                %get3A_540 = arith.constant 96 : index
                %get3A_541 = tpu.vector_load %arg20[%get3A_538, %get3A_539, %get3A_540] {strides = array<i32>} : memref<2x48x128xf32, #tpu.memory_space<vmem>>, vector<16xf32>,
                %get3A_542 = arith.index_cast %while3A_346 : i32 to index
                %get3A_543 = arith.index_cast %scan3A_391 : i32 to index
                %get3A_544 = arith.constant 96 : index
                %get3A_545 = tpu.vector_load %arg21[%get3A_542, %get3A_543, %get3A_544] {strides = array<i32>} : memref<2x48x128xf32, #tpu.memory_space<vmem>>, vector<16xf32>,
                %add3A_546 = arith.addf %get3A_537, %get3A_541 : vector<16xf32>
                %neg3A_547 = arith.constant 0.000000e+00 : f32
                %neg3A_548 = vector.broadcast %neg3A_547 : f32 to vector<16xf32>
                %neg3A_549 = arith.subf %neg3A_548, %add3A_546 : vector<16xf32>
                %exp3A_550 = math.exp %neg3A_549 : vector<16xf32>
                %add3A_551 = arith.constant 1.000000e+00 : f32
                %add3A_552 = vector.broadcast %add3A_551 : f32 to vector<16xf32>
                %add3A_553 = arith.addf %add3A_552, %exp3A_550 : vector<16xf32>
                %div3A_554 = arith.divf %get3A_545, %add3A_553 : vector<16xf32>
                %swap3A_555 = arith.index_cast %scan3A_391 : i32 to index
                %swap3A_556 = arith.constant 96 : index
                %swap3A_557 = tpu.vector_load %arg22[%swap3A_555, %swap3A_556] {strides = array<i32>} : memref<48x128xf32, #tpu.memory_space<vmem>>, vector<16xf32>,
                tpu.vector_store %arg22[%swap3A_555, %swap3A_556], %div3A_554 {strides = array<i32>} : memref<48x128xf32, #tpu.memory_space<vmem>>, vector<16xf32>,
                %get3A_558 = arith.index_cast %while3A_346 : i32 to index
                %get3A_559 = arith.index_cast %scan3A_391 : i32 to index
                %get3A_560 = arith.constant 112 : index
                %get3A_561 = tpu.vector_load %arg19[%get3A_558, %get3A_559, %get3A_560] {strides = array<i32>} : memref<2x48x128xf32, #tpu.memory_space<vmem>>, vector<16xf32>,
                %get3A_562 = arith.index_cast %while3A_346 : i32 to index
                %get3A_563 = arith.index_cast %scan3A_391 : i32 to index
                %get3A_564 = arith.constant 112 : index
                %get3A_565 = tpu.vector_load %arg20[%get3A_562, %get3A_563, %get3A_564] {strides = array<i32>} : memref<2x48x128xf32, #tpu.memory_space<vmem>>, vector<16xf32>,
                %get3A_566 = arith.index_cast %while3A_346 : i32 to index
                %get3A_567 = arith.index_cast %scan3A_391 : i32 to index
                %get3A_568 = arith.constant 112 : index
                %get3A_569 = tpu.vector_load %arg21[%get3A_566, %get3A_567, %get3A_568] {strides = array<i32>} : memref<2x48x128xf32, #tpu.memory_space<vmem>>, vector<16xf32>,
                %add3A_570 = arith.addf %get3A_561, %get3A_565 : vector<16xf32>
                %neg3A_571 = arith.constant 0.000000e+00 : f32
                %neg3A_572 = vector.broadcast %neg3A_571 : f32 to vector<16xf32>
                %neg3A_573 = arith.subf %neg3A_572, %add3A_570 : vector<16xf32>
                %exp3A_574 = math.exp %neg3A_573 : vector<16xf32>
                %add3A_575 = arith.constant 1.000000e+00 : f32
                %add3A_576 = vector.broadcast %add3A_575 : f32 to vector<16xf32>
                %add3A_577 = arith.addf %add3A_576, %exp3A_574 : vector<16xf32>
                %div3A_578 = arith.divf %get3A_569, %add3A_577 : vector<16xf32>
                %swap3A_579 = arith.index_cast %scan3A_391 : i32 to index
                %swap3A_580 = arith.constant 112 : index
                %swap3A_581 = tpu.vector_load %arg22[%swap3A_579, %swap3A_580] {strides = array<i32>} : memref<48x128xf32, #tpu.memory_space<vmem>>, vector<16xf32>,
                tpu.vector_store %arg22[%swap3A_579, %swap3A_580], %div3A_578 {strides = array<i32>} : memref<48x128xf32, #tpu.memory_space<vmem>>, vector<16xf32>,
              }
              %scan3A_390 = arith.constant 48 : i32
              "tpu.region"() ({
                %run_scoped3A = tpu.sem_alloc : memref<!tpu.dma_semaphore, #tpu.memory_space<semaphore_mem>>
                %dma_start3A_391 = arith.constant 0 : i32
                %dma_start3A_392 = arith.constant 0 : i32
                %dma_start3A_393 = tpu.memref_slice %arg21[%while3A_346, %dma_start3A_391, %dma_start3A_392] : memref<2x48x128xf32, #tpu.memory_space<vmem>> -> memref<1x48x128xf32, #tpu.memory_space<vmem>>
                %dma_start3A_394 = tpu.memref_squeeze %dma_start3A_393 : memref<1x48x128xf32, #tpu.memory_space<vmem>> -> memref<48x128xf32, #tpu.memory_space<vmem>>
                %dma_start3A_395 = arith.constant 0 : i32
                %dma_start3A_396 = tpu.memref_slice %arg18[%while3A_346, %dma_start3A_395] : memref<2x48xi32, #tpu.memory_space<vmem>> -> memref<1x48xi32, #tpu.memory_space<vmem>>
                %dma_start3A_397 = tpu.memref_squeeze %dma_start3A_396 : memref<1x48xi32, #tpu.memory_space<vmem>> -> memref<48xi32, #tpu.memory_space<vmem>>
                %dma_start3A_398 = arith.constant 0 : i32
                %dma_start3A_399 = arith.constant 0 : i32
                %dma_start3A_400 = tpu.memref_slice %arg10[%dma_start3A_398, %dma_start3A_399] : memref<3328x128xf32, #tpu.memory_space<vmem_shared>> -> memref<3328x128xf32, #tpu.memory_space<vmem_shared>>
                tpu.enqueue_indirect_dma source(%dma_start3A_394 : memref<48x128xf32, #tpu.memory_space<vmem>>) target(%dma_start3A_400 : memref<3328x128xf32, #tpu.memory_space<vmem_shared>>) offsets(%dma_start3A_397 : memref<48xi32, #tpu.memory_space<vmem>>) semaphore(%run_scoped3A : memref<!tpu.dma_semaphore, #tpu.memory_space<semaphore_mem>>) {add = true}
                %dma_wait3A_401 = arith.constant 0 : i32
                %dma_wait3A_402 = arith.constant 0 : i32
                %dma_wait3A_403 = tpu.memref_slice %arg21[%while3A_346, %dma_wait3A_401, %dma_wait3A_402] : memref<2x48x128xf32, #tpu.memory_space<vmem>> -> memref<1x48x128xf32, #tpu.memory_space<vmem>>
                %dma_wait3A_404 = tpu.memref_squeeze %dma_wait3A_403 : memref<1x48x128xf32, #tpu.memory_space<vmem>> -> memref<48x128xf32, #tpu.memory_space<vmem>>
                %dma_wait3A_405 = arith.constant 0 : i32
                %dma_wait3A_406 = tpu.memref_slice %arg18[%while3A_346, %dma_wait3A_405] : memref<2x48xi32, #tpu.memory_space<vmem>> -> memref<1x48xi32, #tpu.memory_space<vmem>>
                %dma_wait3A_407 = tpu.memref_squeeze %dma_wait3A_406 : memref<1x48xi32, #tpu.memory_space<vmem>> -> memref<48xi32, #tpu.memory_space<vmem>>
                %dma_wait3A_408 = arith.constant 0 : i32
                %dma_wait3A_409 = arith.constant 0 : i32
                %dma_wait3A_410 = tpu.memref_slice %arg10[%dma_wait3A_408, %dma_wait3A_409] : memref<3328x128xf32, #tpu.memory_space<vmem_shared>> -> memref<3328x128xf32, #tpu.memory_space<vmem_shared>>
                tpu.wait_indirect_dma semaphore(%run_scoped3A : memref<!tpu.dma_semaphore, #tpu.memory_space<semaphore_mem>>) src(%dma_wait3A_404 : memref<48x128xf32, #tpu.memory_space<vmem>>) dst(%dma_wait3A_410 : memref<3328x128xf32, #tpu.memory_space<vmem_shared>>)
                tpu.yield
              }) : () -> ()
              "tpu.region"() ({
                %run_scoped3A = tpu.sem_alloc : memref<!tpu.dma_semaphore, #tpu.memory_space<semaphore_mem>>
                %dma_start3A_391 = arith.constant 0 : i32
                %dma_start3A_392 = tpu.memref_slice %arg18[%while3A_346, %dma_start3A_391] : memref<2x48xi32, #tpu.memory_space<vmem>> -> memref<1x48xi32, #tpu.memory_space<vmem>>
                %dma_start3A_393 = tpu.memref_squeeze %dma_start3A_392 : memref<1x48xi32, #tpu.memory_space<vmem>> -> memref<48xi32, #tpu.memory_space<vmem>>
                %dma_start3A_394 = arith.constant 0 : i32
                %dma_start3A_395 = arith.constant 0 : i32
                %dma_start3A_396 = tpu.memref_slice %arg11[%dma_start3A_394, %dma_start3A_395] : memref<3328x128xf32, #tpu.memory_space<vmem_shared>> -> memref<3328x128xf32, #tpu.memory_space<vmem_shared>>
                tpu.enqueue_indirect_dma source(%arg22 : memref<48x128xf32, #tpu.memory_space<vmem>>) target(%dma_start3A_396 : memref<3328x128xf32, #tpu.memory_space<vmem_shared>>) offsets(%dma_start3A_393 : memref<48xi32, #tpu.memory_space<vmem>>) semaphore(%run_scoped3A : memref<!tpu.dma_semaphore, #tpu.memory_space<semaphore_mem>>) {add = true}
                %dma_wait3A_397 = arith.constant 0 : i32
                %dma_wait3A_398 = tpu.memref_slice %arg18[%while3A_346, %dma_wait3A_397] : memref<2x48xi32, #tpu.memory_space<vmem>> -> memref<1x48xi32, #tpu.memory_space<vmem>>
                %dma_wait3A_399 = tpu.memref_squeeze %dma_wait3A_398 : memref<1x48xi32, #tpu.memory_space<vmem>> -> memref<48xi32, #tpu.memory_space<vmem>>
                %dma_wait3A_400 = arith.constant 0 : i32
                %dma_wait3A_401 = arith.constant 0 : i32
                %dma_wait3A_402 = tpu.memref_slice %arg11[%dma_wait3A_400, %dma_wait3A_401] : memref<3328x128xf32, #tpu.memory_space<vmem_shared>> -> memref<3328x128xf32, #tpu.memory_space<vmem_shared>>
                tpu.wait_indirect_dma semaphore(%run_scoped3A : memref<!tpu.dma_semaphore, #tpu.memory_space<semaphore_mem>>) src(%arg22 : memref<48x128xf32, #tpu.memory_space<vmem>>) dst(%dma_wait3A_402 : memref<3328x128xf32, #tpu.memory_space<vmem_shared>>)
                tpu.yield
              }) : () -> ()
              scf.yield %sub3A_348 : i32
            }
            %while3A_343 = arith.constant 1 : i32
            %while3A_344 = scf.for %while3A_345 = %while3A_340 to %while3A_336 step %while3A_343 iter_args(%while3A_346 = %while3A_342) -> (i32)  : i32 {
              %sub3A_347 = arith.constant 1 : i32
              %sub3A_348 = arith.subi %sub3A_347, %while3A_346 : i32
              %dma_wait3A_349 = arith.constant 0 : i32
              %dma_wait3A_350 = arith.constant 0 : i32
              %dma_wait3A_351 = tpu.memref_slice %arg19[%while3A_346, %dma_wait3A_349, %dma_wait3A_350] : memref<2x48x128xf32, #tpu.memory_space<vmem>> -> memref<1x48x128xf32, #tpu.memory_space<vmem>>
              %dma_wait3A_352 = tpu.memref_squeeze %dma_wait3A_351 : memref<1x48x128xf32, #tpu.memory_space<vmem>> -> memref<48x128xf32, #tpu.memory_space<vmem>>
              %dma_wait3A_353 = arith.constant 0 : i32
              %dma_wait3A_354 = tpu.memref_slice %arg16[%while3A_346, %dma_wait3A_353] : memref<2x48xi32, #tpu.memory_space<vmem>> -> memref<1x48xi32, #tpu.memory_space<vmem>>
              %dma_wait3A_355 = tpu.memref_squeeze %dma_wait3A_354 : memref<1x48xi32, #tpu.memory_space<vmem>> -> memref<48xi32, #tpu.memory_space<vmem>>
              %dma_wait3A_356 = arith.constant 0 : i32
              %dma_wait3A_357 = arith.constant 0 : i32
              %dma_wait3A_358 = tpu.memref_slice %arg2[%dma_wait3A_356, %dma_wait3A_357] : memref<320000x128xf32, #tpu.memory_space<hbm>> -> memref<320000x128xf32, #tpu.memory_space<hbm>>
              tpu.wait_indirect_dma semaphore(%arg24 : memref<!tpu.dma_semaphore, #tpu.memory_space<semaphore_mem>>) src(%dma_wait3A_358 : memref<320000x128xf32, #tpu.memory_space<hbm>>) dst(%dma_wait3A_352 : memref<48x128xf32, #tpu.memory_space<vmem>>)
              %dma_wait3A_359 = arith.constant 0 : i32
              %dma_wait3A_360 = arith.constant 0 : i32
              %dma_wait3A_361 = tpu.memref_slice %arg20[%while3A_346, %dma_wait3A_359, %dma_wait3A_360] : memref<2x48x128xf32, #tpu.memory_space<vmem>> -> memref<1x48x128xf32, #tpu.memory_space<vmem>>
              %dma_wait3A_362 = tpu.memref_squeeze %dma_wait3A_361 : memref<1x48x128xf32, #tpu.memory_space<vmem>> -> memref<48x128xf32, #tpu.memory_space<vmem>>
              %dma_wait3A_363 = arith.constant 0 : i32
              %dma_wait3A_364 = tpu.memref_slice %arg17[%while3A_346, %dma_wait3A_363] : memref<2x48xi32, #tpu.memory_space<vmem>> -> memref<1x48xi32, #tpu.memory_space<vmem>>
              %dma_wait3A_365 = tpu.memref_squeeze %dma_wait3A_364 : memref<1x48xi32, #tpu.memory_space<vmem>> -> memref<48xi32, #tpu.memory_space<vmem>>
              %dma_wait3A_366 = arith.constant 0 : i32
              %dma_wait3A_367 = arith.constant 0 : i32
              %dma_wait3A_368 = tpu.memref_slice %arg3[%dma_wait3A_366, %dma_wait3A_367] : memref<320000x128xf32, #tpu.memory_space<hbm>> -> memref<320000x128xf32, #tpu.memory_space<hbm>>
              tpu.wait_indirect_dma semaphore(%arg24 : memref<!tpu.dma_semaphore, #tpu.memory_space<semaphore_mem>>) src(%dma_wait3A_368 : memref<320000x128xf32, #tpu.memory_space<hbm>>) dst(%dma_wait3A_362 : memref<48x128xf32, #tpu.memory_space<vmem>>)
              %dma_wait3A_369 = arith.constant 0 : i32
              %dma_wait3A_370 = arith.constant 0 : i32
              %dma_wait3A_371 = tpu.memref_slice %arg21[%while3A_346, %dma_wait3A_369, %dma_wait3A_370] : memref<2x48x128xf32, #tpu.memory_space<vmem>> -> memref<1x48x128xf32, #tpu.memory_space<vmem>>
              %dma_wait3A_372 = tpu.memref_squeeze %dma_wait3A_371 : memref<1x48x128xf32, #tpu.memory_space<vmem>> -> memref<48x128xf32, #tpu.memory_space<vmem>>
              %dma_wait3A_373 = arith.constant 0 : i32
              %dma_wait3A_374 = tpu.memref_slice %arg17[%while3A_346, %dma_wait3A_373] : memref<2x48xi32, #tpu.memory_space<vmem>> -> memref<1x48xi32, #tpu.memory_space<vmem>>
              %dma_wait3A_375 = tpu.memref_squeeze %dma_wait3A_374 : memref<1x48xi32, #tpu.memory_space<vmem>> -> memref<48xi32, #tpu.memory_space<vmem>>
              %dma_wait3A_376 = arith.constant 0 : i32
              %dma_wait3A_377 = arith.constant 0 : i32
              %dma_wait3A_378 = tpu.memref_slice %arg4[%dma_wait3A_376, %dma_wait3A_377] : memref<320000x128xf32, #tpu.memory_space<hbm>> -> memref<320000x128xf32, #tpu.memory_space<hbm>>
              tpu.wait_indirect_dma semaphore(%arg24 : memref<!tpu.dma_semaphore, #tpu.memory_space<semaphore_mem>>) src(%dma_wait3A_378 : memref<320000x128xf32, #tpu.memory_space<hbm>>) dst(%dma_wait3A_372 : memref<48x128xf32, #tpu.memory_space<vmem>>)
              %add3A_379 = arith.constant 1 : i32
              %add3A_380 = arith.addi %while3A_345, %add3A_379 : i32
              %lt3A_381 = arith.cmpi slt, %add3A_380, %select_n3A_180 : i32
              %convert_element_type3A_382 = arith.extui %lt3A_381 : i1 to i32
              %cond3A_383 = arith.constant 0 : i32
              %cond3A_384 = arith.cmpi ne, %convert_element_type3A_382, %cond3A_383 : i32
              scf.if %cond3A_384 {
                %add3A_391 = arith.constant 1 : i32
                %add3A_392 = arith.addi %while3A_345, %add3A_391 : i32
                %mul3A_393 = arith.constant 48 : i32
                %mul3A_394 = arith.muli %add3A_392, %mul3A_393 : i32
                %add3A_395 = arith.constant 0 : i32
                %add3A_396 = arith.addi %mul3A_394, %add3A_395 : i32
                %get3A_397 = arith.index_cast %add3A_396 : i32 to index
                %get3A_398 = tpu.vector_load %arg14[%get3A_397] {strides = array<i32>} : memref<8192xi32, #tpu.memory_space<vmem>>, vector<16xi32>,
                %add3A_399 = arith.constant 0 : i32
                %add3A_400 = arith.addi %mul3A_394, %add3A_399 : i32
                %get3A_401 = arith.index_cast %add3A_400 : i32 to index
                %get3A_402 = tpu.vector_load %arg15[%get3A_401] {strides = array<i32>} : memref<8192xi32, #tpu.memory_space<vmem>>, vector<16xi32>,
                %add3A_403 = vector.broadcast %mul3A_10 : i32 to vector<16xi32>
                %add3A_404 = arith.addi %get3A_398, %add3A_403 : vector<16xi32>
                %min3A_405 = arith.constant 319999 : i32
                %min3A_406 = vector.broadcast %min3A_405 : i32 to vector<16xi32>
                %min3A_407 = arith.minsi %add3A_404, %min3A_406 : vector<16xi32>
                %swap3A_408 = arith.index_cast %sub3A_348 : i32 to index
                %swap3A_409 = arith.constant 0 : index
                %swap3A_410 = tpu.vector_load %arg16[%swap3A_408, %swap3A_409] {strides = array<i32>} : memref<2x48xi32, #tpu.memory_space<vmem>>, vector<16xi32>,
                tpu.vector_store %arg16[%swap3A_408, %swap3A_409], %min3A_407 {strides = array<i32>} : memref<2x48xi32, #tpu.memory_space<vmem>>, vector<16xi32>,
                %swap3A_411 = arith.index_cast %sub3A_348 : i32 to index
                %swap3A_412 = arith.constant 0 : index
                %swap3A_413 = tpu.vector_load %arg18[%swap3A_411, %swap3A_412] {strides = array<i32>} : memref<2x48xi32, #tpu.memory_space<vmem>>, vector<16xi32>,
                tpu.vector_store %arg18[%swap3A_411, %swap3A_412], %get3A_398 {strides = array<i32>} : memref<2x48xi32, #tpu.memory_space<vmem>>, vector<16xi32>,
                %swap3A_414 = arith.index_cast %sub3A_348 : i32 to index
                %swap3A_415 = arith.constant 0 : index
                %swap3A_416 = tpu.vector_load %arg17[%swap3A_414, %swap3A_415] {strides = array<i32>} : memref<2x48xi32, #tpu.memory_space<vmem>>, vector<16xi32>,
                tpu.vector_store %arg17[%swap3A_414, %swap3A_415], %get3A_402 {strides = array<i32>} : memref<2x48xi32, #tpu.memory_space<vmem>>, vector<16xi32>,
                %add3A_417 = arith.constant 16 : i32
                %add3A_418 = arith.addi %mul3A_394, %add3A_417 : i32
                %get3A_419 = arith.index_cast %add3A_418 : i32 to index
                %get3A_420 = tpu.vector_load %arg14[%get3A_419] {strides = array<i32>} : memref<8192xi32, #tpu.memory_space<vmem>>, vector<16xi32>,
                %add3A_421 = arith.constant 16 : i32
                %add3A_422 = arith.addi %mul3A_394, %add3A_421 : i32
                %get3A_423 = arith.index_cast %add3A_422 : i32 to index
                %get3A_424 = tpu.vector_load %arg15[%get3A_423] {strides = array<i32>} : memref<8192xi32, #tpu.memory_space<vmem>>, vector<16xi32>,
                %add3A_425 = vector.broadcast %mul3A_10 : i32 to vector<16xi32>
                %add3A_426 = arith.addi %get3A_420, %add3A_425 : vector<16xi32>
                %min3A_427 = arith.constant 319999 : i32
                %min3A_428 = vector.broadcast %min3A_427 : i32 to vector<16xi32>
                %min3A_429 = arith.minsi %add3A_426, %min3A_428 : vector<16xi32>
                %swap3A_430 = arith.index_cast %sub3A_348 : i32 to index
                %swap3A_431 = arith.constant 16 : index
                %swap3A_432 = tpu.vector_load %arg16[%swap3A_430, %swap3A_431] {strides = array<i32>} : memref<2x48xi32, #tpu.memory_space<vmem>>, vector<16xi32>,
                tpu.vector_store %arg16[%swap3A_430, %swap3A_431], %min3A_429 {strides = array<i32>} : memref<2x48xi32, #tpu.memory_space<vmem>>, vector<16xi32>,
                %swap3A_433 = arith.index_cast %sub3A_348 : i32 to index
                %swap3A_434 = arith.constant 16 : index
                %swap3A_435 = tpu.vector_load %arg18[%swap3A_433, %swap3A_434] {strides = array<i32>} : memref<2x48xi32, #tpu.memory_space<vmem>>, vector<16xi32>,
                tpu.vector_store %arg18[%swap3A_433, %swap3A_434], %get3A_420 {strides = array<i32>} : memref<2x48xi32, #tpu.memory_space<vmem>>, vector<16xi32>,
                %swap3A_436 = arith.index_cast %sub3A_348 : i32 to index
                %swap3A_437 = arith.constant 16 : index
                %swap3A_438 = tpu.vector_load %arg17[%swap3A_436, %swap3A_437] {strides = array<i32>} : memref<2x48xi32, #tpu.memory_space<vmem>>, vector<16xi32>,
                tpu.vector_store %arg17[%swap3A_436, %swap3A_437], %get3A_424 {strides = array<i32>} : memref<2x48xi32, #tpu.memory_space<vmem>>, vector<16xi32>,
                %add3A_439 = arith.constant 32 : i32
                %add3A_440 = arith.addi %mul3A_394, %add3A_439 : i32
                %get3A_441 = arith.index_cast %add3A_440 : i32 to index
                %get3A_442 = tpu.vector_load %arg14[%get3A_441] {strides = array<i32>} : memref<8192xi32, #tpu.memory_space<vmem>>, vector<16xi32>,
                %add3A_443 = arith.constant 32 : i32
                %add3A_444 = arith.addi %mul3A_394, %add3A_443 : i32
                %get3A_445 = arith.index_cast %add3A_444 : i32 to index
                %get3A_446 = tpu.vector_load %arg15[%get3A_445] {strides = array<i32>} : memref<8192xi32, #tpu.memory_space<vmem>>, vector<16xi32>,
                %add3A_447 = vector.broadcast %mul3A_10 : i32 to vector<16xi32>
                %add3A_448 = arith.addi %get3A_442, %add3A_447 : vector<16xi32>
                %min3A_449 = arith.constant 319999 : i32
                %min3A_450 = vector.broadcast %min3A_449 : i32 to vector<16xi32>
                %min3A_451 = arith.minsi %add3A_448, %min3A_450 : vector<16xi32>
                %swap3A_452 = arith.index_cast %sub3A_348 : i32 to index
                %swap3A_453 = arith.constant 32 : index
                %swap3A_454 = tpu.vector_load %arg16[%swap3A_452, %swap3A_453] {strides = array<i32>} : memref<2x48xi32, #tpu.memory_space<vmem>>, vector<16xi32>,
                tpu.vector_store %arg16[%swap3A_452, %swap3A_453], %min3A_451 {strides = array<i32>} : memref<2x48xi32, #tpu.memory_space<vmem>>, vector<16xi32>,
                %swap3A_455 = arith.index_cast %sub3A_348 : i32 to index
                %swap3A_456 = arith.constant 32 : index
                %swap3A_457 = tpu.vector_load %arg18[%swap3A_455, %swap3A_456] {strides = array<i32>} : memref<2x48xi32, #tpu.memory_space<vmem>>, vector<16xi32>,
                tpu.vector_store %arg18[%swap3A_455, %swap3A_456], %get3A_442 {strides = array<i32>} : memref<2x48xi32, #tpu.memory_space<vmem>>, vector<16xi32>,
                %swap3A_458 = arith.index_cast %sub3A_348 : i32 to index
                %swap3A_459 = arith.constant 32 : index
                %swap3A_460 = tpu.vector_load %arg17[%swap3A_458, %swap3A_459] {strides = array<i32>} : memref<2x48xi32, #tpu.memory_space<vmem>>, vector<16xi32>,
                tpu.vector_store %arg17[%swap3A_458, %swap3A_459], %get3A_446 {strides = array<i32>} : memref<2x48xi32, #tpu.memory_space<vmem>>, vector<16xi32>,
                %dma_start3A_461 = arith.constant 0 : i32
                %dma_start3A_462 = arith.constant 0 : i32
                %dma_start3A_463 = tpu.memref_slice %arg19[%sub3A_348, %dma_start3A_461, %dma_start3A_462] : memref<2x48x128xf32, #tpu.memory_space<vmem>> -> memref<1x48x128xf32, #tpu.memory_space<vmem>>
                %dma_start3A_464 = tpu.memref_squeeze %dma_start3A_463 : memref<1x48x128xf32, #tpu.memory_space<vmem>> -> memref<48x128xf32, #tpu.memory_space<vmem>>
                %dma_start3A_465 = arith.constant 0 : i32
                %dma_start3A_466 = tpu.memref_slice %arg16[%sub3A_348, %dma_start3A_465] : memref<2x48xi32, #tpu.memory_space<vmem>> -> memref<1x48xi32, #tpu.memory_space<vmem>>
                %dma_start3A_467 = tpu.memref_squeeze %dma_start3A_466 : memref<1x48xi32, #tpu.memory_space<vmem>> -> memref<48xi32, #tpu.memory_space<vmem>>
                %dma_start3A_468 = arith.constant 0 : i32
                %dma_start3A_469 = arith.constant 0 : i32
                %dma_start3A_470 = tpu.memref_slice %arg2[%dma_start3A_468, %dma_start3A_469] : memref<320000x128xf32, #tpu.memory_space<hbm>> -> memref<320000x128xf32, #tpu.memory_space<hbm>>
                tpu.enqueue_indirect_dma source(%dma_start3A_470 : memref<320000x128xf32, #tpu.memory_space<hbm>>) target(%dma_start3A_464 : memref<48x128xf32, #tpu.memory_space<vmem>>) offsets(%dma_start3A_467 : memref<48xi32, #tpu.memory_space<vmem>>) semaphore(%arg24 : memref<!tpu.dma_semaphore, #tpu.memory_space<semaphore_mem>>)
                %dma_start3A_471 = arith.constant 0 : i32
                %dma_start3A_472 = arith.constant 0 : i32
                %dma_start3A_473 = tpu.memref_slice %arg20[%sub3A_348, %dma_start3A_471, %dma_start3A_472] : memref<2x48x128xf32, #tpu.memory_space<vmem>> -> memref<1x48x128xf32, #tpu.memory_space<vmem>>
                %dma_start3A_474 = tpu.memref_squeeze %dma_start3A_473 : memref<1x48x128xf32, #tpu.memory_space<vmem>> -> memref<48x128xf32, #tpu.memory_space<vmem>>
                %dma_start3A_475 = arith.constant 0 : i32
                %dma_start3A_476 = tpu.memref_slice %arg17[%sub3A_348, %dma_start3A_475] : memref<2x48xi32, #tpu.memory_space<vmem>> -> memref<1x48xi32, #tpu.memory_space<vmem>>
                %dma_start3A_477 = tpu.memref_squeeze %dma_start3A_476 : memref<1x48xi32, #tpu.memory_space<vmem>> -> memref<48xi32, #tpu.memory_space<vmem>>
                %dma_start3A_478 = arith.constant 0 : i32
                %dma_start3A_479 = arith.constant 0 : i32
                %dma_start3A_480 = tpu.memref_slice %arg3[%dma_start3A_478, %dma_start3A_479] : memref<320000x128xf32, #tpu.memory_space<hbm>> -> memref<320000x128xf32, #tpu.memory_space<hbm>>
                tpu.enqueue_indirect_dma source(%dma_start3A_480 : memref<320000x128xf32, #tpu.memory_space<hbm>>) target(%dma_start3A_474 : memref<48x128xf32, #tpu.memory_space<vmem>>) offsets(%dma_start3A_477 : memref<48xi32, #tpu.memory_space<vmem>>) semaphore(%arg24 : memref<!tpu.dma_semaphore, #tpu.memory_space<semaphore_mem>>)
                %dma_start3A_481 = arith.constant 0 : i32
                %dma_start3A_482 = arith.constant 0 : i32
                %dma_start3A_483 = tpu.memref_slice %arg21[%sub3A_348, %dma_start3A_481, %dma_start3A_482] : memref<2x48x128xf32, #tpu.memory_space<vmem>> -> memref<1x48x128xf32, #tpu.memory_space<vmem>>
                %dma_start3A_484 = tpu.memref_squeeze %dma_start3A_483 : memref<1x48x128xf32, #tpu.memory_space<vmem>> -> memref<48x128xf32, #tpu.memory_space<vmem>>
                %dma_start3A_485 = arith.constant 0 : i32
                %dma_start3A_486 = tpu.memref_slice %arg17[%sub3A_348, %dma_start3A_485] : memref<2x48xi32, #tpu.memory_space<vmem>> -> memref<1x48xi32, #tpu.memory_space<vmem>>
                %dma_start3A_487 = tpu.memref_squeeze %dma_start3A_486 : memref<1x48xi32, #tpu.memory_space<vmem>> -> memref<48xi32, #tpu.memory_space<vmem>>
                %dma_start3A_488 = arith.constant 0 : i32
                %dma_start3A_489 = arith.constant 0 : i32
                %dma_start3A_490 = tpu.memref_slice %arg4[%dma_start3A_488, %dma_start3A_489] : memref<320000x128xf32, #tpu.memory_space<hbm>> -> memref<320000x128xf32, #tpu.memory_space<hbm>>
                tpu.enqueue_indirect_dma source(%dma_start3A_490 : memref<320000x128xf32, #tpu.memory_space<hbm>>) target(%dma_start3A_484 : memref<48x128xf32, #tpu.memory_space<vmem>>) offsets(%dma_start3A_487 : memref<48xi32, #tpu.memory_space<vmem>>) semaphore(%arg24 : memref<!tpu.dma_semaphore, #tpu.memory_space<semaphore_mem>>)
              } else {
              }
              %scan3A_385 = arith.constant 0 : i32
              %scan3A_386 = arith.constant 0 : i32
              %scan3A_387 = arith.constant 48 : i32
              %scan3A_388 = arith.addi %scan3A_386, %scan3A_387 : i32
              %scan3A_389 = arith.constant 1 : i32
              scf.for %scan3A_391 = %scan3A_386 to %scan3A_388 step %scan3A_389  : i32 {
                %get3A_392 = arith.index_cast %while3A_346 : i32 to index
                %get3A_393 = arith.index_cast %scan3A_391 : i32 to index
                %get3A_394 = arith.constant 0 : index
                %get3A_395 = tpu.vector_load %arg19[%get3A_392, %get3A_393, %get3A_394] {strides = array<i32>} : memref<2x48x128xf32, #tpu.memory_space<vmem>>, vector<16xf32>,
                %get3A_396 = arith.index_cast %while3A_346 : i32 to index
                %get3A_397 = arith.index_cast %scan3A_391 : i32 to index
                %get3A_398 = arith.constant 0 : index
                %get3A_399 = tpu.vector_load %arg20[%get3A_396, %get3A_397, %get3A_398] {strides = array<i32>} : memref<2x48x128xf32, #tpu.memory_space<vmem>>, vector<16xf32>,
                %get3A_400 = arith.index_cast %while3A_346 : i32 to index
                %get3A_401 = arith.index_cast %scan3A_391 : i32 to index
                %get3A_402 = arith.constant 0 : index
                %get3A_403 = tpu.vector_load %arg21[%get3A_400, %get3A_401, %get3A_402] {strides = array<i32>} : memref<2x48x128xf32, #tpu.memory_space<vmem>>, vector<16xf32>,
                %add3A_404 = arith.addf %get3A_395, %get3A_399 : vector<16xf32>
                %neg3A = arith.constant 0.000000e+00 : f32
                %neg3A_405 = vector.broadcast %neg3A : f32 to vector<16xf32>
                %neg3A_406 = arith.subf %neg3A_405, %add3A_404 : vector<16xf32>
                %exp3A = math.exp %neg3A_406 : vector<16xf32>
                %add3A_407 = arith.constant 1.000000e+00 : f32
                %add3A_408 = vector.broadcast %add3A_407 : f32 to vector<16xf32>
                %add3A_409 = arith.addf %add3A_408, %exp3A : vector<16xf32>
                %div3A_410 = arith.divf %get3A_403, %add3A_409 : vector<16xf32>
                %swap3A_411 = arith.index_cast %scan3A_391 : i32 to index
                %swap3A_412 = arith.constant 0 : index
                %swap3A_413 = tpu.vector_load %arg22[%swap3A_411, %swap3A_412] {strides = array<i32>} : memref<48x128xf32, #tpu.memory_space<vmem>>, vector<16xf32>,
                tpu.vector_store %arg22[%swap3A_411, %swap3A_412], %div3A_410 {strides = array<i32>} : memref<48x128xf32, #tpu.memory_space<vmem>>, vector<16xf32>,
                %get3A_414 = arith.index_cast %while3A_346 : i32 to index
                %get3A_415 = arith.index_cast %scan3A_391 : i32 to index
                %get3A_416 = arith.constant 16 : index
                %get3A_417 = tpu.vector_load %arg19[%get3A_414, %get3A_415, %get3A_416] {strides = array<i32>} : memref<2x48x128xf32, #tpu.memory_space<vmem>>, vector<16xf32>,
                %get3A_418 = arith.index_cast %while3A_346 : i32 to index
                %get3A_419 = arith.index_cast %scan3A_391 : i32 to index
                %get3A_420 = arith.constant 16 : index
                %get3A_421 = tpu.vector_load %arg20[%get3A_418, %get3A_419, %get3A_420] {strides = array<i32>} : memref<2x48x128xf32, #tpu.memory_space<vmem>>, vector<16xf32>,
                %get3A_422 = arith.index_cast %while3A_346 : i32 to index
                %get3A_423 = arith.index_cast %scan3A_391 : i32 to index
                %get3A_424 = arith.constant 16 : index
                %get3A_425 = tpu.vector_load %arg21[%get3A_422, %get3A_423, %get3A_424] {strides = array<i32>} : memref<2x48x128xf32, #tpu.memory_space<vmem>>, vector<16xf32>,
                %add3A_426 = arith.addf %get3A_417, %get3A_421 : vector<16xf32>
                %neg3A_427 = arith.constant 0.000000e+00 : f32
                %neg3A_428 = vector.broadcast %neg3A_427 : f32 to vector<16xf32>
                %neg3A_429 = arith.subf %neg3A_428, %add3A_426 : vector<16xf32>
                %exp3A_430 = math.exp %neg3A_429 : vector<16xf32>
                %add3A_431 = arith.constant 1.000000e+00 : f32
                %add3A_432 = vector.broadcast %add3A_431 : f32 to vector<16xf32>
                %add3A_433 = arith.addf %add3A_432, %exp3A_430 : vector<16xf32>
                %div3A_434 = arith.divf %get3A_425, %add3A_433 : vector<16xf32>
                %swap3A_435 = arith.index_cast %scan3A_391 : i32 to index
                %swap3A_436 = arith.constant 16 : index
                %swap3A_437 = tpu.vector_load %arg22[%swap3A_435, %swap3A_436] {strides = array<i32>} : memref<48x128xf32, #tpu.memory_space<vmem>>, vector<16xf32>,
                tpu.vector_store %arg22[%swap3A_435, %swap3A_436], %div3A_434 {strides = array<i32>} : memref<48x128xf32, #tpu.memory_space<vmem>>, vector<16xf32>,
                %get3A_438 = arith.index_cast %while3A_346 : i32 to index
                %get3A_439 = arith.index_cast %scan3A_391 : i32 to index
                %get3A_440 = arith.constant 32 : index
                %get3A_441 = tpu.vector_load %arg19[%get3A_438, %get3A_439, %get3A_440] {strides = array<i32>} : memref<2x48x128xf32, #tpu.memory_space<vmem>>, vector<16xf32>,
                %get3A_442 = arith.index_cast %while3A_346 : i32 to index
                %get3A_443 = arith.index_cast %scan3A_391 : i32 to index
                %get3A_444 = arith.constant 32 : index
                %get3A_445 = tpu.vector_load %arg20[%get3A_442, %get3A_443, %get3A_444] {strides = array<i32>} : memref<2x48x128xf32, #tpu.memory_space<vmem>>, vector<16xf32>,
                %get3A_446 = arith.index_cast %while3A_346 : i32 to index
                %get3A_447 = arith.index_cast %scan3A_391 : i32 to index
                %get3A_448 = arith.constant 32 : index
                %get3A_449 = tpu.vector_load %arg21[%get3A_446, %get3A_447, %get3A_448] {strides = array<i32>} : memref<2x48x128xf32, #tpu.memory_space<vmem>>, vector<16xf32>,
                %add3A_450 = arith.addf %get3A_441, %get3A_445 : vector<16xf32>
                %neg3A_451 = arith.constant 0.000000e+00 : f32
                %neg3A_452 = vector.broadcast %neg3A_451 : f32 to vector<16xf32>
                %neg3A_453 = arith.subf %neg3A_452, %add3A_450 : vector<16xf32>
                %exp3A_454 = math.exp %neg3A_453 : vector<16xf32>
                %add3A_455 = arith.constant 1.000000e+00 : f32
                %add3A_456 = vector.broadcast %add3A_455 : f32 to vector<16xf32>
                %add3A_457 = arith.addf %add3A_456, %exp3A_454 : vector<16xf32>
                %div3A_458 = arith.divf %get3A_449, %add3A_457 : vector<16xf32>
                %swap3A_459 = arith.index_cast %scan3A_391 : i32 to index
                %swap3A_460 = arith.constant 32 : index
                %swap3A_461 = tpu.vector_load %arg22[%swap3A_459, %swap3A_460] {strides = array<i32>} : memref<48x128xf32, #tpu.memory_space<vmem>>, vector<16xf32>,
                tpu.vector_store %arg22[%swap3A_459, %swap3A_460], %div3A_458 {strides = array<i32>} : memref<48x128xf32, #tpu.memory_space<vmem>>, vector<16xf32>,
                %get3A_462 = arith.index_cast %while3A_346 : i32 to index
                %get3A_463 = arith.index_cast %scan3A_391 : i32 to index
                %get3A_464 = arith.constant 48 : index
                %get3A_465 = tpu.vector_load %arg19[%get3A_462, %get3A_463, %get3A_464] {strides = array<i32>} : memref<2x48x128xf32, #tpu.memory_space<vmem>>, vector<16xf32>,
                %get3A_466 = arith.index_cast %while3A_346 : i32 to index
                %get3A_467 = arith.index_cast %scan3A_391 : i32 to index
                %get3A_468 = arith.constant 48 : index
                %get3A_469 = tpu.vector_load %arg20[%get3A_466, %get3A_467, %get3A_468] {strides = array<i32>} : memref<2x48x128xf32, #tpu.memory_space<vmem>>, vector<16xf32>,
                %get3A_470 = arith.index_cast %while3A_346 : i32 to index
                %get3A_471 = arith.index_cast %scan3A_391 : i32 to index
                %get3A_472 = arith.constant 48 : index
                %get3A_473 = tpu.vector_load %arg21[%get3A_470, %get3A_471, %get3A_472] {strides = array<i32>} : memref<2x48x128xf32, #tpu.memory_space<vmem>>, vector<16xf32>,
                %add3A_474 = arith.addf %get3A_465, %get3A_469 : vector<16xf32>
                %neg3A_475 = arith.constant 0.000000e+00 : f32
                %neg3A_476 = vector.broadcast %neg3A_475 : f32 to vector<16xf32>
                %neg3A_477 = arith.subf %neg3A_476, %add3A_474 : vector<16xf32>
                %exp3A_478 = math.exp %neg3A_477 : vector<16xf32>
                %add3A_479 = arith.constant 1.000000e+00 : f32
                %add3A_480 = vector.broadcast %add3A_479 : f32 to vector<16xf32>
                %add3A_481 = arith.addf %add3A_480, %exp3A_478 : vector<16xf32>
                %div3A_482 = arith.divf %get3A_473, %add3A_481 : vector<16xf32>
                %swap3A_483 = arith.index_cast %scan3A_391 : i32 to index
                %swap3A_484 = arith.constant 48 : index
                %swap3A_485 = tpu.vector_load %arg22[%swap3A_483, %swap3A_484] {strides = array<i32>} : memref<48x128xf32, #tpu.memory_space<vmem>>, vector<16xf32>,
                tpu.vector_store %arg22[%swap3A_483, %swap3A_484], %div3A_482 {strides = array<i32>} : memref<48x128xf32, #tpu.memory_space<vmem>>, vector<16xf32>,
                %get3A_486 = arith.index_cast %while3A_346 : i32 to index
                %get3A_487 = arith.index_cast %scan3A_391 : i32 to index
                %get3A_488 = arith.constant 64 : index
                %get3A_489 = tpu.vector_load %arg19[%get3A_486, %get3A_487, %get3A_488] {strides = array<i32>} : memref<2x48x128xf32, #tpu.memory_space<vmem>>, vector<16xf32>,
                %get3A_490 = arith.index_cast %while3A_346 : i32 to index
                %get3A_491 = arith.index_cast %scan3A_391 : i32 to index
                %get3A_492 = arith.constant 64 : index
                %get3A_493 = tpu.vector_load %arg20[%get3A_490, %get3A_491, %get3A_492] {strides = array<i32>} : memref<2x48x128xf32, #tpu.memory_space<vmem>>, vector<16xf32>,
                %get3A_494 = arith.index_cast %while3A_346 : i32 to index
                %get3A_495 = arith.index_cast %scan3A_391 : i32 to index
                %get3A_496 = arith.constant 64 : index
                %get3A_497 = tpu.vector_load %arg21[%get3A_494, %get3A_495, %get3A_496] {strides = array<i32>} : memref<2x48x128xf32, #tpu.memory_space<vmem>>, vector<16xf32>,
                %add3A_498 = arith.addf %get3A_489, %get3A_493 : vector<16xf32>
                %neg3A_499 = arith.constant 0.000000e+00 : f32
                %neg3A_500 = vector.broadcast %neg3A_499 : f32 to vector<16xf32>
                %neg3A_501 = arith.subf %neg3A_500, %add3A_498 : vector<16xf32>
                %exp3A_502 = math.exp %neg3A_501 : vector<16xf32>
                %add3A_503 = arith.constant 1.000000e+00 : f32
                %add3A_504 = vector.broadcast %add3A_503 : f32 to vector<16xf32>
                %add3A_505 = arith.addf %add3A_504, %exp3A_502 : vector<16xf32>
                %div3A_506 = arith.divf %get3A_497, %add3A_505 : vector<16xf32>
                %swap3A_507 = arith.index_cast %scan3A_391 : i32 to index
                %swap3A_508 = arith.constant 64 : index
                %swap3A_509 = tpu.vector_load %arg22[%swap3A_507, %swap3A_508] {strides = array<i32>} : memref<48x128xf32, #tpu.memory_space<vmem>>, vector<16xf32>,
                tpu.vector_store %arg22[%swap3A_507, %swap3A_508], %div3A_506 {strides = array<i32>} : memref<48x128xf32, #tpu.memory_space<vmem>>, vector<16xf32>,
                %get3A_510 = arith.index_cast %while3A_346 : i32 to index
                %get3A_511 = arith.index_cast %scan3A_391 : i32 to index
                %get3A_512 = arith.constant 80 : index
                %get3A_513 = tpu.vector_load %arg19[%get3A_510, %get3A_511, %get3A_512] {strides = array<i32>} : memref<2x48x128xf32, #tpu.memory_space<vmem>>, vector<16xf32>,
                %get3A_514 = arith.index_cast %while3A_346 : i32 to index
                %get3A_515 = arith.index_cast %scan3A_391 : i32 to index
                %get3A_516 = arith.constant 80 : index
                %get3A_517 = tpu.vector_load %arg20[%get3A_514, %get3A_515, %get3A_516] {strides = array<i32>} : memref<2x48x128xf32, #tpu.memory_space<vmem>>, vector<16xf32>,
                %get3A_518 = arith.index_cast %while3A_346 : i32 to index
                %get3A_519 = arith.index_cast %scan3A_391 : i32 to index
                %get3A_520 = arith.constant 80 : index
                %get3A_521 = tpu.vector_load %arg21[%get3A_518, %get3A_519, %get3A_520] {strides = array<i32>} : memref<2x48x128xf32, #tpu.memory_space<vmem>>, vector<16xf32>,
                %add3A_522 = arith.addf %get3A_513, %get3A_517 : vector<16xf32>
                %neg3A_523 = arith.constant 0.000000e+00 : f32
                %neg3A_524 = vector.broadcast %neg3A_523 : f32 to vector<16xf32>
                %neg3A_525 = arith.subf %neg3A_524, %add3A_522 : vector<16xf32>
                %exp3A_526 = math.exp %neg3A_525 : vector<16xf32>
                %add3A_527 = arith.constant 1.000000e+00 : f32
                %add3A_528 = vector.broadcast %add3A_527 : f32 to vector<16xf32>
                %add3A_529 = arith.addf %add3A_528, %exp3A_526 : vector<16xf32>
                %div3A_530 = arith.divf %get3A_521, %add3A_529 : vector<16xf32>
                %swap3A_531 = arith.index_cast %scan3A_391 : i32 to index
                %swap3A_532 = arith.constant 80 : index
                %swap3A_533 = tpu.vector_load %arg22[%swap3A_531, %swap3A_532] {strides = array<i32>} : memref<48x128xf32, #tpu.memory_space<vmem>>, vector<16xf32>,
                tpu.vector_store %arg22[%swap3A_531, %swap3A_532], %div3A_530 {strides = array<i32>} : memref<48x128xf32, #tpu.memory_space<vmem>>, vector<16xf32>,
                %get3A_534 = arith.index_cast %while3A_346 : i32 to index
                %get3A_535 = arith.index_cast %scan3A_391 : i32 to index
                %get3A_536 = arith.constant 96 : index
                %get3A_537 = tpu.vector_load %arg19[%get3A_534, %get3A_535, %get3A_536] {strides = array<i32>} : memref<2x48x128xf32, #tpu.memory_space<vmem>>, vector<16xf32>,
                %get3A_538 = arith.index_cast %while3A_346 : i32 to index
                %get3A_539 = arith.index_cast %scan3A_391 : i32 to index
                %get3A_540 = arith.constant 96 : index
                %get3A_541 = tpu.vector_load %arg20[%get3A_538, %get3A_539, %get3A_540] {strides = array<i32>} : memref<2x48x128xf32, #tpu.memory_space<vmem>>, vector<16xf32>,
                %get3A_542 = arith.index_cast %while3A_346 : i32 to index
                %get3A_543 = arith.index_cast %scan3A_391 : i32 to index
                %get3A_544 = arith.constant 96 : index
                %get3A_545 = tpu.vector_load %arg21[%get3A_542, %get3A_543, %get3A_544] {strides = array<i32>} : memref<2x48x128xf32, #tpu.memory_space<vmem>>, vector<16xf32>,
                %add3A_546 = arith.addf %get3A_537, %get3A_541 : vector<16xf32>
                %neg3A_547 = arith.constant 0.000000e+00 : f32
                %neg3A_548 = vector.broadcast %neg3A_547 : f32 to vector<16xf32>
                %neg3A_549 = arith.subf %neg3A_548, %add3A_546 : vector<16xf32>
                %exp3A_550 = math.exp %neg3A_549 : vector<16xf32>
                %add3A_551 = arith.constant 1.000000e+00 : f32
                %add3A_552 = vector.broadcast %add3A_551 : f32 to vector<16xf32>
                %add3A_553 = arith.addf %add3A_552, %exp3A_550 : vector<16xf32>
                %div3A_554 = arith.divf %get3A_545, %add3A_553 : vector<16xf32>
                %swap3A_555 = arith.index_cast %scan3A_391 : i32 to index
                %swap3A_556 = arith.constant 96 : index
                %swap3A_557 = tpu.vector_load %arg22[%swap3A_555, %swap3A_556] {strides = array<i32>} : memref<48x128xf32, #tpu.memory_space<vmem>>, vector<16xf32>,
                tpu.vector_store %arg22[%swap3A_555, %swap3A_556], %div3A_554 {strides = array<i32>} : memref<48x128xf32, #tpu.memory_space<vmem>>, vector<16xf32>,
                %get3A_558 = arith.index_cast %while3A_346 : i32 to index
                %get3A_559 = arith.index_cast %scan3A_391 : i32 to index
                %get3A_560 = arith.constant 112 : index
                %get3A_561 = tpu.vector_load %arg19[%get3A_558, %get3A_559, %get3A_560] {strides = array<i32>} : memref<2x48x128xf32, #tpu.memory_space<vmem>>, vector<16xf32>,
                %get3A_562 = arith.index_cast %while3A_346 : i32 to index
                %get3A_563 = arith.index_cast %scan3A_391 : i32 to index
                %get3A_564 = arith.constant 112 : index
                %get3A_565 = tpu.vector_load %arg20[%get3A_562, %get3A_563, %get3A_564] {strides = array<i32>} : memref<2x48x128xf32, #tpu.memory_space<vmem>>, vector<16xf32>,
                %get3A_566 = arith.index_cast %while3A_346 : i32 to index
                %get3A_567 = arith.index_cast %scan3A_391 : i32 to index
                %get3A_568 = arith.constant 112 : index
                %get3A_569 = tpu.vector_load %arg21[%get3A_566, %get3A_567, %get3A_568] {strides = array<i32>} : memref<2x48x128xf32, #tpu.memory_space<vmem>>, vector<16xf32>,
                %add3A_570 = arith.addf %get3A_561, %get3A_565 : vector<16xf32>
                %neg3A_571 = arith.constant 0.000000e+00 : f32
                %neg3A_572 = vector.broadcast %neg3A_571 : f32 to vector<16xf32>
                %neg3A_573 = arith.subf %neg3A_572, %add3A_570 : vector<16xf32>
                %exp3A_574 = math.exp %neg3A_573 : vector<16xf32>
                %add3A_575 = arith.constant 1.000000e+00 : f32
                %add3A_576 = vector.broadcast %add3A_575 : f32 to vector<16xf32>
                %add3A_577 = arith.addf %add3A_576, %exp3A_574 : vector<16xf32>
                %div3A_578 = arith.divf %get3A_569, %add3A_577 : vector<16xf32>
                %swap3A_579 = arith.index_cast %scan3A_391 : i32 to index
                %swap3A_580 = arith.constant 112 : index
                %swap3A_581 = tpu.vector_load %arg22[%swap3A_579, %swap3A_580] {strides = array<i32>} : memref<48x128xf32, #tpu.memory_space<vmem>>, vector<16xf32>,
                tpu.vector_store %arg22[%swap3A_579, %swap3A_580], %div3A_578 {strides = array<i32>} : memref<48x128xf32, #tpu.memory_space<vmem>>, vector<16xf32>,
              }
              %scan3A_390 = arith.constant 48 : i32
              "tpu.region"() ({
                %run_scoped3A = tpu.sem_alloc : memref<!tpu.dma_semaphore, #tpu.memory_space<semaphore_mem>>
                %dma_start3A_391 = arith.constant 0 : i32
                %dma_start3A_392 = arith.constant 0 : i32
                %dma_start3A_393 = tpu.memref_slice %arg21[%while3A_346, %dma_start3A_391, %dma_start3A_392] : memref<2x48x128xf32, #tpu.memory_space<vmem>> -> memref<1x48x128xf32, #tpu.memory_space<vmem>>
                %dma_start3A_394 = tpu.memref_squeeze %dma_start3A_393 : memref<1x48x128xf32, #tpu.memory_space<vmem>> -> memref<48x128xf32, #tpu.memory_space<vmem>>
                %dma_start3A_395 = arith.constant 0 : i32
                %dma_start3A_396 = tpu.memref_slice %arg18[%while3A_346, %dma_start3A_395] : memref<2x48xi32, #tpu.memory_space<vmem>> -> memref<1x48xi32, #tpu.memory_space<vmem>>
                %dma_start3A_397 = tpu.memref_squeeze %dma_start3A_396 : memref<1x48xi32, #tpu.memory_space<vmem>> -> memref<48xi32, #tpu.memory_space<vmem>>
                %dma_start3A_398 = arith.constant 0 : i32
                %dma_start3A_399 = arith.constant 0 : i32
                %dma_start3A_400 = tpu.memref_slice %arg10[%dma_start3A_398, %dma_start3A_399] : memref<3328x128xf32, #tpu.memory_space<vmem_shared>> -> memref<3328x128xf32, #tpu.memory_space<vmem_shared>>
                tpu.enqueue_indirect_dma source(%dma_start3A_394 : memref<48x128xf32, #tpu.memory_space<vmem>>) target(%dma_start3A_400 : memref<3328x128xf32, #tpu.memory_space<vmem_shared>>) offsets(%dma_start3A_397 : memref<48xi32, #tpu.memory_space<vmem>>) semaphore(%run_scoped3A : memref<!tpu.dma_semaphore, #tpu.memory_space<semaphore_mem>>) {add = true}
                %dma_wait3A_401 = arith.constant 0 : i32
                %dma_wait3A_402 = arith.constant 0 : i32
                %dma_wait3A_403 = tpu.memref_slice %arg21[%while3A_346, %dma_wait3A_401, %dma_wait3A_402] : memref<2x48x128xf32, #tpu.memory_space<vmem>> -> memref<1x48x128xf32, #tpu.memory_space<vmem>>
                %dma_wait3A_404 = tpu.memref_squeeze %dma_wait3A_403 : memref<1x48x128xf32, #tpu.memory_space<vmem>> -> memref<48x128xf32, #tpu.memory_space<vmem>>
                %dma_wait3A_405 = arith.constant 0 : i32
                %dma_wait3A_406 = tpu.memref_slice %arg18[%while3A_346, %dma_wait3A_405] : memref<2x48xi32, #tpu.memory_space<vmem>> -> memref<1x48xi32, #tpu.memory_space<vmem>>
                %dma_wait3A_407 = tpu.memref_squeeze %dma_wait3A_406 : memref<1x48xi32, #tpu.memory_space<vmem>> -> memref<48xi32, #tpu.memory_space<vmem>>
                %dma_wait3A_408 = arith.constant 0 : i32
                %dma_wait3A_409 = arith.constant 0 : i32
                %dma_wait3A_410 = tpu.memref_slice %arg10[%dma_wait3A_408, %dma_wait3A_409] : memref<3328x128xf32, #tpu.memory_space<vmem_shared>> -> memref<3328x128xf32, #tpu.memory_space<vmem_shared>>
                tpu.wait_indirect_dma semaphore(%run_scoped3A : memref<!tpu.dma_semaphore, #tpu.memory_space<semaphore_mem>>) src(%dma_wait3A_404 : memref<48x128xf32, #tpu.memory_space<vmem>>) dst(%dma_wait3A_410 : memref<3328x128xf32, #tpu.memory_space<vmem_shared>>)
                tpu.yield
              }) : () -> ()
              "tpu.region"() ({
                %run_scoped3A = tpu.sem_alloc : memref<!tpu.dma_semaphore, #tpu.memory_space<semaphore_mem>>
                %dma_start3A_391 = arith.constant 0 : i32
                %dma_start3A_392 = tpu.memref_slice %arg18[%while3A_346, %dma_start3A_391] : memref<2x48xi32, #tpu.memory_space<vmem>> -> memref<1x48xi32, #tpu.memory_space<vmem>>
                %dma_start3A_393 = tpu.memref_squeeze %dma_start3A_392 : memref<1x48xi32, #tpu.memory_space<vmem>> -> memref<48xi32, #tpu.memory_space<vmem>>
                %dma_start3A_394 = arith.constant 0 : i32
                %dma_start3A_395 = arith.constant 0 : i32
                %dma_start3A_396 = tpu.memref_slice %arg11[%dma_start3A_394, %dma_start3A_395] : memref<3328x128xf32, #tpu.memory_space<vmem_shared>> -> memref<3328x128xf32, #tpu.memory_space<vmem_shared>>
                tpu.enqueue_indirect_dma source(%arg22 : memref<48x128xf32, #tpu.memory_space<vmem>>) target(%dma_start3A_396 : memref<3328x128xf32, #tpu.memory_space<vmem_shared>>) offsets(%dma_start3A_393 : memref<48xi32, #tpu.memory_space<vmem>>) semaphore(%run_scoped3A : memref<!tpu.dma_semaphore, #tpu.memory_space<semaphore_mem>>) {add = true}
                %dma_wait3A_397 = arith.constant 0 : i32
                %dma_wait3A_398 = tpu.memref_slice %arg18[%while3A_346, %dma_wait3A_397] : memref<2x48xi32, #tpu.memory_space<vmem>> -> memref<1x48xi32, #tpu.memory_space<vmem>>
                %dma_wait3A_399 = tpu.memref_squeeze %dma_wait3A_398 : memref<1x48xi32, #tpu.memory_space<vmem>> -> memref<48xi32, #tpu.memory_space<vmem>>
                %dma_wait3A_400 = arith.constant 0 : i32
                %dma_wait3A_401 = arith.constant 0 : i32
                %dma_wait3A_402 = tpu.memref_slice %arg11[%dma_wait3A_400, %dma_wait3A_401] : memref<3328x128xf32, #tpu.memory_space<vmem_shared>> -> memref<3328x128xf32, #tpu.memory_space<vmem_shared>>
                tpu.wait_indirect_dma semaphore(%run_scoped3A : memref<!tpu.dma_semaphore, #tpu.memory_space<semaphore_mem>>) src(%arg22 : memref<48x128xf32, #tpu.memory_space<vmem>>) dst(%dma_wait3A_402 : memref<3328x128xf32, #tpu.memory_space<vmem_shared>>)
                tpu.yield
              }) : () -> ()
              scf.yield %sub3A_348 : i32
            }
          } else {
          }
          %mul3A_186 = arith.constant 48 : i32
          %mul3A_187 = arith.muli %select_n3A_180, %mul3A_186 : i32
          %sub3A_188 = arith.subi %scan3A_149, %mul3A_187 : i32
          %mul3A_189 = arith.constant 48 : i32
          %mul3A_190 = arith.muli %select_n3A_180, %mul3A_189 : i32
          %add3A_191 = arith.constant 0 : i32
          %add3A_192 = arith.addi %mul3A_190, %add3A_191 : i32
          %get3A = arith.index_cast %add3A_192 : i32 to index
          %get3A_193 = tpu.vector_load %arg14[%get3A] {strides = array<i32>} : memref<8192xi32, #tpu.memory_space<vmem>>, vector<16xi32>,
          %swap3A_194 = arith.constant 0 : index
          %swap3A_195 = tpu.vector_load %arg14[%swap3A_194] {strides = array<i32>} : memref<8192xi32, #tpu.memory_space<vmem>>, vector<16xi32>,
          tpu.vector_store %arg14[%swap3A_194], %get3A_193 {strides = array<i32>} : memref<8192xi32, #tpu.memory_space<vmem>>, vector<16xi32>,
          %mul3A_196 = arith.constant 48 : i32
          %mul3A_197 = arith.muli %select_n3A_180, %mul3A_196 : i32
          %add3A_198 = arith.constant 0 : i32
          %add3A_199 = arith.addi %mul3A_197, %add3A_198 : i32
          %get3A_200 = arith.index_cast %add3A_199 : i32 to index
          %get3A_201 = tpu.vector_load %arg15[%get3A_200] {strides = array<i32>} : memref<8192xi32, #tpu.memory_space<vmem>>, vector<16xi32>,
          %swap3A_202 = arith.constant 0 : index
          %swap3A_203 = tpu.vector_load %arg15[%swap3A_202] {strides = array<i32>} : memref<8192xi32, #tpu.memory_space<vmem>>, vector<16xi32>,
          tpu.vector_store %arg15[%swap3A_202], %get3A_201 {strides = array<i32>} : memref<8192xi32, #tpu.memory_space<vmem>>, vector<16xi32>,
          %mul3A_204 = arith.constant 48 : i32
          %mul3A_205 = arith.muli %select_n3A_180, %mul3A_204 : i32
          %add3A_206 = arith.constant 16 : i32
          %add3A_207 = arith.addi %mul3A_205, %add3A_206 : i32
          %get3A_208 = arith.index_cast %add3A_207 : i32 to index
          %get3A_209 = tpu.vector_load %arg14[%get3A_208] {strides = array<i32>} : memref<8192xi32, #tpu.memory_space<vmem>>, vector<16xi32>,
          %swap3A_210 = arith.constant 16 : index
          %swap3A_211 = tpu.vector_load %arg14[%swap3A_210] {strides = array<i32>} : memref<8192xi32, #tpu.memory_space<vmem>>, vector<16xi32>,
          tpu.vector_store %arg14[%swap3A_210], %get3A_209 {strides = array<i32>} : memref<8192xi32, #tpu.memory_space<vmem>>, vector<16xi32>,
          %mul3A_212 = arith.constant 48 : i32
          %mul3A_213 = arith.muli %select_n3A_180, %mul3A_212 : i32
          %add3A_214 = arith.constant 16 : i32
          %add3A_215 = arith.addi %mul3A_213, %add3A_214 : i32
          %get3A_216 = arith.index_cast %add3A_215 : i32 to index
          %get3A_217 = tpu.vector_load %arg15[%get3A_216] {strides = array<i32>} : memref<8192xi32, #tpu.memory_space<vmem>>, vector<16xi32>,
          %swap3A_218 = arith.constant 16 : index
          %swap3A_219 = tpu.vector_load %arg15[%swap3A_218] {strides = array<i32>} : memref<8192xi32, #tpu.memory_space<vmem>>, vector<16xi32>,
          tpu.vector_store %arg15[%swap3A_218], %get3A_217 {strides = array<i32>} : memref<8192xi32, #tpu.memory_space<vmem>>, vector<16xi32>,
          %mul3A_220 = arith.constant 48 : i32
          %mul3A_221 = arith.muli %select_n3A_180, %mul3A_220 : i32
          %add3A_222 = arith.constant 32 : i32
          %add3A_223 = arith.addi %mul3A_221, %add3A_222 : i32
          %get3A_224 = arith.index_cast %add3A_223 : i32 to index
          %get3A_225 = tpu.vector_load %arg14[%get3A_224] {strides = array<i32>} : memref<8192xi32, #tpu.memory_space<vmem>>, vector<16xi32>,
          %swap3A_226 = arith.constant 32 : index
          %swap3A_227 = tpu.vector_load %arg14[%swap3A_226] {strides = array<i32>} : memref<8192xi32, #tpu.memory_space<vmem>>, vector<16xi32>,
          tpu.vector_store %arg14[%swap3A_226], %get3A_225 {strides = array<i32>} : memref<8192xi32, #tpu.memory_space<vmem>>, vector<16xi32>,
          %mul3A_228 = arith.constant 48 : i32
          %mul3A_229 = arith.muli %select_n3A_180, %mul3A_228 : i32
          %add3A_230 = arith.constant 32 : i32
          %add3A_231 = arith.addi %mul3A_229, %add3A_230 : i32
          %get3A_232 = arith.index_cast %add3A_231 : i32 to index
          %get3A_233 = tpu.vector_load %arg15[%get3A_232] {strides = array<i32>} : memref<8192xi32, #tpu.memory_space<vmem>>, vector<16xi32>,
          %swap3A_234 = arith.constant 32 : index
          %swap3A_235 = tpu.vector_load %arg15[%swap3A_234] {strides = array<i32>} : memref<8192xi32, #tpu.memory_space<vmem>>, vector<16xi32>,
          tpu.vector_store %arg15[%swap3A_234], %get3A_233 {strides = array<i32>} : memref<8192xi32, #tpu.memory_space<vmem>>, vector<16xi32>,
          scf.yield %sub3A_188 : i32
        } else {
          scf.yield %scan3A_149 : i32
        }
        scf.yield %cond3A_156 : i32
      }
      %scan3A_38 = arith.constant 10 : i32
      %broadcast_in_dim3A = arith.constant 3200 : i32
      %broadcast_in_dim3A_39 = vector.broadcast %broadcast_in_dim3A : i32 to vector<16xi32>
      %add3A_40 = arith.constant 0 : i32
      %add3A_41 = arith.addi %scan3A_37, %add3A_40 : i32
      %swap3A = arith.index_cast %add3A_41 : i32 to index
      %swap3A_42 = tpu.vector_load %arg14[%swap3A] {strides = array<i32>} : memref<8192xi32, #tpu.memory_space<vmem>>, vector<16xi32>,
      tpu.vector_store %arg14[%swap3A], %broadcast_in_dim3A_39 {strides = array<i32>} : memref<8192xi32, #tpu.memory_space<vmem>>, vector<16xi32>,
      %broadcast_in_dim3A_43 = arith.constant 0 : i32
      %broadcast_in_dim3A_44 = vector.broadcast %broadcast_in_dim3A_43 : i32 to vector<16xi32>
      %add3A_45 = arith.constant 0 : i32
      %add3A_46 = arith.addi %scan3A_37, %add3A_45 : i32
      %swap3A_47 = arith.index_cast %add3A_46 : i32 to index
      %swap3A_48 = tpu.vector_load %arg15[%swap3A_47] {strides = array<i32>} : memref<8192xi32, #tpu.memory_space<vmem>>, vector<16xi32>,
      tpu.vector_store %arg15[%swap3A_47], %broadcast_in_dim3A_44 {strides = array<i32>} : memref<8192xi32, #tpu.memory_space<vmem>>, vector<16xi32>,
      %broadcast_in_dim3A_49 = arith.constant 3200 : i32
      %broadcast_in_dim3A_50 = vector.broadcast %broadcast_in_dim3A_49 : i32 to vector<16xi32>
      %add3A_51 = arith.constant 16 : i32
      %add3A_52 = arith.addi %scan3A_37, %add3A_51 : i32
      %swap3A_53 = arith.index_cast %add3A_52 : i32 to index
      %swap3A_54 = tpu.vector_load %arg14[%swap3A_53] {strides = array<i32>} : memref<8192xi32, #tpu.memory_space<vmem>>, vector<16xi32>,
      tpu.vector_store %arg14[%swap3A_53], %broadcast_in_dim3A_50 {strides = array<i32>} : memref<8192xi32, #tpu.memory_space<vmem>>, vector<16xi32>,
      %broadcast_in_dim3A_55 = arith.constant 0 : i32
      %broadcast_in_dim3A_56 = vector.broadcast %broadcast_in_dim3A_55 : i32 to vector<16xi32>
      %add3A_57 = arith.constant 16 : i32
      %add3A_58 = arith.addi %scan3A_37, %add3A_57 : i32
      %swap3A_59 = arith.index_cast %add3A_58 : i32 to index
      %swap3A_60 = tpu.vector_load %arg15[%swap3A_59] {strides = array<i32>} : memref<8192xi32, #tpu.memory_space<vmem>>, vector<16xi32>,
      tpu.vector_store %arg15[%swap3A_59], %broadcast_in_dim3A_56 {strides = array<i32>} : memref<8192xi32, #tpu.memory_space<vmem>>, vector<16xi32>,
      %broadcast_in_dim3A_61 = arith.constant 3200 : i32
      %broadcast_in_dim3A_62 = vector.broadcast %broadcast_in_dim3A_61 : i32 to vector<16xi32>
      %add3A_63 = arith.constant 32 : i32
      %add3A_64 = arith.addi %scan3A_37, %add3A_63 : i32
      %swap3A_65 = arith.index_cast %add3A_64 : i32 to index
      %swap3A_66 = tpu.vector_load %arg14[%swap3A_65] {strides = array<i32>} : memref<8192xi32, #tpu.memory_space<vmem>>, vector<16xi32>,
      tpu.vector_store %arg14[%swap3A_65], %broadcast_in_dim3A_62 {strides = array<i32>} : memref<8192xi32, #tpu.memory_space<vmem>>, vector<16xi32>,
      %broadcast_in_dim3A_67 = arith.constant 0 : i32
      %broadcast_in_dim3A_68 = vector.broadcast %broadcast_in_dim3A_67 : i32 to vector<16xi32>
      %add3A_69 = arith.constant 32 : i32
      %add3A_70 = arith.addi %scan3A_37, %add3A_69 : i32
      %swap3A_71 = arith.index_cast %add3A_70 : i32 to index
      %swap3A_72 = tpu.vector_load %arg15[%swap3A_71] {strides = array<i32>} : memref<8192xi32, #tpu.memory_space<vmem>>, vector<16xi32>,
      tpu.vector_store %arg15[%swap3A_71], %broadcast_in_dim3A_68 {strides = array<i32>} : memref<8192xi32, #tpu.memory_space<vmem>>, vector<16xi32>,
      %add3A_73 = arith.constant 48 : i32
      %add3A_74 = arith.addi %scan3A_37, %add3A_73 : i32
      %sub3A = arith.constant 1 : i32
      %sub3A_75 = arith.subi %add3A_74, %sub3A : i32
      %jit3A = arith.constant 48 : i32
      %div3A = arith.divsi %sub3A_75, %jit3A : i32
      %sign3A = arith.constant 0 : i32
      %sign3A_76 = arith.cmpi sgt, %sub3A_75, %sign3A : i32
      %sign3A_77 = arith.extui %sign3A_76 : i1 to i32
      %sign3A_78 = arith.constant 0 : i32
      %sign3A_79 = arith.cmpi slt, %sub3A_75, %sign3A_78 : i32
      %sign3A_80 = arith.extui %sign3A_79 : i1 to i32
      %sign3A_81 = arith.subi %sign3A_77, %sign3A_80 : i32
      %sign3A_82 = arith.constant 0 : i32
      %sign3A_83 = arith.cmpi sgt, %jit3A, %sign3A_82 : i32
      %sign3A_84 = arith.extui %sign3A_83 : i1 to i32
      %sign3A_85 = arith.constant 0 : i32
      %sign3A_86 = arith.cmpi slt, %jit3A, %sign3A_85 : i32
      %sign3A_87 = arith.extui %sign3A_86 : i1 to i32
      %sign3A_88 = arith.subi %sign3A_84, %sign3A_87 : i32
      %ne3A = arith.cmpi ne, %sign3A_81, %sign3A_88 : i32
      %rem3A = arith.remsi %sub3A_75, %jit3A : i32
      %ne3A_89 = arith.constant 0 : i32
      %ne3A_90 = arith.cmpi ne, %rem3A, %ne3A_89 : i32
      %and3A = arith.andi %ne3A, %ne3A_90 : i1
      %sub3A_91 = arith.constant 1 : i32
      %sub3A_92 = arith.subi %div3A, %sub3A_91 : i32
      %select_n3A = arith.select %and3A, %sub3A_92, %div3A : i32
      %gt3A = arith.constant 0 : i32
      %gt3A_93 = arith.cmpi sgt, %select_n3A, %gt3A : i32
      %convert_element_type3A = arith.extui %gt3A_93 : i1 to i32
      %cond3A = arith.constant 0 : i32
      %cond3A_94 = arith.cmpi ne, %convert_element_type3A, %cond3A : i32
      scf.if %cond3A_94 {
        %get3A = arith.constant 0 : index
        %get3A_107 = tpu.vector_load %arg14[%get3A] {strides = array<i32>} : memref<8192xi32, #tpu.memory_space<vmem>>, vector<16xi32>,
        %get3A_108 = arith.constant 0 : index
        %get3A_109 = tpu.vector_load %arg15[%get3A_108] {strides = array<i32>} : memref<8192xi32, #tpu.memory_space<vmem>>, vector<16xi32>,
        %add3A_110 = vector.broadcast %mul3A_10 : i32 to vector<16xi32>
        %add3A_111 = arith.addi %get3A_107, %add3A_110 : vector<16xi32>
        %min3A = arith.constant 319999 : i32
        %min3A_112 = vector.broadcast %min3A : i32 to vector<16xi32>
        %min3A_113 = arith.minsi %add3A_111, %min3A_112 : vector<16xi32>
        %swap3A_114 = arith.constant 0 : i32
        %swap3A_115 = arith.index_cast %swap3A_114 : i32 to index
        %swap3A_116 = arith.constant 0 : index
        %swap3A_117 = tpu.vector_load %arg16[%swap3A_115, %swap3A_116] {strides = array<i32>} : memref<2x48xi32, #tpu.memory_space<vmem>>, vector<16xi32>,
        tpu.vector_store %arg16[%swap3A_115, %swap3A_116], %min3A_113 {strides = array<i32>} : memref<2x48xi32, #tpu.memory_space<vmem>>, vector<16xi32>,
        %swap3A_118 = arith.constant 0 : i32
        %swap3A_119 = arith.index_cast %swap3A_118 : i32 to index
        %swap3A_120 = arith.constant 0 : index
        %swap3A_121 = tpu.vector_load %arg18[%swap3A_119, %swap3A_120] {strides = array<i32>} : memref<2x48xi32, #tpu.memory_space<vmem>>, vector<16xi32>,
        tpu.vector_store %arg18[%swap3A_119, %swap3A_120], %get3A_107 {strides = array<i32>} : memref<2x48xi32, #tpu.memory_space<vmem>>, vector<16xi32>,
        %swap3A_122 = arith.constant 0 : i32
        %swap3A_123 = arith.index_cast %swap3A_122 : i32 to index
        %swap3A_124 = arith.constant 0 : index
        %swap3A_125 = tpu.vector_load %arg17[%swap3A_123, %swap3A_124] {strides = array<i32>} : memref<2x48xi32, #tpu.memory_space<vmem>>, vector<16xi32>,
        tpu.vector_store %arg17[%swap3A_123, %swap3A_124], %get3A_109 {strides = array<i32>} : memref<2x48xi32, #tpu.memory_space<vmem>>, vector<16xi32>,
        %get3A_126 = arith.constant 16 : index
        %get3A_127 = tpu.vector_load %arg14[%get3A_126] {strides = array<i32>} : memref<8192xi32, #tpu.memory_space<vmem>>, vector<16xi32>,
        %get3A_128 = arith.constant 16 : index
        %get3A_129 = tpu.vector_load %arg15[%get3A_128] {strides = array<i32>} : memref<8192xi32, #tpu.memory_space<vmem>>, vector<16xi32>,
        %add3A_130 = vector.broadcast %mul3A_10 : i32 to vector<16xi32>
        %add3A_131 = arith.addi %get3A_127, %add3A_130 : vector<16xi32>
        %min3A_132 = arith.constant 319999 : i32
        %min3A_133 = vector.broadcast %min3A_132 : i32 to vector<16xi32>
        %min3A_134 = arith.minsi %add3A_131, %min3A_133 : vector<16xi32>
        %swap3A_135 = arith.constant 0 : i32
        %swap3A_136 = arith.index_cast %swap3A_135 : i32 to index
        %swap3A_137 = arith.constant 16 : index
        %swap3A_138 = tpu.vector_load %arg16[%swap3A_136, %swap3A_137] {strides = array<i32>} : memref<2x48xi32, #tpu.memory_space<vmem>>, vector<16xi32>,
        tpu.vector_store %arg16[%swap3A_136, %swap3A_137], %min3A_134 {strides = array<i32>} : memref<2x48xi32, #tpu.memory_space<vmem>>, vector<16xi32>,
        %swap3A_139 = arith.constant 0 : i32
        %swap3A_140 = arith.index_cast %swap3A_139 : i32 to index
        %swap3A_141 = arith.constant 16 : index
        %swap3A_142 = tpu.vector_load %arg18[%swap3A_140, %swap3A_141] {strides = array<i32>} : memref<2x48xi32, #tpu.memory_space<vmem>>, vector<16xi32>,
        tpu.vector_store %arg18[%swap3A_140, %swap3A_141], %get3A_127 {strides = array<i32>} : memref<2x48xi32, #tpu.memory_space<vmem>>, vector<16xi32>,
        %swap3A_143 = arith.constant 0 : i32
        %swap3A_144 = arith.index_cast %swap3A_143 : i32 to index
        %swap3A_145 = arith.constant 16 : index
        %swap3A_146 = tpu.vector_load %arg17[%swap3A_144, %swap3A_145] {strides = array<i32>} : memref<2x48xi32, #tpu.memory_space<vmem>>, vector<16xi32>,
        tpu.vector_store %arg17[%swap3A_144, %swap3A_145], %get3A_129 {strides = array<i32>} : memref<2x48xi32, #tpu.memory_space<vmem>>, vector<16xi32>,
        %get3A_147 = arith.constant 32 : index
        %get3A_148 = tpu.vector_load %arg14[%get3A_147] {strides = array<i32>} : memref<8192xi32, #tpu.memory_space<vmem>>, vector<16xi32>,
        %get3A_149 = arith.constant 32 : index
        %get3A_150 = tpu.vector_load %arg15[%get3A_149] {strides = array<i32>} : memref<8192xi32, #tpu.memory_space<vmem>>, vector<16xi32>,
        %add3A_151 = vector.broadcast %mul3A_10 : i32 to vector<16xi32>
        %add3A_152 = arith.addi %get3A_148, %add3A_151 : vector<16xi32>
        %min3A_153 = arith.constant 319999 : i32
        %min3A_154 = vector.broadcast %min3A_153 : i32 to vector<16xi32>
        %min3A_155 = arith.minsi %add3A_152, %min3A_154 : vector<16xi32>
        %swap3A_156 = arith.constant 0 : i32
        %swap3A_157 = arith.index_cast %swap3A_156 : i32 to index
        %swap3A_158 = arith.constant 32 : index
        %swap3A_159 = tpu.vector_load %arg16[%swap3A_157, %swap3A_158] {strides = array<i32>} : memref<2x48xi32, #tpu.memory_space<vmem>>, vector<16xi32>,
        tpu.vector_store %arg16[%swap3A_157, %swap3A_158], %min3A_155 {strides = array<i32>} : memref<2x48xi32, #tpu.memory_space<vmem>>, vector<16xi32>,
        %swap3A_160 = arith.constant 0 : i32
        %swap3A_161 = arith.index_cast %swap3A_160 : i32 to index
        %swap3A_162 = arith.constant 32 : index
        %swap3A_163 = tpu.vector_load %arg18[%swap3A_161, %swap3A_162] {strides = array<i32>} : memref<2x48xi32, #tpu.memory_space<vmem>>, vector<16xi32>,
        tpu.vector_store %arg18[%swap3A_161, %swap3A_162], %get3A_148 {strides = array<i32>} : memref<2x48xi32, #tpu.memory_space<vmem>>, vector<16xi32>,
        %swap3A_164 = arith.constant 0 : i32
        %swap3A_165 = arith.index_cast %swap3A_164 : i32 to index
        %swap3A_166 = arith.constant 32 : index
        %swap3A_167 = tpu.vector_load %arg17[%swap3A_165, %swap3A_166] {strides = array<i32>} : memref<2x48xi32, #tpu.memory_space<vmem>>, vector<16xi32>,
        tpu.vector_store %arg17[%swap3A_165, %swap3A_166], %get3A_150 {strides = array<i32>} : memref<2x48xi32, #tpu.memory_space<vmem>>, vector<16xi32>,
        %dma_start3A_168 = arith.constant 0 : i32
        %dma_start3A_169 = arith.constant 0 : i32
        %dma_start3A_170 = arith.constant 0 : i32
        %dma_start3A_171 = arith.constant 0 : i32
        %dma_start3A_172 = tpu.memref_slice %arg19[%dma_start3A_169, %dma_start3A_170, %dma_start3A_171] : memref<2x48x128xf32, #tpu.memory_space<vmem>> -> memref<1x48x128xf32, #tpu.memory_space<vmem>>
        %dma_start3A_173 = tpu.memref_squeeze %dma_start3A_172 : memref<1x48x128xf32, #tpu.memory_space<vmem>> -> memref<48x128xf32, #tpu.memory_space<vmem>>
        %dma_start3A_174 = arith.constant 0 : i32
        %dma_start3A_175 = tpu.memref_slice %arg16[%dma_start3A_168, %dma_start3A_174] : memref<2x48xi32, #tpu.memory_space<vmem>> -> memref<1x48xi32, #tpu.memory_space<vmem>>
        %dma_start3A_176 = tpu.memref_squeeze %dma_start3A_175 : memref<1x48xi32, #tpu.memory_space<vmem>> -> memref<48xi32, #tpu.memory_space<vmem>>
        %dma_start3A_177 = arith.constant 0 : i32
        %dma_start3A_178 = arith.constant 0 : i32
        %dma_start3A_179 = tpu.memref_slice %arg2[%dma_start3A_177, %dma_start3A_178] : memref<320000x128xf32, #tpu.memory_space<hbm>> -> memref<320000x128xf32, #tpu.memory_space<hbm>>
        tpu.enqueue_indirect_dma source(%dma_start3A_179 : memref<320000x128xf32, #tpu.memory_space<hbm>>) target(%dma_start3A_173 : memref<48x128xf32, #tpu.memory_space<vmem>>) offsets(%dma_start3A_176 : memref<48xi32, #tpu.memory_space<vmem>>) semaphore(%arg24 : memref<!tpu.dma_semaphore, #tpu.memory_space<semaphore_mem>>)
        %dma_start3A_180 = arith.constant 0 : i32
        %dma_start3A_181 = arith.constant 0 : i32
        %dma_start3A_182 = arith.constant 0 : i32
        %dma_start3A_183 = arith.constant 0 : i32
        %dma_start3A_184 = tpu.memref_slice %arg20[%dma_start3A_181, %dma_start3A_182, %dma_start3A_183] : memref<2x48x128xf32, #tpu.memory_space<vmem>> -> memref<1x48x128xf32, #tpu.memory_space<vmem>>
        %dma_start3A_185 = tpu.memref_squeeze %dma_start3A_184 : memref<1x48x128xf32, #tpu.memory_space<vmem>> -> memref<48x128xf32, #tpu.memory_space<vmem>>
        %dma_start3A_186 = arith.constant 0 : i32
        %dma_start3A_187 = tpu.memref_slice %arg17[%dma_start3A_180, %dma_start3A_186] : memref<2x48xi32, #tpu.memory_space<vmem>> -> memref<1x48xi32, #tpu.memory_space<vmem>>
        %dma_start3A_188 = tpu.memref_squeeze %dma_start3A_187 : memref<1x48xi32, #tpu.memory_space<vmem>> -> memref<48xi32, #tpu.memory_space<vmem>>
        %dma_start3A_189 = arith.constant 0 : i32
        %dma_start3A_190 = arith.constant 0 : i32
        %dma_start3A_191 = tpu.memref_slice %arg3[%dma_start3A_189, %dma_start3A_190] : memref<320000x128xf32, #tpu.memory_space<hbm>> -> memref<320000x128xf32, #tpu.memory_space<hbm>>
        tpu.enqueue_indirect_dma source(%dma_start3A_191 : memref<320000x128xf32, #tpu.memory_space<hbm>>) target(%dma_start3A_185 : memref<48x128xf32, #tpu.memory_space<vmem>>) offsets(%dma_start3A_188 : memref<48xi32, #tpu.memory_space<vmem>>) semaphore(%arg24 : memref<!tpu.dma_semaphore, #tpu.memory_space<semaphore_mem>>)
        %dma_start3A_192 = arith.constant 0 : i32
        %dma_start3A_193 = arith.constant 0 : i32
        %dma_start3A_194 = arith.constant 0 : i32
        %dma_start3A_195 = arith.constant 0 : i32
        %dma_start3A_196 = tpu.memref_slice %arg21[%dma_start3A_193, %dma_start3A_194, %dma_start3A_195] : memref<2x48x128xf32, #tpu.memory_space<vmem>> -> memref<1x48x128xf32, #tpu.memory_space<vmem>>
        %dma_start3A_197 = tpu.memref_squeeze %dma_start3A_196 : memref<1x48x128xf32, #tpu.memory_space<vmem>> -> memref<48x128xf32, #tpu.memory_space<vmem>>
        %dma_start3A_198 = arith.constant 0 : i32
        %dma_start3A_199 = tpu.memref_slice %arg17[%dma_start3A_192, %dma_start3A_198] : memref<2x48xi32, #tpu.memory_space<vmem>> -> memref<1x48xi32, #tpu.memory_space<vmem>>
        %dma_start3A_200 = tpu.memref_squeeze %dma_start3A_199 : memref<1x48xi32, #tpu.memory_space<vmem>> -> memref<48xi32, #tpu.memory_space<vmem>>
        %dma_start3A_201 = arith.constant 0 : i32
        %dma_start3A_202 = arith.constant 0 : i32
        %dma_start3A_203 = tpu.memref_slice %arg4[%dma_start3A_201, %dma_start3A_202] : memref<320000x128xf32, #tpu.memory_space<hbm>> -> memref<320000x128xf32, #tpu.memory_space<hbm>>
        tpu.enqueue_indirect_dma source(%dma_start3A_203 : memref<320000x128xf32, #tpu.memory_space<hbm>>) target(%dma_start3A_197 : memref<48x128xf32, #tpu.memory_space<vmem>>) offsets(%dma_start3A_200 : memref<48xi32, #tpu.memory_space<vmem>>) semaphore(%arg24 : memref<!tpu.dma_semaphore, #tpu.memory_space<semaphore_mem>>)
        %while3A = arith.constant 0 : i32
        %while3A_204 = arith.constant 0 : i32
        %while3A_205 = arith.subi %select_n3A, %while3A : i32
        %while3A_206 = arith.addi %while3A, %while3A_205 : i32
        %while3A_207 = arith.constant 1 : i32
        %while3A_208 = arith.divsi %while3A_205, %while3A_207 : i32
        %while3A_209 = arith.muli %while3A_208, %while3A_207 : i32
        %while3A_210 = arith.addi %while3A, %while3A_209 : i32
        %while3A_211 = arith.constant 1 : i32
        %while3A_212 = scf.for %while3A_215 = %while3A to %while3A_210 step %while3A_211 iter_args(%while3A_216 = %while3A_204) -> (i32)  : i32 {
          %sub3A_217 = arith.constant 1 : i32
          %sub3A_218 = arith.subi %sub3A_217, %while3A_216 : i32
          %dma_wait3A = arith.constant 0 : i32
          %dma_wait3A_219 = arith.constant 0 : i32
          %dma_wait3A_220 = tpu.memref_slice %arg19[%while3A_216, %dma_wait3A, %dma_wait3A_219] : memref<2x48x128xf32, #tpu.memory_space<vmem>> -> memref<1x48x128xf32, #tpu.memory_space<vmem>>
          %dma_wait3A_221 = tpu.memref_squeeze %dma_wait3A_220 : memref<1x48x128xf32, #tpu.memory_space<vmem>> -> memref<48x128xf32, #tpu.memory_space<vmem>>
          %dma_wait3A_222 = arith.constant 0 : i32
          %dma_wait3A_223 = tpu.memref_slice %arg16[%while3A_216, %dma_wait3A_222] : memref<2x48xi32, #tpu.memory_space<vmem>> -> memref<1x48xi32, #tpu.memory_space<vmem>>
          %dma_wait3A_224 = tpu.memref_squeeze %dma_wait3A_223 : memref<1x48xi32, #tpu.memory_space<vmem>> -> memref<48xi32, #tpu.memory_space<vmem>>
          %dma_wait3A_225 = arith.constant 0 : i32
          %dma_wait3A_226 = arith.constant 0 : i32
          %dma_wait3A_227 = tpu.memref_slice %arg2[%dma_wait3A_225, %dma_wait3A_226] : memref<320000x128xf32, #tpu.memory_space<hbm>> -> memref<320000x128xf32, #tpu.memory_space<hbm>>
          tpu.wait_indirect_dma semaphore(%arg24 : memref<!tpu.dma_semaphore, #tpu.memory_space<semaphore_mem>>) src(%dma_wait3A_227 : memref<320000x128xf32, #tpu.memory_space<hbm>>) dst(%dma_wait3A_221 : memref<48x128xf32, #tpu.memory_space<vmem>>)
          %dma_wait3A_228 = arith.constant 0 : i32
          %dma_wait3A_229 = arith.constant 0 : i32
          %dma_wait3A_230 = tpu.memref_slice %arg20[%while3A_216, %dma_wait3A_228, %dma_wait3A_229] : memref<2x48x128xf32, #tpu.memory_space<vmem>> -> memref<1x48x128xf32, #tpu.memory_space<vmem>>
          %dma_wait3A_231 = tpu.memref_squeeze %dma_wait3A_230 : memref<1x48x128xf32, #tpu.memory_space<vmem>> -> memref<48x128xf32, #tpu.memory_space<vmem>>
          %dma_wait3A_232 = arith.constant 0 : i32
          %dma_wait3A_233 = tpu.memref_slice %arg17[%while3A_216, %dma_wait3A_232] : memref<2x48xi32, #tpu.memory_space<vmem>> -> memref<1x48xi32, #tpu.memory_space<vmem>>
          %dma_wait3A_234 = tpu.memref_squeeze %dma_wait3A_233 : memref<1x48xi32, #tpu.memory_space<vmem>> -> memref<48xi32, #tpu.memory_space<vmem>>
          %dma_wait3A_235 = arith.constant 0 : i32
          %dma_wait3A_236 = arith.constant 0 : i32
          %dma_wait3A_237 = tpu.memref_slice %arg3[%dma_wait3A_235, %dma_wait3A_236] : memref<320000x128xf32, #tpu.memory_space<hbm>> -> memref<320000x128xf32, #tpu.memory_space<hbm>>
          tpu.wait_indirect_dma semaphore(%arg24 : memref<!tpu.dma_semaphore, #tpu.memory_space<semaphore_mem>>) src(%dma_wait3A_237 : memref<320000x128xf32, #tpu.memory_space<hbm>>) dst(%dma_wait3A_231 : memref<48x128xf32, #tpu.memory_space<vmem>>)
          %dma_wait3A_238 = arith.constant 0 : i32
          %dma_wait3A_239 = arith.constant 0 : i32
          %dma_wait3A_240 = tpu.memref_slice %arg21[%while3A_216, %dma_wait3A_238, %dma_wait3A_239] : memref<2x48x128xf32, #tpu.memory_space<vmem>> -> memref<1x48x128xf32, #tpu.memory_space<vmem>>
          %dma_wait3A_241 = tpu.memref_squeeze %dma_wait3A_240 : memref<1x48x128xf32, #tpu.memory_space<vmem>> -> memref<48x128xf32, #tpu.memory_space<vmem>>
          %dma_wait3A_242 = arith.constant 0 : i32
          %dma_wait3A_243 = tpu.memref_slice %arg17[%while3A_216, %dma_wait3A_242] : memref<2x48xi32, #tpu.memory_space<vmem>> -> memref<1x48xi32, #tpu.memory_space<vmem>>
          %dma_wait3A_244 = tpu.memref_squeeze %dma_wait3A_243 : memref<1x48xi32, #tpu.memory_space<vmem>> -> memref<48xi32, #tpu.memory_space<vmem>>
          %dma_wait3A_245 = arith.constant 0 : i32
          %dma_wait3A_246 = arith.constant 0 : i32
          %dma_wait3A_247 = tpu.memref_slice %arg4[%dma_wait3A_245, %dma_wait3A_246] : memref<320000x128xf32, #tpu.memory_space<hbm>> -> memref<320000x128xf32, #tpu.memory_space<hbm>>
          tpu.wait_indirect_dma semaphore(%arg24 : memref<!tpu.dma_semaphore, #tpu.memory_space<semaphore_mem>>) src(%dma_wait3A_247 : memref<320000x128xf32, #tpu.memory_space<hbm>>) dst(%dma_wait3A_241 : memref<48x128xf32, #tpu.memory_space<vmem>>)
          %add3A_248 = arith.constant 1 : i32
          %add3A_249 = arith.addi %while3A_215, %add3A_248 : i32
          %lt3A = arith.cmpi slt, %add3A_249, %select_n3A : i32
          %convert_element_type3A_250 = arith.extui %lt3A : i1 to i32
          %cond3A_251 = arith.constant 0 : i32
          %cond3A_252 = arith.cmpi ne, %convert_element_type3A_250, %cond3A_251 : i32
          scf.if %cond3A_252 {
            %add3A_259 = arith.constant 1 : i32
            %add3A_260 = arith.addi %while3A_215, %add3A_259 : i32
            %mul3A_261 = arith.constant 48 : i32
            %mul3A_262 = arith.muli %add3A_260, %mul3A_261 : i32
            %add3A_263 = arith.constant 0 : i32
            %add3A_264 = arith.addi %mul3A_262, %add3A_263 : i32
            %get3A_265 = arith.index_cast %add3A_264 : i32 to index
            %get3A_266 = tpu.vector_load %arg14[%get3A_265] {strides = array<i32>} : memref<8192xi32, #tpu.memory_space<vmem>>, vector<16xi32>,
            %add3A_267 = arith.constant 0 : i32
            %add3A_268 = arith.addi %mul3A_262, %add3A_267 : i32
            %get3A_269 = arith.index_cast %add3A_268 : i32 to index
            %get3A_270 = tpu.vector_load %arg15[%get3A_269] {strides = array<i32>} : memref<8192xi32, #tpu.memory_space<vmem>>, vector<16xi32>,
            %add3A_271 = vector.broadcast %mul3A_10 : i32 to vector<16xi32>
            %add3A_272 = arith.addi %get3A_266, %add3A_271 : vector<16xi32>
            %min3A_273 = arith.constant 319999 : i32
            %min3A_274 = vector.broadcast %min3A_273 : i32 to vector<16xi32>
            %min3A_275 = arith.minsi %add3A_272, %min3A_274 : vector<16xi32>
            %swap3A_276 = arith.index_cast %sub3A_218 : i32 to index
            %swap3A_277 = arith.constant 0 : index
            %swap3A_278 = tpu.vector_load %arg16[%swap3A_276, %swap3A_277] {strides = array<i32>} : memref<2x48xi32, #tpu.memory_space<vmem>>, vector<16xi32>,
            tpu.vector_store %arg16[%swap3A_276, %swap3A_277], %min3A_275 {strides = array<i32>} : memref<2x48xi32, #tpu.memory_space<vmem>>, vector<16xi32>,
            %swap3A_279 = arith.index_cast %sub3A_218 : i32 to index
            %swap3A_280 = arith.constant 0 : index
            %swap3A_281 = tpu.vector_load %arg18[%swap3A_279, %swap3A_280] {strides = array<i32>} : memref<2x48xi32, #tpu.memory_space<vmem>>, vector<16xi32>,
            tpu.vector_store %arg18[%swap3A_279, %swap3A_280], %get3A_266 {strides = array<i32>} : memref<2x48xi32, #tpu.memory_space<vmem>>, vector<16xi32>,
            %swap3A_282 = arith.index_cast %sub3A_218 : i32 to index
            %swap3A_283 = arith.constant 0 : index
            %swap3A_284 = tpu.vector_load %arg17[%swap3A_282, %swap3A_283] {strides = array<i32>} : memref<2x48xi32, #tpu.memory_space<vmem>>, vector<16xi32>,
            tpu.vector_store %arg17[%swap3A_282, %swap3A_283], %get3A_270 {strides = array<i32>} : memref<2x48xi32, #tpu.memory_space<vmem>>, vector<16xi32>,
            %add3A_285 = arith.constant 16 : i32
            %add3A_286 = arith.addi %mul3A_262, %add3A_285 : i32
            %get3A_287 = arith.index_cast %add3A_286 : i32 to index
            %get3A_288 = tpu.vector_load %arg14[%get3A_287] {strides = array<i32>} : memref<8192xi32, #tpu.memory_space<vmem>>, vector<16xi32>,
            %add3A_289 = arith.constant 16 : i32
            %add3A_290 = arith.addi %mul3A_262, %add3A_289 : i32
            %get3A_291 = arith.index_cast %add3A_290 : i32 to index
            %get3A_292 = tpu.vector_load %arg15[%get3A_291] {strides = array<i32>} : memref<8192xi32, #tpu.memory_space<vmem>>, vector<16xi32>,
            %add3A_293 = vector.broadcast %mul3A_10 : i32 to vector<16xi32>
            %add3A_294 = arith.addi %get3A_288, %add3A_293 : vector<16xi32>
            %min3A_295 = arith.constant 319999 : i32
            %min3A_296 = vector.broadcast %min3A_295 : i32 to vector<16xi32>
            %min3A_297 = arith.minsi %add3A_294, %min3A_296 : vector<16xi32>
            %swap3A_298 = arith.index_cast %sub3A_218 : i32 to index
            %swap3A_299 = arith.constant 16 : index
            %swap3A_300 = tpu.vector_load %arg16[%swap3A_298, %swap3A_299] {strides = array<i32>} : memref<2x48xi32, #tpu.memory_space<vmem>>, vector<16xi32>,
            tpu.vector_store %arg16[%swap3A_298, %swap3A_299], %min3A_297 {strides = array<i32>} : memref<2x48xi32, #tpu.memory_space<vmem>>, vector<16xi32>,
            %swap3A_301 = arith.index_cast %sub3A_218 : i32 to index
            %swap3A_302 = arith.constant 16 : index
            %swap3A_303 = tpu.vector_load %arg18[%swap3A_301, %swap3A_302] {strides = array<i32>} : memref<2x48xi32, #tpu.memory_space<vmem>>, vector<16xi32>,
            tpu.vector_store %arg18[%swap3A_301, %swap3A_302], %get3A_288 {strides = array<i32>} : memref<2x48xi32, #tpu.memory_space<vmem>>, vector<16xi32>,
            %swap3A_304 = arith.index_cast %sub3A_218 : i32 to index
            %swap3A_305 = arith.constant 16 : index
            %swap3A_306 = tpu.vector_load %arg17[%swap3A_304, %swap3A_305] {strides = array<i32>} : memref<2x48xi32, #tpu.memory_space<vmem>>, vector<16xi32>,
            tpu.vector_store %arg17[%swap3A_304, %swap3A_305], %get3A_292 {strides = array<i32>} : memref<2x48xi32, #tpu.memory_space<vmem>>, vector<16xi32>,
            %add3A_307 = arith.constant 32 : i32
            %add3A_308 = arith.addi %mul3A_262, %add3A_307 : i32
            %get3A_309 = arith.index_cast %add3A_308 : i32 to index
            %get3A_310 = tpu.vector_load %arg14[%get3A_309] {strides = array<i32>} : memref<8192xi32, #tpu.memory_space<vmem>>, vector<16xi32>,
            %add3A_311 = arith.constant 32 : i32
            %add3A_312 = arith.addi %mul3A_262, %add3A_311 : i32
            %get3A_313 = arith.index_cast %add3A_312 : i32 to index
            %get3A_314 = tpu.vector_load %arg15[%get3A_313] {strides = array<i32>} : memref<8192xi32, #tpu.memory_space<vmem>>, vector<16xi32>,
            %add3A_315 = vector.broadcast %mul3A_10 : i32 to vector<16xi32>
            %add3A_316 = arith.addi %get3A_310, %add3A_315 : vector<16xi32>
            %min3A_317 = arith.constant 319999 : i32
            %min3A_318 = vector.broadcast %min3A_317 : i32 to vector<16xi32>
            %min3A_319 = arith.minsi %add3A_316, %min3A_318 : vector<16xi32>
            %swap3A_320 = arith.index_cast %sub3A_218 : i32 to index
            %swap3A_321 = arith.constant 32 : index
            %swap3A_322 = tpu.vector_load %arg16[%swap3A_320, %swap3A_321] {strides = array<i32>} : memref<2x48xi32, #tpu.memory_space<vmem>>, vector<16xi32>,
            tpu.vector_store %arg16[%swap3A_320, %swap3A_321], %min3A_319 {strides = array<i32>} : memref<2x48xi32, #tpu.memory_space<vmem>>, vector<16xi32>,
            %swap3A_323 = arith.index_cast %sub3A_218 : i32 to index
            %swap3A_324 = arith.constant 32 : index
            %swap3A_325 = tpu.vector_load %arg18[%swap3A_323, %swap3A_324] {strides = array<i32>} : memref<2x48xi32, #tpu.memory_space<vmem>>, vector<16xi32>,
            tpu.vector_store %arg18[%swap3A_323, %swap3A_324], %get3A_310 {strides = array<i32>} : memref<2x48xi32, #tpu.memory_space<vmem>>, vector<16xi32>,
            %swap3A_326 = arith.index_cast %sub3A_218 : i32 to index
            %swap3A_327 = arith.constant 32 : index
            %swap3A_328 = tpu.vector_load %arg17[%swap3A_326, %swap3A_327] {strides = array<i32>} : memref<2x48xi32, #tpu.memory_space<vmem>>, vector<16xi32>,
            tpu.vector_store %arg17[%swap3A_326, %swap3A_327], %get3A_314 {strides = array<i32>} : memref<2x48xi32, #tpu.memory_space<vmem>>, vector<16xi32>,
            %dma_start3A_329 = arith.constant 0 : i32
            %dma_start3A_330 = arith.constant 0 : i32
            %dma_start3A_331 = tpu.memref_slice %arg19[%sub3A_218, %dma_start3A_329, %dma_start3A_330] : memref<2x48x128xf32, #tpu.memory_space<vmem>> -> memref<1x48x128xf32, #tpu.memory_space<vmem>>
            %dma_start3A_332 = tpu.memref_squeeze %dma_start3A_331 : memref<1x48x128xf32, #tpu.memory_space<vmem>> -> memref<48x128xf32, #tpu.memory_space<vmem>>
            %dma_start3A_333 = arith.constant 0 : i32
            %dma_start3A_334 = tpu.memref_slice %arg16[%sub3A_218, %dma_start3A_333] : memref<2x48xi32, #tpu.memory_space<vmem>> -> memref<1x48xi32, #tpu.memory_space<vmem>>
            %dma_start3A_335 = tpu.memref_squeeze %dma_start3A_334 : memref<1x48xi32, #tpu.memory_space<vmem>> -> memref<48xi32, #tpu.memory_space<vmem>>
            %dma_start3A_336 = arith.constant 0 : i32
            %dma_start3A_337 = arith.constant 0 : i32
            %dma_start3A_338 = tpu.memref_slice %arg2[%dma_start3A_336, %dma_start3A_337] : memref<320000x128xf32, #tpu.memory_space<hbm>> -> memref<320000x128xf32, #tpu.memory_space<hbm>>
            tpu.enqueue_indirect_dma source(%dma_start3A_338 : memref<320000x128xf32, #tpu.memory_space<hbm>>) target(%dma_start3A_332 : memref<48x128xf32, #tpu.memory_space<vmem>>) offsets(%dma_start3A_335 : memref<48xi32, #tpu.memory_space<vmem>>) semaphore(%arg24 : memref<!tpu.dma_semaphore, #tpu.memory_space<semaphore_mem>>)
            %dma_start3A_339 = arith.constant 0 : i32
            %dma_start3A_340 = arith.constant 0 : i32
            %dma_start3A_341 = tpu.memref_slice %arg20[%sub3A_218, %dma_start3A_339, %dma_start3A_340] : memref<2x48x128xf32, #tpu.memory_space<vmem>> -> memref<1x48x128xf32, #tpu.memory_space<vmem>>
            %dma_start3A_342 = tpu.memref_squeeze %dma_start3A_341 : memref<1x48x128xf32, #tpu.memory_space<vmem>> -> memref<48x128xf32, #tpu.memory_space<vmem>>
            %dma_start3A_343 = arith.constant 0 : i32
            %dma_start3A_344 = tpu.memref_slice %arg17[%sub3A_218, %dma_start3A_343] : memref<2x48xi32, #tpu.memory_space<vmem>> -> memref<1x48xi32, #tpu.memory_space<vmem>>
            %dma_start3A_345 = tpu.memref_squeeze %dma_start3A_344 : memref<1x48xi32, #tpu.memory_space<vmem>> -> memref<48xi32, #tpu.memory_space<vmem>>
            %dma_start3A_346 = arith.constant 0 : i32
            %dma_start3A_347 = arith.constant 0 : i32
            %dma_start3A_348 = tpu.memref_slice %arg3[%dma_start3A_346, %dma_start3A_347] : memref<320000x128xf32, #tpu.memory_space<hbm>> -> memref<320000x128xf32, #tpu.memory_space<hbm>>
            tpu.enqueue_indirect_dma source(%dma_start3A_348 : memref<320000x128xf32, #tpu.memory_space<hbm>>) target(%dma_start3A_342 : memref<48x128xf32, #tpu.memory_space<vmem>>) offsets(%dma_start3A_345 : memref<48xi32, #tpu.memory_space<vmem>>) semaphore(%arg24 : memref<!tpu.dma_semaphore, #tpu.memory_space<semaphore_mem>>)
            %dma_start3A_349 = arith.constant 0 : i32
            %dma_start3A_350 = arith.constant 0 : i32
            %dma_start3A_351 = tpu.memref_slice %arg21[%sub3A_218, %dma_start3A_349, %dma_start3A_350] : memref<2x48x128xf32, #tpu.memory_space<vmem>> -> memref<1x48x128xf32, #tpu.memory_space<vmem>>
            %dma_start3A_352 = tpu.memref_squeeze %dma_start3A_351 : memref<1x48x128xf32, #tpu.memory_space<vmem>> -> memref<48x128xf32, #tpu.memory_space<vmem>>
            %dma_start3A_353 = arith.constant 0 : i32
            %dma_start3A_354 = tpu.memref_slice %arg17[%sub3A_218, %dma_start3A_353] : memref<2x48xi32, #tpu.memory_space<vmem>> -> memref<1x48xi32, #tpu.memory_space<vmem>>
            %dma_start3A_355 = tpu.memref_squeeze %dma_start3A_354 : memref<1x48xi32, #tpu.memory_space<vmem>> -> memref<48xi32, #tpu.memory_space<vmem>>
            %dma_start3A_356 = arith.constant 0 : i32
            %dma_start3A_357 = arith.constant 0 : i32
            %dma_start3A_358 = tpu.memref_slice %arg4[%dma_start3A_356, %dma_start3A_357] : memref<320000x128xf32, #tpu.memory_space<hbm>> -> memref<320000x128xf32, #tpu.memory_space<hbm>>
            tpu.enqueue_indirect_dma source(%dma_start3A_358 : memref<320000x128xf32, #tpu.memory_space<hbm>>) target(%dma_start3A_352 : memref<48x128xf32, #tpu.memory_space<vmem>>) offsets(%dma_start3A_355 : memref<48xi32, #tpu.memory_space<vmem>>) semaphore(%arg24 : memref<!tpu.dma_semaphore, #tpu.memory_space<semaphore_mem>>)
          } else {
          }
          %scan3A_253 = arith.constant 0 : i32
          %scan3A_254 = arith.constant 0 : i32
          %scan3A_255 = arith.constant 48 : i32
          %scan3A_256 = arith.addi %scan3A_254, %scan3A_255 : i32
          %scan3A_257 = arith.constant 1 : i32
          scf.for %scan3A_259 = %scan3A_254 to %scan3A_256 step %scan3A_257  : i32 {
            %get3A_260 = arith.index_cast %while3A_216 : i32 to index
            %get3A_261 = arith.index_cast %scan3A_259 : i32 to index
            %get3A_262 = arith.constant 0 : index
            %get3A_263 = tpu.vector_load %arg19[%get3A_260, %get3A_261, %get3A_262] {strides = array<i32>} : memref<2x48x128xf32, #tpu.memory_space<vmem>>, vector<16xf32>,
            %get3A_264 = arith.index_cast %while3A_216 : i32 to index
            %get3A_265 = arith.index_cast %scan3A_259 : i32 to index
            %get3A_266 = arith.constant 0 : index
            %get3A_267 = tpu.vector_load %arg20[%get3A_264, %get3A_265, %get3A_266] {strides = array<i32>} : memref<2x48x128xf32, #tpu.memory_space<vmem>>, vector<16xf32>,
            %get3A_268 = arith.index_cast %while3A_216 : i32 to index
            %get3A_269 = arith.index_cast %scan3A_259 : i32 to index
            %get3A_270 = arith.constant 0 : index
            %get3A_271 = tpu.vector_load %arg21[%get3A_268, %get3A_269, %get3A_270] {strides = array<i32>} : memref<2x48x128xf32, #tpu.memory_space<vmem>>, vector<16xf32>,
            %add3A_272 = arith.addf %get3A_263, %get3A_267 : vector<16xf32>
            %neg3A = arith.constant 0.000000e+00 : f32
            %neg3A_273 = vector.broadcast %neg3A : f32 to vector<16xf32>
            %neg3A_274 = arith.subf %neg3A_273, %add3A_272 : vector<16xf32>
            %exp3A = math.exp %neg3A_274 : vector<16xf32>
            %add3A_275 = arith.constant 1.000000e+00 : f32
            %add3A_276 = vector.broadcast %add3A_275 : f32 to vector<16xf32>
            %add3A_277 = arith.addf %add3A_276, %exp3A : vector<16xf32>
            %div3A_278 = arith.divf %get3A_271, %add3A_277 : vector<16xf32>
            %swap3A_279 = arith.index_cast %scan3A_259 : i32 to index
            %swap3A_280 = arith.constant 0 : index
            %swap3A_281 = tpu.vector_load %arg22[%swap3A_279, %swap3A_280] {strides = array<i32>} : memref<48x128xf32, #tpu.memory_space<vmem>>, vector<16xf32>,
            tpu.vector_store %arg22[%swap3A_279, %swap3A_280], %div3A_278 {strides = array<i32>} : memref<48x128xf32, #tpu.memory_space<vmem>>, vector<16xf32>,
            %get3A_282 = arith.index_cast %while3A_216 : i32 to index
            %get3A_283 = arith.index_cast %scan3A_259 : i32 to index
            %get3A_284 = arith.constant 16 : index
            %get3A_285 = tpu.vector_load %arg19[%get3A_282, %get3A_283, %get3A_284] {strides = array<i32>} : memref<2x48x128xf32, #tpu.memory_space<vmem>>, vector<16xf32>,
            %get3A_286 = arith.index_cast %while3A_216 : i32 to index
            %get3A_287 = arith.index_cast %scan3A_259 : i32 to index
            %get3A_288 = arith.constant 16 : index
            %get3A_289 = tpu.vector_load %arg20[%get3A_286, %get3A_287, %get3A_288] {strides = array<i32>} : memref<2x48x128xf32, #tpu.memory_space<vmem>>, vector<16xf32>,
            %get3A_290 = arith.index_cast %while3A_216 : i32 to index
            %get3A_291 = arith.index_cast %scan3A_259 : i32 to index
            %get3A_292 = arith.constant 16 : index
            %get3A_293 = tpu.vector_load %arg21[%get3A_290, %get3A_291, %get3A_292] {strides = array<i32>} : memref<2x48x128xf32, #tpu.memory_space<vmem>>, vector<16xf32>,
            %add3A_294 = arith.addf %get3A_285, %get3A_289 : vector<16xf32>
            %neg3A_295 = arith.constant 0.000000e+00 : f32
            %neg3A_296 = vector.broadcast %neg3A_295 : f32 to vector<16xf32>
            %neg3A_297 = arith.subf %neg3A_296, %add3A_294 : vector<16xf32>
            %exp3A_298 = math.exp %neg3A_297 : vector<16xf32>
            %add3A_299 = arith.constant 1.000000e+00 : f32
            %add3A_300 = vector.broadcast %add3A_299 : f32 to vector<16xf32>
            %add3A_301 = arith.addf %add3A_300, %exp3A_298 : vector<16xf32>
            %div3A_302 = arith.divf %get3A_293, %add3A_301 : vector<16xf32>
            %swap3A_303 = arith.index_cast %scan3A_259 : i32 to index
            %swap3A_304 = arith.constant 16 : index
            %swap3A_305 = tpu.vector_load %arg22[%swap3A_303, %swap3A_304] {strides = array<i32>} : memref<48x128xf32, #tpu.memory_space<vmem>>, vector<16xf32>,
            tpu.vector_store %arg22[%swap3A_303, %swap3A_304], %div3A_302 {strides = array<i32>} : memref<48x128xf32, #tpu.memory_space<vmem>>, vector<16xf32>,
            %get3A_306 = arith.index_cast %while3A_216 : i32 to index
            %get3A_307 = arith.index_cast %scan3A_259 : i32 to index
            %get3A_308 = arith.constant 32 : index
            %get3A_309 = tpu.vector_load %arg19[%get3A_306, %get3A_307, %get3A_308] {strides = array<i32>} : memref<2x48x128xf32, #tpu.memory_space<vmem>>, vector<16xf32>,
            %get3A_310 = arith.index_cast %while3A_216 : i32 to index
            %get3A_311 = arith.index_cast %scan3A_259 : i32 to index
            %get3A_312 = arith.constant 32 : index
            %get3A_313 = tpu.vector_load %arg20[%get3A_310, %get3A_311, %get3A_312] {strides = array<i32>} : memref<2x48x128xf32, #tpu.memory_space<vmem>>, vector<16xf32>,
            %get3A_314 = arith.index_cast %while3A_216 : i32 to index
            %get3A_315 = arith.index_cast %scan3A_259 : i32 to index
            %get3A_316 = arith.constant 32 : index
            %get3A_317 = tpu.vector_load %arg21[%get3A_314, %get3A_315, %get3A_316] {strides = array<i32>} : memref<2x48x128xf32, #tpu.memory_space<vmem>>, vector<16xf32>,
            %add3A_318 = arith.addf %get3A_309, %get3A_313 : vector<16xf32>
            %neg3A_319 = arith.constant 0.000000e+00 : f32
            %neg3A_320 = vector.broadcast %neg3A_319 : f32 to vector<16xf32>
            %neg3A_321 = arith.subf %neg3A_320, %add3A_318 : vector<16xf32>
            %exp3A_322 = math.exp %neg3A_321 : vector<16xf32>
            %add3A_323 = arith.constant 1.000000e+00 : f32
            %add3A_324 = vector.broadcast %add3A_323 : f32 to vector<16xf32>
            %add3A_325 = arith.addf %add3A_324, %exp3A_322 : vector<16xf32>
            %div3A_326 = arith.divf %get3A_317, %add3A_325 : vector<16xf32>
            %swap3A_327 = arith.index_cast %scan3A_259 : i32 to index
            %swap3A_328 = arith.constant 32 : index
            %swap3A_329 = tpu.vector_load %arg22[%swap3A_327, %swap3A_328] {strides = array<i32>} : memref<48x128xf32, #tpu.memory_space<vmem>>, vector<16xf32>,
            tpu.vector_store %arg22[%swap3A_327, %swap3A_328], %div3A_326 {strides = array<i32>} : memref<48x128xf32, #tpu.memory_space<vmem>>, vector<16xf32>,
            %get3A_330 = arith.index_cast %while3A_216 : i32 to index
            %get3A_331 = arith.index_cast %scan3A_259 : i32 to index
            %get3A_332 = arith.constant 48 : index
            %get3A_333 = tpu.vector_load %arg19[%get3A_330, %get3A_331, %get3A_332] {strides = array<i32>} : memref<2x48x128xf32, #tpu.memory_space<vmem>>, vector<16xf32>,
            %get3A_334 = arith.index_cast %while3A_216 : i32 to index
            %get3A_335 = arith.index_cast %scan3A_259 : i32 to index
            %get3A_336 = arith.constant 48 : index
            %get3A_337 = tpu.vector_load %arg20[%get3A_334, %get3A_335, %get3A_336] {strides = array<i32>} : memref<2x48x128xf32, #tpu.memory_space<vmem>>, vector<16xf32>,
            %get3A_338 = arith.index_cast %while3A_216 : i32 to index
            %get3A_339 = arith.index_cast %scan3A_259 : i32 to index
            %get3A_340 = arith.constant 48 : index
            %get3A_341 = tpu.vector_load %arg21[%get3A_338, %get3A_339, %get3A_340] {strides = array<i32>} : memref<2x48x128xf32, #tpu.memory_space<vmem>>, vector<16xf32>,
            %add3A_342 = arith.addf %get3A_333, %get3A_337 : vector<16xf32>
            %neg3A_343 = arith.constant 0.000000e+00 : f32
            %neg3A_344 = vector.broadcast %neg3A_343 : f32 to vector<16xf32>
            %neg3A_345 = arith.subf %neg3A_344, %add3A_342 : vector<16xf32>
            %exp3A_346 = math.exp %neg3A_345 : vector<16xf32>
            %add3A_347 = arith.constant 1.000000e+00 : f32
            %add3A_348 = vector.broadcast %add3A_347 : f32 to vector<16xf32>
            %add3A_349 = arith.addf %add3A_348, %exp3A_346 : vector<16xf32>
            %div3A_350 = arith.divf %get3A_341, %add3A_349 : vector<16xf32>
            %swap3A_351 = arith.index_cast %scan3A_259 : i32 to index
            %swap3A_352 = arith.constant 48 : index
            %swap3A_353 = tpu.vector_load %arg22[%swap3A_351, %swap3A_352] {strides = array<i32>} : memref<48x128xf32, #tpu.memory_space<vmem>>, vector<16xf32>,
            tpu.vector_store %arg22[%swap3A_351, %swap3A_352], %div3A_350 {strides = array<i32>} : memref<48x128xf32, #tpu.memory_space<vmem>>, vector<16xf32>,
            %get3A_354 = arith.index_cast %while3A_216 : i32 to index
            %get3A_355 = arith.index_cast %scan3A_259 : i32 to index
            %get3A_356 = arith.constant 64 : index
            %get3A_357 = tpu.vector_load %arg19[%get3A_354, %get3A_355, %get3A_356] {strides = array<i32>} : memref<2x48x128xf32, #tpu.memory_space<vmem>>, vector<16xf32>,
            %get3A_358 = arith.index_cast %while3A_216 : i32 to index
            %get3A_359 = arith.index_cast %scan3A_259 : i32 to index
            %get3A_360 = arith.constant 64 : index
            %get3A_361 = tpu.vector_load %arg20[%get3A_358, %get3A_359, %get3A_360] {strides = array<i32>} : memref<2x48x128xf32, #tpu.memory_space<vmem>>, vector<16xf32>,
            %get3A_362 = arith.index_cast %while3A_216 : i32 to index
            %get3A_363 = arith.index_cast %scan3A_259 : i32 to index
            %get3A_364 = arith.constant 64 : index
            %get3A_365 = tpu.vector_load %arg21[%get3A_362, %get3A_363, %get3A_364] {strides = array<i32>} : memref<2x48x128xf32, #tpu.memory_space<vmem>>, vector<16xf32>,
            %add3A_366 = arith.addf %get3A_357, %get3A_361 : vector<16xf32>
            %neg3A_367 = arith.constant 0.000000e+00 : f32
            %neg3A_368 = vector.broadcast %neg3A_367 : f32 to vector<16xf32>
            %neg3A_369 = arith.subf %neg3A_368, %add3A_366 : vector<16xf32>
            %exp3A_370 = math.exp %neg3A_369 : vector<16xf32>
            %add3A_371 = arith.constant 1.000000e+00 : f32
            %add3A_372 = vector.broadcast %add3A_371 : f32 to vector<16xf32>
            %add3A_373 = arith.addf %add3A_372, %exp3A_370 : vector<16xf32>
            %div3A_374 = arith.divf %get3A_365, %add3A_373 : vector<16xf32>
            %swap3A_375 = arith.index_cast %scan3A_259 : i32 to index
            %swap3A_376 = arith.constant 64 : index
            %swap3A_377 = tpu.vector_load %arg22[%swap3A_375, %swap3A_376] {strides = array<i32>} : memref<48x128xf32, #tpu.memory_space<vmem>>, vector<16xf32>,
            tpu.vector_store %arg22[%swap3A_375, %swap3A_376], %div3A_374 {strides = array<i32>} : memref<48x128xf32, #tpu.memory_space<vmem>>, vector<16xf32>,
            %get3A_378 = arith.index_cast %while3A_216 : i32 to index
            %get3A_379 = arith.index_cast %scan3A_259 : i32 to index
            %get3A_380 = arith.constant 80 : index
            %get3A_381 = tpu.vector_load %arg19[%get3A_378, %get3A_379, %get3A_380] {strides = array<i32>} : memref<2x48x128xf32, #tpu.memory_space<vmem>>, vector<16xf32>,
            %get3A_382 = arith.index_cast %while3A_216 : i32 to index
            %get3A_383 = arith.index_cast %scan3A_259 : i32 to index
            %get3A_384 = arith.constant 80 : index
            %get3A_385 = tpu.vector_load %arg20[%get3A_382, %get3A_383, %get3A_384] {strides = array<i32>} : memref<2x48x128xf32, #tpu.memory_space<vmem>>, vector<16xf32>,
            %get3A_386 = arith.index_cast %while3A_216 : i32 to index
            %get3A_387 = arith.index_cast %scan3A_259 : i32 to index
            %get3A_388 = arith.constant 80 : index
            %get3A_389 = tpu.vector_load %arg21[%get3A_386, %get3A_387, %get3A_388] {strides = array<i32>} : memref<2x48x128xf32, #tpu.memory_space<vmem>>, vector<16xf32>,
            %add3A_390 = arith.addf %get3A_381, %get3A_385 : vector<16xf32>
            %neg3A_391 = arith.constant 0.000000e+00 : f32
            %neg3A_392 = vector.broadcast %neg3A_391 : f32 to vector<16xf32>
            %neg3A_393 = arith.subf %neg3A_392, %add3A_390 : vector<16xf32>
            %exp3A_394 = math.exp %neg3A_393 : vector<16xf32>
            %add3A_395 = arith.constant 1.000000e+00 : f32
            %add3A_396 = vector.broadcast %add3A_395 : f32 to vector<16xf32>
            %add3A_397 = arith.addf %add3A_396, %exp3A_394 : vector<16xf32>
            %div3A_398 = arith.divf %get3A_389, %add3A_397 : vector<16xf32>
            %swap3A_399 = arith.index_cast %scan3A_259 : i32 to index
            %swap3A_400 = arith.constant 80 : index
            %swap3A_401 = tpu.vector_load %arg22[%swap3A_399, %swap3A_400] {strides = array<i32>} : memref<48x128xf32, #tpu.memory_space<vmem>>, vector<16xf32>,
            tpu.vector_store %arg22[%swap3A_399, %swap3A_400], %div3A_398 {strides = array<i32>} : memref<48x128xf32, #tpu.memory_space<vmem>>, vector<16xf32>,
            %get3A_402 = arith.index_cast %while3A_216 : i32 to index
            %get3A_403 = arith.index_cast %scan3A_259 : i32 to index
            %get3A_404 = arith.constant 96 : index
            %get3A_405 = tpu.vector_load %arg19[%get3A_402, %get3A_403, %get3A_404] {strides = array<i32>} : memref<2x48x128xf32, #tpu.memory_space<vmem>>, vector<16xf32>,
            %get3A_406 = arith.index_cast %while3A_216 : i32 to index
            %get3A_407 = arith.index_cast %scan3A_259 : i32 to index
            %get3A_408 = arith.constant 96 : index
            %get3A_409 = tpu.vector_load %arg20[%get3A_406, %get3A_407, %get3A_408] {strides = array<i32>} : memref<2x48x128xf32, #tpu.memory_space<vmem>>, vector<16xf32>,
            %get3A_410 = arith.index_cast %while3A_216 : i32 to index
            %get3A_411 = arith.index_cast %scan3A_259 : i32 to index
            %get3A_412 = arith.constant 96 : index
            %get3A_413 = tpu.vector_load %arg21[%get3A_410, %get3A_411, %get3A_412] {strides = array<i32>} : memref<2x48x128xf32, #tpu.memory_space<vmem>>, vector<16xf32>,
            %add3A_414 = arith.addf %get3A_405, %get3A_409 : vector<16xf32>
            %neg3A_415 = arith.constant 0.000000e+00 : f32
            %neg3A_416 = vector.broadcast %neg3A_415 : f32 to vector<16xf32>
            %neg3A_417 = arith.subf %neg3A_416, %add3A_414 : vector<16xf32>
            %exp3A_418 = math.exp %neg3A_417 : vector<16xf32>
            %add3A_419 = arith.constant 1.000000e+00 : f32
            %add3A_420 = vector.broadcast %add3A_419 : f32 to vector<16xf32>
            %add3A_421 = arith.addf %add3A_420, %exp3A_418 : vector<16xf32>
            %div3A_422 = arith.divf %get3A_413, %add3A_421 : vector<16xf32>
            %swap3A_423 = arith.index_cast %scan3A_259 : i32 to index
            %swap3A_424 = arith.constant 96 : index
            %swap3A_425 = tpu.vector_load %arg22[%swap3A_423, %swap3A_424] {strides = array<i32>} : memref<48x128xf32, #tpu.memory_space<vmem>>, vector<16xf32>,
            tpu.vector_store %arg22[%swap3A_423, %swap3A_424], %div3A_422 {strides = array<i32>} : memref<48x128xf32, #tpu.memory_space<vmem>>, vector<16xf32>,
            %get3A_426 = arith.index_cast %while3A_216 : i32 to index
            %get3A_427 = arith.index_cast %scan3A_259 : i32 to index
            %get3A_428 = arith.constant 112 : index
            %get3A_429 = tpu.vector_load %arg19[%get3A_426, %get3A_427, %get3A_428] {strides = array<i32>} : memref<2x48x128xf32, #tpu.memory_space<vmem>>, vector<16xf32>,
            %get3A_430 = arith.index_cast %while3A_216 : i32 to index
            %get3A_431 = arith.index_cast %scan3A_259 : i32 to index
            %get3A_432 = arith.constant 112 : index
            %get3A_433 = tpu.vector_load %arg20[%get3A_430, %get3A_431, %get3A_432] {strides = array<i32>} : memref<2x48x128xf32, #tpu.memory_space<vmem>>, vector<16xf32>,
            %get3A_434 = arith.index_cast %while3A_216 : i32 to index
            %get3A_435 = arith.index_cast %scan3A_259 : i32 to index
            %get3A_436 = arith.constant 112 : index
            %get3A_437 = tpu.vector_load %arg21[%get3A_434, %get3A_435, %get3A_436] {strides = array<i32>} : memref<2x48x128xf32, #tpu.memory_space<vmem>>, vector<16xf32>,
            %add3A_438 = arith.addf %get3A_429, %get3A_433 : vector<16xf32>
            %neg3A_439 = arith.constant 0.000000e+00 : f32
            %neg3A_440 = vector.broadcast %neg3A_439 : f32 to vector<16xf32>
            %neg3A_441 = arith.subf %neg3A_440, %add3A_438 : vector<16xf32>
            %exp3A_442 = math.exp %neg3A_441 : vector<16xf32>
            %add3A_443 = arith.constant 1.000000e+00 : f32
            %add3A_444 = vector.broadcast %add3A_443 : f32 to vector<16xf32>
            %add3A_445 = arith.addf %add3A_444, %exp3A_442 : vector<16xf32>
            %div3A_446 = arith.divf %get3A_437, %add3A_445 : vector<16xf32>
            %swap3A_447 = arith.index_cast %scan3A_259 : i32 to index
            %swap3A_448 = arith.constant 112 : index
            %swap3A_449 = tpu.vector_load %arg22[%swap3A_447, %swap3A_448] {strides = array<i32>} : memref<48x128xf32, #tpu.memory_space<vmem>>, vector<16xf32>,
            tpu.vector_store %arg22[%swap3A_447, %swap3A_448], %div3A_446 {strides = array<i32>} : memref<48x128xf32, #tpu.memory_space<vmem>>, vector<16xf32>,
          }
          %scan3A_258 = arith.constant 48 : i32
          "tpu.region"() ({
            %run_scoped3A = tpu.sem_alloc : memref<!tpu.dma_semaphore, #tpu.memory_space<semaphore_mem>>
            %dma_start3A_259 = arith.constant 0 : i32
            %dma_start3A_260 = arith.constant 0 : i32
            %dma_start3A_261 = tpu.memref_slice %arg21[%while3A_216, %dma_start3A_259, %dma_start3A_260] : memref<2x48x128xf32, #tpu.memory_space<vmem>> -> memref<1x48x128xf32, #tpu.memory_space<vmem>>
            %dma_start3A_262 = tpu.memref_squeeze %dma_start3A_261 : memref<1x48x128xf32, #tpu.memory_space<vmem>> -> memref<48x128xf32, #tpu.memory_space<vmem>>
            %dma_start3A_263 = arith.constant 0 : i32
            %dma_start3A_264 = tpu.memref_slice %arg18[%while3A_216, %dma_start3A_263] : memref<2x48xi32, #tpu.memory_space<vmem>> -> memref<1x48xi32, #tpu.memory_space<vmem>>
            %dma_start3A_265 = tpu.memref_squeeze %dma_start3A_264 : memref<1x48xi32, #tpu.memory_space<vmem>> -> memref<48xi32, #tpu.memory_space<vmem>>
            %dma_start3A_266 = arith.constant 0 : i32
            %dma_start3A_267 = arith.constant 0 : i32
            %dma_start3A_268 = tpu.memref_slice %arg10[%dma_start3A_266, %dma_start3A_267] : memref<3328x128xf32, #tpu.memory_space<vmem_shared>> -> memref<3328x128xf32, #tpu.memory_space<vmem_shared>>
            tpu.enqueue_indirect_dma source(%dma_start3A_262 : memref<48x128xf32, #tpu.memory_space<vmem>>) target(%dma_start3A_268 : memref<3328x128xf32, #tpu.memory_space<vmem_shared>>) offsets(%dma_start3A_265 : memref<48xi32, #tpu.memory_space<vmem>>) semaphore(%run_scoped3A : memref<!tpu.dma_semaphore, #tpu.memory_space<semaphore_mem>>) {add = true}
            %dma_wait3A_269 = arith.constant 0 : i32
            %dma_wait3A_270 = arith.constant 0 : i32
            %dma_wait3A_271 = tpu.memref_slice %arg21[%while3A_216, %dma_wait3A_269, %dma_wait3A_270] : memref<2x48x128xf32, #tpu.memory_space<vmem>> -> memref<1x48x128xf32, #tpu.memory_space<vmem>>
            %dma_wait3A_272 = tpu.memref_squeeze %dma_wait3A_271 : memref<1x48x128xf32, #tpu.memory_space<vmem>> -> memref<48x128xf32, #tpu.memory_space<vmem>>
            %dma_wait3A_273 = arith.constant 0 : i32
            %dma_wait3A_274 = tpu.memref_slice %arg18[%while3A_216, %dma_wait3A_273] : memref<2x48xi32, #tpu.memory_space<vmem>> -> memref<1x48xi32, #tpu.memory_space<vmem>>
            %dma_wait3A_275 = tpu.memref_squeeze %dma_wait3A_274 : memref<1x48xi32, #tpu.memory_space<vmem>> -> memref<48xi32, #tpu.memory_space<vmem>>
            %dma_wait3A_276 = arith.constant 0 : i32
            %dma_wait3A_277 = arith.constant 0 : i32
            %dma_wait3A_278 = tpu.memref_slice %arg10[%dma_wait3A_276, %dma_wait3A_277] : memref<3328x128xf32, #tpu.memory_space<vmem_shared>> -> memref<3328x128xf32, #tpu.memory_space<vmem_shared>>
            tpu.wait_indirect_dma semaphore(%run_scoped3A : memref<!tpu.dma_semaphore, #tpu.memory_space<semaphore_mem>>) src(%dma_wait3A_272 : memref<48x128xf32, #tpu.memory_space<vmem>>) dst(%dma_wait3A_278 : memref<3328x128xf32, #tpu.memory_space<vmem_shared>>)
            tpu.yield
          }) : () -> ()
          "tpu.region"() ({
            %run_scoped3A = tpu.sem_alloc : memref<!tpu.dma_semaphore, #tpu.memory_space<semaphore_mem>>
            %dma_start3A_259 = arith.constant 0 : i32
            %dma_start3A_260 = tpu.memref_slice %arg18[%while3A_216, %dma_start3A_259] : memref<2x48xi32, #tpu.memory_space<vmem>> -> memref<1x48xi32, #tpu.memory_space<vmem>>
            %dma_start3A_261 = tpu.memref_squeeze %dma_start3A_260 : memref<1x48xi32, #tpu.memory_space<vmem>> -> memref<48xi32, #tpu.memory_space<vmem>>
            %dma_start3A_262 = arith.constant 0 : i32
            %dma_start3A_263 = arith.constant 0 : i32
            %dma_start3A_264 = tpu.memref_slice %arg11[%dma_start3A_262, %dma_start3A_263] : memref<3328x128xf32, #tpu.memory_space<vmem_shared>> -> memref<3328x128xf32, #tpu.memory_space<vmem_shared>>
            tpu.enqueue_indirect_dma source(%arg22 : memref<48x128xf32, #tpu.memory_space<vmem>>) target(%dma_start3A_264 : memref<3328x128xf32, #tpu.memory_space<vmem_shared>>) offsets(%dma_start3A_261 : memref<48xi32, #tpu.memory_space<vmem>>) semaphore(%run_scoped3A : memref<!tpu.dma_semaphore, #tpu.memory_space<semaphore_mem>>) {add = true}
            %dma_wait3A_265 = arith.constant 0 : i32
            %dma_wait3A_266 = tpu.memref_slice %arg18[%while3A_216, %dma_wait3A_265] : memref<2x48xi32, #tpu.memory_space<vmem>> -> memref<1x48xi32, #tpu.memory_space<vmem>>
            %dma_wait3A_267 = tpu.memref_squeeze %dma_wait3A_266 : memref<1x48xi32, #tpu.memory_space<vmem>> -> memref<48xi32, #tpu.memory_space<vmem>>
            %dma_wait3A_268 = arith.constant 0 : i32
            %dma_wait3A_269 = arith.constant 0 : i32
            %dma_wait3A_270 = tpu.memref_slice %arg11[%dma_wait3A_268, %dma_wait3A_269] : memref<3328x128xf32, #tpu.memory_space<vmem_shared>> -> memref<3328x128xf32, #tpu.memory_space<vmem_shared>>
            tpu.wait_indirect_dma semaphore(%run_scoped3A : memref<!tpu.dma_semaphore, #tpu.memory_space<semaphore_mem>>) src(%arg22 : memref<48x128xf32, #tpu.memory_space<vmem>>) dst(%dma_wait3A_270 : memref<3328x128xf32, #tpu.memory_space<vmem_shared>>)
            tpu.yield
          }) : () -> ()
          scf.yield %sub3A_218 : i32
        }
        %while3A_213 = arith.constant 1 : i32
        %while3A_214 = scf.for %while3A_215 = %while3A_210 to %while3A_206 step %while3A_213 iter_args(%while3A_216 = %while3A_212) -> (i32)  : i32 {
          %sub3A_217 = arith.constant 1 : i32
          %sub3A_218 = arith.subi %sub3A_217, %while3A_216 : i32
          %dma_wait3A = arith.constant 0 : i32
          %dma_wait3A_219 = arith.constant 0 : i32
          %dma_wait3A_220 = tpu.memref_slice %arg19[%while3A_216, %dma_wait3A, %dma_wait3A_219] : memref<2x48x128xf32, #tpu.memory_space<vmem>> -> memref<1x48x128xf32, #tpu.memory_space<vmem>>
          %dma_wait3A_221 = tpu.memref_squeeze %dma_wait3A_220 : memref<1x48x128xf32, #tpu.memory_space<vmem>> -> memref<48x128xf32, #tpu.memory_space<vmem>>
          %dma_wait3A_222 = arith.constant 0 : i32
          %dma_wait3A_223 = tpu.memref_slice %arg16[%while3A_216, %dma_wait3A_222] : memref<2x48xi32, #tpu.memory_space<vmem>> -> memref<1x48xi32, #tpu.memory_space<vmem>>
          %dma_wait3A_224 = tpu.memref_squeeze %dma_wait3A_223 : memref<1x48xi32, #tpu.memory_space<vmem>> -> memref<48xi32, #tpu.memory_space<vmem>>
          %dma_wait3A_225 = arith.constant 0 : i32
          %dma_wait3A_226 = arith.constant 0 : i32
          %dma_wait3A_227 = tpu.memref_slice %arg2[%dma_wait3A_225, %dma_wait3A_226] : memref<320000x128xf32, #tpu.memory_space<hbm>> -> memref<320000x128xf32, #tpu.memory_space<hbm>>
          tpu.wait_indirect_dma semaphore(%arg24 : memref<!tpu.dma_semaphore, #tpu.memory_space<semaphore_mem>>) src(%dma_wait3A_227 : memref<320000x128xf32, #tpu.memory_space<hbm>>) dst(%dma_wait3A_221 : memref<48x128xf32, #tpu.memory_space<vmem>>)
          %dma_wait3A_228 = arith.constant 0 : i32
          %dma_wait3A_229 = arith.constant 0 : i32
          %dma_wait3A_230 = tpu.memref_slice %arg20[%while3A_216, %dma_wait3A_228, %dma_wait3A_229] : memref<2x48x128xf32, #tpu.memory_space<vmem>> -> memref<1x48x128xf32, #tpu.memory_space<vmem>>
          %dma_wait3A_231 = tpu.memref_squeeze %dma_wait3A_230 : memref<1x48x128xf32, #tpu.memory_space<vmem>> -> memref<48x128xf32, #tpu.memory_space<vmem>>
          %dma_wait3A_232 = arith.constant 0 : i32
          %dma_wait3A_233 = tpu.memref_slice %arg17[%while3A_216, %dma_wait3A_232] : memref<2x48xi32, #tpu.memory_space<vmem>> -> memref<1x48xi32, #tpu.memory_space<vmem>>
          %dma_wait3A_234 = tpu.memref_squeeze %dma_wait3A_233 : memref<1x48xi32, #tpu.memory_space<vmem>> -> memref<48xi32, #tpu.memory_space<vmem>>
          %dma_wait3A_235 = arith.constant 0 : i32
          %dma_wait3A_236 = arith.constant 0 : i32
          %dma_wait3A_237 = tpu.memref_slice %arg3[%dma_wait3A_235, %dma_wait3A_236] : memref<320000x128xf32, #tpu.memory_space<hbm>> -> memref<320000x128xf32, #tpu.memory_space<hbm>>
          tpu.wait_indirect_dma semaphore(%arg24 : memref<!tpu.dma_semaphore, #tpu.memory_space<semaphore_mem>>) src(%dma_wait3A_237 : memref<320000x128xf32, #tpu.memory_space<hbm>>) dst(%dma_wait3A_231 : memref<48x128xf32, #tpu.memory_space<vmem>>)
          %dma_wait3A_238 = arith.constant 0 : i32
          %dma_wait3A_239 = arith.constant 0 : i32
          %dma_wait3A_240 = tpu.memref_slice %arg21[%while3A_216, %dma_wait3A_238, %dma_wait3A_239] : memref<2x48x128xf32, #tpu.memory_space<vmem>> -> memref<1x48x128xf32, #tpu.memory_space<vmem>>
          %dma_wait3A_241 = tpu.memref_squeeze %dma_wait3A_240 : memref<1x48x128xf32, #tpu.memory_space<vmem>> -> memref<48x128xf32, #tpu.memory_space<vmem>>
          %dma_wait3A_242 = arith.constant 0 : i32
          %dma_wait3A_243 = tpu.memref_slice %arg17[%while3A_216, %dma_wait3A_242] : memref<2x48xi32, #tpu.memory_space<vmem>> -> memref<1x48xi32, #tpu.memory_space<vmem>>
          %dma_wait3A_244 = tpu.memref_squeeze %dma_wait3A_243 : memref<1x48xi32, #tpu.memory_space<vmem>> -> memref<48xi32, #tpu.memory_space<vmem>>
          %dma_wait3A_245 = arith.constant 0 : i32
          %dma_wait3A_246 = arith.constant 0 : i32
          %dma_wait3A_247 = tpu.memref_slice %arg4[%dma_wait3A_245, %dma_wait3A_246] : memref<320000x128xf32, #tpu.memory_space<hbm>> -> memref<320000x128xf32, #tpu.memory_space<hbm>>
          tpu.wait_indirect_dma semaphore(%arg24 : memref<!tpu.dma_semaphore, #tpu.memory_space<semaphore_mem>>) src(%dma_wait3A_247 : memref<320000x128xf32, #tpu.memory_space<hbm>>) dst(%dma_wait3A_241 : memref<48x128xf32, #tpu.memory_space<vmem>>)
          %add3A_248 = arith.constant 1 : i32
          %add3A_249 = arith.addi %while3A_215, %add3A_248 : i32
          %lt3A = arith.cmpi slt, %add3A_249, %select_n3A : i32
          %convert_element_type3A_250 = arith.extui %lt3A : i1 to i32
          %cond3A_251 = arith.constant 0 : i32
          %cond3A_252 = arith.cmpi ne, %convert_element_type3A_250, %cond3A_251 : i32
          scf.if %cond3A_252 {
            %add3A_259 = arith.constant 1 : i32
            %add3A_260 = arith.addi %while3A_215, %add3A_259 : i32
            %mul3A_261 = arith.constant 48 : i32
            %mul3A_262 = arith.muli %add3A_260, %mul3A_261 : i32
            %add3A_263 = arith.constant 0 : i32
            %add3A_264 = arith.addi %mul3A_262, %add3A_263 : i32
            %get3A_265 = arith.index_cast %add3A_264 : i32 to index
            %get3A_266 = tpu.vector_load %arg14[%get3A_265] {strides = array<i32>} : memref<8192xi32, #tpu.memory_space<vmem>>, vector<16xi32>,
            %add3A_267 = arith.constant 0 : i32
            %add3A_268 = arith.addi %mul3A_262, %add3A_267 : i32
            %get3A_269 = arith.index_cast %add3A_268 : i32 to index
            %get3A_270 = tpu.vector_load %arg15[%get3A_269] {strides = array<i32>} : memref<8192xi32, #tpu.memory_space<vmem>>, vector<16xi32>,
            %add3A_271 = vector.broadcast %mul3A_10 : i32 to vector<16xi32>
            %add3A_272 = arith.addi %get3A_266, %add3A_271 : vector<16xi32>
            %min3A_273 = arith.constant 319999 : i32
            %min3A_274 = vector.broadcast %min3A_273 : i32 to vector<16xi32>
            %min3A_275 = arith.minsi %add3A_272, %min3A_274 : vector<16xi32>
            %swap3A_276 = arith.index_cast %sub3A_218 : i32 to index
            %swap3A_277 = arith.constant 0 : index
            %swap3A_278 = tpu.vector_load %arg16[%swap3A_276, %swap3A_277] {strides = array<i32>} : memref<2x48xi32, #tpu.memory_space<vmem>>, vector<16xi32>,
            tpu.vector_store %arg16[%swap3A_276, %swap3A_277], %min3A_275 {strides = array<i32>} : memref<2x48xi32, #tpu.memory_space<vmem>>, vector<16xi32>,
            %swap3A_279 = arith.index_cast %sub3A_218 : i32 to index
            %swap3A_280 = arith.constant 0 : index
            %swap3A_281 = tpu.vector_load %arg18[%swap3A_279, %swap3A_280] {strides = array<i32>} : memref<2x48xi32, #tpu.memory_space<vmem>>, vector<16xi32>,
            tpu.vector_store %arg18[%swap3A_279, %swap3A_280], %get3A_266 {strides = array<i32>} : memref<2x48xi32, #tpu.memory_space<vmem>>, vector<16xi32>,
            %swap3A_282 = arith.index_cast %sub3A_218 : i32 to index
            %swap3A_283 = arith.constant 0 : index
            %swap3A_284 = tpu.vector_load %arg17[%swap3A_282, %swap3A_283] {strides = array<i32>} : memref<2x48xi32, #tpu.memory_space<vmem>>, vector<16xi32>,
            tpu.vector_store %arg17[%swap3A_282, %swap3A_283], %get3A_270 {strides = array<i32>} : memref<2x48xi32, #tpu.memory_space<vmem>>, vector<16xi32>,
            %add3A_285 = arith.constant 16 : i32
            %add3A_286 = arith.addi %mul3A_262, %add3A_285 : i32
            %get3A_287 = arith.index_cast %add3A_286 : i32 to index
            %get3A_288 = tpu.vector_load %arg14[%get3A_287] {strides = array<i32>} : memref<8192xi32, #tpu.memory_space<vmem>>, vector<16xi32>,
            %add3A_289 = arith.constant 16 : i32
            %add3A_290 = arith.addi %mul3A_262, %add3A_289 : i32
            %get3A_291 = arith.index_cast %add3A_290 : i32 to index
            %get3A_292 = tpu.vector_load %arg15[%get3A_291] {strides = array<i32>} : memref<8192xi32, #tpu.memory_space<vmem>>, vector<16xi32>,
            %add3A_293 = vector.broadcast %mul3A_10 : i32 to vector<16xi32>
            %add3A_294 = arith.addi %get3A_288, %add3A_293 : vector<16xi32>
            %min3A_295 = arith.constant 319999 : i32
            %min3A_296 = vector.broadcast %min3A_295 : i32 to vector<16xi32>
            %min3A_297 = arith.minsi %add3A_294, %min3A_296 : vector<16xi32>
            %swap3A_298 = arith.index_cast %sub3A_218 : i32 to index
            %swap3A_299 = arith.constant 16 : index
            %swap3A_300 = tpu.vector_load %arg16[%swap3A_298, %swap3A_299] {strides = array<i32>} : memref<2x48xi32, #tpu.memory_space<vmem>>, vector<16xi32>,
            tpu.vector_store %arg16[%swap3A_298, %swap3A_299], %min3A_297 {strides = array<i32>} : memref<2x48xi32, #tpu.memory_space<vmem>>, vector<16xi32>,
            %swap3A_301 = arith.index_cast %sub3A_218 : i32 to index
            %swap3A_302 = arith.constant 16 : index
            %swap3A_303 = tpu.vector_load %arg18[%swap3A_301, %swap3A_302] {strides = array<i32>} : memref<2x48xi32, #tpu.memory_space<vmem>>, vector<16xi32>,
            tpu.vector_store %arg18[%swap3A_301, %swap3A_302], %get3A_288 {strides = array<i32>} : memref<2x48xi32, #tpu.memory_space<vmem>>, vector<16xi32>,
            %swap3A_304 = arith.index_cast %sub3A_218 : i32 to index
            %swap3A_305 = arith.constant 16 : index
            %swap3A_306 = tpu.vector_load %arg17[%swap3A_304, %swap3A_305] {strides = array<i32>} : memref<2x48xi32, #tpu.memory_space<vmem>>, vector<16xi32>,
            tpu.vector_store %arg17[%swap3A_304, %swap3A_305], %get3A_292 {strides = array<i32>} : memref<2x48xi32, #tpu.memory_space<vmem>>, vector<16xi32>,
            %add3A_307 = arith.constant 32 : i32
            %add3A_308 = arith.addi %mul3A_262, %add3A_307 : i32
            %get3A_309 = arith.index_cast %add3A_308 : i32 to index
            %get3A_310 = tpu.vector_load %arg14[%get3A_309] {strides = array<i32>} : memref<8192xi32, #tpu.memory_space<vmem>>, vector<16xi32>,
            %add3A_311 = arith.constant 32 : i32
            %add3A_312 = arith.addi %mul3A_262, %add3A_311 : i32
            %get3A_313 = arith.index_cast %add3A_312 : i32 to index
            %get3A_314 = tpu.vector_load %arg15[%get3A_313] {strides = array<i32>} : memref<8192xi32, #tpu.memory_space<vmem>>, vector<16xi32>,
            %add3A_315 = vector.broadcast %mul3A_10 : i32 to vector<16xi32>
            %add3A_316 = arith.addi %get3A_310, %add3A_315 : vector<16xi32>
            %min3A_317 = arith.constant 319999 : i32
            %min3A_318 = vector.broadcast %min3A_317 : i32 to vector<16xi32>
            %min3A_319 = arith.minsi %add3A_316, %min3A_318 : vector<16xi32>
            %swap3A_320 = arith.index_cast %sub3A_218 : i32 to index
            %swap3A_321 = arith.constant 32 : index
            %swap3A_322 = tpu.vector_load %arg16[%swap3A_320, %swap3A_321] {strides = array<i32>} : memref<2x48xi32, #tpu.memory_space<vmem>>, vector<16xi32>,
            tpu.vector_store %arg16[%swap3A_320, %swap3A_321], %min3A_319 {strides = array<i32>} : memref<2x48xi32, #tpu.memory_space<vmem>>, vector<16xi32>,
            %swap3A_323 = arith.index_cast %sub3A_218 : i32 to index
            %swap3A_324 = arith.constant 32 : index
            %swap3A_325 = tpu.vector_load %arg18[%swap3A_323, %swap3A_324] {strides = array<i32>} : memref<2x48xi32, #tpu.memory_space<vmem>>, vector<16xi32>,
            tpu.vector_store %arg18[%swap3A_323, %swap3A_324], %get3A_310 {strides = array<i32>} : memref<2x48xi32, #tpu.memory_space<vmem>>, vector<16xi32>,
            %swap3A_326 = arith.index_cast %sub3A_218 : i32 to index
            %swap3A_327 = arith.constant 32 : index
            %swap3A_328 = tpu.vector_load %arg17[%swap3A_326, %swap3A_327] {strides = array<i32>} : memref<2x48xi32, #tpu.memory_space<vmem>>, vector<16xi32>,
            tpu.vector_store %arg17[%swap3A_326, %swap3A_327], %get3A_314 {strides = array<i32>} : memref<2x48xi32, #tpu.memory_space<vmem>>, vector<16xi32>,
            %dma_start3A_329 = arith.constant 0 : i32
            %dma_start3A_330 = arith.constant 0 : i32
            %dma_start3A_331 = tpu.memref_slice %arg19[%sub3A_218, %dma_start3A_329, %dma_start3A_330] : memref<2x48x128xf32, #tpu.memory_space<vmem>> -> memref<1x48x128xf32, #tpu.memory_space<vmem>>
            %dma_start3A_332 = tpu.memref_squeeze %dma_start3A_331 : memref<1x48x128xf32, #tpu.memory_space<vmem>> -> memref<48x128xf32, #tpu.memory_space<vmem>>
            %dma_start3A_333 = arith.constant 0 : i32
            %dma_start3A_334 = tpu.memref_slice %arg16[%sub3A_218, %dma_start3A_333] : memref<2x48xi32, #tpu.memory_space<vmem>> -> memref<1x48xi32, #tpu.memory_space<vmem>>
            %dma_start3A_335 = tpu.memref_squeeze %dma_start3A_334 : memref<1x48xi32, #tpu.memory_space<vmem>> -> memref<48xi32, #tpu.memory_space<vmem>>
            %dma_start3A_336 = arith.constant 0 : i32
            %dma_start3A_337 = arith.constant 0 : i32
            %dma_start3A_338 = tpu.memref_slice %arg2[%dma_start3A_336, %dma_start3A_337] : memref<320000x128xf32, #tpu.memory_space<hbm>> -> memref<320000x128xf32, #tpu.memory_space<hbm>>
            tpu.enqueue_indirect_dma source(%dma_start3A_338 : memref<320000x128xf32, #tpu.memory_space<hbm>>) target(%dma_start3A_332 : memref<48x128xf32, #tpu.memory_space<vmem>>) offsets(%dma_start3A_335 : memref<48xi32, #tpu.memory_space<vmem>>) semaphore(%arg24 : memref<!tpu.dma_semaphore, #tpu.memory_space<semaphore_mem>>)
            %dma_start3A_339 = arith.constant 0 : i32
            %dma_start3A_340 = arith.constant 0 : i32
            %dma_start3A_341 = tpu.memref_slice %arg20[%sub3A_218, %dma_start3A_339, %dma_start3A_340] : memref<2x48x128xf32, #tpu.memory_space<vmem>> -> memref<1x48x128xf32, #tpu.memory_space<vmem>>
            %dma_start3A_342 = tpu.memref_squeeze %dma_start3A_341 : memref<1x48x128xf32, #tpu.memory_space<vmem>> -> memref<48x128xf32, #tpu.memory_space<vmem>>
            %dma_start3A_343 = arith.constant 0 : i32
            %dma_start3A_344 = tpu.memref_slice %arg17[%sub3A_218, %dma_start3A_343] : memref<2x48xi32, #tpu.memory_space<vmem>> -> memref<1x48xi32, #tpu.memory_space<vmem>>
            %dma_start3A_345 = tpu.memref_squeeze %dma_start3A_344 : memref<1x48xi32, #tpu.memory_space<vmem>> -> memref<48xi32, #tpu.memory_space<vmem>>
            %dma_start3A_346 = arith.constant 0 : i32
            %dma_start3A_347 = arith.constant 0 : i32
            %dma_start3A_348 = tpu.memref_slice %arg3[%dma_start3A_346, %dma_start3A_347] : memref<320000x128xf32, #tpu.memory_space<hbm>> -> memref<320000x128xf32, #tpu.memory_space<hbm>>
            tpu.enqueue_indirect_dma source(%dma_start3A_348 : memref<320000x128xf32, #tpu.memory_space<hbm>>) target(%dma_start3A_342 : memref<48x128xf32, #tpu.memory_space<vmem>>) offsets(%dma_start3A_345 : memref<48xi32, #tpu.memory_space<vmem>>) semaphore(%arg24 : memref<!tpu.dma_semaphore, #tpu.memory_space<semaphore_mem>>)
            %dma_start3A_349 = arith.constant 0 : i32
            %dma_start3A_350 = arith.constant 0 : i32
            %dma_start3A_351 = tpu.memref_slice %arg21[%sub3A_218, %dma_start3A_349, %dma_start3A_350] : memref<2x48x128xf32, #tpu.memory_space<vmem>> -> memref<1x48x128xf32, #tpu.memory_space<vmem>>
            %dma_start3A_352 = tpu.memref_squeeze %dma_start3A_351 : memref<1x48x128xf32, #tpu.memory_space<vmem>> -> memref<48x128xf32, #tpu.memory_space<vmem>>
            %dma_start3A_353 = arith.constant 0 : i32
            %dma_start3A_354 = tpu.memref_slice %arg17[%sub3A_218, %dma_start3A_353] : memref<2x48xi32, #tpu.memory_space<vmem>> -> memref<1x48xi32, #tpu.memory_space<vmem>>
            %dma_start3A_355 = tpu.memref_squeeze %dma_start3A_354 : memref<1x48xi32, #tpu.memory_space<vmem>> -> memref<48xi32, #tpu.memory_space<vmem>>
            %dma_start3A_356 = arith.constant 0 : i32
            %dma_start3A_357 = arith.constant 0 : i32
            %dma_start3A_358 = tpu.memref_slice %arg4[%dma_start3A_356, %dma_start3A_357] : memref<320000x128xf32, #tpu.memory_space<hbm>> -> memref<320000x128xf32, #tpu.memory_space<hbm>>
            tpu.enqueue_indirect_dma source(%dma_start3A_358 : memref<320000x128xf32, #tpu.memory_space<hbm>>) target(%dma_start3A_352 : memref<48x128xf32, #tpu.memory_space<vmem>>) offsets(%dma_start3A_355 : memref<48xi32, #tpu.memory_space<vmem>>) semaphore(%arg24 : memref<!tpu.dma_semaphore, #tpu.memory_space<semaphore_mem>>)
          } else {
          }
          %scan3A_253 = arith.constant 0 : i32
          %scan3A_254 = arith.constant 0 : i32
          %scan3A_255 = arith.constant 48 : i32
          %scan3A_256 = arith.addi %scan3A_254, %scan3A_255 : i32
          %scan3A_257 = arith.constant 1 : i32
          scf.for %scan3A_259 = %scan3A_254 to %scan3A_256 step %scan3A_257  : i32 {
            %get3A_260 = arith.index_cast %while3A_216 : i32 to index
            %get3A_261 = arith.index_cast %scan3A_259 : i32 to index
            %get3A_262 = arith.constant 0 : index
            %get3A_263 = tpu.vector_load %arg19[%get3A_260, %get3A_261, %get3A_262] {strides = array<i32>} : memref<2x48x128xf32, #tpu.memory_space<vmem>>, vector<16xf32>,
            %get3A_264 = arith.index_cast %while3A_216 : i32 to index
            %get3A_265 = arith.index_cast %scan3A_259 : i32 to index
            %get3A_266 = arith.constant 0 : index
            %get3A_267 = tpu.vector_load %arg20[%get3A_264, %get3A_265, %get3A_266] {strides = array<i32>} : memref<2x48x128xf32, #tpu.memory_space<vmem>>, vector<16xf32>,
            %get3A_268 = arith.index_cast %while3A_216 : i32 to index
            %get3A_269 = arith.index_cast %scan3A_259 : i32 to index
            %get3A_270 = arith.constant 0 : index
            %get3A_271 = tpu.vector_load %arg21[%get3A_268, %get3A_269, %get3A_270] {strides = array<i32>} : memref<2x48x128xf32, #tpu.memory_space<vmem>>, vector<16xf32>,
            %add3A_272 = arith.addf %get3A_263, %get3A_267 : vector<16xf32>
            %neg3A = arith.constant 0.000000e+00 : f32
            %neg3A_273 = vector.broadcast %neg3A : f32 to vector<16xf32>
            %neg3A_274 = arith.subf %neg3A_273, %add3A_272 : vector<16xf32>
            %exp3A = math.exp %neg3A_274 : vector<16xf32>
            %add3A_275 = arith.constant 1.000000e+00 : f32
            %add3A_276 = vector.broadcast %add3A_275 : f32 to vector<16xf32>
            %add3A_277 = arith.addf %add3A_276, %exp3A : vector<16xf32>
            %div3A_278 = arith.divf %get3A_271, %add3A_277 : vector<16xf32>
            %swap3A_279 = arith.index_cast %scan3A_259 : i32 to index
            %swap3A_280 = arith.constant 0 : index
            %swap3A_281 = tpu.vector_load %arg22[%swap3A_279, %swap3A_280] {strides = array<i32>} : memref<48x128xf32, #tpu.memory_space<vmem>>, vector<16xf32>,
            tpu.vector_store %arg22[%swap3A_279, %swap3A_280], %div3A_278 {strides = array<i32>} : memref<48x128xf32, #tpu.memory_space<vmem>>, vector<16xf32>,
            %get3A_282 = arith.index_cast %while3A_216 : i32 to index
            %get3A_283 = arith.index_cast %scan3A_259 : i32 to index
            %get3A_284 = arith.constant 16 : index
            %get3A_285 = tpu.vector_load %arg19[%get3A_282, %get3A_283, %get3A_284] {strides = array<i32>} : memref<2x48x128xf32, #tpu.memory_space<vmem>>, vector<16xf32>,
            %get3A_286 = arith.index_cast %while3A_216 : i32 to index
            %get3A_287 = arith.index_cast %scan3A_259 : i32 to index
            %get3A_288 = arith.constant 16 : index
            %get3A_289 = tpu.vector_load %arg20[%get3A_286, %get3A_287, %get3A_288] {strides = array<i32>} : memref<2x48x128xf32, #tpu.memory_space<vmem>>, vector<16xf32>,
            %get3A_290 = arith.index_cast %while3A_216 : i32 to index
            %get3A_291 = arith.index_cast %scan3A_259 : i32 to index
            %get3A_292 = arith.constant 16 : index
            %get3A_293 = tpu.vector_load %arg21[%get3A_290, %get3A_291, %get3A_292] {strides = array<i32>} : memref<2x48x128xf32, #tpu.memory_space<vmem>>, vector<16xf32>,
            %add3A_294 = arith.addf %get3A_285, %get3A_289 : vector<16xf32>
            %neg3A_295 = arith.constant 0.000000e+00 : f32
            %neg3A_296 = vector.broadcast %neg3A_295 : f32 to vector<16xf32>
            %neg3A_297 = arith.subf %neg3A_296, %add3A_294 : vector<16xf32>
            %exp3A_298 = math.exp %neg3A_297 : vector<16xf32>
            %add3A_299 = arith.constant 1.000000e+00 : f32
            %add3A_300 = vector.broadcast %add3A_299 : f32 to vector<16xf32>
            %add3A_301 = arith.addf %add3A_300, %exp3A_298 : vector<16xf32>
            %div3A_302 = arith.divf %get3A_293, %add3A_301 : vector<16xf32>
            %swap3A_303 = arith.index_cast %scan3A_259 : i32 to index
            %swap3A_304 = arith.constant 16 : index
            %swap3A_305 = tpu.vector_load %arg22[%swap3A_303, %swap3A_304] {strides = array<i32>} : memref<48x128xf32, #tpu.memory_space<vmem>>, vector<16xf32>,
            tpu.vector_store %arg22[%swap3A_303, %swap3A_304], %div3A_302 {strides = array<i32>} : memref<48x128xf32, #tpu.memory_space<vmem>>, vector<16xf32>,
            %get3A_306 = arith.index_cast %while3A_216 : i32 to index
            %get3A_307 = arith.index_cast %scan3A_259 : i32 to index
            %get3A_308 = arith.constant 32 : index
            %get3A_309 = tpu.vector_load %arg19[%get3A_306, %get3A_307, %get3A_308] {strides = array<i32>} : memref<2x48x128xf32, #tpu.memory_space<vmem>>, vector<16xf32>,
            %get3A_310 = arith.index_cast %while3A_216 : i32 to index
            %get3A_311 = arith.index_cast %scan3A_259 : i32 to index
            %get3A_312 = arith.constant 32 : index
            %get3A_313 = tpu.vector_load %arg20[%get3A_310, %get3A_311, %get3A_312] {strides = array<i32>} : memref<2x48x128xf32, #tpu.memory_space<vmem>>, vector<16xf32>,
            %get3A_314 = arith.index_cast %while3A_216 : i32 to index
            %get3A_315 = arith.index_cast %scan3A_259 : i32 to index
            %get3A_316 = arith.constant 32 : index
            %get3A_317 = tpu.vector_load %arg21[%get3A_314, %get3A_315, %get3A_316] {strides = array<i32>} : memref<2x48x128xf32, #tpu.memory_space<vmem>>, vector<16xf32>,
            %add3A_318 = arith.addf %get3A_309, %get3A_313 : vector<16xf32>
            %neg3A_319 = arith.constant 0.000000e+00 : f32
            %neg3A_320 = vector.broadcast %neg3A_319 : f32 to vector<16xf32>
            %neg3A_321 = arith.subf %neg3A_320, %add3A_318 : vector<16xf32>
            %exp3A_322 = math.exp %neg3A_321 : vector<16xf32>
            %add3A_323 = arith.constant 1.000000e+00 : f32
            %add3A_324 = vector.broadcast %add3A_323 : f32 to vector<16xf32>
            %add3A_325 = arith.addf %add3A_324, %exp3A_322 : vector<16xf32>
            %div3A_326 = arith.divf %get3A_317, %add3A_325 : vector<16xf32>
            %swap3A_327 = arith.index_cast %scan3A_259 : i32 to index
            %swap3A_328 = arith.constant 32 : index
            %swap3A_329 = tpu.vector_load %arg22[%swap3A_327, %swap3A_328] {strides = array<i32>} : memref<48x128xf32, #tpu.memory_space<vmem>>, vector<16xf32>,
            tpu.vector_store %arg22[%swap3A_327, %swap3A_328], %div3A_326 {strides = array<i32>} : memref<48x128xf32, #tpu.memory_space<vmem>>, vector<16xf32>,
            %get3A_330 = arith.index_cast %while3A_216 : i32 to index
            %get3A_331 = arith.index_cast %scan3A_259 : i32 to index
            %get3A_332 = arith.constant 48 : index
            %get3A_333 = tpu.vector_load %arg19[%get3A_330, %get3A_331, %get3A_332] {strides = array<i32>} : memref<2x48x128xf32, #tpu.memory_space<vmem>>, vector<16xf32>,
            %get3A_334 = arith.index_cast %while3A_216 : i32 to index
            %get3A_335 = arith.index_cast %scan3A_259 : i32 to index
            %get3A_336 = arith.constant 48 : index
            %get3A_337 = tpu.vector_load %arg20[%get3A_334, %get3A_335, %get3A_336] {strides = array<i32>} : memref<2x48x128xf32, #tpu.memory_space<vmem>>, vector<16xf32>,
            %get3A_338 = arith.index_cast %while3A_216 : i32 to index
            %get3A_339 = arith.index_cast %scan3A_259 : i32 to index
            %get3A_340 = arith.constant 48 : index
            %get3A_341 = tpu.vector_load %arg21[%get3A_338, %get3A_339, %get3A_340] {strides = array<i32>} : memref<2x48x128xf32, #tpu.memory_space<vmem>>, vector<16xf32>,
            %add3A_342 = arith.addf %get3A_333, %get3A_337 : vector<16xf32>
            %neg3A_343 = arith.constant 0.000000e+00 : f32
            %neg3A_344 = vector.broadcast %neg3A_343 : f32 to vector<16xf32>
            %neg3A_345 = arith.subf %neg3A_344, %add3A_342 : vector<16xf32>
            %exp3A_346 = math.exp %neg3A_345 : vector<16xf32>
            %add3A_347 = arith.constant 1.000000e+00 : f32
            %add3A_348 = vector.broadcast %add3A_347 : f32 to vector<16xf32>
            %add3A_349 = arith.addf %add3A_348, %exp3A_346 : vector<16xf32>
            %div3A_350 = arith.divf %get3A_341, %add3A_349 : vector<16xf32>
            %swap3A_351 = arith.index_cast %scan3A_259 : i32 to index
            %swap3A_352 = arith.constant 48 : index
            %swap3A_353 = tpu.vector_load %arg22[%swap3A_351, %swap3A_352] {strides = array<i32>} : memref<48x128xf32, #tpu.memory_space<vmem>>, vector<16xf32>,
            tpu.vector_store %arg22[%swap3A_351, %swap3A_352], %div3A_350 {strides = array<i32>} : memref<48x128xf32, #tpu.memory_space<vmem>>, vector<16xf32>,
            %get3A_354 = arith.index_cast %while3A_216 : i32 to index
            %get3A_355 = arith.index_cast %scan3A_259 : i32 to index
            %get3A_356 = arith.constant 64 : index
            %get3A_357 = tpu.vector_load %arg19[%get3A_354, %get3A_355, %get3A_356] {strides = array<i32>} : memref<2x48x128xf32, #tpu.memory_space<vmem>>, vector<16xf32>,
            %get3A_358 = arith.index_cast %while3A_216 : i32 to index
            %get3A_359 = arith.index_cast %scan3A_259 : i32 to index
            %get3A_360 = arith.constant 64 : index
            %get3A_361 = tpu.vector_load %arg20[%get3A_358, %get3A_359, %get3A_360] {strides = array<i32>} : memref<2x48x128xf32, #tpu.memory_space<vmem>>, vector<16xf32>,
            %get3A_362 = arith.index_cast %while3A_216 : i32 to index
            %get3A_363 = arith.index_cast %scan3A_259 : i32 to index
            %get3A_364 = arith.constant 64 : index
            %get3A_365 = tpu.vector_load %arg21[%get3A_362, %get3A_363, %get3A_364] {strides = array<i32>} : memref<2x48x128xf32, #tpu.memory_space<vmem>>, vector<16xf32>,
            %add3A_366 = arith.addf %get3A_357, %get3A_361 : vector<16xf32>
            %neg3A_367 = arith.constant 0.000000e+00 : f32
            %neg3A_368 = vector.broadcast %neg3A_367 : f32 to vector<16xf32>
            %neg3A_369 = arith.subf %neg3A_368, %add3A_366 : vector<16xf32>
            %exp3A_370 = math.exp %neg3A_369 : vector<16xf32>
            %add3A_371 = arith.constant 1.000000e+00 : f32
            %add3A_372 = vector.broadcast %add3A_371 : f32 to vector<16xf32>
            %add3A_373 = arith.addf %add3A_372, %exp3A_370 : vector<16xf32>
            %div3A_374 = arith.divf %get3A_365, %add3A_373 : vector<16xf32>
            %swap3A_375 = arith.index_cast %scan3A_259 : i32 to index
            %swap3A_376 = arith.constant 64 : index
            %swap3A_377 = tpu.vector_load %arg22[%swap3A_375, %swap3A_376] {strides = array<i32>} : memref<48x128xf32, #tpu.memory_space<vmem>>, vector<16xf32>,
            tpu.vector_store %arg22[%swap3A_375, %swap3A_376], %div3A_374 {strides = array<i32>} : memref<48x128xf32, #tpu.memory_space<vmem>>, vector<16xf32>,
            %get3A_378 = arith.index_cast %while3A_216 : i32 to index
            %get3A_379 = arith.index_cast %scan3A_259 : i32 to index
            %get3A_380 = arith.constant 80 : index
            %get3A_381 = tpu.vector_load %arg19[%get3A_378, %get3A_379, %get3A_380] {strides = array<i32>} : memref<2x48x128xf32, #tpu.memory_space<vmem>>, vector<16xf32>,
            %get3A_382 = arith.index_cast %while3A_216 : i32 to index
            %get3A_383 = arith.index_cast %scan3A_259 : i32 to index
            %get3A_384 = arith.constant 80 : index
            %get3A_385 = tpu.vector_load %arg20[%get3A_382, %get3A_383, %get3A_384] {strides = array<i32>} : memref<2x48x128xf32, #tpu.memory_space<vmem>>, vector<16xf32>,
            %get3A_386 = arith.index_cast %while3A_216 : i32 to index
            %get3A_387 = arith.index_cast %scan3A_259 : i32 to index
            %get3A_388 = arith.constant 80 : index
            %get3A_389 = tpu.vector_load %arg21[%get3A_386, %get3A_387, %get3A_388] {strides = array<i32>} : memref<2x48x128xf32, #tpu.memory_space<vmem>>, vector<16xf32>,
            %add3A_390 = arith.addf %get3A_381, %get3A_385 : vector<16xf32>
            %neg3A_391 = arith.constant 0.000000e+00 : f32
            %neg3A_392 = vector.broadcast %neg3A_391 : f32 to vector<16xf32>
            %neg3A_393 = arith.subf %neg3A_392, %add3A_390 : vector<16xf32>
            %exp3A_394 = math.exp %neg3A_393 : vector<16xf32>
            %add3A_395 = arith.constant 1.000000e+00 : f32
            %add3A_396 = vector.broadcast %add3A_395 : f32 to vector<16xf32>
            %add3A_397 = arith.addf %add3A_396, %exp3A_394 : vector<16xf32>
            %div3A_398 = arith.divf %get3A_389, %add3A_397 : vector<16xf32>
            %swap3A_399 = arith.index_cast %scan3A_259 : i32 to index
            %swap3A_400 = arith.constant 80 : index
            %swap3A_401 = tpu.vector_load %arg22[%swap3A_399, %swap3A_400] {strides = array<i32>} : memref<48x128xf32, #tpu.memory_space<vmem>>, vector<16xf32>,
            tpu.vector_store %arg22[%swap3A_399, %swap3A_400], %div3A_398 {strides = array<i32>} : memref<48x128xf32, #tpu.memory_space<vmem>>, vector<16xf32>,
            %get3A_402 = arith.index_cast %while3A_216 : i32 to index
            %get3A_403 = arith.index_cast %scan3A_259 : i32 to index
            %get3A_404 = arith.constant 96 : index
            %get3A_405 = tpu.vector_load %arg19[%get3A_402, %get3A_403, %get3A_404] {strides = array<i32>} : memref<2x48x128xf32, #tpu.memory_space<vmem>>, vector<16xf32>,
            %get3A_406 = arith.index_cast %while3A_216 : i32 to index
            %get3A_407 = arith.index_cast %scan3A_259 : i32 to index
            %get3A_408 = arith.constant 96 : index
            %get3A_409 = tpu.vector_load %arg20[%get3A_406, %get3A_407, %get3A_408] {strides = array<i32>} : memref<2x48x128xf32, #tpu.memory_space<vmem>>, vector<16xf32>,
            %get3A_410 = arith.index_cast %while3A_216 : i32 to index
            %get3A_411 = arith.index_cast %scan3A_259 : i32 to index
            %get3A_412 = arith.constant 96 : index
            %get3A_413 = tpu.vector_load %arg21[%get3A_410, %get3A_411, %get3A_412] {strides = array<i32>} : memref<2x48x128xf32, #tpu.memory_space<vmem>>, vector<16xf32>,
            %add3A_414 = arith.addf %get3A_405, %get3A_409 : vector<16xf32>
            %neg3A_415 = arith.constant 0.000000e+00 : f32
            %neg3A_416 = vector.broadcast %neg3A_415 : f32 to vector<16xf32>
            %neg3A_417 = arith.subf %neg3A_416, %add3A_414 : vector<16xf32>
            %exp3A_418 = math.exp %neg3A_417 : vector<16xf32>
            %add3A_419 = arith.constant 1.000000e+00 : f32
            %add3A_420 = vector.broadcast %add3A_419 : f32 to vector<16xf32>
            %add3A_421 = arith.addf %add3A_420, %exp3A_418 : vector<16xf32>
            %div3A_422 = arith.divf %get3A_413, %add3A_421 : vector<16xf32>
            %swap3A_423 = arith.index_cast %scan3A_259 : i32 to index
            %swap3A_424 = arith.constant 96 : index
            %swap3A_425 = tpu.vector_load %arg22[%swap3A_423, %swap3A_424] {strides = array<i32>} : memref<48x128xf32, #tpu.memory_space<vmem>>, vector<16xf32>,
            tpu.vector_store %arg22[%swap3A_423, %swap3A_424], %div3A_422 {strides = array<i32>} : memref<48x128xf32, #tpu.memory_space<vmem>>, vector<16xf32>,
            %get3A_426 = arith.index_cast %while3A_216 : i32 to index
            %get3A_427 = arith.index_cast %scan3A_259 : i32 to index
            %get3A_428 = arith.constant 112 : index
            %get3A_429 = tpu.vector_load %arg19[%get3A_426, %get3A_427, %get3A_428] {strides = array<i32>} : memref<2x48x128xf32, #tpu.memory_space<vmem>>, vector<16xf32>,
            %get3A_430 = arith.index_cast %while3A_216 : i32 to index
            %get3A_431 = arith.index_cast %scan3A_259 : i32 to index
            %get3A_432 = arith.constant 112 : index
            %get3A_433 = tpu.vector_load %arg20[%get3A_430, %get3A_431, %get3A_432] {strides = array<i32>} : memref<2x48x128xf32, #tpu.memory_space<vmem>>, vector<16xf32>,
            %get3A_434 = arith.index_cast %while3A_216 : i32 to index
            %get3A_435 = arith.index_cast %scan3A_259 : i32 to index
            %get3A_436 = arith.constant 112 : index
            %get3A_437 = tpu.vector_load %arg21[%get3A_434, %get3A_435, %get3A_436] {strides = array<i32>} : memref<2x48x128xf32, #tpu.memory_space<vmem>>, vector<16xf32>,
            %add3A_438 = arith.addf %get3A_429, %get3A_433 : vector<16xf32>
            %neg3A_439 = arith.constant 0.000000e+00 : f32
            %neg3A_440 = vector.broadcast %neg3A_439 : f32 to vector<16xf32>
            %neg3A_441 = arith.subf %neg3A_440, %add3A_438 : vector<16xf32>
            %exp3A_442 = math.exp %neg3A_441 : vector<16xf32>
            %add3A_443 = arith.constant 1.000000e+00 : f32
            %add3A_444 = vector.broadcast %add3A_443 : f32 to vector<16xf32>
            %add3A_445 = arith.addf %add3A_444, %exp3A_442 : vector<16xf32>
            %div3A_446 = arith.divf %get3A_437, %add3A_445 : vector<16xf32>
            %swap3A_447 = arith.index_cast %scan3A_259 : i32 to index
            %swap3A_448 = arith.constant 112 : index
            %swap3A_449 = tpu.vector_load %arg22[%swap3A_447, %swap3A_448] {strides = array<i32>} : memref<48x128xf32, #tpu.memory_space<vmem>>, vector<16xf32>,
            tpu.vector_store %arg22[%swap3A_447, %swap3A_448], %div3A_446 {strides = array<i32>} : memref<48x128xf32, #tpu.memory_space<vmem>>, vector<16xf32>,
          }
          %scan3A_258 = arith.constant 48 : i32
          "tpu.region"() ({
            %run_scoped3A = tpu.sem_alloc : memref<!tpu.dma_semaphore, #tpu.memory_space<semaphore_mem>>
            %dma_start3A_259 = arith.constant 0 : i32
            %dma_start3A_260 = arith.constant 0 : i32
            %dma_start3A_261 = tpu.memref_slice %arg21[%while3A_216, %dma_start3A_259, %dma_start3A_260] : memref<2x48x128xf32, #tpu.memory_space<vmem>> -> memref<1x48x128xf32, #tpu.memory_space<vmem>>
            %dma_start3A_262 = tpu.memref_squeeze %dma_start3A_261 : memref<1x48x128xf32, #tpu.memory_space<vmem>> -> memref<48x128xf32, #tpu.memory_space<vmem>>
            %dma_start3A_263 = arith.constant 0 : i32
            %dma_start3A_264 = tpu.memref_slice %arg18[%while3A_216, %dma_start3A_263] : memref<2x48xi32, #tpu.memory_space<vmem>> -> memref<1x48xi32, #tpu.memory_space<vmem>>
            %dma_start3A_265 = tpu.memref_squeeze %dma_start3A_264 : memref<1x48xi32, #tpu.memory_space<vmem>> -> memref<48xi32, #tpu.memory_space<vmem>>
            %dma_start3A_266 = arith.constant 0 : i32
            %dma_start3A_267 = arith.constant 0 : i32
            %dma_start3A_268 = tpu.memref_slice %arg10[%dma_start3A_266, %dma_start3A_267] : memref<3328x128xf32, #tpu.memory_space<vmem_shared>> -> memref<3328x128xf32, #tpu.memory_space<vmem_shared>>
            tpu.enqueue_indirect_dma source(%dma_start3A_262 : memref<48x128xf32, #tpu.memory_space<vmem>>) target(%dma_start3A_268 : memref<3328x128xf32, #tpu.memory_space<vmem_shared>>) offsets(%dma_start3A_265 : memref<48xi32, #tpu.memory_space<vmem>>) semaphore(%run_scoped3A : memref<!tpu.dma_semaphore, #tpu.memory_space<semaphore_mem>>) {add = true}
            %dma_wait3A_269 = arith.constant 0 : i32
            %dma_wait3A_270 = arith.constant 0 : i32
            %dma_wait3A_271 = tpu.memref_slice %arg21[%while3A_216, %dma_wait3A_269, %dma_wait3A_270] : memref<2x48x128xf32, #tpu.memory_space<vmem>> -> memref<1x48x128xf32, #tpu.memory_space<vmem>>
            %dma_wait3A_272 = tpu.memref_squeeze %dma_wait3A_271 : memref<1x48x128xf32, #tpu.memory_space<vmem>> -> memref<48x128xf32, #tpu.memory_space<vmem>>
            %dma_wait3A_273 = arith.constant 0 : i32
            %dma_wait3A_274 = tpu.memref_slice %arg18[%while3A_216, %dma_wait3A_273] : memref<2x48xi32, #tpu.memory_space<vmem>> -> memref<1x48xi32, #tpu.memory_space<vmem>>
            %dma_wait3A_275 = tpu.memref_squeeze %dma_wait3A_274 : memref<1x48xi32, #tpu.memory_space<vmem>> -> memref<48xi32, #tpu.memory_space<vmem>>
            %dma_wait3A_276 = arith.constant 0 : i32
            %dma_wait3A_277 = arith.constant 0 : i32
            %dma_wait3A_278 = tpu.memref_slice %arg10[%dma_wait3A_276, %dma_wait3A_277] : memref<3328x128xf32, #tpu.memory_space<vmem_shared>> -> memref<3328x128xf32, #tpu.memory_space<vmem_shared>>
            tpu.wait_indirect_dma semaphore(%run_scoped3A : memref<!tpu.dma_semaphore, #tpu.memory_space<semaphore_mem>>) src(%dma_wait3A_272 : memref<48x128xf32, #tpu.memory_space<vmem>>) dst(%dma_wait3A_278 : memref<3328x128xf32, #tpu.memory_space<vmem_shared>>)
            tpu.yield
          }) : () -> ()
          "tpu.region"() ({
            %run_scoped3A = tpu.sem_alloc : memref<!tpu.dma_semaphore, #tpu.memory_space<semaphore_mem>>
            %dma_start3A_259 = arith.constant 0 : i32
            %dma_start3A_260 = tpu.memref_slice %arg18[%while3A_216, %dma_start3A_259] : memref<2x48xi32, #tpu.memory_space<vmem>> -> memref<1x48xi32, #tpu.memory_space<vmem>>
            %dma_start3A_261 = tpu.memref_squeeze %dma_start3A_260 : memref<1x48xi32, #tpu.memory_space<vmem>> -> memref<48xi32, #tpu.memory_space<vmem>>
            %dma_start3A_262 = arith.constant 0 : i32
            %dma_start3A_263 = arith.constant 0 : i32
            %dma_start3A_264 = tpu.memref_slice %arg11[%dma_start3A_262, %dma_start3A_263] : memref<3328x128xf32, #tpu.memory_space<vmem_shared>> -> memref<3328x128xf32, #tpu.memory_space<vmem_shared>>
            tpu.enqueue_indirect_dma source(%arg22 : memref<48x128xf32, #tpu.memory_space<vmem>>) target(%dma_start3A_264 : memref<3328x128xf32, #tpu.memory_space<vmem_shared>>) offsets(%dma_start3A_261 : memref<48xi32, #tpu.memory_space<vmem>>) semaphore(%run_scoped3A : memref<!tpu.dma_semaphore, #tpu.memory_space<semaphore_mem>>) {add = true}
            %dma_wait3A_265 = arith.constant 0 : i32
            %dma_wait3A_266 = tpu.memref_slice %arg18[%while3A_216, %dma_wait3A_265] : memref<2x48xi32, #tpu.memory_space<vmem>> -> memref<1x48xi32, #tpu.memory_space<vmem>>
            %dma_wait3A_267 = tpu.memref_squeeze %dma_wait3A_266 : memref<1x48xi32, #tpu.memory_space<vmem>> -> memref<48xi32, #tpu.memory_space<vmem>>
            %dma_wait3A_268 = arith.constant 0 : i32
            %dma_wait3A_269 = arith.constant 0 : i32
            %dma_wait3A_270 = tpu.memref_slice %arg11[%dma_wait3A_268, %dma_wait3A_269] : memref<3328x128xf32, #tpu.memory_space<vmem_shared>> -> memref<3328x128xf32, #tpu.memory_space<vmem_shared>>
            tpu.wait_indirect_dma semaphore(%run_scoped3A : memref<!tpu.dma_semaphore, #tpu.memory_space<semaphore_mem>>) src(%arg22 : memref<48x128xf32, #tpu.memory_space<vmem>>) dst(%dma_wait3A_270 : memref<3328x128xf32, #tpu.memory_space<vmem_shared>>)
            tpu.yield
          }) : () -> ()
          scf.yield %sub3A_218 : i32
        }
      } else {
      }
      %barrier3A_95 = arith.constant 0 : index
      tpu.barrier barrier_id(%barrier3A_95)
      %mul3A_96 = arith.constant 200 : i32
      %mul3A_97 = arith.muli %arg1, %mul3A_96 : i32
      %mul3A_98 = arith.constant 200 : i32
      %mul3A_99 = arith.muli %arg1, %mul3A_98 : i32
      %add3A_100 = arith.addi %mul3A_10, %mul3A_99 : i32
      "tpu.region"() ({
        %run_scoped3A = tpu.sem_alloc : memref<!tpu.dma_semaphore, #tpu.memory_space<semaphore_mem>>
        %dma_start3A_107 = arith.constant 0 : i32
        %dma_start3A_108 = tpu.memref_slice %arg8[%add3A_100, %dma_start3A_107] : memref<320000x128xf32, #tpu.memory_space<hbm>> -> memref<200x128xf32, #tpu.memory_space<hbm>>
        %dma_start3A_109 = arith.constant 0 : i32
        %dma_start3A_110 = tpu.memref_slice %arg10[%mul3A_97, %dma_start3A_109] : memref<3328x128xf32, #tpu.memory_space<vmem_shared>> -> memref<200x128xf32, #tpu.memory_space<vmem_shared>>
        tpu.enqueue_dma source(%dma_start3A_110 : memref<200x128xf32, #tpu.memory_space<vmem_shared>>) target(%dma_start3A_108 : memref<200x128xf32, #tpu.memory_space<hbm>>) target_semaphore(%run_scoped3A : memref<!tpu.dma_semaphore, #tpu.memory_space<semaphore_mem>>)
        %dma_wait3A = arith.constant 0 : i32
        %dma_wait3A_111 = tpu.memref_slice %arg8[%add3A_100, %dma_wait3A] : memref<320000x128xf32, #tpu.memory_space<hbm>> -> memref<200x128xf32, #tpu.memory_space<hbm>>
        %dma_wait3A_112 = arith.constant 0 : i32
        %dma_wait3A_113 = tpu.memref_slice %arg10[%mul3A_97, %dma_wait3A_112] : memref<3328x128xf32, #tpu.memory_space<vmem_shared>> -> memref<200x128xf32, #tpu.memory_space<vmem_shared>>
        tpu.wait_dma2 semaphore(%run_scoped3A : memref<!tpu.dma_semaphore, #tpu.memory_space<semaphore_mem>>) src(%dma_wait3A_113 : memref<200x128xf32, #tpu.memory_space<vmem_shared>>) dst(%dma_wait3A_111 : memref<200x128xf32, #tpu.memory_space<hbm>>)
        tpu.yield
      }) : () -> ()
      %mul3A_101 = arith.constant 200 : i32
      %mul3A_102 = arith.muli %arg1, %mul3A_101 : i32
      %mul3A_103 = arith.constant 200 : i32
      %mul3A_104 = arith.muli %arg1, %mul3A_103 : i32
      %add3A_105 = arith.addi %mul3A_10, %mul3A_104 : i32
      "tpu.region"() ({
        %run_scoped3A = tpu.sem_alloc : memref<!tpu.dma_semaphore, #tpu.memory_space<semaphore_mem>>
        %dma_start3A_107 = arith.constant 0 : i32
        %dma_start3A_108 = tpu.memref_slice %arg9[%add3A_105, %dma_start3A_107] : memref<320000x128xf32, #tpu.memory_space<hbm>> -> memref<200x128xf32, #tpu.memory_space<hbm>>
        %dma_start3A_109 = arith.constant 0 : i32
        %dma_start3A_110 = tpu.memref_slice %arg11[%mul3A_102, %dma_start3A_109] : memref<3328x128xf32, #tpu.memory_space<vmem_shared>> -> memref<200x128xf32, #tpu.memory_space<vmem_shared>>
        tpu.enqueue_dma source(%dma_start3A_110 : memref<200x128xf32, #tpu.memory_space<vmem_shared>>) target(%dma_start3A_108 : memref<200x128xf32, #tpu.memory_space<hbm>>) target_semaphore(%run_scoped3A : memref<!tpu.dma_semaphore, #tpu.memory_space<semaphore_mem>>)
        %dma_wait3A = arith.constant 0 : i32
        %dma_wait3A_111 = tpu.memref_slice %arg9[%add3A_105, %dma_wait3A] : memref<320000x128xf32, #tpu.memory_space<hbm>> -> memref<200x128xf32, #tpu.memory_space<hbm>>
        %dma_wait3A_112 = arith.constant 0 : i32
        %dma_wait3A_113 = tpu.memref_slice %arg11[%mul3A_102, %dma_wait3A_112] : memref<3328x128xf32, #tpu.memory_space<vmem_shared>> -> memref<200x128xf32, #tpu.memory_space<vmem_shared>>
        tpu.wait_dma2 semaphore(%run_scoped3A : memref<!tpu.dma_semaphore, #tpu.memory_space<semaphore_mem>>) src(%dma_wait3A_113 : memref<200x128xf32, #tpu.memory_space<vmem_shared>>) dst(%dma_wait3A_111 : memref<200x128xf32, #tpu.memory_space<hbm>>)
        tpu.yield
      }) : () -> ()
      %barrier3A_106 = arith.constant 0 : index
      tpu.barrier barrier_id(%barrier3A_106)
    }
    %scan3A_5 = arith.constant 50 : i32
    return
  }
}

#map = affine_map<(d0, d1) -> (0, 0)>
#map1 = affine_map<(d0, d1) -> (0)>
module attributes {stable_mosaic.version = 14 : i64} {
  func.func @_sc_gather(%arg0: i32, %arg1: i32, %arg2: memref<10000x128xf32, #tpu.memory_space<hbm>>, %arg3: memref<320000xi32, #tpu.memory_space<hbm>>, %arg4: memref<320000x128xf32, #tpu.memory_space<hbm>>, %arg5: memref<1000xi32, #tpu.memory_space<vmem>>, %arg6: memref<1000x128xf32, #tpu.memory_space<vmem>>, %arg7: memref<!tpu.dma_semaphore, #tpu.memory_space<semaphore_mem>>) attributes {dimension_semantics = [#tpu.dimension_semantics<core_parallel>, #tpu.dimension_semantics<subcore_parallel>], iteration_bounds = array<i64: 2, 16>, scalar_prefetch = 0 : i64, scratch_operands = 3 : i64, tpu.core_type = #tpu.core_type<sc_vector_subcore>, window_params = [{transform_indices = #map}, {transform_indices = #map1}, {transform_indices = #map}]} {
    %mul3A = arith.constant 2 : i32
    %mul3A_0 = arith.muli %arg1, %mul3A : i32
    %add3A = arith.addi %mul3A_0, %arg0 : i32
    %mul3A_1 = arith.constant 10000 : i32
    %mul3A_2 = arith.muli %add3A, %mul3A_1 : i32
    %scan3A = arith.constant 0 : i32
    %scan3A_3 = arith.constant 0 : i32
    %scan3A_4 = arith.constant 10 : i32
    %scan3A_5 = arith.addi %scan3A_3, %scan3A_4 : i32
    %scan3A_6 = arith.constant 1 : i32
    scf.for %scan3A_8 = %scan3A_3 to %scan3A_5 step %scan3A_6  : i32 {
      %mul3A_9 = arith.constant 1000 : i32
      %mul3A_10 = arith.muli %scan3A_8, %mul3A_9 : i32
      %add3A_11 = arith.addi %mul3A_2, %mul3A_10 : i32
      "tpu.region"() ({
        %run_scoped3A = tpu.sem_alloc : memref<!tpu.dma_semaphore, #tpu.memory_space<semaphore_mem>>
        %dma_start3A_16 = tpu.memref_slice %arg3[%add3A_11] : memref<320000xi32, #tpu.memory_space<hbm>> -> memref<1000xi32, #tpu.memory_space<hbm>>
        %dma_start3A_17 = tpu.memref_slice %arg3[%add3A_11] : memref<320000xi32, #tpu.memory_space<hbm>> -> memref<1000xi32, #tpu.memory_space<hbm>>
        tpu.enqueue_dma source(%dma_start3A_17 : memref<1000xi32, #tpu.memory_space<hbm>>) target(%arg5 : memref<1000xi32, #tpu.memory_space<vmem>>) target_semaphore(%run_scoped3A : memref<!tpu.dma_semaphore, #tpu.memory_space<semaphore_mem>>)
        %dma_wait3A_18 = tpu.memref_slice %arg3[%add3A_11] : memref<320000xi32, #tpu.memory_space<hbm>> -> memref<1000xi32, #tpu.memory_space<hbm>>
        %dma_wait3A_19 = tpu.memref_slice %arg3[%add3A_11] : memref<320000xi32, #tpu.memory_space<hbm>> -> memref<1000xi32, #tpu.memory_space<hbm>>
        tpu.wait_dma2 semaphore(%run_scoped3A : memref<!tpu.dma_semaphore, #tpu.memory_space<semaphore_mem>>) src(%dma_wait3A_19 : memref<1000xi32, #tpu.memory_space<hbm>>) dst(%arg5 : memref<1000xi32, #tpu.memory_space<vmem>>)
        tpu.yield
      }) : () -> ()
      %dma_start3A = arith.constant 0 : i32
      %dma_start3A_12 = arith.constant 0 : i32
      %dma_start3A_13 = tpu.memref_slice %arg2[%dma_start3A, %dma_start3A_12] : memref<10000x128xf32, #tpu.memory_space<hbm>> -> memref<10000x128xf32, #tpu.memory_space<hbm>>
      tpu.enqueue_indirect_dma source(%dma_start3A_13 : memref<10000x128xf32, #tpu.memory_space<hbm>>) target(%arg6 : memref<1000x128xf32, #tpu.memory_space<vmem>>) offsets(%arg5 : memref<1000xi32, #tpu.memory_space<vmem>>) semaphore(%arg7 : memref<!tpu.dma_semaphore, #tpu.memory_space<semaphore_mem>>)
      %dma_wait3A = arith.constant 0 : i32
      %dma_wait3A_14 = arith.constant 0 : i32
      %dma_wait3A_15 = tpu.memref_slice %arg2[%dma_wait3A, %dma_wait3A_14] : memref<10000x128xf32, #tpu.memory_space<hbm>> -> memref<10000x128xf32, #tpu.memory_space<hbm>>
      tpu.wait_indirect_dma semaphore(%arg7 : memref<!tpu.dma_semaphore, #tpu.memory_space<semaphore_mem>>) src(%dma_wait3A_15 : memref<10000x128xf32, #tpu.memory_space<hbm>>) dst(%arg6 : memref<1000x128xf32, #tpu.memory_space<vmem>>)
      "tpu.region"() ({
        %run_scoped3A = tpu.sem_alloc : memref<!tpu.dma_semaphore, #tpu.memory_space<semaphore_mem>>
        %dma_start3A_16 = arith.constant 0 : i32
        %dma_start3A_17 = tpu.memref_slice %arg4[%add3A_11, %dma_start3A_16] : memref<320000x128xf32, #tpu.memory_space<hbm>> -> memref<1000x128xf32, #tpu.memory_space<hbm>>
        %dma_start3A_18 = arith.constant 0 : i32
        %dma_start3A_19 = tpu.memref_slice %arg4[%add3A_11, %dma_start3A_18] : memref<320000x128xf32, #tpu.memory_space<hbm>> -> memref<1000x128xf32, #tpu.memory_space<hbm>>
        tpu.enqueue_dma source(%arg6 : memref<1000x128xf32, #tpu.memory_space<vmem>>) target(%dma_start3A_19 : memref<1000x128xf32, #tpu.memory_space<hbm>>) target_semaphore(%run_scoped3A : memref<!tpu.dma_semaphore, #tpu.memory_space<semaphore_mem>>)
        %dma_wait3A_20 = arith.constant 0 : i32
        %dma_wait3A_21 = tpu.memref_slice %arg4[%add3A_11, %dma_wait3A_20] : memref<320000x128xf32, #tpu.memory_space<hbm>> -> memref<1000x128xf32, #tpu.memory_space<hbm>>
        %dma_wait3A_22 = arith.constant 0 : i32
        %dma_wait3A_23 = tpu.memref_slice %arg4[%add3A_11, %dma_wait3A_22] : memref<320000x128xf32, #tpu.memory_space<hbm>> -> memref<1000x128xf32, #tpu.memory_space<hbm>>
        tpu.wait_dma2 semaphore(%run_scoped3A : memref<!tpu.dma_semaphore, #tpu.memory_space<semaphore_mem>>) src(%arg6 : memref<1000x128xf32, #tpu.memory_space<vmem>>) dst(%dma_wait3A_23 : memref<1000x128xf32, #tpu.memory_space<hbm>>)
        tpu.yield
      }) : () -> ()
    }
    %scan3A_7 = arith.constant 10 : i32
    return
  }
}

#map = affine_map<(d0, d1) -> (0, 0)>
#map1 = affine_map<(d0, d1) -> (0)>
#map2 = affine_map<(d0, d1) -> (0, 0, 0)>
module attributes {stable_mosaic.version = 14 : i64} {
  func.func @_sc_scatter_mj(%arg0: i32, %arg1: i32, %arg2: memref<320000x128xf32, #tpu.memory_space<hbm>>, %arg3: memref<320000xi32, #tpu.memory_space<hbm>>, %arg4: memref<10240x128xf32, #tpu.memory_space<hbm>>, %arg5: memref<2x10240x128xf32, #tpu.memory_space<hbm>>, %arg6: memref<10240x128xf32, #tpu.memory_space<vmem_shared>>, %arg7: memref<200xi32, #tpu.memory_space<vmem>>, %arg8: memref<200x128xf32, #tpu.memory_space<vmem>>) attributes {dimension_semantics = [#tpu.dimension_semantics<core_parallel>, #tpu.dimension_semantics<subcore_parallel>], iteration_bounds = array<i64: 2, 16>, scalar_prefetch = 0 : i64, scratch_operands = 3 : i64, tpu.core_type = #tpu.core_type<sc_vector_subcore>, window_params = [{transform_indices = #map}, {transform_indices = #map1}, {transform_indices = #map}, {transform_indices = #map2}]} {
    %mul3A = arith.constant 2 : i32
    %mul3A_0 = arith.muli %arg1, %mul3A : i32
    %add3A = arith.addi %mul3A_0, %arg0 : i32
    %mul3A_1 = arith.constant 10000 : i32
    %mul3A_2 = arith.muli %add3A, %mul3A_1 : i32
    %mul3A_3 = arith.constant 640 : i32
    %mul3A_4 = arith.muli %arg1, %mul3A_3 : i32
    "tpu.region"() ({
      %run_scoped3A = tpu.sem_alloc : memref<!tpu.dma_semaphore, #tpu.memory_space<semaphore_mem>>
      %dma_start3A = arith.constant 0 : i32
      %dma_start3A_11 = tpu.memref_slice %arg6[%mul3A_4, %dma_start3A] : memref<10240x128xf32, #tpu.memory_space<vmem_shared>> -> memref<640x128xf32, #tpu.memory_space<vmem_shared>>
      %dma_start3A_12 = arith.constant 0 : i32
      %dma_start3A_13 = tpu.memref_slice %arg4[%mul3A_4, %dma_start3A_12] : memref<10240x128xf32, #tpu.memory_space<hbm>> -> memref<640x128xf32, #tpu.memory_space<hbm>>
      tpu.enqueue_dma source(%dma_start3A_13 : memref<640x128xf32, #tpu.memory_space<hbm>>) target(%dma_start3A_11 : memref<640x128xf32, #tpu.memory_space<vmem_shared>>) target_semaphore(%run_scoped3A : memref<!tpu.dma_semaphore, #tpu.memory_space<semaphore_mem>>)
      %dma_wait3A = arith.constant 0 : i32
      %dma_wait3A_14 = tpu.memref_slice %arg6[%mul3A_4, %dma_wait3A] : memref<10240x128xf32, #tpu.memory_space<vmem_shared>> -> memref<640x128xf32, #tpu.memory_space<vmem_shared>>
      %dma_wait3A_15 = arith.constant 0 : i32
      %dma_wait3A_16 = tpu.memref_slice %arg4[%mul3A_4, %dma_wait3A_15] : memref<10240x128xf32, #tpu.memory_space<hbm>> -> memref<640x128xf32, #tpu.memory_space<hbm>>
      tpu.wait_dma2 semaphore(%run_scoped3A : memref<!tpu.dma_semaphore, #tpu.memory_space<semaphore_mem>>) src(%dma_wait3A_16 : memref<640x128xf32, #tpu.memory_space<hbm>>) dst(%dma_wait3A_14 : memref<640x128xf32, #tpu.memory_space<vmem_shared>>)
      tpu.yield
    }) : () -> ()
    %barrier3A = arith.constant 0 : index
    tpu.barrier barrier_id(%barrier3A)
    %scan3A = arith.constant 0 : i32
    %scan3A_5 = arith.constant 0 : i32
    %scan3A_6 = arith.constant 50 : i32
    %scan3A_7 = arith.addi %scan3A_5, %scan3A_6 : i32
    %scan3A_8 = arith.constant 1 : i32
    scf.for %scan3A_11 = %scan3A_5 to %scan3A_7 step %scan3A_8  : i32 {
      %mul3A_12 = arith.constant 200 : i32
      %mul3A_13 = arith.muli %scan3A_11, %mul3A_12 : i32
      %add3A_14 = arith.addi %mul3A_2, %mul3A_13 : i32
      "tpu.region"() ({
        %run_scoped3A = tpu.sem_alloc : memref<!tpu.dma_semaphore, #tpu.memory_space<semaphore_mem>>
        %dma_start3A = tpu.memref_slice %arg3[%add3A_14] : memref<320000xi32, #tpu.memory_space<hbm>> -> memref<200xi32, #tpu.memory_space<hbm>>
        %dma_start3A_15 = tpu.memref_slice %arg3[%add3A_14] : memref<320000xi32, #tpu.memory_space<hbm>> -> memref<200xi32, #tpu.memory_space<hbm>>
        tpu.enqueue_dma source(%dma_start3A_15 : memref<200xi32, #tpu.memory_space<hbm>>) target(%arg7 : memref<200xi32, #tpu.memory_space<vmem>>) target_semaphore(%run_scoped3A : memref<!tpu.dma_semaphore, #tpu.memory_space<semaphore_mem>>)
        %dma_wait3A = tpu.memref_slice %arg3[%add3A_14] : memref<320000xi32, #tpu.memory_space<hbm>> -> memref<200xi32, #tpu.memory_space<hbm>>
        %dma_wait3A_16 = tpu.memref_slice %arg3[%add3A_14] : memref<320000xi32, #tpu.memory_space<hbm>> -> memref<200xi32, #tpu.memory_space<hbm>>
        tpu.wait_dma2 semaphore(%run_scoped3A : memref<!tpu.dma_semaphore, #tpu.memory_space<semaphore_mem>>) src(%dma_wait3A_16 : memref<200xi32, #tpu.memory_space<hbm>>) dst(%arg7 : memref<200xi32, #tpu.memory_space<vmem>>)
        tpu.yield
      }) : () -> ()
      "tpu.region"() ({
        %run_scoped3A = tpu.sem_alloc : memref<!tpu.dma_semaphore, #tpu.memory_space<semaphore_mem>>
        %dma_start3A = arith.constant 0 : i32
        %dma_start3A_15 = tpu.memref_slice %arg2[%add3A_14, %dma_start3A] : memref<320000x128xf32, #tpu.memory_space<hbm>> -> memref<200x128xf32, #tpu.memory_space<hbm>>
        %dma_start3A_16 = arith.constant 0 : i32
        %dma_start3A_17 = tpu.memref_slice %arg2[%add3A_14, %dma_start3A_16] : memref<320000x128xf32, #tpu.memory_space<hbm>> -> memref<200x128xf32, #tpu.memory_space<hbm>>
        tpu.enqueue_dma source(%dma_start3A_17 : memref<200x128xf32, #tpu.memory_space<hbm>>) target(%arg8 : memref<200x128xf32, #tpu.memory_space<vmem>>) target_semaphore(%run_scoped3A : memref<!tpu.dma_semaphore, #tpu.memory_space<semaphore_mem>>)
        %dma_wait3A = arith.constant 0 : i32
        %dma_wait3A_18 = tpu.memref_slice %arg2[%add3A_14, %dma_wait3A] : memref<320000x128xf32, #tpu.memory_space<hbm>> -> memref<200x128xf32, #tpu.memory_space<hbm>>
        %dma_wait3A_19 = arith.constant 0 : i32
        %dma_wait3A_20 = tpu.memref_slice %arg2[%add3A_14, %dma_wait3A_19] : memref<320000x128xf32, #tpu.memory_space<hbm>> -> memref<200x128xf32, #tpu.memory_space<hbm>>
        tpu.wait_dma2 semaphore(%run_scoped3A : memref<!tpu.dma_semaphore, #tpu.memory_space<semaphore_mem>>) src(%dma_wait3A_20 : memref<200x128xf32, #tpu.memory_space<hbm>>) dst(%arg8 : memref<200x128xf32, #tpu.memory_space<vmem>>)
        tpu.yield
      }) : () -> ()
      "tpu.region"() ({
        %run_scoped3A = tpu.sem_alloc : memref<!tpu.dma_semaphore, #tpu.memory_space<semaphore_mem>>
        %dma_start3A = arith.constant 0 : i32
        %dma_start3A_15 = arith.constant 0 : i32
        %dma_start3A_16 = tpu.memref_slice %arg6[%dma_start3A, %dma_start3A_15] : memref<10240x128xf32, #tpu.memory_space<vmem_shared>> -> memref<10240x128xf32, #tpu.memory_space<vmem_shared>>
        tpu.enqueue_indirect_dma source(%arg8 : memref<200x128xf32, #tpu.memory_space<vmem>>) target(%dma_start3A_16 : memref<10240x128xf32, #tpu.memory_space<vmem_shared>>) offsets(%arg7 : memref<200xi32, #tpu.memory_space<vmem>>) semaphore(%run_scoped3A : memref<!tpu.dma_semaphore, #tpu.memory_space<semaphore_mem>>) {add = true}
        %dma_wait3A = arith.constant 0 : i32
        %dma_wait3A_17 = arith.constant 0 : i32
        %dma_wait3A_18 = tpu.memref_slice %arg6[%dma_wait3A, %dma_wait3A_17] : memref<10240x128xf32, #tpu.memory_space<vmem_shared>> -> memref<10240x128xf32, #tpu.memory_space<vmem_shared>>
        tpu.wait_indirect_dma semaphore(%run_scoped3A : memref<!tpu.dma_semaphore, #tpu.memory_space<semaphore_mem>>) src(%arg8 : memref<200x128xf32, #tpu.memory_space<vmem>>) dst(%dma_wait3A_18 : memref<10240x128xf32, #tpu.memory_space<vmem_shared>>)
        tpu.yield
      }) : () -> ()
    }
    %scan3A_9 = arith.constant 50 : i32
    %barrier3A_10 = arith.constant 0 : index
    tpu.barrier barrier_id(%barrier3A_10)
    "tpu.region"() ({
      %run_scoped3A = tpu.sem_alloc : memref<!tpu.dma_semaphore, #tpu.memory_space<semaphore_mem>>
      %dma_start3A = arith.constant 0 : i32
      %dma_start3A_11 = tpu.memref_slice %arg5[%arg0, %mul3A_4, %dma_start3A] : memref<2x10240x128xf32, #tpu.memory_space<hbm>> -> memref<1x640x128xf32, #tpu.memory_space<hbm>>
      %dma_start3A_12 = tpu.memref_squeeze %dma_start3A_11 : memref<1x640x128xf32, #tpu.memory_space<hbm>> -> memref<640x128xf32, #tpu.memory_space<hbm>>
      %dma_start3A_13 = arith.constant 0 : i32
      %dma_start3A_14 = tpu.memref_slice %arg6[%mul3A_4, %dma_start3A_13] : memref<10240x128xf32, #tpu.memory_space<vmem_shared>> -> memref<640x128xf32, #tpu.memory_space<vmem_shared>>
      tpu.enqueue_dma source(%dma_start3A_14 : memref<640x128xf32, #tpu.memory_space<vmem_shared>>) target(%dma_start3A_12 : memref<640x128xf32, #tpu.memory_space<hbm>>) target_semaphore(%run_scoped3A : memref<!tpu.dma_semaphore, #tpu.memory_space<semaphore_mem>>)
      %dma_wait3A = arith.constant 0 : i32
      %dma_wait3A_15 = tpu.memref_slice %arg5[%arg0, %mul3A_4, %dma_wait3A] : memref<2x10240x128xf32, #tpu.memory_space<hbm>> -> memref<1x640x128xf32, #tpu.memory_space<hbm>>
      %dma_wait3A_16 = tpu.memref_squeeze %dma_wait3A_15 : memref<1x640x128xf32, #tpu.memory_space<hbm>> -> memref<640x128xf32, #tpu.memory_space<hbm>>
      %dma_wait3A_17 = arith.constant 0 : i32
      %dma_wait3A_18 = tpu.memref_slice %arg6[%mul3A_4, %dma_wait3A_17] : memref<10240x128xf32, #tpu.memory_space<vmem_shared>> -> memref<640x128xf32, #tpu.memory_space<vmem_shared>>
      tpu.wait_dma2 semaphore(%run_scoped3A : memref<!tpu.dma_semaphore, #tpu.memory_space<semaphore_mem>>) src(%dma_wait3A_18 : memref<640x128xf32, #tpu.memory_space<vmem_shared>>) dst(%dma_wait3A_16 : memref<640x128xf32, #tpu.memory_space<hbm>>)
      tpu.yield
    }) : () -> ()
    return
  }
}

module attributes {stable_mosaic.version = 14 : i64} {
  func.func @_tc2_body(%arg0: i32, %arg1: memref<2000x128xf32, #tpu.memory_space<vmem>>, %arg2: memref<2000x128xf32, #tpu.memory_space<vmem>>, %arg3: memref<2000x128xf32, #tpu.memory_space<vmem>>, %arg4: memref<128x384xf32, #tpu.memory_space<vmem>>, %arg5: memref<128x384xf32, #tpu.memory_space<vmem>>, %arg6: memref<1x384xf32, #tpu.memory_space<vmem>>, %arg7: memref<128x128xf32, #tpu.memory_space<vmem>>, %arg8: memref<2000x128xf32, #tpu.memory_space<vmem>>, %arg9: memref<2000x128xf32, #tpu.memory_space<vmem>>, %arg10: memref<2000x128xf32, #tpu.memory_space<vmem>>, %arg11: memref<2000x128xf32, #tpu.memory_space<vmem>>) attributes {dimension_semantics = [#tpu.dimension_semantics<arbitrary>], iteration_bounds = array<i64: 160>, scalar_prefetch = 0 : i64, scratch_operands = 0 : i64, tpu.core_type = #tpu.core_type<tc>, window_params = [{transform_indices = @transform_0, window_bounds = array<i64: 2000, 128>}, {transform_indices = @transform_1, window_bounds = array<i64: 2000, 128>}, {transform_indices = @transform_2, window_bounds = array<i64: 2000, 128>}, {pipeline_mode = #tpu.pipeline_mode<synchronous>, transform_indices = @transform_3, window_bounds = array<i64: 128, 384>}, {pipeline_mode = #tpu.pipeline_mode<synchronous>, transform_indices = @transform_4, window_bounds = array<i64: 128, 384>}, {pipeline_mode = #tpu.pipeline_mode<synchronous>, transform_indices = @transform_5, window_bounds = array<i64: 1, 384>}, {pipeline_mode = #tpu.pipeline_mode<synchronous>, transform_indices = @transform_6, window_bounds = array<i64: 128, 128>}, {transform_indices = @transform_7, window_bounds = array<i64: 2000, 128>}, {transform_indices = @transform_8, window_bounds = array<i64: 2000, 128>}, {transform_indices = @transform_9, window_bounds = array<i64: 2000, 128>}, {transform_indices = @transform_10, window_bounds = array<i64: 2000, 128>}]} {
    %get3A = arith.constant 0 : index
    %get3A_0 = arith.constant 0 : index
    %get3A_1 = vector.load %arg1[%get3A, %get3A_0] : memref<2000x128xf32, #tpu.memory_space<vmem>>, vector<2000x128xf32>
    %get3A_2 = arith.constant 0 : index
    %get3A_3 = arith.constant 0 : index
    %get3A_4 = vector.load %arg4[%get3A_2, %get3A_3] : memref<128x384xf32, #tpu.memory_space<vmem>>, vector<128x384xf32>
    %dot_general3A = arith.constant dense<0.000000e+00> : vector<2000x384xf32>
    %dot_general3A_5 = tpu.matmul %get3A_1, %get3A_4, %dot_general3A {dimension_numbers = #tpu.dot_dimension_numbers<[1], [0], [0], [1], [0, 0, 1, 1], [], []>, transpose_lhs_hint = false} : vector<2000x128xf32>, vector<128x384xf32>, vector<2000x384xf32> -> vector<2000x384xf32>
    %get3A_6 = arith.constant 0 : index
    %get3A_7 = arith.constant 0 : index
    %get3A_8 = vector.load %arg2[%get3A_6, %get3A_7] : memref<2000x128xf32, #tpu.memory_space<vmem>>, vector<2000x128xf32>
    %get3A_9 = arith.constant 0 : index
    %get3A_10 = arith.constant 0 : index
    %get3A_11 = vector.load %arg5[%get3A_9, %get3A_10] : memref<128x384xf32, #tpu.memory_space<vmem>>, vector<128x384xf32>
    %dot_general3A_12 = arith.constant dense<0.000000e+00> : vector<2000x384xf32>
    %dot_general3A_13 = tpu.matmul %get3A_8, %get3A_11, %dot_general3A_12 {dimension_numbers = #tpu.dot_dimension_numbers<[1], [0], [0], [1], [0, 0, 1, 1], [], []>, transpose_lhs_hint = false} : vector<2000x128xf32>, vector<128x384xf32>, vector<2000x384xf32> -> vector<2000x384xf32>
    %add3A = arith.addf %dot_general3A_5, %dot_general3A_13 : vector<2000x384xf32>
    %get3A_14 = arith.constant 0 : index
    %get3A_15 = arith.constant 0 : index
    %get3A_16 = vector.load %arg6[%get3A_14, %get3A_15] : memref<1x384xf32, #tpu.memory_space<vmem>>, vector<1x384xf32>
    %add3A_17 = vector.broadcast %get3A_16 : vector<1x384xf32> to vector<2000x384xf32>
    %add3A_18 = arith.addf %add3A, %add3A_17 : vector<2000x384xf32>
    %slice3A = vector.extract_strided_slice %add3A_18 {offsets = [0, 0], sizes = [2000, 128], strides = [1, 1]} : vector<2000x384xf32> to vector<2000x128xf32>
    %swap3A = arith.constant 0 : index
    %swap3A_19 = arith.constant 0 : index
    %swap3A_20 = vector.load %arg8[%swap3A, %swap3A_19] : memref<2000x128xf32, #tpu.memory_space<vmem>>, vector<2000x128xf32>
    tpu.vector_store %arg8[%swap3A, %swap3A_19], %slice3A {strides = array<i32>} : memref<2000x128xf32, #tpu.memory_space<vmem>>, vector<2000x128xf32>,
    %slice3A_21 = vector.extract_strided_slice %add3A_18 {offsets = [0, 128], sizes = [2000, 128], strides = [1, 1]} : vector<2000x384xf32> to vector<2000x128xf32>
    %swap3A_22 = arith.constant 0 : index
    %swap3A_23 = arith.constant 0 : index
    %swap3A_24 = vector.load %arg9[%swap3A_22, %swap3A_23] : memref<2000x128xf32, #tpu.memory_space<vmem>>, vector<2000x128xf32>
    tpu.vector_store %arg9[%swap3A_22, %swap3A_23], %slice3A_21 {strides = array<i32>} : memref<2000x128xf32, #tpu.memory_space<vmem>>, vector<2000x128xf32>,
    %slice3A_25 = vector.extract_strided_slice %add3A_18 {offsets = [0, 256], sizes = [2000, 128], strides = [1, 1]} : vector<2000x384xf32> to vector<2000x128xf32>
    %swap3A_26 = arith.constant 0 : index
    %swap3A_27 = arith.constant 0 : index
    %swap3A_28 = vector.load %arg10[%swap3A_26, %swap3A_27] : memref<2000x128xf32, #tpu.memory_space<vmem>>, vector<2000x128xf32>
    tpu.vector_store %arg10[%swap3A_26, %swap3A_27], %slice3A_25 {strides = array<i32>} : memref<2000x128xf32, #tpu.memory_space<vmem>>, vector<2000x128xf32>,
    %get3A_29 = arith.constant 0 : index
    %get3A_30 = arith.constant 0 : index
    %get3A_31 = vector.load %arg3[%get3A_29, %get3A_30] : memref<2000x128xf32, #tpu.memory_space<vmem>>, vector<2000x128xf32>
    %get3A_32 = arith.constant 0 : index
    %get3A_33 = arith.constant 0 : index
    %get3A_34 = vector.load %arg7[%get3A_32, %get3A_33] : memref<128x128xf32, #tpu.memory_space<vmem>>, vector<128x128xf32>
    %dot_general3A_35 = arith.constant dense<0.000000e+00> : vector<2000x128xf32>
    %dot_general3A_36 = tpu.matmul %get3A_31, %get3A_34, %dot_general3A_35 {dimension_numbers = #tpu.dot_dimension_numbers<[1], [0], [0], [1], [0, 0, 1, 1], [], []>, transpose_lhs_hint = false} : vector<2000x128xf32>, vector<128x128xf32>, vector<2000x128xf32> -> vector<2000x128xf32>
    %swap3A_37 = arith.constant 0 : index
    %swap3A_38 = arith.constant 0 : index
    %swap3A_39 = vector.load %arg11[%swap3A_37, %swap3A_38] : memref<2000x128xf32, #tpu.memory_space<vmem>>, vector<2000x128xf32>
    tpu.vector_store %arg11[%swap3A_37, %swap3A_38], %dot_general3A_36 {strides = array<i32>} : memref<2000x128xf32, #tpu.memory_space<vmem>>, vector<2000x128xf32>,
    return
  }
  func.func @transform_0(%arg0: i32) -> (i32, i32) {
    %c0_i32 = arith.constant 0 : i32
    %c0_i32_0 = arith.constant 0 : i32
    return %arg0, %c0_i32 : i32, i32
  }
  func.func @transform_1(%arg0: i32) -> (i32, i32) {
    %c0_i32 = arith.constant 0 : i32
    %c0_i32_0 = arith.constant 0 : i32
    return %arg0, %c0_i32 : i32, i32
  }
  func.func @transform_2(%arg0: i32) -> (i32, i32) {
    %c0_i32 = arith.constant 0 : i32
    %c0_i32_0 = arith.constant 0 : i32
    return %arg0, %c0_i32 : i32, i32
  }
  func.func @transform_3(%arg0: i32) -> (i32, i32) {
    %c0_i32 = arith.constant 0 : i32
    %c0_i32_0 = arith.constant 0 : i32
    %c0_i32_1 = arith.constant 0 : i32
    return %c0_i32, %c0_i32_0 : i32, i32
  }
  func.func @transform_4(%arg0: i32) -> (i32, i32) {
    %c0_i32 = arith.constant 0 : i32
    %c0_i32_0 = arith.constant 0 : i32
    %c0_i32_1 = arith.constant 0 : i32
    return %c0_i32, %c0_i32_0 : i32, i32
  }
  func.func @transform_5(%arg0: i32) -> (i32, i32) {
    %c0_i32 = arith.constant 0 : i32
    %c0_i32_0 = arith.constant 0 : i32
    %c0_i32_1 = arith.constant 0 : i32
    return %c0_i32, %c0_i32_0 : i32, i32
  }
  func.func @transform_6(%arg0: i32) -> (i32, i32) {
    %c0_i32 = arith.constant 0 : i32
    %c0_i32_0 = arith.constant 0 : i32
    %c0_i32_1 = arith.constant 0 : i32
    return %c0_i32, %c0_i32_0 : i32, i32
  }
  func.func @transform_7(%arg0: i32) -> (i32, i32) {
    %c0_i32 = arith.constant 0 : i32
    %c0_i32_0 = arith.constant 0 : i32
    return %arg0, %c0_i32 : i32, i32
  }
  func.func @transform_8(%arg0: i32) -> (i32, i32) {
    %c0_i32 = arith.constant 0 : i32
    %c0_i32_0 = arith.constant 0 : i32
    return %arg0, %c0_i32 : i32, i32
  }
  func.func @transform_9(%arg0: i32) -> (i32, i32) {
    %c0_i32 = arith.constant 0 : i32
    %c0_i32_0 = arith.constant 0 : i32
    return %arg0, %c0_i32 : i32, i32
  }
  func.func @transform_10(%arg0: i32) -> (i32, i32) {
    %c0_i32 = arith.constant 0 : i32
    %c0_i32_0 = arith.constant 0 : i32
    return %arg0, %c0_i32 : i32, i32
  }
}

module attributes {stable_mosaic.version = 14 : i64} {
  func.func @_tc3_body(%arg0: i32, %arg1: memref<2000x128xf32, #tpu.memory_space<vmem>>, %arg2: memref<2000x128xf32, #tpu.memory_space<vmem>>, %arg3: memref<2000x128xf32, #tpu.memory_space<vmem>>, %arg4: memref<2000x128xf32, #tpu.memory_space<vmem>>, %arg5: memref<128x128xf32, #tpu.memory_space<vmem>>, %arg6: memref<128x128xf32, #tpu.memory_space<vmem>>, %arg7: memref<2000x128xf32, #tpu.memory_space<vmem>>) attributes {dimension_semantics = [#tpu.dimension_semantics<arbitrary>], iteration_bounds = array<i64: 160>, scalar_prefetch = 0 : i64, scratch_operands = 0 : i64, tpu.core_type = #tpu.core_type<tc>, window_params = [{transform_indices = @transform_0, window_bounds = array<i64: 2000, 128>}, {transform_indices = @transform_1, window_bounds = array<i64: 2000, 128>}, {transform_indices = @transform_2, window_bounds = array<i64: 2000, 128>}, {transform_indices = @transform_3, window_bounds = array<i64: 2000, 128>}, {pipeline_mode = #tpu.pipeline_mode<synchronous>, transform_indices = @transform_4, window_bounds = array<i64: 128, 128>}, {pipeline_mode = #tpu.pipeline_mode<synchronous>, transform_indices = @transform_5, window_bounds = array<i64: 128, 128>}, {transform_indices = @transform_6, window_bounds = array<i64: 2000, 128>}]} {
    %get3A = arith.constant 0 : index
    %get3A_0 = arith.constant 0 : index
    %get3A_1 = vector.load %arg1[%get3A, %get3A_0] : memref<2000x128xf32, #tpu.memory_space<vmem>>, vector<2000x128xf32>
    %get3A_2 = arith.constant 0 : index
    %get3A_3 = arith.constant 0 : index
    %get3A_4 = vector.load %arg3[%get3A_2, %get3A_3] : memref<2000x128xf32, #tpu.memory_space<vmem>>, vector<2000x128xf32>
    %get3A_5 = arith.constant 0 : index
    %get3A_6 = arith.constant 0 : index
    %get3A_7 = vector.load %arg5[%get3A_5, %get3A_6] : memref<128x128xf32, #tpu.memory_space<vmem>>, vector<128x128xf32>
    %dot_general3A = arith.constant dense<0.000000e+00> : vector<2000x128xf32>
    %dot_general3A_8 = tpu.matmul %get3A_4, %get3A_7, %dot_general3A {dimension_numbers = #tpu.dot_dimension_numbers<[1], [0], [0], [1], [0, 0, 1, 1], [], []>, transpose_lhs_hint = false} : vector<2000x128xf32>, vector<128x128xf32>, vector<2000x128xf32> -> vector<2000x128xf32>
    %add3A = arith.addf %get3A_1, %dot_general3A_8 : vector<2000x128xf32>
    %logistic3A = arith.negf %add3A : vector<2000x128xf32>
    %logistic3A_9 = math.exp %logistic3A : vector<2000x128xf32>
    %logistic3A_10 = arith.constant 1.000000e+00 : f32
    %logistic3A_11 = vector.broadcast %logistic3A_10 : f32 to vector<2000x128xf32>
    %logistic3A_12 = arith.addf %logistic3A_11, %logistic3A_9 : vector<2000x128xf32>
    %logistic3A_13 = arith.divf %logistic3A_11, %logistic3A_12 : vector<2000x128xf32>
    %get3A_14 = arith.constant 0 : index
    %get3A_15 = arith.constant 0 : index
    %get3A_16 = vector.load %arg2[%get3A_14, %get3A_15] : memref<2000x128xf32, #tpu.memory_space<vmem>>, vector<2000x128xf32>
    %get3A_17 = arith.constant 0 : index
    %get3A_18 = arith.constant 0 : index
    %get3A_19 = vector.load %arg4[%get3A_17, %get3A_18] : memref<2000x128xf32, #tpu.memory_space<vmem>>, vector<2000x128xf32>
    %get3A_20 = arith.constant 0 : index
    %get3A_21 = arith.constant 0 : index
    %get3A_22 = vector.load %arg6[%get3A_20, %get3A_21] : memref<128x128xf32, #tpu.memory_space<vmem>>, vector<128x128xf32>
    %dot_general3A_23 = arith.constant dense<0.000000e+00> : vector<2000x128xf32>
    %dot_general3A_24 = tpu.matmul %get3A_19, %get3A_22, %dot_general3A_23 {dimension_numbers = #tpu.dot_dimension_numbers<[1], [0], [0], [1], [0, 0, 1, 1], [], []>, transpose_lhs_hint = false} : vector<2000x128xf32>, vector<128x128xf32>, vector<2000x128xf32> -> vector<2000x128xf32>
    %add3A_25 = arith.addf %get3A_16, %dot_general3A_24 : vector<2000x128xf32>
    %tanh3A = math.tanh %add3A_25 : vector<2000x128xf32>
    %sub3A = arith.constant 1.000000e+00 : f32
    %sub3A_26 = vector.broadcast %sub3A : f32 to vector<2000x128xf32>
    %sub3A_27 = arith.subf %sub3A_26, %logistic3A_13 : vector<2000x128xf32>
    %get3A_28 = arith.constant 0 : index
    %get3A_29 = arith.constant 0 : index
    %get3A_30 = vector.load %arg3[%get3A_28, %get3A_29] : memref<2000x128xf32, #tpu.memory_space<vmem>>, vector<2000x128xf32>
    %mul3A = arith.mulf %sub3A_27, %get3A_30 : vector<2000x128xf32>
    %mul3A_31 = arith.mulf %logistic3A_13, %tanh3A : vector<2000x128xf32>
    %add3A_32 = arith.addf %mul3A, %mul3A_31 : vector<2000x128xf32>
    %swap3A = arith.constant 0 : index
    %swap3A_33 = arith.constant 0 : index
    %swap3A_34 = vector.load %arg7[%swap3A, %swap3A_33] : memref<2000x128xf32, #tpu.memory_space<vmem>>, vector<2000x128xf32>
    tpu.vector_store %arg7[%swap3A, %swap3A_33], %add3A_32 {strides = array<i32>} : memref<2000x128xf32, #tpu.memory_space<vmem>>, vector<2000x128xf32>,
    return
  }
  func.func @transform_0(%arg0: i32) -> (i32, i32) {
    %c0_i32 = arith.constant 0 : i32
    %c0_i32_0 = arith.constant 0 : i32
    return %arg0, %c0_i32 : i32, i32
  }
  func.func @transform_1(%arg0: i32) -> (i32, i32) {
    %c0_i32 = arith.constant 0 : i32
    %c0_i32_0 = arith.constant 0 : i32
    return %arg0, %c0_i32 : i32, i32
  }
  func.func @transform_2(%arg0: i32) -> (i32, i32) {
    %c0_i32 = arith.constant 0 : i32
    %c0_i32_0 = arith.constant 0 : i32
    return %arg0, %c0_i32 : i32, i32
  }
  func.func @transform_3(%arg0: i32) -> (i32, i32) {
    %c0_i32 = arith.constant 0 : i32
    %c0_i32_0 = arith.constant 0 : i32
    return %arg0, %c0_i32 : i32, i32
  }
  func.func @transform_4(%arg0: i32) -> (i32, i32) {
    %c0_i32 = arith.constant 0 : i32
    %c0_i32_0 = arith.constant 0 : i32
    %c0_i32_1 = arith.constant 0 : i32
    return %c0_i32, %c0_i32_0 : i32, i32
  }
  func.func @transform_5(%arg0: i32) -> (i32, i32) {
    %c0_i32 = arith.constant 0 : i32
    %c0_i32_0 = arith.constant 0 : i32
    %c0_i32_1 = arith.constant 0 : i32
    return %c0_i32, %c0_i32_0 : i32, i32
  }
  func.func @transform_6(%arg0: i32) -> (i32, i32) {
    %c0_i32 = arith.constant 0 : i32
    %c0_i32_0 = arith.constant 0 : i32
    return %arg0, %c0_i32 : i32, i32
  }
}

module attributes {stable_mosaic.version = 14 : i64} {
  func.func @_tc4_body(%arg0: i32, %arg1: memref<2000x128xf32, #tpu.memory_space<vmem>>, %arg2: memref<2x2000x128xf32, #tpu.memory_space<vmem>>, %arg3: memref<128x128xf32, #tpu.memory_space<vmem>>, %arg4: memref<128x128xf32, #tpu.memory_space<vmem>>, %arg5: memref<1x128xf32, #tpu.memory_space<vmem>>, %arg6: memref<2000x128xf32, #tpu.memory_space<vmem>>) attributes {dimension_semantics = [#tpu.dimension_semantics<arbitrary>], iteration_bounds = array<i64: 5>, scalar_prefetch = 0 : i64, scratch_operands = 0 : i64, tpu.core_type = #tpu.core_type<tc>, window_params = [{transform_indices = @transform_0, window_bounds = array<i64: 2000, 128>}, {transform_indices = @transform_1, window_bounds = array<i64: 2, 2000, 128>}, {pipeline_mode = #tpu.pipeline_mode<synchronous>, transform_indices = @transform_2, window_bounds = array<i64: 128, 128>}, {pipeline_mode = #tpu.pipeline_mode<synchronous>, transform_indices = @transform_3, window_bounds = array<i64: 128, 128>}, {pipeline_mode = #tpu.pipeline_mode<synchronous>, transform_indices = @transform_4, window_bounds = array<i64: 1, 128>}, {transform_indices = @transform_5, window_bounds = array<i64: 2000, 128>}]} {
    %get3A = arith.constant 0 : index
    %get3A_0 = arith.constant 0 : index
    %get3A_1 = vector.load %arg1[%get3A, %get3A_0] : memref<2000x128xf32, #tpu.memory_space<vmem>>, vector<2000x128xf32>
    %get3A_2 = arith.constant 0 : index
    %get3A_3 = arith.constant 0 : index
    %get3A_4 = vector.load %arg3[%get3A_2, %get3A_3] : memref<128x128xf32, #tpu.memory_space<vmem>>, vector<128x128xf32>
    %dot_general3A = arith.constant dense<0.000000e+00> : vector<2000x128xf32>
    %dot_general3A_5 = tpu.matmul %get3A_1, %get3A_4, %dot_general3A {dimension_numbers = #tpu.dot_dimension_numbers<[1], [0], [0], [1], [0, 0, 1, 1], [], []>, transpose_lhs_hint = false} : vector<2000x128xf32>, vector<128x128xf32>, vector<2000x128xf32> -> vector<2000x128xf32>
    %get3A_6 = arith.constant 0 : index
    %get3A_7 = arith.constant 0 : index
    %get3A_8 = arith.constant 0 : index
    %get3A_9 = vector.load %arg2[%get3A_6, %get3A_7, %get3A_8] : memref<2x2000x128xf32, #tpu.memory_space<vmem>>, vector<1x2000x128xf32>
    %get3A_10 = vector.shape_cast %get3A_9 : vector<1x2000x128xf32> to vector<2000x128xf32>
    %get3A_11 = arith.constant 1 : index
    %get3A_12 = arith.constant 0 : index
    %get3A_13 = arith.constant 0 : index
    %get3A_14 = vector.load %arg2[%get3A_11, %get3A_12, %get3A_13] : memref<2x2000x128xf32, #tpu.memory_space<vmem>>, vector<1x2000x128xf32>
    %get3A_15 = vector.shape_cast %get3A_14 : vector<1x2000x128xf32> to vector<2000x128xf32>
    %add3A = arith.addf %get3A_10, %get3A_15 : vector<2000x128xf32>
    %get3A_16 = arith.constant 0 : index
    %get3A_17 = arith.constant 0 : index
    %get3A_18 = vector.load %arg4[%get3A_16, %get3A_17] : memref<128x128xf32, #tpu.memory_space<vmem>>, vector<128x128xf32>
    %dot_general3A_19 = arith.constant dense<0.000000e+00> : vector<2000x128xf32>
    %dot_general3A_20 = tpu.matmul %add3A, %get3A_18, %dot_general3A_19 {dimension_numbers = #tpu.dot_dimension_numbers<[1], [0], [0], [1], [0, 0, 1, 1], [], []>, transpose_lhs_hint = false} : vector<2000x128xf32>, vector<128x128xf32>, vector<2000x128xf32> -> vector<2000x128xf32>
    %add3A_21 = arith.addf %dot_general3A_5, %dot_general3A_20 : vector<2000x128xf32>
    %get3A_22 = arith.constant 0 : index
    %get3A_23 = arith.constant 0 : index
    %get3A_24 = vector.load %arg5[%get3A_22, %get3A_23] : memref<1x128xf32, #tpu.memory_space<vmem>>, vector<1x128xf32>
    %add3A_25 = vector.broadcast %get3A_24 : vector<1x128xf32> to vector<2000x128xf32>
    %add3A_26 = arith.addf %add3A_21, %add3A_25 : vector<2000x128xf32>
    %mul3A = arith.constant 5.000000e-01 : f32
    %mul3A_27 = vector.broadcast %mul3A : f32 to vector<2000x128xf32>
    %mul3A_28 = arith.mulf %add3A_26, %mul3A_27 : vector<2000x128xf32>
    %mul3A_29 = arith.constant 0.707106769 : f32
    %mul3A_30 = vector.broadcast %mul3A_29 : f32 to vector<2000x128xf32>
    %mul3A_31 = arith.mulf %add3A_26, %mul3A_30 : vector<2000x128xf32>
    %erf3A = math.erf %mul3A_31 : vector<2000x128xf32>
    %add3A_32 = arith.constant 1.000000e+00 : f32
    %add3A_33 = vector.broadcast %add3A_32 : f32 to vector<2000x128xf32>
    %add3A_34 = arith.addf %add3A_33, %erf3A : vector<2000x128xf32>
    %mul3A_35 = arith.mulf %mul3A_28, %add3A_34 : vector<2000x128xf32>
    %swap3A = arith.constant 0 : index
    %swap3A_36 = arith.constant 0 : index
    %swap3A_37 = vector.load %arg6[%swap3A, %swap3A_36] : memref<2000x128xf32, #tpu.memory_space<vmem>>, vector<2000x128xf32>
    tpu.vector_store %arg6[%swap3A, %swap3A_36], %mul3A_35 {strides = array<i32>} : memref<2000x128xf32, #tpu.memory_space<vmem>>, vector<2000x128xf32>,
    return
  }
  func.func @transform_0(%arg0: i32) -> (i32, i32) {
    %c0_i32 = arith.constant 0 : i32
    %c0_i32_0 = arith.constant 0 : i32
    return %arg0, %c0_i32 : i32, i32
  }
  func.func @transform_1(%arg0: i32) -> (i32, i32, i32) {
    %c0_i32 = arith.constant 0 : i32
    %c0_i32_0 = arith.constant 0 : i32
    %c0_i32_1 = arith.constant 0 : i32
    return %c0_i32, %arg0, %c0_i32_0 : i32, i32, i32
  }
  func.func @transform_2(%arg0: i32) -> (i32, i32) {
    %c0_i32 = arith.constant 0 : i32
    %c0_i32_0 = arith.constant 0 : i32
    %c0_i32_1 = arith.constant 0 : i32
    return %c0_i32, %c0_i32_0 : i32, i32
  }
  func.func @transform_3(%arg0: i32) -> (i32, i32) {
    %c0_i32 = arith.constant 0 : i32
    %c0_i32_0 = arith.constant 0 : i32
    %c0_i32_1 = arith.constant 0 : i32
    return %c0_i32, %c0_i32_0 : i32, i32
  }
  func.func @transform_4(%arg0: i32) -> (i32, i32) {
    %c0_i32 = arith.constant 0 : i32
    %c0_i32_0 = arith.constant 0 : i32
    %c0_i32_1 = arith.constant 0 : i32
    return %c0_i32, %c0_i32_0 : i32, i32
  }
  func.func @transform_5(%arg0: i32) -> (i32, i32) {
    %c0_i32 = arith.constant 0 : i32
    %c0_i32_0 = arith.constant 0 : i32
    return %arg0, %c0_i32 : i32, i32
  }
}

</mosaic_0001>

<sc_bundles>
// kernel: kernel.11.cloned.1.call-start
scs
__scs_entry_jumppad:
0x0: {  	(pc) =	sbr.rel $0x88, $3  }
0x1: {  	(tag) =	ssettag $0x0;
	lr =	simm.s32 $0x1  }
0x2: {  	[smem:$0x3F93] =	sst lr;
	_ =	strace $0xD0000000  }
0x3: {  	_ = 	snop  }
0x4: {  	_ = 	snop  }
0x5: {  	_ = 	snop  }
0x6: {  	_ = 	snop  }
0x7: {  	_ = 	snop  }
__scs_overlays_trampoline_lowered:
0x8: {  	[smem:$0x3FA2] =	sst s0  }
0x9: {  	[smem:$0x3FA3] =	sst s1  }
0xa: {  	[smem:$0x3FA4] =	sst s2  }
0xb: {  	[smem:$0x3FA5] =	sst s3  }
0xc: {  	[smem:$0x3FA6] =	sst s4  }
0xd: {  	[smem:$0x3FA7] =	sst s5  }
0xe: {  	[smem:$0x3FA8] =	sst s6  }
0xf: {  	[smem:$0x3FA9] =	sst s7  }
0x10: {  	[smem:$0x3FAA] =	sst s8  }
0x11: {  	[smem:$0x3FAB] =	sst s9;
	s0 =	simm.s32 @!p0 $0x0  }
0x12: {  	s1 =	sld [smem:$0x3F91];
	s0 =	simm.s32 @p0 $0x1  }
0x13: {  	[smem:$0x3FAC] =	sst s0;
	s0 =	simm.s32 @!p1 $0x0  }
0x14: {  	s2 =	sld [smem:$0x3F90];
	s0 =	simm.s32 @p1 $0x1  }
0x15: {  	[smem:$0x3FAD] =	sst s0;
	s0 =	simm.s32 @!p2 $0x0  }
0x16: {  	s3 =	sld [smem:$0x3FDB];
	s0 =	simm.s32 @p2 $0x1  }
0x17: {  	s4 =	simm.s32 $0x1BF5;
	[smem:$0x3FAF] =	sst s0  }
0x18: {  	s0 =	sld [smem:$0x3F92];
	_ =	swait.ge [sflag:s4], $0x0  }
0x19: {  	s7 =	sld [smem:$0x3F93]  }
0x1a: {  	s8 =	sadd.s32 $0xFFFFE003, lr  }
0x1b: {  	s9 =	sadd.s32 $0xFFFFFEF7, lr;
	s5 =	simm.s32 $0xFFFFFFFF;
	p2 =	slt.u32 s8, $0xFFFFF086  }
0x1c: {  	p1 =	slt.u32 s9, $0xF7A;
	s5 =	simm.s32 @!p2 $0x0  }
0x1d: {  	s5 =	simm.s32 @p1 $0x1;
	p0 =	seq.s32 s7, s2  }
0x1e: {  	s7 =	smul.u32 @!p0 $0xF7A, s2;
	p2 =	seq.s32 @!p0 s5, $0x0  }
0x1f: {  	s9 =	smul.u32 $0xF7A, s1;
	s8 =	simm.s32 @!p0 $0x1BF5;
	p2 =	por !p2, p0  }
0x20: {  	[sflag:s8] =	ssyncset.s32 @!p0 $0xFFFFF086;
	s6 =	sadd.s32 @!p0 s3, s7;
	s7 =	simm.s32 @!p0 $0x108  }
0x21: {  	s3 =	sadd.s32 s3, s9;
	s6 =	sadd.s32 @!p0 $0x88, s6;
	s7 =	simm.s32 @p2 $0x1082  }
0x22: {  	[simem:s7], [sflag:s8] =	dma.local @!p0 [hbm:s6], $0xF7A  }
0x23: {  	s9 =	sor.u32 $0xD0000000, s2;
	s6 =	simm.s32 $0x108;
	_ =	swait.ge @!p0 [sflag:s8], $0x0  }
0x24: {  	s3 =	sadd.s32 $0x88, s3;
	s6 =	simm.s32 @!p1 $0x1082;
	[sflag:s4] =	ssyncset.s32 $0xFFFFF086  }
0x25: {  	[simem:s6], [sflag:s4] =	dma.local [hbm:s3], $0xF7A  }
0x26: {  	[smem:$0x3F93] =	sst s1;
	(tag) =	ssettag s2;
	_ =	strace s9  }
0x27: {  	s1 =	sld [smem:$0x3FA3]  }
0x28: {  	s2 =	sld [smem:$0x3FA4]  }
0x29: {  	s4 =	sld [smem:$0x3FA6]  }
0x2a: {  	p0 =	seq.s32 s5, $0x0;
	s5 =	sld [smem:$0x3FA7]  }
0x2b: {  	s6 =	sld [smem:$0x3FA8]  }
0x2c: {  	s7 =	sld [smem:$0x3FA9]  }
0x2d: {  	s3 =	simm.s32 $0x108;
	s8 =	sld [smem:$0x3FAA]  }
0x2e: {  	s3 =	simm.s32 @!p0 $0x1082;
	s9 =	sld [smem:$0x3FAB]  }
0x2f: {  	lr =	sadd.s32 s0, s3;
	s0 =	sld [smem:$0x3FA2]  }
0x30: {  	s3 =	sld [smem:$0x3FA5]  }
0x31: {  	[smem:$0x3FAE] =	sst s10  }
0x32: {  	s10 =	sld [smem:$0x3FAC];
	_ =	sdelay $0x3  }
0x33: {  	p0 =	seq.s32 s10, $0x1;
	s10 =	sld [smem:$0x3FAE];
	_ =	sdelay $0x3  }
0x34: {  	[smem:$0x3FAE] =	sst s10  }
0x35: {  	s10 =	sld [smem:$0x3FAD];
	_ =	sdelay $0x3  }
0x36: {  	p1 =	seq.s32 s10, $0x1;
	s10 =	sld [smem:$0x3FAE];
	_ =	sdelay $0x3  }
0x37: {  	[smem:$0x3FAE] =	sst s10  }
0x38: {  	s10 =	sld [smem:$0x3FAF]  }
0x39: {  	_ = 	snop;
	(pc) =	sbr.ind lr, $3  }
0x3a: {  	_ = 	snop  }
0x3b: {  	_ = 	snop  }
0x3c: {  	p2 =	seq.s32 s10, $0x1;
	s10 =	sld [smem:$0x3FAE]  }
0x3d: {  	_ =	shalt  }
0x3e: {  	_ =	shalt  }
0x3f: {  	_ =	shalt  }
0x40: {  	_ =	shalt  }
0x41: {  	_ =	shalt  }
0x42: {  	_ =	shalt  }
0x43: {  	_ =	shalt  }
0x44: {  	_ =	shalt  }
0x45: {  	_ =	shalt  }
0x46: {  	_ =	shalt  }
0x47: {  	_ =	shalt  }
0x48: {  	_ =	shalt  }
0x49: {  	_ =	shalt  }
0x4a: {  	_ =	shalt  }
0x4b: {  	_ =	shalt  }
0x4c: {  	_ =	shalt  }
0x4d: {  	_ =	shalt  }
0x4e: {  	_ =	shalt  }
0x4f: {  	_ =	shalt  }
0x50: {  	_ =	shalt  }
0x51: {  	_ =	shalt  }
0x52: {  	_ =	shalt  }
0x53: {  	_ =	shalt  }
0x54: {  	_ =	shalt  }
0x55: {  	_ =	shalt  }
0x56: {  	_ =	shalt  }
0x57: {  	_ =	shalt  }
0x58: {  	_ =	shalt  }
0x59: {  	_ =	shalt  }
0x5a: {  	_ =	shalt  }
0x5b: {  	_ =	shalt  }
0x5c: {  	_ =	shalt  }
0x5d: {  	_ =	shalt  }
0x5e: {  	_ =	shalt  }
0x5f: {  	_ =	shalt  }
0x60: {  	_ =	shalt  }
0x61: {  	_ =	shalt  }
0x62: {  	_ =	shalt  }
0x63: {  	_ =	shalt  }
0x64: {  	_ =	shalt  }
0x65: {  	_ =	shalt  }
0x66: {  	_ =	shalt  }
0x67: {  	_ =	shalt  }
0x68: {  	_ =	shalt  }
0x69: {  	_ =	shalt  }
0x6a: {  	_ =	shalt  }
0x6b: {  	_ =	shalt  }
0x6c: {  	_ =	shalt  }
0x6d: {  	_ =	shalt  }
0x6e: {  	_ =	shalt  }
0x6f: {  	_ =	shalt  }
0x70: {  	_ =	shalt  }
0x71: {  	_ =	shalt  }
0x72: {  	_ =	shalt  }
0x73: {  	_ =	shalt  }
0x74: {  	_ =	shalt  }
0x75: {  	_ =	shalt  }
0x76: {  	_ =	shalt  }
0x77: {  	_ =	shalt  }
0x78: {  	_ =	shalt  }
0x79: {  	_ =	shalt  }
0x7a: {  	_ =	shalt  }
0x7b: {  	_ =	shalt  }
0x7c: {  	_ =	shalt  }
0x7d: {  	_ =	shalt  }
0x7e: {  	_ =	shalt  }
0x7f: {  	_ =	shalt  }
0x80: {  	_ =	shalt  }
0x81: {  	_ =	shalt  }
0x82: {  	_ =	shalt  }
0x83: {  	_ =	shalt  }
0x84: {  	_ =	shalt  }
0x85: {  	_ =	shalt  }
0x86: {  	_ =	shalt  }
0x87: {  	_ =	shalt  }
.Lfunc_end0:
.L_simem_size_0:
called_computation.1_lowered:
.L_overlay_start_0:
0x88: {  	s2 =	sld [smem:$0x3FD9]  }
0x89: {  	s3 =	sld [smem:$0x3FFE];
	_ =	sdelay $0x1  }
0x8a: {  	s1 =	srdreg.scid  }
0x8b: {  	s0 =	sand.u32 $0x1, s1  }
0x8c: {  	s14 =	sshll.u32 s0, $0xA;
	s2 =	sadd.s32 s3, s2  }
0x8d: {  	s2 =	sadd.s32 s2, s14  }
0x8e: {  	[smem:$0x3FBA] =	sst s2  }
0x8f: {  	_ = 	snop  }
0x90: {  	s2 =	sld [smem:$0x3FD0];
	_ =	sdelay $0x2  }
0x91: {  	s4 =	simm.s32 $0xA;
	s5 =	simm.s32 $0x10;
	s15 =	sld [smem:$0x3FC9]  }
0x92: {  	[smem:s5], [sflag:s4] =	dma.local [hbm:s2], $0x1  }
0x93: {  	_ =	swait.eq [sflag:s4], $0x1  }
0x94: {  	[sflag:s4] =	ssyncset.done $0x0  }
0x95: {  	s16 =	sld [smem:$0x10];
	[sflag:s4] =	ssyncadd.s32 $0xFFFFFFFF  }
0x96: {  	s17 =	sld [smem:$0x11];
	(tm) =	ssettm $0x1  }
0x97: {  	s18 =	sld [smem:$0x3FFB];
	_ =	sdelay $0x3  }
0x98: {  	_ =	strace s18  }
0x99: {  	s5 =	sld [smem:$0x3FFC];
	_ =	sdelay $0x3  }
0x9a: {  	_ =	strace s5  }
0x9b: {  	s5 =	sld [smem:$0x3FFD];
	_ =	sdelay $0x3  }
0x9c: {  	_ =	strace s5  }
0x9d: {  	_ =	strace $0x8FFFFFFF  }
0x9e: {  	s19 =	sld [smem:$0x3FDB];
	_ =	sdelay $0x1  }
0x9f: {  	s6 =	simm.s32 $_scs_section_size  }
0xa0: {  	s7 =	simm.s32 $_size__tile_overlayer_lowered;
	s8 =	simm.s32 $_tile_overlayer_lowered  }
0xa1: {  	s22 =	simm.s32 $0x1BFF;
	s21 =	sshll.u32 s8, $0x1;
	s5 =	sadd.s32 s6, s19  }
0xa2: {  	s9 =	simm.s32 $0x0;
	s20 =	sshll.u32 s7, $0x1;
	s7 =	sadd.s32 s21, s5  }
0xa3: {  	[timem:s9], [sflag:s22] =	dma.local [hbm:s7], s20  }
0xa4: {  	_ =	swait.ge [sflag:s22], s20  }
0xa5: {  	s6 =	ssub.s32 $0x0, s20;
	[sflag:s22] =	ssyncset.done $0x0  }
0xa6: {  	[sflag:s22] =	ssyncadd.s32 s6;
	_ =	sdelay $0x1  }
0xa7: {  	s23 =	simm.s32 $0x1B8B  }
0xa8: {  	_ =	swait.ge [sflag:s23], $0x1  }
0xa9: {  	[sflag:s23] =	ssyncset.done $0x0  }
0xaa: {  	s25 =	simm.s32 $0x1B8E;
	s24 =	sld [smem:$0x3FFE];
	[sflag:s23] =	ssyncadd.s32 $0xFFFFFFFF  }
0xab: {  	s26 =	simm.s32 $execute0_lowered;
	[smem:$0x3FD2] =	sst s25  }
0xac: {  	s7 =	sshll.u32 s26, $0x1;
	_ =	strace $0x80000049;
	[dreg:$0x1] =	wrdreg $0xFFFFFFFF  }
0xad: {  	s28 =	simm.s32 $_size_execute0_lowered;
	s5 =	sadd.s32 s5, s7;
	[dreg:$0x0] =	wrdreg $0x0  }
0xae: {  	s7 =	sshll.u32 s28, $0x1;
	[dreg:$0x2] =	wrdreg s5  }
0xaf: {  	[dreg:$0x3] =	wrdreg s7  }
0xb0: {  	[dreg:$0x4] =	wrdreg $0xC0  }
0xb1: {  	_ =	task [dreg:s9], $0x5FFFF  }
0xb2: {  	[dreg:$0x1] =	wrdreg $0xFFFFFFFF  }
0xb3: {  	[dreg:$0x0] =	wrdreg $0x60  }
0xb4: {  	[dreg:$0x2] =	wrdreg s17  }
0xb5: {  	[dreg:$0x3] =	wrdreg s24  }
0xb6: {  	[dreg:$0x4] =	wrdreg s15  }
0xb7: {  	[dreg:$0x5] =	wrdreg s16  }
0xb8: {  	[dreg:$0x6] =	wrdreg $0x0  }
0xb9: {  	[dreg:$0x7] =	wrdreg $0x68000  }
0xba: {  	[dreg:$0x8] =	wrdreg $0x9  }
0xbb: {  	_ =	task.clear_ibuf [dreg:s9], $0x9FFFF;
	_ =	strace $0x90000049  }
0xbc: {  	s29 =	simm.s32 $0x9;
	_ =	strace $0x8000004B  }
0xbd: {  	_ =	swait.ge [sflag:s29], $0x1  }
0xbe: {  	[sflag:s29] =	ssyncadd.s32 $0xFFFFFFFF  }
0xbf: {  	_ =	strace $0x9000004B  }
0xc0: {  	_ =	sfence  }
0xc1: {  	s30 =	sld [smem:$0x0];
	_ =	sdelay $0x2  }
0xc2: {  	s31 =	sshll.u32 s1, $0xD;
	s1 =	sshrl.u32 s1, $0x2  }
0xc3: {  	s3 =	sand.u32 $0x4000, s31;
	s1 =	sadd.s32 s1, s30  }
0xc4: {  	s0 =	sor.u32 s3, s0;
	s1 =	sshll.u32 s1, $0x11  }
0xc5: {  	s0 =	sor.u32 s1, s0  }
0xc6: {  	s0 =	sadd.s32 $0x8F2B, s0  }
0xc7: {  	[sflag:s0] =	ssyncadd.remote.s32 $0x1  }
0xc8: {  	_ =	sfence.sel $0xFFFF  }
0xc9: {  	[dreg:$0x0] =	wrdreg $0xFFFFFFFF;
	(pc) =	sbr.abs _section_cstart, $3  }
0xca: {  	[dreg:$0x1] =	wrdreg $0xFFFFFFFF  }
0xcb: {  	_ =	task.clear_ibuf [dreg:s9], $0x2FFFF;
	_ =	strace $0x9FFFFFFF  }
0xcc: {  	(tm) =	ssettm $0x7FFFFFFF  }
0xcd: {  	_ =	shalt  }
tec
execute0_lowered:
.L_overlay_start_1:
0x0: {  	(tag) =	ssettag $0x1  }
0x1: {  	s1 =	rddreg [dreg:$0x0]  }
0x2: {  	s0 =	rddreg [dreg:$0x1]  }
0x3: {  	s2 =	rddreg [dreg:$0x2]  }
0x4: {  	s3 =	rddreg [dreg:$0x3]  }
0x5: {  	s4 =	rddreg [dreg:$0x4]  }
0x6: {  	s6 =	rddreg [dreg:$0x5];
	s15 =	simm.s32 $0x0;
	s14 =	stileid.u32  }
0x7: {  	s7 =	srdreg.scid;
	s21 =	simm.s32 $0x3;
	s28 =	simm.s32 $0x1  }
0x8: {  	s29 =	simm.s32 $0x30;
	s30 =	simm.s32 $0x14F00;
	s5 =	smul.u32 $0xD00, s14  }
0x9: {  	s31 =	simm.s32 $0x15200;
	s8 =	sadd.s32 $0x503200, s0;
	s13 =	smul.u32 $0x6800, s14  }
0xa: {  	[smem:$0x7FF] =	sst s15;
	s9 =	sadd.s32 $0x4EF800, s0;
	s12 =	smul.u32 $0x9C40, s14  }
0xb: {  	s7 =	sand.u32 $0x1, s7;
	s11 =	sadd.s32 $0x13A9200, s0;
	s17 =	smul.u32 $0x6400, s14  }
0xc: {  	s22 =	smul.u32 $0xC8, s14;
	_ =	strace $0x8000004A;
	s10 =	ssub.s32 $0x2, s7  }
0xd: {  	[dreg:$0x8] =	wrdreg s11;
	s7 =	smul.u32 $0x32, s7;
	s5 =	sadd.s32 s5, s0  }
0xe: {  	s24 =	sshrl.u32 s10, $0x1;
	s0 =	sadd.s32 $0x188B200, s0;
	[dreg:$0xf] =	wrdreg s22  }
0xf: {  	s26 =	sadd.s32 s13, s4;
	s11 =	sshrl.u32 s12, $0x3;
	[dreg:$0x9] =	wrdreg s0  }
0x10: {  	s18 =	sadd.s32 s13, s6;
	[dreg:$0xa] =	wrdreg s7;
	s5 =	sadd.s32 $0xD000, s5  }
0x11: {  	s20 =	sadd.s32 s17, s4;
	s19 =	sadd.s32 s9, s11;
	[dreg:$0xb] =	wrdreg s5  }
0x12: {  	s25 =	ssub.s32 s10, s24;
	s23 =	sshrl.u32 s26, $0x3;
	[dreg:$0xd] =	wrdreg s19  }
0x13: {  	s10 =	sshll.u32 s14, $0x6;
	s24 =	sshrl.u32 s18, $0x3;
	[dreg:$0x11] =	wrdreg s23  }
0x14: {  	s16 =	sor.u32 $0x1C03, s10;
	s10 =	sadd.s32 s3, s11;
	[dreg:$0x12] =	wrdreg s24  }
.Ltmp0:
0x15: {  	s0 =	smax.u32 s25, $0x1;
	[dreg:$0xe] =	wrdreg s10;
	(pc) =	sbr.rel .LBB2_1-.Ltmp0, $4  }
0x16: {  	s7 =	simm.s32 $0x2;
	s25 =	sshrl.u32 s20, $0x3;
	[dreg:$0x10] =	wrdreg s0  }
0x17: {  	s11 =	sadd.s32 s17, s6;
	s5 =	simm.s32 $0x18200;
	[dreg:$0x13] =	wrdreg s25  }
0x18: {  	s19 =	simm.s32 $0x1B200;
	s26 =	sshrl.u32 s11, $0x3;
	[dreg:$0xc] =	wrdreg s16  }
0x19: {  	v0 =	vimm.s32 $0x0;
	v1 =	vimm.s32 $0xC80;
	s23 =	simm.s32 $0x1E200;
	s0 =	simm.s32 $0x15000;
	[dreg:$0x14] =	wrdreg s26  }
.LBB2_18:
0x1a: {  	s15 =	rddreg [dreg:$0x7]  }
0x1b: {  	s10 =	rddreg [dreg:$0x10];
	s15 =	sadd.s32 $0x1, s15  }
0x1c: {  	p0 =	sne.s32 s15, s10  }
.Ltmp1:
0x1d: {  	_ = 	snop;
	(pc) =	sbr.rel @!p0 .LBB2_19-.Ltmp1, $1  }
0x1e: {  	_ =	sdelay $0x3  }
.LBB2_1:
.Ltmp2:
0x1f: {  	(pc) =	sbr.rel .LBB2_2-.Ltmp2, $2  }
0x20: {  	_ =	sdelay $0x2  }
0x21: {  	[dreg:$0x7] =	wrdreg s15;
	s26 =	simm.s32 $0x0  }
.LBB2_17:
0x22: {  	s10 =	rddreg [dreg:$0xf]  }
0x23: {  	s11 =	rddreg [dreg:$0x15];
	[bflag:$0x0] =	sbarrier.arrive $0xFFFF  }
0x24: {  	s10 =	sadd.s32 s10, s11;
	s22 =	rddreg [dreg:$0x8]  }
0x25: {  	s16 =	rddreg [dreg:$0xc];
	s10 =	sshll.u32 s10, $0x4  }
0x26: {  	s13 =	rddreg [dreg:$0x13];
	s11 =	sadd.s32 s22, s10  }
0x27: {  	[hbm:s11], [sflag:s16] =	dma.local [spmem:s13], $0xC80  }
0x28: {  	s26 =	sadd.s32 $0x1, s26;
	_ =	swait.ge [sflag:s21], $0xC80  }
0x29: {  	p0 =	sne.s32 s26, $0x32;
	[sflag:s21] =	ssyncset.done $0x0;
	s24 =	rddreg [dreg:$0x9]  }
0x2a: {  	s25 =	rddreg [dreg:$0x14];
	[sflag:s21] =	ssyncadd.s32 $0xFFFFF380;
	s10 =	sadd.s32 s24, s10  }
0x2b: {  	[hbm:s10], [sflag:s16] =	dma.local [spmem:s25], $0xC80  }
.Ltmp3:
0x2c: {  	_ =	swait.ge [sflag:s21], $0xC80;
	(pc) =	sbr.rel @!p0 .LBB2_18-.Ltmp3, $3  }
0x2d: {  	[sflag:s21] =	ssyncset.done $0x0  }
0x2e: {  	[sflag:s21] =	ssyncadd.s32 $0xFFFFF380  }
0x2f: {  	[bflag:$0x0] =	sbarrier.arrive $0xFFFF;
	_ =	sdelay $0x1  }
.LBB2_2:
0x30: {  	s10 =	rddreg [dreg:$0xb]  }
0x31: {  	s11 =	rddreg [dreg:$0x11]  }
0x32: {  	[spmem:s11], [sflag:s16] =	dma.local [hbm:s10], $0xD00  }
0x33: {  	_ =	swait.ge [sflag:s21], $0xD00  }
0x34: {  	[sflag:s21] =	ssyncset.done $0x0  }
0x35: {  	s15 =	rddreg [dreg:$0x12];
	[sflag:s21] =	ssyncadd.s32 $0xFFFFF300  }
0x36: {  	[spmem:s15], [sflag:s16] =	dma.local [hbm:s10], $0xD00  }
0x37: {  	_ =	swait.ge [sflag:s21], $0xD00  }
0x38: {  	[sflag:s21] =	ssyncset.done $0x0  }
0x39: {  	s13 =	simm.s32 $0x0;
	s14 =	simm.s32 $0xD000;
	[sflag:s21] =	ssyncadd.s32 $0xFFFFF300  }
0x3a: {  	s24 =	simm.s32 $0xEF80;
	s17 =	rddreg [dreg:$0xa];
	[bflag:$0x0] =	sbarrier.arrive $0xFFFF  }
.Ltmp4:
0x3b: {  	s10 =	sadd.s32 s17, s26;
	s18 =	rddreg [dreg:$0xd];
	(pc) =	sbr.rel .LBB2_3-.Ltmp4, $4  }
0x3c: {  	p0 =	por $0x0, $0x0;
	s20 =	smul.u32 $0xC80, s10;
	s22 =	rddreg [dreg:$0xe]  }
0x3d: {  	[tilespmem:s14], [sflag:$0x1] =	stream.linear.gather [hbm4b:s18+s13], $0xFA0, $0x38;
	[tilespmem:$0x1FA00] =	vst v63  }
0x3e: {  	s11 =	simm.s32 $0x0;
	s25 =	sadd.s32 $0xC80, s20;
	[dreg:$0x15] =	wrdreg s20  }
0x3f: {  	v2 =	vmov s20;
	v3 =	vmov s25;
	[tilespmem:s24], [sflag:$0x1] =	stream.linear.gather [hbm4b:s22+s13], $0xFA0, $0x38;
	[tilespmem:$0x1FA00] =	vst v63  }
.LBB2_11:
0x40: {  	p1 =	sne.s32 s13, $0xA  }
.Ltmp5:
0x41: {  	_ = 	snop;
	(pc) =	sbr.rel @!p1 .LBB2_12-.Ltmp5, $2  }
0x42: {  	_ =	sdelay $0x2  }
0x43: {  	p0 =	por !p0, !p0  }
.LBB2_3:
0x44: {  	s14 =	simm.s32 $0x1;
	s16 =	smov.u32 s13  }
0x45: {  	_ =	swait.ge [sflag:s28], $0xFA0;
	s13 =	sadd.s32 $0x1, s13;
	s14 =	simm.s32 @!p0 $0x0  }
0x46: {  	[sflag:s28] =	ssyncset.done $0x0;
	p1 =	seq.s32 s16, $0x9;
	s14 =	smul.u32 $0x3E80, s14  }
0x47: {  	s16 =	sand.u32 $0x1, s16;
	[sflag:s28] =	ssyncadd.s32 $0xFFFFF060;
	s17 =	smul.u32 @!p1 $0xFA0, s13  }
0x48: {  	s16 =	sxor.u32 @!p1 $0x1, s16;
	_ =	swait.ge [sflag:s28], $0xFA0;
	s14 =	sshrl.u32 s14, $0x2  }
0x49: {  	s16 =	smul.u32 @!p1 $0xFA0, s16;
	s17 =	sadd.s32 @!p1 s12, s17;
	s18 =	sor.u32 $0xD000, s14  }
0x4a: {  	s24 =	simm.s32 @!p1 $0x0;
	[sflag:s28] =	ssyncset.done $0x0;
	s17 =	sshrl.u32 @!p1 s17, $0x3;
	v4 =	vmov s18  }
0x4b: {  	[sflag:s28] =	ssyncadd.s32 $0xFFFFF060;
	s20 =	sor.u32 @!p1 $0xD000, s16;
	s22 =	sadd.s32 @!p1 s9, s17  }
0x4c: {  	[tilespmem:s20], [sflag:$0x1] =	stream.linear.gather @!p1 [hbm4b:s22+s24], $0xFA0, $0x38;
	[tilespmem:$0x1FA00] =	vst v63  }
0x4d: {  	s25 =	simm.s32 $0x0;
	s16 =	sadd.s32 @!p1 $0xEF80, s16;
	s17 =	sadd.s32 @!p1 s3, s17  }
0x4e: {  	[tilespmem:s16], [sflag:$0x1] =	stream.linear.gather @!p1 [hbm4b:s17+s24], $0xFA0, $0x38;
	[tilespmem:$0x1FA00] =	vst v63  }
0x4f: {  	v6 =	vld.idx.msk [tilespmem:v4+s25+$0x0 ss:$0x1], $0xffff;
	_ =	sdelay $0x4  }
0x50: {  	s14 =	sadd.s32 $0xEF80, s14;
	vm0 =	vge.s32 v6, v2;
	vm1 =	vlt.s32 v6, v3  }
0x51: {  	v5 =	vmov s14;
	vm0 =	vmand vm0, vm1  }
0x52: {  	v7 =	vsel vm0, $0x1, v0  }
0x53: {  	(xrf0) =	vadd.scan.msk.s32 $0xffff, v7;
	_ =	sdelay $0x2  }
0x54: {  	v6 =	vsub.s32 v6, v2;
	v7 =	vld.idx.msk [tilespmem:v5+s25+$0x0 ss:$0x1], $0xffff;
	_ =	sdelay $0x2  }
0x55: {  	[tilespmem:s11+$0x10F00] =	vst.msk vm0, v6;
	v6, _, _ =	vpop (xrf0)  }
0x56: {  	(v2sf) =	vpush v6, $0xF  }
0x57: {  	s14 =	simm.s32 $0x80;
	s16 =	simm.s32 $0x10;
	[tilespmem:s11+$0x12F00] =	vst.msk vm0, v7  }
.LBB2_4:
0x58: {  	p1 =	sne.s32 s14, $0x3E40;
	v6 =	vld.idx.msk [tilespmem:v4+s16+$0x0 ss:$0x1], $0xffff;
	_ =	sdelay $0x5  }
0x59: {  	vm0 =	vge.s32 v6, v2;
	vm1 =	vlt.s32 v6, v3;
	v6 =	vsub.s32 v6, v2  }
0x5a: {  	vm0 =	vmand vm0, vm1  }
0x5b: {  	v7 =	vsel vm0, $0x1, v0  }
0x5c: {  	(xrf0) =	vadd.scan.msk.s32 $0xffff, v7  }
0x5d: {  	v7 =	vld.idx.msk [tilespmem:v5+s16+$0x0 ss:$0x1], $0xffff;
	_ =	sdelay $0x2  }
.Ltmp6:
0x5e: {  	s16 =	spop (v2sf);
	(pc) =	sbr.rel @p1 .LBB2_4-.Ltmp6, $4  }
0x5f: {  	s11 =	sadd.s32 s11, s16  }
0x60: {  	[tilespmem:s11+$0x10F00] =	vst.msk vm0, v6;
	v6, _, _ =	vpop (xrf0)  }
0x61: {  	[tilespmem:s11+$0x12F00] =	vst.msk vm0, v7;
	(v2sf) =	vpush v6, $0xF  }
0x62: {  	s16 =	sshra.s32 s14, $0x2;
	s14 =	sadd.s32 $0x40, s14  }
0x63: {  	_ =	sdelay $0x3  }
0x64: {  	v4 =	vld.idx.msk [tilespmem:v4+s16+$0x0 ss:$0x1], $0xffff;
	_ =	sdelay $0x4  }
0x65: {  	vm0 =	vge.s32 v4, v2;
	vm1 =	vlt.s32 v4, v3  }
0x66: {  	vm0 =	vmand vm0, vm1  }
0x67: {  	v6 =	vsel vm0, $0x1, v0  }
0x68: {  	(xrf0) =	vadd.scan.msk.s32 $0xffff, v6;
	_ =	sdelay $0x5  }
0x69: {  	v6, _, _ =	vpop (xrf0)  }
0x6a: {  	(v2sf) =	vpush v6, $0xF;
	_ =	sdelay $0xd  }
0x6b: {  	s14 =	spop (v2sf)  }
0x6c: {  	s14 =	sadd.s32 s11, s14;
	s25 =	spop (v2sf)  }
0x6d: {  	s11 =	sadd.s32 s14, s25  }
0x6e: {  	v5 =	vld.idx.msk [tilespmem:v5+s16+$0x0 ss:$0x1], $0xffff;
	p1 =	slt.s32 s11, $0x1031  }
.Ltmp7:
0x6f: {  	_ = 	snop;
	(pc) =	sbr.rel @p1 .LBB2_11-.Ltmp7, $4  }
0x70: {  	_ = 	snop  }
0x71: {  	v4 =	vsub.s32 v4, v2  }
0x72: {  	[tilespmem:s14+$0x10F00] =	vst.msk vm0, v4  }
0x73: {  	[tilespmem:s14+$0x12F00] =	vst.msk vm0, v5  }
0x74: {  	v4 =	vld [tilespmem:$0x10F00]  }
0x75: {  	v5 =	vld [tilespmem:$0x10F10]  }
0x76: {  	v6 =	vld [tilespmem:$0x12F00];
	_ =	sdelay $0x1  }
0x77: {  	v8 =	vld [tilespmem:$0x10F20]  }
0x78: {  	v62 =	vld [tilespmem:$0x12F10]  }
0x79: {  	v9 =	vadd.s32 v2, v5;
	[tilespmem:$0x15100] =	vst v4  }
0x7a: {  	[tilespmem:$0x15000] =	vst v6;
	vm14 =	vlt.s32 v9, $0x4E1FF  }
0x7b: {  	v7 =	vadd.s32 v2, v4;
	[tilespmem:$0x15110] =	vst v5;
	v4 =	vnsel vm14, $0x4E1FF, v9  }
0x7c: {  	[tilespmem:$0x14F10] =	vst v4;
	v4 =	vld [tilespmem:$0x12F20]  }
0x7d: {  	v63 =	vadd.s32 v2, v8;
	[tilespmem:$0x15010] =	vst v62;
	vm0 =	vlt.s32 v7, $0x4E1FF  }
0x7e: {  	[tilespmem:$0x15120] =	vst v8;
	vm15 =	vlt.s32 v63, $0x4E1FF;
	v7 =	vnsel vm0, $0x4E1FF, v7  }
0x7f: {  	s14 =	smulhi.u32 $0xAAAAAAAB, s11;
	v5 =	vnsel vm15, $0x4E1FF, v63;
	[tilespmem:$0x14F00] =	vst v7  }
0x80: {  	[tilespmem:$0x14F20] =	vst v5  }
0x81: {  	s17 =	sshrl.u32 s14, $0x5;
	[tilespmem:$0x15020] =	vst v4  }
0x82: {  	[tilespmem:s31], [sflag:$0x2] =	stream.indirect.gather [hbm4b:s1+s29], $0x80, s30, s29, $0xb8;
	[tilespmem:$0x1FA00] =	vst v63  }
0x83: {  	s16 =	smul.u32 $0x30, s17  }
0x84: {  	[tilespmem:s5], [sflag:$0x2] =	stream.indirect.gather [hbm4b:s8+s29], $0x80, s0, s29, $0xb8;
	[tilespmem:$0x1FA00] =	vst v63  }
0x85: {  	s20 =	simm.s32 $0x0;
	s18 =	simm.s32 $0x0;
	s11 =	ssub.s32 s11, s16  }
0x86: {  	[tilespmem:s19], [sflag:$0x2] =	stream.indirect.gather [hbm4b:s2+s29], $0x80, s0, s29, $0xb8;
	[tilespmem:$0x1FA00] =	vst v63  }
.LBB2_7:
0x87: {  	_ =	swait.ge [sflag:s7], $0x1800  }
0x88: {  	[sflag:s7] =	ssyncset.done $0x0  }
0x89: {  	[sflag:s7] =	ssyncadd.s32 $0xFFFFE800  }
0x8a: {  	_ =	swait.ge [sflag:s7], $0x1800  }
0x8b: {  	[sflag:s7] =	ssyncset.done $0x0  }
0x8c: {  	s18 =	sadd.s32 $0x1, s18;
	[sflag:s7] =	ssyncadd.s32 $0xFFFFE800  }
0x8d: {  	p1 =	sge.u32 s18, s17;
	_ =	swait.ge [sflag:s7], $0x1800  }
0x8e: {  	s14 =	smul.u32 @!p1 $0x30, s18;
	[sflag:s7] =	ssyncset.done $0x0  }
0x8f: {  	[sflag:s7] =	ssyncadd.s32 $0xFFFFE800  }
0x90: {  	v4 =	vld @!p1 [tilespmem:s14+$0x10F00];
	_ =	sdelay $0x1  }
0x91: {  	v5 =	vld @!p1 [tilespmem:s14+$0x12F00];
	_ =	sdelay $0x1  }
0x92: {  	s22 =	sxor.u32 $0x1, s20  }
0x93: {  	s24 =	sshll.u32 @!p1 s22, $0x7;
	v6 =	vadd.s32 @!p1 v2, v4  }
0x94: {  	[tilespmem:s24+$0x15100] =	vst @!p1 v4;
	vm0 =	vlt.s32 @!p1 v6, $0x4E1FF  }
0x95: {  	[tilespmem:s24+$0x15000] =	vst @!p1 v5;
	v6 =	vnsel @!p1 vm0, $0x4E1FF, v6  }
0x96: {  	[tilespmem:s24+$0x14F00] =	vst @!p1 v6  }
0x97: {  	v4 =	vld @!p1 [tilespmem:s14+$0x10F10];
	_ =	sdelay $0x1  }
0x98: {  	v5 =	vld @!p1 [tilespmem:s14+$0x12F10];
	_ =	sdelay $0x2  }
0x99: {  	v6 =	vadd.s32 @!p1 v2, v4  }
0x9a: {  	[tilespmem:s24+$0x15110] =	vst @!p1 v4;
	vm0 =	vlt.s32 @!p1 v6, $0x4E1FF  }
0x9b: {  	[tilespmem:s24+$0x15010] =	vst @!p1 v5;
	v6 =	vnsel @!p1 vm0, $0x4E1FF, v6  }
0x9c: {  	[tilespmem:s24+$0x14F10] =	vst @!p1 v6  }
0x9d: {  	v4 =	vld @!p1 [tilespmem:s14+$0x10F20];
	_ =	sdelay $0x1  }
0x9e: {  	v5 =	vld @!p1 [tilespmem:s14+$0x12F20];
	_ =	sdelay $0x2  }
0x9f: {  	v6 =	vadd.s32 @!p1 v2, v4  }
0xa0: {  	s14 =	smul.u32 @!p1 $0x1800, s22;
	[tilespmem:s24+$0x15120] =	vst @!p1 v4;
	vm0 =	vlt.s32 @!p1 v6, $0x4E1FF  }
0xa1: {  	[tilespmem:s24+$0x15020] =	vst @!p1 v5;
	v6 =	vnsel @!p1 vm0, $0x4E1FF, v6  }
0xa2: {  	s10 =	simm.s32 @!p1 $0x30;
	s25 =	sadd.s32 @!p1 $0x14F00, s24;
	s15 =	sadd.s32 @!p1 $0x15200, s14;
	[tilespmem:s24+$0x14F20] =	vst @!p1 v6  }
0xa3: {  	[tilespmem:s15], [sflag:$0x2] =	stream.indirect.gather @!p1 [hbm4b:s1+s10], $0x80, s25, s10, $0xb8;
	[tilespmem:$0x1FA00] =	vst v63  }
0xa4: {  	s15 =	sadd.s32 @!p1 $0x15000, s24;
	s24 =	sadd.s32 @!p1 $0x18200, s14;
	s25 =	smul.u32 $0x6000, s20  }
0xa5: {  	[tilespmem:s24], [sflag:$0x2] =	stream.indirect.gather @!p1 [hbm4b:s8+s10], $0x80, s15, s10, $0xb8;
	[tilespmem:$0x1FA00] =	vst v63  }
0xa6: {  	s24 =	sshra.s32 s25, $0x2  }
0xa7: {  	s14 =	sadd.s32 @!p1 $0x1B200, s14;
	s25 =	sadd.s32 $0x15240, s24  }
0xa8: {  	[tilespmem:s14], [sflag:$0x2] =	stream.indirect.gather @!p1 [hbm4b:s2+s10], $0x80, s15, s10, $0xb8;
	[tilespmem:$0x1FA00] =	vst v63  }
0xa9: {  	s10 =	sadd.s32 $0x18240, s24;
	v4 =	vmov s25  }
0xaa: {  	v5 =	vmov s10  }
0xab: {  	s14 =	sadd.s32 $0x1B270, s24  }
0xac: {  	s25 =	simm.s32 $0x0;
	v6 =	vmov s14  }
.LBB2_8:
0xad: {  	s14 =	sshra.s32 s25, $0x2  }
0xae: {  	v7 =	vld.idx.msk [tilespmem:v4+s14+$0xFFFFFFC0 ss:$0x1], $0xffff  }
0xaf: {  	v8 =	vld.idx.msk [tilespmem:v5+s14+$0xFFFFFFC0 ss:$0x1], $0xffff;
	_ =	sdelay $0x4  }
0xb0: {  	v7 =	vadd.f32 v8, v7;
	_ =	sdelay $0x1  }
0xb1: {  	v7 =	vsub.f32 $0.0e+00, v7;
	_ =	sdelay $0x1  }
0xb2: {  	v7 =	vmul.f32 $1.442695020e+00, v7;
	_ =	sdelay $0x1  }
0xb3: {  	(erf) = vpow2.f32 v7;
	_ =	sdelay $0x8  }
0xb4: {  	v7 =	vpop (erf)  }
0xb5: {  	v7 =	vadd.f32 $1.000000000e+00, v7;
	_ =	sdelay $0x1  }
0xb6: {  	(erf) = vrcp.f32 v7;
	_ =	sdelay $0x4  }
0xb7: {  	v7 =	vld.idx.msk [tilespmem:v6+s14+$0xFFFFFF90 ss:$0x1], $0xffff;
	_ =	sdelay $0x3  }
0xb8: {  	v8 =	vpop (erf)  }
0xb9: {  	v7 =	vmul.f32 v8, v7;
	_ =	sdelay $0x1  }
0xba: {  	[tilespmem:s14+$0x1E200] =	vst v7  }
0xbb: {  	v7 =	vld.idx.msk [tilespmem:v4+s14+$0xFFFFFFD0 ss:$0x1], $0xffff  }
0xbc: {  	v8 =	vld.idx.msk [tilespmem:v5+s14+$0xFFFFFFD0 ss:$0x1], $0xffff;
	_ =	sdelay $0x4  }
0xbd: {  	v7 =	vadd.f32 v8, v7;
	_ =	sdelay $0x1  }
0xbe: {  	v7 =	vsub.f32 $0.0e+00, v7;
	_ =	sdelay $0x1  }
0xbf: {  	v7 =	vmul.f32 $1.442695020e+00, v7;
	_ =	sdelay $0x1  }
0xc0: {  	(erf) = vpow2.f32 v7;
	_ =	sdelay $0x8  }
0xc1: {  	v7 =	vpop (erf)  }
0xc2: {  	v7 =	vadd.f32 $1.000000000e+00, v7;
	_ =	sdelay $0x1  }
0xc3: {  	(erf) = vrcp.f32 v7;
	_ =	sdelay $0x4  }
0xc4: {  	v7 =	vld.idx.msk [tilespmem:v6+s14+$0xFFFFFFA0 ss:$0x1], $0xffff;
	_ =	sdelay $0x3  }
0xc5: {  	v8 =	vpop (erf)  }
0xc6: {  	v7 =	vmul.f32 v8, v7;
	_ =	sdelay $0x1  }
0xc7: {  	[tilespmem:s14+$0x1E210] =	vst v7  }
0xc8: {  	v7 =	vld.idx.msk [tilespmem:v4+s14+$0xFFFFFFE0 ss:$0x1], $0xffff  }
0xc9: {  	v8 =	vld.idx.msk [tilespmem:v5+s14+$0xFFFFFFE0 ss:$0x1], $0xffff;
	_ =	sdelay $0x4  }
0xca: {  	v7 =	vadd.f32 v8, v7;
	_ =	sdelay $0x1  }
0xcb: {  	v7 =	vsub.f32 $0.0e+00, v7;
	_ =	sdelay $0x1  }
0xcc: {  	v7 =	vmul.f32 $1.442695020e+00, v7;
	_ =	sdelay $0x1  }
0xcd: {  	(erf) = vpow2.f32 v7;
	_ =	sdelay $0x8  }
0xce: {  	v7 =	vpop (erf)  }
0xcf: {  	v7 =	vadd.f32 $1.000000000e+00, v7;
	_ =	sdelay $0x1  }
0xd0: {  	(erf) = vrcp.f32 v7;
	_ =	sdelay $0x4  }
0xd1: {  	v7 =	vld.idx.msk [tilespmem:v6+s14+$0xFFFFFFB0 ss:$0x1], $0xffff;
	_ =	sdelay $0x3  }
0xd2: {  	v8 =	vpop (erf)  }
0xd3: {  	v7 =	vmul.f32 v8, v7;
	_ =	sdelay $0x1  }
0xd4: {  	[tilespmem:s14+$0x1E220] =	vst v7  }
0xd5: {  	v7 =	vld.idx.msk [tilespmem:v4+s14+$0xFFFFFFF0 ss:$0x1], $0xffff  }
0xd6: {  	v8 =	vld.idx.msk [tilespmem:v5+s14+$0xFFFFFFF0 ss:$0x1], $0xffff;
	_ =	sdelay $0x4  }
0xd7: {  	v7 =	vadd.f32 v8, v7;
	_ =	sdelay $0x1  }
0xd8: {  	v7 =	vsub.f32 $0.0e+00, v7;
	_ =	sdelay $0x1  }
0xd9: {  	v7 =	vmul.f32 $1.442695020e+00, v7;
	_ =	sdelay $0x1  }
0xda: {  	(erf) = vpow2.f32 v7;
	_ =	sdelay $0x8  }
0xdb: {  	v7 =	vpop (erf)  }
0xdc: {  	v7 =	vadd.f32 $1.000000000e+00, v7;
	_ =	sdelay $0x1  }
0xdd: {  	(erf) = vrcp.f32 v7;
	_ =	sdelay $0x4  }
0xde: {  	v7 =	vld.idx.msk [tilespmem:v6+s14+$0xFFFFFFC0 ss:$0x1], $0xffff;
	_ =	sdelay $0x3  }
0xdf: {  	v8 =	vpop (erf)  }
0xe0: {  	v7 =	vmul.f32 v8, v7;
	_ =	sdelay $0x1  }
0xe1: {  	[tilespmem:s14+$0x1E230] =	vst v7  }
0xe2: {  	v7 =	vld.idx.msk [tilespmem:v4+s14+$0x0 ss:$0x1], $0xffff  }
0xe3: {  	v8 =	vld.idx.msk [tilespmem:v5+s14+$0x0 ss:$0x1], $0xffff;
	_ =	sdelay $0x4  }
0xe4: {  	v7 =	vadd.f32 v8, v7;
	_ =	sdelay $0x1  }
0xe5: {  	v7 =	vsub.f32 $0.0e+00, v7;
	_ =	sdelay $0x1  }
0xe6: {  	v7 =	vmul.f32 $1.442695020e+00, v7;
	_ =	sdelay $0x1  }
0xe7: {  	(erf) = vpow2.f32 v7;
	_ =	sdelay $0x8  }
0xe8: {  	v7 =	vpop (erf)  }
0xe9: {  	v7 =	vadd.f32 $1.000000000e+00, v7;
	_ =	sdelay $0x1  }
0xea: {  	(erf) = vrcp.f32 v7;
	_ =	sdelay $0x4  }
0xeb: {  	v7 =	vld.idx.msk [tilespmem:v6+s14+$0xFFFFFFD0 ss:$0x1], $0xffff;
	_ =	sdelay $0x3  }
0xec: {  	v8 =	vpop (erf)  }
0xed: {  	v7 =	vmul.f32 v8, v7;
	_ =	sdelay $0x1  }
0xee: {  	[tilespmem:s14+$0x1E240] =	vst v7  }
0xef: {  	v7 =	vld.idx.msk [tilespmem:v4+s14+$0x10 ss:$0x1], $0xffff  }
0xf0: {  	v8 =	vld.idx.msk [tilespmem:v5+s14+$0x10 ss:$0x1], $0xffff;
	_ =	sdelay $0x4  }
0xf1: {  	v7 =	vadd.f32 v8, v7;
	_ =	sdelay $0x1  }
0xf2: {  	v7 =	vsub.f32 $0.0e+00, v7;
	_ =	sdelay $0x1  }
0xf3: {  	v7 =	vmul.f32 $1.442695020e+00, v7;
	_ =	sdelay $0x1  }
0xf4: {  	(erf) = vpow2.f32 v7;
	_ =	sdelay $0x8  }
0xf5: {  	v7 =	vpop (erf)  }
0xf6: {  	v7 =	vadd.f32 $1.000000000e+00, v7;
	_ =	sdelay $0x1  }
0xf7: {  	(erf) = vrcp.f32 v7;
	_ =	sdelay $0x4  }
0xf8: {  	v7 =	vld.idx.msk [tilespmem:v6+s14+$0xFFFFFFE0 ss:$0x1], $0xffff;
	_ =	sdelay $0x3  }
0xf9: {  	v8 =	vpop (erf)  }
0xfa: {  	v7 =	vmul.f32 v8, v7;
	_ =	sdelay $0x1  }
0xfb: {  	[tilespmem:s14+$0x1E250] =	vst v7  }
0xfc: {  	v7 =	vld.idx.msk [tilespmem:v4+s14+$0x20 ss:$0x1], $0xffff  }
0xfd: {  	v8 =	vld.idx.msk [tilespmem:v5+s14+$0x20 ss:$0x1], $0xffff;
	_ =	sdelay $0x4  }
0xfe: {  	v7 =	vadd.f32 v8, v7;
	_ =	sdelay $0x1  }
0xff: {  	v7 =	vsub.f32 $0.0e+00, v7;
	_ =	sdelay $0x1  }
0x100: {  	v7 =	vmul.f32 $1.442695020e+00, v7;
	_ =	sdelay $0x1  }
0x101: {  	(erf) = vpow2.f32 v7;
	_ =	sdelay $0x8  }
0x102: {  	v7 =	vpop (erf)  }
0x103: {  	v7 =	vadd.f32 $1.000000000e+00, v7;
	_ =	sdelay $0x1  }
0x104: {  	(erf) = vrcp.f32 v7;
	_ =	sdelay $0x4  }
0x105: {  	v7 =	vld.idx.msk [tilespmem:v6+s14+$0xFFFFFFF0 ss:$0x1], $0xffff;
	_ =	sdelay $0x3  }
0x106: {  	v8 =	vpop (erf)  }
0x107: {  	v7 =	vmul.f32 v8, v7;
	_ =	sdelay $0x1  }
0x108: {  	[tilespmem:s14+$0x1E260] =	vst v7  }
0x109: {  	v7 =	vld.idx.msk [tilespmem:v4+s14+$0x30 ss:$0x1], $0xffff  }
0x10a: {  	v8 =	vld.idx.msk [tilespmem:v5+s14+$0x30 ss:$0x1], $0xffff;
	_ =	sdelay $0x4  }
0x10b: {  	v7 =	vadd.f32 v8, v7;
	_ =	sdelay $0x1  }
0x10c: {  	v7 =	vsub.f32 $0.0e+00, v7;
	_ =	sdelay $0x1  }
0x10d: {  	v7 =	vmul.f32 $1.442695020e+00, v7;
	_ =	sdelay $0x1  }
0x10e: {  	(erf) = vpow2.f32 v7;
	_ =	sdelay $0x8  }
0x10f: {  	v7 =	vpop (erf)  }
0x110: {  	v7 =	vadd.f32 $1.000000000e+00, v7;
	_ =	sdelay $0x1  }
0x111: {  	(erf) = vrcp.f32 v7;
	_ =	sdelay $0x4  }
0x112: {  	v7 =	vld.idx.msk [tilespmem:v6+s14+$0x0 ss:$0x1], $0xffff;
	_ =	sdelay $0x1  }
0x113: {  	p1 =	sne.s32 s25, $0x5E00  }
.Ltmp8:
0x114: {  	_ = 	snop;
	(pc) =	sbr.rel @p1 .LBB2_8-.Ltmp8, $3  }
0x115: {  	v8 =	vpop (erf)  }
0x116: {  	v7 =	vmul.f32 v8, v7;
	_ =	sdelay $0x1  }
0x117: {  	s25 =	sadd.s32 $0x200, s25;
	[tilespmem:s14+$0x1E270] =	vst v7  }
0x118: {  	s10 =	sshll.u32 s20, $0x7  }
0x119: {  	s10 =	sand.u32 $0x3FFFFF80, s10  }
0x11a: {  	s14 =	sadd.s32 $0x1B200, s24;
	s10 =	sadd.s32 $0x15100, s10  }
0x11b: {  	[spmem:s4] =	stream.indirect.scatter.add.f32 [tilespmem:s14], [sflag:$0x3], $0x80, s10, s29, $0xb8;
	[tilespmem:$0x1FA00] =	vst v63  }
0x11c: {  	_ =	swait.ge [sflag:s21], $0x1800  }
0x11d: {  	p1 =	sne.s32 s18, s17;
	[sflag:s21] =	ssyncset.done $0x0  }
.Ltmp9:
0x11e: {  	[sflag:s21] =	ssyncadd.s32 $0xFFFFE800;
	(pc) =	sbr.rel @p1 .LBB2_7-.Ltmp9, $4  }
0x11f: {  	[spmem:s6] =	stream.indirect.scatter.add.f32 [tilespmem:s23], [sflag:$0x3], $0x80, s10, s29, $0xb8;
	[tilespmem:$0x1FA00] =	vst v63  }
0x120: {  	_ =	swait.ge [sflag:s21], $0x1800  }
0x121: {  	[sflag:s21] =	ssyncset.done $0x0  }
0x122: {  	s20 =	smov.u32 s22;
	[sflag:s21] =	ssyncadd.s32 $0xFFFFE800  }
0x123: {  	v4 =	vld [tilespmem:s16+$0x10F00];
	_ =	sdelay $0x4  }
0x124: {  	[tilespmem:$0x10F00] =	vst v4  }
0x125: {  	v4 =	vld [tilespmem:s16+$0x12F00];
	_ =	sdelay $0x4  }
0x126: {  	[tilespmem:$0x12F00] =	vst v4  }
0x127: {  	v4 =	vld [tilespmem:s16+$0x10F10];
	_ =	sdelay $0x4  }
0x128: {  	[tilespmem:$0x10F10] =	vst v4  }
0x129: {  	v4 =	vld [tilespmem:s16+$0x12F10];
	_ =	sdelay $0x4  }
0x12a: {  	[tilespmem:$0x12F10] =	vst v4  }
0x12b: {  	v4 =	vld [tilespmem:s16+$0x10F20];
	_ =	sdelay $0x4  }
0x12c: {  	[tilespmem:$0x10F20] =	vst v4  }
0x12d: {  	v4 =	vld [tilespmem:s16+$0x12F20]  }
.Ltmp10:
0x12e: {  	_ = 	snop;
	(pc) =	sbr.rel .LBB2_11-.Ltmp10, $2  }
0x12f: {  	_ =	sdelay $0x2  }
0x130: {  	[tilespmem:$0x12F20] =	vst v4  }
.LBB2_12:
0x131: {  	s10 =	sadd.s32 $0x2F, s11  }
0x132: {  	s13 =	smulhi.u32 $0x2AAAAAAB, s10;
	s10 =	sshra.s32 s10, $0x1F  }
0x133: {  	s10 =	smul.u32 $0x2AAAAAAB, s10;
	_ =	sdelay $0x1  }
0x134: {  	s10 =	sadd.s32 s10, s13  }
0x135: {  	s13 =	sshrl.u32 s10, $0x1F;
	s10 =	sshra.s32 s10, $0x3  }
0x136: {  	s10 =	sadd.s32 s13, s10  }
0x137: {  	s13 =	smul.u32 $0xFFFFFFD0, s10  }
0x138: {  	s14 =	ssub.s32 $0xFFFFFFD1, s11  }
0x139: {  	p1 =	slt.s32 s11, $0xFFFFFFD2;
	p0 =	sne.s32 s13, s14  }
0x13a: {  	p0 =	por !p1, !p0  }
0x13b: {  	s13 =	simm.s32 $0x1;
	p0 =	por !p0, !p0  }
0x13c: {  	s13 =	simm.s32 @!p0 $0x0  }
0x13d: {  	s13 =	ssub.s32 s10, s13  }
0x13e: {  	[tilespmem:s11+$0x10F00] =	vst v1;
	p0 =	slt.s32 s13, $0x1  }
.Ltmp11:
0x13f: {  	[tilespmem:s11+$0x12F00] =	vst v0;
	(pc) =	sbr.rel @p0 .LBB2_17-.Ltmp11, $4  }
0x140: {  	[tilespmem:s11+$0x10F10] =	vst v1  }
0x141: {  	[tilespmem:s11+$0x12F10] =	vst v0  }
0x142: {  	[tilespmem:s11+$0x10F20] =	vst v1  }
0x143: {  	[tilespmem:s11+$0x12F20] =	vst v0  }
0x144: {  	v3 =	vld [tilespmem:$0x10F00]  }
0x145: {  	v4 =	vld [tilespmem:$0x10F10]  }
0x146: {  	v5 =	vld [tilespmem:$0x12F00];
	_ =	sdelay $0x1  }
0x147: {  	v7 =	vld [tilespmem:$0x10F20]  }
0x148: {  	v61 =	vld [tilespmem:$0x12F10]  }
0x149: {  	v8 =	vadd.s32 v2, v4;
	[tilespmem:$0x15100] =	vst v3  }
0x14a: {  	[tilespmem:$0x15000] =	vst v5;
	vm14 =	vlt.s32 v8, $0x4E1FF  }
0x14b: {  	v6 =	vadd.s32 v2, v3;
	[tilespmem:$0x15110] =	vst v4;
	v3 =	vnsel vm14, $0x4E1FF, v8  }
0x14c: {  	[tilespmem:$0x14F10] =	vst v3;
	v3 =	vld [tilespmem:$0x12F20]  }
0x14d: {  	v62 =	vadd.s32 v2, v7;
	[tilespmem:$0x15010] =	vst v61;
	vm0 =	vlt.s32 v6, $0x4E1FF  }
0x14e: {  	[tilespmem:$0x15120] =	vst v7;
	vm15 =	vlt.s32 v62, $0x4E1FF;
	v6 =	vnsel vm0, $0x4E1FF, v6  }
0x14f: {  	v63 =	vnsel vm15, $0x4E1FF, v62;
	[tilespmem:$0x14F00] =	vst v6  }
0x150: {  	[tilespmem:$0x14F20] =	vst v63  }
0x151: {  	[tilespmem:$0x15020] =	vst v3  }
0x152: {  	[tilespmem:s31], [sflag:$0x2] =	stream.indirect.gather [hbm4b:s1+s29], $0x80, s30, s29, $0xb8;
	[tilespmem:$0x1FA00] =	vst v63  }
0x153: {  	_ = 	snop  }
0x154: {  	[tilespmem:s5], [sflag:$0x2] =	stream.indirect.gather [hbm4b:s8+s29], $0x80, s0, s29, $0xb8;
	[tilespmem:$0x1FA00] =	vst v63  }
0x155: {  	s16 =	simm.s32 $0x0;
	s11 =	simm.s32 $0x0  }
0x156: {  	[tilespmem:s19], [sflag:$0x2] =	stream.indirect.gather [hbm4b:s2+s29], $0x80, s0, s29, $0xb8;
	[tilespmem:$0x1FA00] =	vst v63  }
.LBB2_14:
0x157: {  	_ =	swait.ge [sflag:s7], $0x1800  }
0x158: {  	[sflag:s7] =	ssyncset.done $0x0  }
0x159: {  	[sflag:s7] =	ssyncadd.s32 $0xFFFFE800  }
0x15a: {  	_ =	swait.ge [sflag:s7], $0x1800  }
0x15b: {  	[sflag:s7] =	ssyncset.done $0x0  }
0x15c: {  	s11 =	sadd.s32 $0x1, s11;
	[sflag:s7] =	ssyncadd.s32 $0xFFFFE800  }
0x15d: {  	p0 =	sge.s32 s11, s13;
	_ =	swait.ge [sflag:s7], $0x1800  }
0x15e: {  	s10 =	smul.u32 @!p0 $0x30, s11;
	[sflag:s7] =	ssyncset.done $0x0  }
0x15f: {  	[sflag:s7] =	ssyncadd.s32 $0xFFFFE800  }
0x160: {  	v3 =	vld @!p0 [tilespmem:s10+$0x10F00];
	_ =	sdelay $0x1  }
0x161: {  	v4 =	vld @!p0 [tilespmem:s10+$0x12F00];
	_ =	sdelay $0x1  }
0x162: {  	s17 =	sxor.u32 $0x1, s16  }
0x163: {  	s14 =	sshll.u32 @!p0 s17, $0x7;
	v5 =	vadd.s32 @!p0 v2, v3  }
0x164: {  	[tilespmem:s14+$0x15100] =	vst @!p0 v3;
	vm0 =	vlt.s32 @!p0 v5, $0x4E1FF  }
0x165: {  	[tilespmem:s14+$0x15000] =	vst @!p0 v4;
	v5 =	vnsel @!p0 vm0, $0x4E1FF, v5  }
0x166: {  	[tilespmem:s14+$0x14F00] =	vst @!p0 v5  }
0x167: {  	v3 =	vld @!p0 [tilespmem:s10+$0x10F10];
	_ =	sdelay $0x1  }
0x168: {  	v4 =	vld @!p0 [tilespmem:s10+$0x12F10];
	_ =	sdelay $0x2  }
0x169: {  	v5 =	vadd.s32 @!p0 v2, v3  }
0x16a: {  	[tilespmem:s14+$0x15110] =	vst @!p0 v3;
	vm0 =	vlt.s32 @!p0 v5, $0x4E1FF  }
0x16b: {  	[tilespmem:s14+$0x15010] =	vst @!p0 v4;
	v5 =	vnsel @!p0 vm0, $0x4E1FF, v5  }
0x16c: {  	[tilespmem:s14+$0x14F10] =	vst @!p0 v5  }
0x16d: {  	v3 =	vld @!p0 [tilespmem:s10+$0x10F20];
	_ =	sdelay $0x1  }
0x16e: {  	v4 =	vld @!p0 [tilespmem:s10+$0x12F20];
	_ =	sdelay $0x2  }
0x16f: {  	v5 =	vadd.s32 @!p0 v2, v3  }
0x170: {  	s10 =	smul.u32 @!p0 $0x1800, s17;
	[tilespmem:s14+$0x15120] =	vst @!p0 v3;
	vm0 =	vlt.s32 @!p0 v5, $0x4E1FF  }
0x171: {  	s22 =	smul.u32 $0x6000, s16;
	[tilespmem:s14+$0x15020] =	vst @!p0 v4;
	v5 =	vnsel @!p0 vm0, $0x4E1FF, v5  }
0x172: {  	s20 =	simm.s32 @!p0 $0x30;
	s15 =	sadd.s32 @!p0 $0x14F00, s14;
	s18 =	sadd.s32 @!p0 $0x15200, s10;
	[tilespmem:s14+$0x14F20] =	vst @!p0 v5  }
0x173: {  	[tilespmem:s18], [sflag:$0x2] =	stream.indirect.gather @!p0 [hbm4b:s1+s20], $0x80, s15, s20, $0xb8;
	[tilespmem:$0x1FA00] =	vst v63  }
0x174: {  	s14 =	sadd.s32 @!p0 $0x15000, s14;
	s15 =	sadd.s32 @!p0 $0x18200, s10;
	s18 =	sshra.s32 s22, $0x2  }
0x175: {  	[tilespmem:s15], [sflag:$0x2] =	stream.indirect.gather @!p0 [hbm4b:s8+s20], $0x80, s14, s20, $0xb8;
	[tilespmem:$0x1FA00] =	vst v63  }
0x176: {  	s15 =	sadd.s32 $0x15240, s18  }
0x177: {  	s24 =	sadd.s32 $0x18240, s18;
	v3 =	vmov s15  }
0x178: {  	s10 =	sadd.s32 @!p0 $0x1B200, s10;
	s25 =	sadd.s32 $0x1B270, s18;
	v4 =	vmov s24  }
0x179: {  	[tilespmem:s10], [sflag:$0x2] =	stream.indirect.gather @!p0 [hbm4b:s2+s20], $0x80, s14, s20, $0xb8;
	[tilespmem:$0x1FA00] =	vst v63  }
0x17a: {  	v5 =	vmov s25;
	s20 =	simm.s32 $0x0  }
.LBB2_15:
0x17b: {  	s14 =	sshra.s32 s20, $0x2  }
0x17c: {  	v6 =	vld.idx.msk [tilespmem:v3+s14+$0xFFFFFFC0 ss:$0x1], $0xffff  }
0x17d: {  	v7 =	vld.idx.msk [tilespmem:v4+s14+$0xFFFFFFC0 ss:$0x1], $0xffff;
	_ =	sdelay $0x4  }
0x17e: {  	v6 =	vadd.f32 v7, v6;
	_ =	sdelay $0x1  }
0x17f: {  	v6 =	vsub.f32 $0.0e+00, v6;
	_ =	sdelay $0x1  }
0x180: {  	v6 =	vmul.f32 $1.442695020e+00, v6;
	_ =	sdelay $0x1  }
0x181: {  	(erf) = vpow2.f32 v6;
	_ =	sdelay $0x8  }
0x182: {  	v6 =	vpop (erf)  }
0x183: {  	v6 =	vadd.f32 $1.000000000e+00, v6;
	_ =	sdelay $0x1  }
0x184: {  	(erf) = vrcp.f32 v6;
	_ =	sdelay $0x4  }
0x185: {  	v6 =	vld.idx.msk [tilespmem:v5+s14+$0xFFFFFF90 ss:$0x1], $0xffff;
	_ =	sdelay $0x3  }
0x186: {  	v7 =	vpop (erf)  }
0x187: {  	v6 =	vmul.f32 v7, v6;
	_ =	sdelay $0x1  }
0x188: {  	[tilespmem:s14+$0x1E200] =	vst v6  }
0x189: {  	v6 =	vld.idx.msk [tilespmem:v3+s14+$0xFFFFFFD0 ss:$0x1], $0xffff  }
0x18a: {  	v7 =	vld.idx.msk [tilespmem:v4+s14+$0xFFFFFFD0 ss:$0x1], $0xffff;
	_ =	sdelay $0x4  }
0x18b: {  	v6 =	vadd.f32 v7, v6;
	_ =	sdelay $0x1  }
0x18c: {  	v6 =	vsub.f32 $0.0e+00, v6;
	_ =	sdelay $0x1  }
0x18d: {  	v6 =	vmul.f32 $1.442695020e+00, v6;
	_ =	sdelay $0x1  }
0x18e: {  	(erf) = vpow2.f32 v6;
	_ =	sdelay $0x8  }
0x18f: {  	v6 =	vpop (erf)  }
0x190: {  	v6 =	vadd.f32 $1.000000000e+00, v6;
	_ =	sdelay $0x1  }
0x191: {  	(erf) = vrcp.f32 v6;
	_ =	sdelay $0x4  }
0x192: {  	v6 =	vld.idx.msk [tilespmem:v5+s14+$0xFFFFFFA0 ss:$0x1], $0xffff;
	_ =	sdelay $0x3  }
0x193: {  	v7 =	vpop (erf)  }
0x194: {  	v6 =	vmul.f32 v7, v6;
	_ =	sdelay $0x1  }
0x195: {  	[tilespmem:s14+$0x1E210] =	vst v6  }
0x196: {  	v6 =	vld.idx.msk [tilespmem:v3+s14+$0xFFFFFFE0 ss:$0x1], $0xffff  }
0x197: {  	v7 =	vld.idx.msk [tilespmem:v4+s14+$0xFFFFFFE0 ss:$0x1], $0xffff;
	_ =	sdelay $0x4  }
0x198: {  	v6 =	vadd.f32 v7, v6;
	_ =	sdelay $0x1  }
0x199: {  	v6 =	vsub.f32 $0.0e+00, v6;
	_ =	sdelay $0x1  }
0x19a: {  	v6 =	vmul.f32 $1.442695020e+00, v6;
	_ =	sdelay $0x1  }
0x19b: {  	(erf) = vpow2.f32 v6;
	_ =	sdelay $0x8  }
0x19c: {  	v6 =	vpop (erf)  }
0x19d: {  	v6 =	vadd.f32 $1.000000000e+00, v6;
	_ =	sdelay $0x1  }
0x19e: {  	(erf) = vrcp.f32 v6;
	_ =	sdelay $0x4  }
0x19f: {  	v6 =	vld.idx.msk [tilespmem:v5+s14+$0xFFFFFFB0 ss:$0x1], $0xffff;
	_ =	sdelay $0x3  }
0x1a0: {  	v7 =	vpop (erf)  }
0x1a1: {  	v6 =	vmul.f32 v7, v6;
	_ =	sdelay $0x1  }
0x1a2: {  	[tilespmem:s14+$0x1E220] =	vst v6  }
0x1a3: {  	v6 =	vld.idx.msk [tilespmem:v3+s14+$0xFFFFFFF0 ss:$0x1], $0xffff  }
0x1a4: {  	v7 =	vld.idx.msk [tilespmem:v4+s14+$0xFFFFFFF0 ss:$0x1], $0xffff;
	_ =	sdelay $0x4  }
0x1a5: {  	v6 =	vadd.f32 v7, v6;
	_ =	sdelay $0x1  }
0x1a6: {  	v6 =	vsub.f32 $0.0e+00, v6;
	_ =	sdelay $0x1  }
0x1a7: {  	v6 =	vmul.f32 $1.442695020e+00, v6;
	_ =	sdelay $0x1  }
0x1a8: {  	(erf) = vpow2.f32 v6;
	_ =	sdelay $0x8  }
0x1a9: {  	v6 =	vpop (erf)  }
0x1aa: {  	v6 =	vadd.f32 $1.000000000e+00, v6;
	_ =	sdelay $0x1  }
0x1ab: {  	(erf) = vrcp.f32 v6;
	_ =	sdelay $0x4  }
0x1ac: {  	v6 =	vld.idx.msk [tilespmem:v5+s14+$0xFFFFFFC0 ss:$0x1], $0xffff;
	_ =	sdelay $0x3  }
0x1ad: {  	v7 =	vpop (erf)  }
0x1ae: {  	v6 =	vmul.f32 v7, v6;
	_ =	sdelay $0x1  }
0x1af: {  	[tilespmem:s14+$0x1E230] =	vst v6  }
0x1b0: {  	v6 =	vld.idx.msk [tilespmem:v3+s14+$0x0 ss:$0x1], $0xffff  }
0x1b1: {  	v7 =	vld.idx.msk [tilespmem:v4+s14+$0x0 ss:$0x1], $0xffff;
	_ =	sdelay $0x4  }
0x1b2: {  	v6 =	vadd.f32 v7, v6;
	_ =	sdelay $0x1  }
0x1b3: {  	v6 =	vsub.f32 $0.0e+00, v6;
	_ =	sdelay $0x1  }
0x1b4: {  	v6 =	vmul.f32 $1.442695020e+00, v6;
	_ =	sdelay $0x1  }
0x1b5: {  	(erf) = vpow2.f32 v6;
	_ =	sdelay $0x8  }
0x1b6: {  	v6 =	vpop (erf)  }
0x1b7: {  	v6 =	vadd.f32 $1.000000000e+00, v6;
	_ =	sdelay $0x1  }
0x1b8: {  	(erf) = vrcp.f32 v6;
	_ =	sdelay $0x4  }
0x1b9: {  	v6 =	vld.idx.msk [tilespmem:v5+s14+$0xFFFFFFD0 ss:$0x1], $0xffff;
	_ =	sdelay $0x3  }
0x1ba: {  	v7 =	vpop (erf)  }
0x1bb: {  	v6 =	vmul.f32 v7, v6;
	_ =	sdelay $0x1  }
0x1bc: {  	[tilespmem:s14+$0x1E240] =	vst v6  }
0x1bd: {  	v6 =	vld.idx.msk [tilespmem:v3+s14+$0x10 ss:$0x1], $0xffff  }
0x1be: {  	v7 =	vld.idx.msk [tilespmem:v4+s14+$0x10 ss:$0x1], $0xffff;
	_ =	sdelay $0x4  }
0x1bf: {  	v6 =	vadd.f32 v7, v6;
	_ =	sdelay $0x1  }
0x1c0: {  	v6 =	vsub.f32 $0.0e+00, v6;
	_ =	sdelay $0x1  }
0x1c1: {  	v6 =	vmul.f32 $1.442695020e+00, v6;
	_ =	sdelay $0x1  }
0x1c2: {  	(erf) = vpow2.f32 v6;
	_ =	sdelay $0x8  }
0x1c3: {  	v6 =	vpop (erf)  }
0x1c4: {  	v6 =	vadd.f32 $1.000000000e+00, v6;
	_ =	sdelay $0x1  }
0x1c5: {  	(erf) = vrcp.f32 v6;
	_ =	sdelay $0x4  }
0x1c6: {  	v6 =	vld.idx.msk [tilespmem:v5+s14+$0xFFFFFFE0 ss:$0x1], $0xffff;
	_ =	sdelay $0x3  }
0x1c7: {  	v7 =	vpop (erf)  }
0x1c8: {  	v6 =	vmul.f32 v7, v6;
	_ =	sdelay $0x1  }
0x1c9: {  	[tilespmem:s14+$0x1E250] =	vst v6  }
0x1ca: {  	v6 =	vld.idx.msk [tilespmem:v3+s14+$0x20 ss:$0x1], $0xffff  }
0x1cb: {  	v7 =	vld.idx.msk [tilespmem:v4+s14+$0x20 ss:$0x1], $0xffff;
	_ =	sdelay $0x4  }
0x1cc: {  	v6 =	vadd.f32 v7, v6;
	_ =	sdelay $0x1  }
0x1cd: {  	v6 =	vsub.f32 $0.0e+00, v6;
	_ =	sdelay $0x1  }
0x1ce: {  	v6 =	vmul.f32 $1.442695020e+00, v6;
	_ =	sdelay $0x1  }
0x1cf: {  	(erf) = vpow2.f32 v6;
	_ =	sdelay $0x8  }
0x1d0: {  	v6 =	vpop (erf)  }
0x1d1: {  	v6 =	vadd.f32 $1.000000000e+00, v6;
	_ =	sdelay $0x1  }
0x1d2: {  	(erf) = vrcp.f32 v6;
	_ =	sdelay $0x4  }
0x1d3: {  	v6 =	vld.idx.msk [tilespmem:v5+s14+$0xFFFFFFF0 ss:$0x1], $0xffff;
	_ =	sdelay $0x3  }
0x1d4: {  	v7 =	vpop (erf)  }
0x1d5: {  	v6 =	vmul.f32 v7, v6;
	_ =	sdelay $0x1  }
0x1d6: {  	[tilespmem:s14+$0x1E260] =	vst v6  }
0x1d7: {  	v6 =	vld.idx.msk [tilespmem:v3+s14+$0x30 ss:$0x1], $0xffff  }
0x1d8: {  	v7 =	vld.idx.msk [tilespmem:v4+s14+$0x30 ss:$0x1], $0xffff;
	_ =	sdelay $0x4  }
0x1d9: {  	v6 =	vadd.f32 v7, v6;
	_ =	sdelay $0x1  }
0x1da: {  	v6 =	vsub.f32 $0.0e+00, v6;
	_ =	sdelay $0x1  }
0x1db: {  	v6 =	vmul.f32 $1.442695020e+00, v6;
	_ =	sdelay $0x1  }
0x1dc: {  	(erf) = vpow2.f32 v6;
	_ =	sdelay $0x8  }
0x1dd: {  	v6 =	vpop (erf)  }
0x1de: {  	v6 =	vadd.f32 $1.000000000e+00, v6;
	_ =	sdelay $0x1  }
0x1df: {  	(erf) = vrcp.f32 v6;
	_ =	sdelay $0x4  }
0x1e0: {  	v6 =	vld.idx.msk [tilespmem:v5+s14+$0x0 ss:$0x1], $0xffff;
	_ =	sdelay $0x1  }
0x1e1: {  	p0 =	sne.s32 s20, $0x5E00  }
.Ltmp12:
0x1e2: {  	_ = 	snop;
	(pc) =	sbr.rel @p0 .LBB2_15-.Ltmp12, $3  }
0x1e3: {  	v7 =	vpop (erf)  }
0x1e4: {  	v6 =	vmul.f32 v7, v6;
	_ =	sdelay $0x1  }
0x1e5: {  	s20 =	sadd.s32 $0x200, s20;
	[tilespmem:s14+$0x1E270] =	vst v6  }
0x1e6: {  	s10 =	sshll.u32 s16, $0x7  }
0x1e7: {  	s10 =	sand.u32 $0x3FFFFF80, s10  }
0x1e8: {  	s14 =	sadd.s32 $0x1B200, s18;
	s10 =	sadd.s32 $0x15100, s10  }
0x1e9: {  	[spmem:s4] =	stream.indirect.scatter.add.f32 [tilespmem:s14], [sflag:$0x3], $0x80, s10, s29, $0xb8;
	[tilespmem:$0x1FA00] =	vst v63  }
0x1ea: {  	_ =	swait.ge [sflag:s21], $0x1800  }
0x1eb: {  	[sflag:s21] =	ssyncset.done $0x0  }
0x1ec: {  	p0 =	sne.s32 s11, s13;
	[sflag:s21] =	ssyncadd.s32 $0xFFFFE800  }
0x1ed: {  	[spmem:s6] =	stream.indirect.scatter.add.f32 [tilespmem:s23], [sflag:$0x3], $0x80, s10, s29, $0xb8;
	[tilespmem:$0x1FA00] =	vst v63  }
.Ltmp13:
0x1ee: {  	_ = 	snop;
	(pc) =	sbr.rel @p0 .LBB2_14-.Ltmp13, $4  }
.Ltmp14:
0x1ef: {  	_ = 	snop;
	(pc) =	sbr.rel @!p0 .LBB2_17-.Ltmp14, $4  }
0x1f0: {  	_ =	swait.ge [sflag:s21], $0x1800  }
0x1f1: {  	[sflag:s21] =	ssyncset.done $0x0  }
0x1f2: {  	s16 =	smov.u32 s17;
	[sflag:s21] =	ssyncadd.s32 $0xFFFFE800  }
0x1f3: {  	_ = 	snop  }
.LBB2_19:
0x1f4: {  	_ =	sfence.sel $0x180000  }
0x1f5: {  	[bflag:$0x0] =	sbarrier.arrive $0xFFFF  }
0x1f6: {  	_ =	strace $0x9000004A  }
0x1f7: {  	s0 =	stileid.u32;
	[bflag:$0x2] =	sbarrier.arrive $0xFFFF  }
0x1f8: {  	p0 =	sne.s32 s0, $0x0;
	s0 =	rddreg [dreg:$0x6]  }
0x1f9: {  	s0 =	sadd.s32 @!p0 $0x100000, s0  }
0x1fa: {  	[sflag:s0] =	ssyncadd.tile.s32 @!p0 $0x1;
	_ =	shalt  }
.Lfunc_end2:
_tile_overlayer_lowered:
.L_overlay_start_2:
0x1fb: {  	(tag) =	ssettag $0x2  }
0x1fc: {  	s0 =	rddreg [dreg:$0x0];
	s2 =	stileid.u32  }
0x1fd: {  	s1 =	rddreg [dreg:$0x1];
	p0 =	sne.s32 s2, $0x0  }
0x1fe: {  	s3 =	rddreg [dreg:$0x2];
	[bflag:$0x3] =	sbarrier.arrive $0xFFFF;
	s2 =	simm.s32 @!p0 $0x1C03  }
0x1ff: {  	[timem:s3], [sflag:s2] =	dma.local @!p0 [hbm:s0], s1  }
0x200: {  	s0 =	simm.s32 @!p0 $0x3  }
0x201: {  	_ =	swait.ge @!p0 [sflag:s0], s1  }
0x202: {  	s1 =	ssub.s32 @!p0 $0x0, s1;
	[sflag:s0] =	ssyncset.done @!p0 $0x0  }
0x203: {  	[sflag:s0] =	ssyncadd.s32 @!p0 s1  }
0x204: {  	[bflag:$0x3] =	sbarrier.arrive $0xFFFF  }
0x205: {  	_ =	shalt  }

// kernel: kernel.14.cloned.1.call-start
scs
__scs_entry_jumppad:
0x0: {  	(pc) =	sbr.rel $0x88, $3  }
0x1: {  	(tag) =	ssettag $0x0;
	lr =	simm.s32 $0x1  }
0x2: {  	[smem:$0x3F93] =	sst lr;
	_ =	strace $0xD0000000  }
0x3: {  	_ = 	snop  }
0x4: {  	_ = 	snop  }
0x5: {  	_ = 	snop  }
0x6: {  	_ = 	snop  }
0x7: {  	_ = 	snop  }
__scs_overlays_trampoline_lowered:
0x8: {  	[smem:$0x3FA2] =	sst s0  }
0x9: {  	[smem:$0x3FA3] =	sst s1  }
0xa: {  	[smem:$0x3FA4] =	sst s2  }
0xb: {  	[smem:$0x3FA5] =	sst s3  }
0xc: {  	[smem:$0x3FA6] =	sst s4  }
0xd: {  	[smem:$0x3FA7] =	sst s5  }
0xe: {  	[smem:$0x3FA8] =	sst s6  }
0xf: {  	[smem:$0x3FA9] =	sst s7  }
0x10: {  	[smem:$0x3FAA] =	sst s8  }
0x11: {  	[smem:$0x3FAB] =	sst s9;
	s0 =	simm.s32 @!p0 $0x0  }
0x12: {  	s1 =	sld [smem:$0x3F91];
	s0 =	simm.s32 @p0 $0x1  }
0x13: {  	[smem:$0x3FAC] =	sst s0;
	s0 =	simm.s32 @!p1 $0x0  }
0x14: {  	s2 =	sld [smem:$0x3F90];
	s0 =	simm.s32 @p1 $0x1  }
0x15: {  	[smem:$0x3FAD] =	sst s0;
	s0 =	simm.s32 @!p2 $0x0  }
0x16: {  	s3 =	sld [smem:$0x3FDB];
	s0 =	simm.s32 @p2 $0x1  }
0x17: {  	s4 =	simm.s32 $0x1BF5;
	[smem:$0x3FAF] =	sst s0  }
0x18: {  	s0 =	sld [smem:$0x3F92];
	_ =	swait.ge [sflag:s4], $0x0  }
0x19: {  	s7 =	sld [smem:$0x3F93]  }
0x1a: {  	s8 =	sadd.s32 $0xFFFFE003, lr  }
0x1b: {  	s9 =	sadd.s32 $0xFFFFFEF7, lr;
	s5 =	simm.s32 $0xFFFFFFFF;
	p2 =	slt.u32 s8, $0xFFFFF086  }
0x1c: {  	p1 =	slt.u32 s9, $0xF7A;
	s5 =	simm.s32 @!p2 $0x0  }
0x1d: {  	s5 =	simm.s32 @p1 $0x1;
	p0 =	seq.s32 s7, s2  }
0x1e: {  	s7 =	smul.u32 @!p0 $0xF7A, s2;
	p2 =	seq.s32 @!p0 s5, $0x0  }
0x1f: {  	s9 =	smul.u32 $0xF7A, s1;
	s8 =	simm.s32 @!p0 $0x1BF5;
	p2 =	por !p2, p0  }
0x20: {  	[sflag:s8] =	ssyncset.s32 @!p0 $0xFFFFF086;
	s6 =	sadd.s32 @!p0 s3, s7;
	s7 =	simm.s32 @!p0 $0x108  }
0x21: {  	s3 =	sadd.s32 s3, s9;
	s6 =	sadd.s32 @!p0 $0x88, s6;
	s7 =	simm.s32 @p2 $0x1082  }
0x22: {  	[simem:s7], [sflag:s8] =	dma.local @!p0 [hbm:s6], $0xF7A  }
0x23: {  	s9 =	sor.u32 $0xD0000000, s2;
	s6 =	simm.s32 $0x108;
	_ =	swait.ge @!p0 [sflag:s8], $0x0  }
0x24: {  	s3 =	sadd.s32 $0x88, s3;
	s6 =	simm.s32 @!p1 $0x1082;
	[sflag:s4] =	ssyncset.s32 $0xFFFFF086  }
0x25: {  	[simem:s6], [sflag:s4] =	dma.local [hbm:s3], $0xF7A  }
0x26: {  	[smem:$0x3F93] =	sst s1;
	(tag) =	ssettag s2;
	_ =	strace s9  }
0x27: {  	s1 =	sld [smem:$0x3FA3]  }
0x28: {  	s2 =	sld [smem:$0x3FA4]  }
0x29: {  	s4 =	sld [smem:$0x3FA6]  }
0x2a: {  	p0 =	seq.s32 s5, $0x0;
	s5 =	sld [smem:$0x3FA7]  }
0x2b: {  	s6 =	sld [smem:$0x3FA8]  }
0x2c: {  	s7 =	sld [smem:$0x3FA9]  }
0x2d: {  	s3 =	simm.s32 $0x108;
	s8 =	sld [smem:$0x3FAA]  }
0x2e: {  	s3 =	simm.s32 @!p0 $0x1082;
	s9 =	sld [smem:$0x3FAB]  }
0x2f: {  	lr =	sadd.s32 s0, s3;
	s0 =	sld [smem:$0x3FA2]  }
0x30: {  	s3 =	sld [smem:$0x3FA5]  }
0x31: {  	[smem:$0x3FAE] =	sst s10  }
0x32: {  	s10 =	sld [smem:$0x3FAC];
	_ =	sdelay $0x3  }
0x33: {  	p0 =	seq.s32 s10, $0x1;
	s10 =	sld [smem:$0x3FAE];
	_ =	sdelay $0x3  }
0x34: {  	[smem:$0x3FAE] =	sst s10  }
0x35: {  	s10 =	sld [smem:$0x3FAD];
	_ =	sdelay $0x3  }
0x36: {  	p1 =	seq.s32 s10, $0x1;
	s10 =	sld [smem:$0x3FAE];
	_ =	sdelay $0x3  }
0x37: {  	[smem:$0x3FAE] =	sst s10  }
0x38: {  	s10 =	sld [smem:$0x3FAF]  }
0x39: {  	_ = 	snop;
	(pc) =	sbr.ind lr, $3  }
0x3a: {  	_ = 	snop  }
0x3b: {  	_ = 	snop  }
0x3c: {  	p2 =	seq.s32 s10, $0x1;
	s10 =	sld [smem:$0x3FAE]  }
0x3d: {  	_ =	shalt  }
0x3e: {  	_ =	shalt  }
0x3f: {  	_ =	shalt  }
0x40: {  	_ =	shalt  }
0x41: {  	_ =	shalt  }
0x42: {  	_ =	shalt  }
0x43: {  	_ =	shalt  }
0x44: {  	_ =	shalt  }
0x45: {  	_ =	shalt  }
0x46: {  	_ =	shalt  }
0x47: {  	_ =	shalt  }
0x48: {  	_ =	shalt  }
0x49: {  	_ =	shalt  }
0x4a: {  	_ =	shalt  }
0x4b: {  	_ =	shalt  }
0x4c: {  	_ =	shalt  }
0x4d: {  	_ =	shalt  }
0x4e: {  	_ =	shalt  }
0x4f: {  	_ =	shalt  }
0x50: {  	_ =	shalt  }
0x51: {  	_ =	shalt  }
0x52: {  	_ =	shalt  }
0x53: {  	_ =	shalt  }
0x54: {  	_ =	shalt  }
0x55: {  	_ =	shalt  }
0x56: {  	_ =	shalt  }
0x57: {  	_ =	shalt  }
0x58: {  	_ =	shalt  }
0x59: {  	_ =	shalt  }
0x5a: {  	_ =	shalt  }
0x5b: {  	_ =	shalt  }
0x5c: {  	_ =	shalt  }
0x5d: {  	_ =	shalt  }
0x5e: {  	_ =	shalt  }
0x5f: {  	_ =	shalt  }
0x60: {  	_ =	shalt  }
0x61: {  	_ =	shalt  }
0x62: {  	_ =	shalt  }
0x63: {  	_ =	shalt  }
0x64: {  	_ =	shalt  }
0x65: {  	_ =	shalt  }
0x66: {  	_ =	shalt  }
0x67: {  	_ =	shalt  }
0x68: {  	_ =	shalt  }
0x69: {  	_ =	shalt  }
0x6a: {  	_ =	shalt  }
0x6b: {  	_ =	shalt  }
0x6c: {  	_ =	shalt  }
0x6d: {  	_ =	shalt  }
0x6e: {  	_ =	shalt  }
0x6f: {  	_ =	shalt  }
0x70: {  	_ =	shalt  }
0x71: {  	_ =	shalt  }
0x72: {  	_ =	shalt  }
0x73: {  	_ =	shalt  }
0x74: {  	_ =	shalt  }
0x75: {  	_ =	shalt  }
0x76: {  	_ =	shalt  }
0x77: {  	_ =	shalt  }
0x78: {  	_ =	shalt  }
0x79: {  	_ =	shalt  }
0x7a: {  	_ =	shalt  }
0x7b: {  	_ =	shalt  }
0x7c: {  	_ =	shalt  }
0x7d: {  	_ =	shalt  }
0x7e: {  	_ =	shalt  }
0x7f: {  	_ =	shalt  }
0x80: {  	_ =	shalt  }
0x81: {  	_ =	shalt  }
0x82: {  	_ =	shalt  }
0x83: {  	_ =	shalt  }
0x84: {  	_ =	shalt  }
0x85: {  	_ =	shalt  }
0x86: {  	_ =	shalt  }
0x87: {  	_ =	shalt  }
.Lfunc_end0:
.L_simem_size_0:
called_computation.2_lowered:
.L_overlay_start_0:
0x88: {  	s2 =	sld [smem:$0x3FD9]  }
0x89: {  	s3 =	sld [smem:$0x3FFE];
	_ =	sdelay $0x1  }
0x8a: {  	s1 =	srdreg.scid  }
0x8b: {  	s0 =	sand.u32 $0x1, s1  }
0x8c: {  	s14 =	sshll.u32 s0, $0xA;
	s2 =	sadd.s32 s3, s2  }
0x8d: {  	s2 =	sadd.s32 s2, s14  }
0x8e: {  	[smem:$0x3FBA] =	sst s2  }
0x8f: {  	_ = 	snop  }
0x90: {  	s2 =	sld [smem:$0x3FD0];
	_ =	sdelay $0x2  }
0x91: {  	s15 =	simm.s32 $0xA;
	s4 =	simm.s32 $0x10  }
0x92: {  	[smem:s4], [sflag:s15] =	dma.local [hbm:s2], $0x1  }
0x93: {  	_ =	swait.eq [sflag:s15], $0x1  }
0x94: {  	[sflag:s15] =	ssyncset.done $0x0  }
0x95: {  	[sflag:s15] =	ssyncadd.s32 $0xFFFFFFFF  }
0x96: {  	s16 =	sld [smem:$0x11];
	(tm) =	ssettm $0x1  }
0x97: {  	s17 =	sld [smem:$0x3FFB];
	_ =	sdelay $0x3  }
0x98: {  	_ =	strace s17  }
0x99: {  	s3 =	sld [smem:$0x3FFC];
	_ =	sdelay $0x3  }
0x9a: {  	_ =	strace s3  }
0x9b: {  	s3 =	sld [smem:$0x3FFD];
	_ =	sdelay $0x3  }
0x9c: {  	_ =	strace s3  }
0x9d: {  	_ =	strace $0x8FFFFFFF  }
0x9e: {  	s18 =	sld [smem:$0x3FDB];
	_ =	sdelay $0x1  }
0x9f: {  	s19 =	simm.s32 $_scs_section_size  }
0xa0: {  	s5 =	simm.s32 $_size__tile_overlayer_lowered;
	s6 =	simm.s32 $_tile_overlayer_lowered  }
0xa1: {  	s22 =	simm.s32 $0x1BFF;
	s21 =	sshll.u32 s6, $0x1;
	s3 =	sadd.s32 s19, s18  }
0xa2: {  	s7 =	simm.s32 $0x0;
	s20 =	sshll.u32 s5, $0x1;
	s5 =	sadd.s32 s21, s3  }
0xa3: {  	[timem:s7], [sflag:s22] =	dma.local [hbm:s5], s20  }
0xa4: {  	_ =	swait.ge [sflag:s22], s20  }
0xa5: {  	s4 =	ssub.s32 $0x0, s20;
	[sflag:s22] =	ssyncset.done $0x0  }
0xa6: {  	[sflag:s22] =	ssyncadd.s32 s4;
	_ =	sdelay $0x1  }
0xa7: {  	s23 =	simm.s32 $0x1B8B  }
0xa8: {  	_ =	swait.ge [sflag:s23], $0x1  }
0xa9: {  	[sflag:s23] =	ssyncset.done $0x0  }
0xaa: {  	s25 =	simm.s32 $0x1B8E;
	s24 =	sld [smem:$0x3FFE];
	[sflag:s23] =	ssyncadd.s32 $0xFFFFFFFF  }
0xab: {  	s26 =	simm.s32 $execute0_lowered;
	[smem:$0x3FD2] =	sst s25  }
0xac: {  	s5 =	sshll.u32 s26, $0x1;
	_ =	strace $0x8000004C;
	[dreg:$0x1] =	wrdreg $0xFFFFFFFF  }
0xad: {  	s28 =	simm.s32 $_size_execute0_lowered;
	s3 =	sadd.s32 s3, s5;
	[dreg:$0x0] =	wrdreg $0x0  }
0xae: {  	s5 =	sshll.u32 s28, $0x1;
	[dreg:$0x2] =	wrdreg s3  }
0xaf: {  	[dreg:$0x3] =	wrdreg s5  }
0xb0: {  	[dreg:$0x4] =	wrdreg $0xC0  }
0xb1: {  	_ =	task [dreg:s7], $0x5FFFF  }
0xb2: {  	[dreg:$0x1] =	wrdreg $0xFFFFFFFF  }
0xb3: {  	[dreg:$0x0] =	wrdreg $0x60  }
0xb4: {  	[dreg:$0x2] =	wrdreg s16  }
0xb5: {  	[dreg:$0x3] =	wrdreg s24  }
0xb6: {  	[dreg:$0x4] =	wrdreg $0x0  }
0xb7: {  	[dreg:$0x5] =	wrdreg $0x9  }
0xb8: {  	_ =	task.clear_ibuf [dreg:s7], $0x6FFFF;
	_ =	strace $0x9000004C  }
0xb9: {  	s29 =	simm.s32 $0x9;
	_ =	strace $0x8000004E  }
0xba: {  	_ =	swait.ge [sflag:s29], $0x1  }
0xbb: {  	[sflag:s29] =	ssyncadd.s32 $0xFFFFFFFF  }
0xbc: {  	_ =	strace $0x9000004E  }
0xbd: {  	_ =	sfence  }
0xbe: {  	s30 =	sld [smem:$0x0];
	_ =	sdelay $0x2  }
0xbf: {  	s31 =	sshll.u32 s1, $0xD;
	s1 =	sshrl.u32 s1, $0x2  }
0xc0: {  	s3 =	sand.u32 $0x4000, s31;
	s1 =	sadd.s32 s1, s30  }
0xc1: {  	s0 =	sor.u32 s3, s0;
	s1 =	sshll.u32 s1, $0x11  }
0xc2: {  	s0 =	sor.u32 s1, s0  }
0xc3: {  	s0 =	sadd.s32 $0x8F2B, s0  }
0xc4: {  	[sflag:s0] =	ssyncadd.remote.s32 $0x1  }
0xc5: {  	_ =	sfence.sel $0xFFFF  }
0xc6: {  	[dreg:$0x0] =	wrdreg $0xFFFFFFFF;
	(pc) =	sbr.abs _section_cstart, $3  }
0xc7: {  	[dreg:$0x1] =	wrdreg $0xFFFFFFFF  }
0xc8: {  	_ =	task.clear_ibuf [dreg:s7], $0x2FFFF;
	_ =	strace $0x9FFFFFFF  }
0xc9: {  	(tm) =	ssettm $0x7FFFFFFF  }
tec
execute0_lowered:
.L_overlay_start_1:
0x0: {  	(tag) =	ssettag $0x1  }
0x1: {  	s7 =	rddreg [dreg:$0x0]  }
0x2: {  	s1 =	srdreg.scid;
	s0 =	stileid.u32  }
0x3: {  	s4 =	rddreg [dreg:$0x1];
	s6 =	smul.u32 $0x4E20, s0  }
0x4: {  	s2 =	rddreg [dreg:$0x2];
	s3 =	simm.s32 $0x0;
	s24 =	smul.u32 $0x14000, s0  }
0x5: {  	s14 =	simm.s32 $0xC8;
	s15 =	simm.s32 $0x0;
	s26 =	smul.u32 $0x50000, s0  }
0x6: {  	s5 =	sand.u32 $0x1, s1;
	s1 =	rddreg [dreg:$0x3];
	s29 =	smul.u32 $0x4E200, s0  }
0x7: {  	[smem:$0x7FF] =	sst s3;
	s30 =	sshll.u32 s0, $0x6;
	s8 =	smul.u32 $0x2710, s5  }
0x8: {  	s9 =	smul.u32 $0x140000, s5;
	_ =	strace $0x8000004D;
	s11 =	ssub.s32 $0x2, s5  }
0x9: {  	s13 =	smul.u32 $0x27100, s5;
	s5 =	sor.u32 $0x1C01, s30;
	s25 =	sshrl.u32 s24, $0x3  }
0xa: {  	s28 =	sshrl.u32 s11, $0x1;
	s31 =	sadd.s32 s29, s7;
	s6 =	sadd.s32 s8, s6  }
0xb: {  	s8 =	sadd.s32 s24, s9;
	s9 =	sshrl.u32 s26, $0x2;
	s11 =	ssub.s32 s11, s28  }
0xc: {  	s6 =	sshrl.u32 s6, $0x3;
	s8 =	sshrl.u32 s8, $0x3;
	s12 =	sadd.s32 s9, s2  }
0xd: {  	s7 =	smax.u32 s11, $0x1;
	s10 =	sadd.s32 s6, s4;
	s6 =	sadd.s32 s25, s4  }
0xe: {  	s11 =	simm.s32 $0x1;
	s8 =	sadd.s32 s8, s4;
	s4 =	sadd.s32 $0xD000, s6  }
0xf: {  	s6 =	sadd.s32 $0x35000, s8;
	s8 =	sadd.s32 s13, s31;
	s9 =	sadd.s32 $0x3200, s10  }
0x10: {  	s10 =	sshrl.u32 s12, $0x3;
	s12 =	simm.s32 $0x14000;
	s13 =	simm.s32 $0x14100  }
.LBB2_1:
0x11: {  	[spmem:s10], [sflag:s5] =	dma.local [hbm:s4], $0x2800  }
0x12: {  	_ =	swait.ge [sflag:s11], $0x2800  }
0x13: {  	[sflag:s11] =	ssyncset.done $0x0  }
0x14: {  	[sflag:s11] =	ssyncadd.s32 $0xFFFFD800  }
0x15: {  	s16 =	sadd.s32 $0x0, s9;
	[bflag:$0x0] =	sbarrier.arrive $0xFFFF  }
0x16: {  	[tilespmem:s12], [sflag:$0x1] =	stream.linear.gather [hbm4b:s16+s3], $0xC8, $0x38;
	[tilespmem:$0x1A500] =	vst v63  }
0x17: {  	_ =	swait.ge [sflag:s11], $0xC8  }
0x18: {  	[sflag:s11] =	ssyncset.done $0x0  }
0x19: {  	[sflag:s11] =	ssyncadd.s32 $0xFFFFFF38  }
0x1a: {  	[tilespmem:s13], [sflag:$0x1] =	stream.linear.gather [hbm4b:s8+s3], $0x6400, $0x38;
	[tilespmem:$0x1A500] =	vst v63  }
0x1b: {  	_ =	swait.ge [sflag:s11], $0x6400  }
0x1c: {  	[sflag:s11] =	ssyncset.done $0x0  }
0x1d: {  	[sflag:s11] =	ssyncadd.s32 $0xFFFF9C00  }
0x1e: {  	[spmem:s2] =	stream.indirect.scatter.add.f32 [tilespmem:s13], [sflag:$0x1], $0x80, s12, s14, $0xb8;
	[tilespmem:$0x1A500] =	vst v63  }
0x1f: {  	s17 =	simm.s32 $0x19;
	_ =	swait.ge [sflag:s11], $0x6400  }
0x20: {  	s18 =	simm.s32 $0x32;
	s16 =	sadd.s32 $0xC80, s8;
	[sflag:s11] =	ssyncset.done $0x0  }
.LBB2_2:
0x21: {  	s19 =	sadd.s32 s17, s9  }
0x22: {  	[sflag:s11] =	ssyncadd.s32 $0xFFFF9C00;
	s17 =	smov.u32 s18;
	s20 =	sadd.s32 $0x19, s18  }
0x23: {  	[tilespmem:s12], [sflag:$0x1] =	stream.linear.gather [hbm4b:s19+s3], $0xC8, $0x38;
	[tilespmem:$0x1A500] =	vst v63  }
0x24: {  	p0 =	sne.s32 s18, $0x4C9;
	_ =	swait.ge [sflag:s11], $0xC8  }
0x25: {  	[sflag:s11] =	ssyncset.done $0x0  }
0x26: {  	[sflag:s11] =	ssyncadd.s32 $0xFFFFFF38  }
0x27: {  	[tilespmem:s13], [sflag:$0x1] =	stream.linear.gather [hbm4b:s16+s3], $0x6400, $0x38;
	[tilespmem:$0x1A500] =	vst v63  }
0x28: {  	_ =	swait.ge [sflag:s11], $0x6400  }
.Ltmp0:
0x29: {  	[sflag:s11] =	ssyncset.done $0x0;
	(pc) =	sbr.rel @p0 .LBB2_2-.Ltmp0, $4  }
0x2a: {  	[sflag:s11] =	ssyncadd.s32 $0xFFFF9C00  }
0x2b: {  	[spmem:s2] =	stream.indirect.scatter.add.f32 [tilespmem:s13], [sflag:$0x1], $0x80, s12, s14, $0xb8;
	[tilespmem:$0x1A500] =	vst v63  }
0x2c: {  	_ =	swait.ge [sflag:s11], $0x6400  }
0x2d: {  	s18 =	smov.u32 s20;
	s16 =	sadd.s32 $0xC80, s16;
	[sflag:s11] =	ssyncset.done $0x0  }
0x2e: {  	s17 =	sadd.s32 s17, s9;
	[sflag:s11] =	ssyncadd.s32 $0xFFFF9C00  }
0x2f: {  	[tilespmem:s12], [sflag:$0x1] =	stream.linear.gather [hbm4b:s17+s3], $0xC8, $0x38;
	[tilespmem:$0x1A500] =	vst v63  }
0x30: {  	_ =	swait.ge [sflag:s11], $0xC8  }
0x31: {  	[sflag:s11] =	ssyncset.done $0x0  }
0x32: {  	[sflag:s11] =	ssyncadd.s32 $0xFFFFFF38  }
0x33: {  	[tilespmem:s13], [sflag:$0x1] =	stream.linear.gather [hbm4b:s16+s3], $0x6400, $0x38;
	[tilespmem:$0x1A500] =	vst v63  }
0x34: {  	_ =	swait.ge [sflag:s11], $0x6400  }
0x35: {  	[sflag:s11] =	ssyncset.done $0x0  }
0x36: {  	[sflag:s11] =	ssyncadd.s32 $0xFFFF9C00  }
0x37: {  	[spmem:s2] =	stream.indirect.scatter.add.f32 [tilespmem:s13], [sflag:$0x1], $0x80, s12, s14, $0xb8;
	[tilespmem:$0x1A500] =	vst v63  }
0x38: {  	_ =	swait.ge [sflag:s11], $0x6400  }
0x39: {  	s15 =	sadd.s32 $0x1, s15;
	[sflag:s11] =	ssyncset.done $0x0  }
0x3a: {  	p0 =	sne.s32 s15, s7;
	[sflag:s11] =	ssyncadd.s32 $0xFFFF9C00  }
.Ltmp1:
0x3b: {  	[bflag:$0x0] =	sbarrier.arrive $0xFFFF;
	(pc) =	sbr.rel @p0 .LBB2_1-.Ltmp1, $4  }
0x3c: {  	[hbm:s6], [sflag:s5] =	dma.local [spmem:s10], $0x2800  }
0x3d: {  	_ =	swait.ge [sflag:s11], $0x2800  }
0x3e: {  	[sflag:s11] =	ssyncset.done $0x0  }
0x3f: {  	[sflag:s11] =	ssyncadd.s32 $0xFFFFD800  }
0x40: {  	_ =	sfence.sel $0x180000  }
0x41: {  	[bflag:$0x0] =	sbarrier.arrive $0xFFFF  }
0x42: {  	p0 =	sne.s32 s0, $0x0;
	_ =	strace $0x9000004D  }
0x43: {  	s0 =	sadd.s32 @!p0 $0x100000, s1;
	[bflag:$0x2] =	sbarrier.arrive $0xFFFF  }
0x44: {  	[sflag:s0] =	ssyncadd.tile.s32 @!p0 $0x1;
	_ =	shalt  }
.Lfunc_end2:
_tile_overlayer_lowered:
.L_overlay_start_2:
0x45: {  	(tag) =	ssettag $0x2  }
0x46: {  	s0 =	rddreg [dreg:$0x0];
	s2 =	stileid.u32  }
0x47: {  	s1 =	rddreg [dreg:$0x1];
	p0 =	sne.s32 s2, $0x0  }
0x48: {  	s3 =	rddreg [dreg:$0x2];
	[bflag:$0x3] =	sbarrier.arrive $0xFFFF;
	s2 =	simm.s32 @!p0 $0x1C01  }
0x49: {  	[timem:s3], [sflag:s2] =	dma.local @!p0 [hbm:s0], s1  }
0x4a: {  	s0 =	simm.s32 @!p0 $0x1  }
0x4b: {  	_ =	swait.ge @!p0 [sflag:s0], s1  }
0x4c: {  	s1 =	ssub.s32 @!p0 $0x0, s1;
	[sflag:s0] =	ssyncset.done @!p0 $0x0  }
0x4d: {  	[sflag:s0] =	ssyncadd.s32 @!p0 s1  }
0x4e: {  	[bflag:$0x3] =	sbarrier.arrive $0xFFFF  }
0x4f: {  	_ =	shalt  }

// kernel: kernel.8.cloned.1.call-start
scs
__scs_entry_jumppad:
0x0: {  	(pc) =	sbr.rel $0x88, $3  }
0x1: {  	(tag) =	ssettag $0x0;
	lr =	simm.s32 $0x1  }
0x2: {  	[smem:$0x3F93] =	sst lr;
	_ =	strace $0xD0000000  }
0x3: {  	_ = 	snop  }
0x4: {  	_ = 	snop  }
0x5: {  	_ = 	snop  }
0x6: {  	_ = 	snop  }
0x7: {  	_ = 	snop  }
__scs_overlays_trampoline_lowered:
0x8: {  	[smem:$0x3FA2] =	sst s0  }
0x9: {  	[smem:$0x3FA3] =	sst s1  }
0xa: {  	[smem:$0x3FA4] =	sst s2  }
0xb: {  	[smem:$0x3FA5] =	sst s3  }
0xc: {  	[smem:$0x3FA6] =	sst s4  }
0xd: {  	[smem:$0x3FA7] =	sst s5  }
0xe: {  	[smem:$0x3FA8] =	sst s6  }
0xf: {  	[smem:$0x3FA9] =	sst s7  }
0x10: {  	[smem:$0x3FAA] =	sst s8  }
0x11: {  	[smem:$0x3FAB] =	sst s9;
	s0 =	simm.s32 @!p0 $0x0  }
0x12: {  	s1 =	sld [smem:$0x3F91];
	s0 =	simm.s32 @p0 $0x1  }
0x13: {  	[smem:$0x3FAC] =	sst s0;
	s0 =	simm.s32 @!p1 $0x0  }
0x14: {  	s2 =	sld [smem:$0x3F90];
	s0 =	simm.s32 @p1 $0x1  }
0x15: {  	[smem:$0x3FAD] =	sst s0;
	s0 =	simm.s32 @!p2 $0x0  }
0x16: {  	s3 =	sld [smem:$0x3FDB];
	s0 =	simm.s32 @p2 $0x1  }
0x17: {  	s4 =	simm.s32 $0x1BF5;
	[smem:$0x3FAF] =	sst s0  }
0x18: {  	s0 =	sld [smem:$0x3F92];
	_ =	swait.ge [sflag:s4], $0x0  }
0x19: {  	s7 =	sld [smem:$0x3F93]  }
0x1a: {  	s8 =	sadd.s32 $0xFFFFE003, lr  }
0x1b: {  	s9 =	sadd.s32 $0xFFFFFEF7, lr;
	s5 =	simm.s32 $0xFFFFFFFF;
	p2 =	slt.u32 s8, $0xFFFFF086  }
0x1c: {  	p1 =	slt.u32 s9, $0xF7A;
	s5 =	simm.s32 @!p2 $0x0  }
0x1d: {  	s5 =	simm.s32 @p1 $0x1;
	p0 =	seq.s32 s7, s2  }
0x1e: {  	s7 =	smul.u32 @!p0 $0xF7A, s2;
	p2 =	seq.s32 @!p0 s5, $0x0  }
0x1f: {  	s9 =	smul.u32 $0xF7A, s1;
	s8 =	simm.s32 @!p0 $0x1BF5;
	p2 =	por !p2, p0  }
0x20: {  	[sflag:s8] =	ssyncset.s32 @!p0 $0xFFFFF086;
	s6 =	sadd.s32 @!p0 s3, s7;
	s7 =	simm.s32 @!p0 $0x108  }
0x21: {  	s3 =	sadd.s32 s3, s9;
	s6 =	sadd.s32 @!p0 $0x88, s6;
	s7 =	simm.s32 @p2 $0x1082  }
0x22: {  	[simem:s7], [sflag:s8] =	dma.local @!p0 [hbm:s6], $0xF7A  }
0x23: {  	s9 =	sor.u32 $0xD0000000, s2;
	s6 =	simm.s32 $0x108;
	_ =	swait.ge @!p0 [sflag:s8], $0x0  }
0x24: {  	s3 =	sadd.s32 $0x88, s3;
	s6 =	simm.s32 @!p1 $0x1082;
	[sflag:s4] =	ssyncset.s32 $0xFFFFF086  }
0x25: {  	[simem:s6], [sflag:s4] =	dma.local [hbm:s3], $0xF7A  }
0x26: {  	[smem:$0x3F93] =	sst s1;
	(tag) =	ssettag s2;
	_ =	strace s9  }
0x27: {  	s1 =	sld [smem:$0x3FA3]  }
0x28: {  	s2 =	sld [smem:$0x3FA4]  }
0x29: {  	s4 =	sld [smem:$0x3FA6]  }
0x2a: {  	p0 =	seq.s32 s5, $0x0;
	s5 =	sld [smem:$0x3FA7]  }
0x2b: {  	s6 =	sld [smem:$0x3FA8]  }
0x2c: {  	s7 =	sld [smem:$0x3FA9]  }
0x2d: {  	s3 =	simm.s32 $0x108;
	s8 =	sld [smem:$0x3FAA]  }
0x2e: {  	s3 =	simm.s32 @!p0 $0x1082;
	s9 =	sld [smem:$0x3FAB]  }
0x2f: {  	lr =	sadd.s32 s0, s3;
	s0 =	sld [smem:$0x3FA2]  }
0x30: {  	s3 =	sld [smem:$0x3FA5]  }
0x31: {  	[smem:$0x3FAE] =	sst s10  }
0x32: {  	s10 =	sld [smem:$0x3FAC];
	_ =	sdelay $0x3  }
0x33: {  	p0 =	seq.s32 s10, $0x1;
	s10 =	sld [smem:$0x3FAE];
	_ =	sdelay $0x3  }
0x34: {  	[smem:$0x3FAE] =	sst s10  }
0x35: {  	s10 =	sld [smem:$0x3FAD];
	_ =	sdelay $0x3  }
0x36: {  	p1 =	seq.s32 s10, $0x1;
	s10 =	sld [smem:$0x3FAE];
	_ =	sdelay $0x3  }
0x37: {  	[smem:$0x3FAE] =	sst s10  }
0x38: {  	s10 =	sld [smem:$0x3FAF]  }
0x39: {  	_ = 	snop;
	(pc) =	sbr.ind lr, $3  }
0x3a: {  	_ = 	snop  }
0x3b: {  	_ = 	snop  }
0x3c: {  	p2 =	seq.s32 s10, $0x1;
	s10 =	sld [smem:$0x3FAE]  }
0x3d: {  	_ =	shalt  }
0x3e: {  	_ =	shalt  }
0x3f: {  	_ =	shalt  }
0x40: {  	_ =	shalt  }
0x41: {  	_ =	shalt  }
0x42: {  	_ =	shalt  }
0x43: {  	_ =	shalt  }
0x44: {  	_ =	shalt  }
0x45: {  	_ =	shalt  }
0x46: {  	_ =	shalt  }
0x47: {  	_ =	shalt  }
0x48: {  	_ =	shalt  }
0x49: {  	_ =	shalt  }
0x4a: {  	_ =	shalt  }
0x4b: {  	_ =	shalt  }
0x4c: {  	_ =	shalt  }
0x4d: {  	_ =	shalt  }
0x4e: {  	_ =	shalt  }
0x4f: {  	_ =	shalt  }
0x50: {  	_ =	shalt  }
0x51: {  	_ =	shalt  }
0x52: {  	_ =	shalt  }
0x53: {  	_ =	shalt  }
0x54: {  	_ =	shalt  }
0x55: {  	_ =	shalt  }
0x56: {  	_ =	shalt  }
0x57: {  	_ =	shalt  }
0x58: {  	_ =	shalt  }
0x59: {  	_ =	shalt  }
0x5a: {  	_ =	shalt  }
0x5b: {  	_ =	shalt  }
0x5c: {  	_ =	shalt  }
0x5d: {  	_ =	shalt  }
0x5e: {  	_ =	shalt  }
0x5f: {  	_ =	shalt  }
0x60: {  	_ =	shalt  }
0x61: {  	_ =	shalt  }
0x62: {  	_ =	shalt  }
0x63: {  	_ =	shalt  }
0x64: {  	_ =	shalt  }
0x65: {  	_ =	shalt  }
0x66: {  	_ =	shalt  }
0x67: {  	_ =	shalt  }
0x68: {  	_ =	shalt  }
0x69: {  	_ =	shalt  }
0x6a: {  	_ =	shalt  }
0x6b: {  	_ =	shalt  }
0x6c: {  	_ =	shalt  }
0x6d: {  	_ =	shalt  }
0x6e: {  	_ =	shalt  }
0x6f: {  	_ =	shalt  }
0x70: {  	_ =	shalt  }
0x71: {  	_ =	shalt  }
0x72: {  	_ =	shalt  }
0x73: {  	_ =	shalt  }
0x74: {  	_ =	shalt  }
0x75: {  	_ =	shalt  }
0x76: {  	_ =	shalt  }
0x77: {  	_ =	shalt  }
0x78: {  	_ =	shalt  }
0x79: {  	_ =	shalt  }
0x7a: {  	_ =	shalt  }
0x7b: {  	_ =	shalt  }
0x7c: {  	_ =	shalt  }
0x7d: {  	_ =	shalt  }
0x7e: {  	_ =	shalt  }
0x7f: {  	_ =	shalt  }
0x80: {  	_ =	shalt  }
0x81: {  	_ =	shalt  }
0x82: {  	_ =	shalt  }
0x83: {  	_ =	shalt  }
0x84: {  	_ =	shalt  }
0x85: {  	_ =	shalt  }
0x86: {  	_ =	shalt  }
0x87: {  	_ =	shalt  }
.Lfunc_end0:
.L_simem_size_0:
called_computation_lowered:
.L_overlay_start_0:
0x88: {  	s2 =	sld [smem:$0x3FD9]  }
0x89: {  	s3 =	sld [smem:$0x3FFE];
	_ =	sdelay $0x1  }
0x8a: {  	s1 =	srdreg.scid  }
0x8b: {  	s0 =	sand.u32 $0x1, s1  }
0x8c: {  	s14 =	sshll.u32 s0, $0xA;
	s2 =	sadd.s32 s3, s2  }
0x8d: {  	s2 =	sadd.s32 s2, s14  }
0x8e: {  	[smem:$0x3FBA] =	sst s2  }
0x8f: {  	_ = 	snop  }
0x90: {  	s2 =	sld [smem:$0x3FD0];
	_ =	sdelay $0x2  }
0x91: {  	s4 =	simm.s32 $0xA;
	s5 =	simm.s32 $0x10;
	s15 =	sld [smem:$0x3FC8]  }
0x92: {  	[smem:s5], [sflag:s4] =	dma.local [hbm:s2], $0x1  }
0x93: {  	_ =	swait.eq [sflag:s4], $0x1  }
0x94: {  	[sflag:s4] =	ssyncset.done $0x0  }
0x95: {  	[sflag:s4] =	ssyncadd.s32 $0xFFFFFFFF  }
0x96: {  	s16 =	sld [smem:$0x11];
	(tm) =	ssettm $0x1  }
0x97: {  	s17 =	sld [smem:$0x3FFB];
	_ =	sdelay $0x3  }
0x98: {  	_ =	strace s17  }
0x99: {  	s4 =	sld [smem:$0x3FFC];
	_ =	sdelay $0x3  }
0x9a: {  	_ =	strace s4  }
0x9b: {  	s4 =	sld [smem:$0x3FFD];
	_ =	sdelay $0x3  }
0x9c: {  	_ =	strace s4  }
0x9d: {  	_ =	strace $0x8FFFFFFF  }
0x9e: {  	s18 =	sld [smem:$0x3FDB];
	_ =	sdelay $0x1  }
0x9f: {  	s19 =	simm.s32 $_scs_section_size  }
0xa0: {  	s6 =	simm.s32 $_size__tile_overlayer_lowered;
	s7 =	simm.s32 $_tile_overlayer_lowered  }
0xa1: {  	s22 =	simm.s32 $0x1BFF;
	s21 =	sshll.u32 s7, $0x1;
	s4 =	sadd.s32 s19, s18  }
0xa2: {  	s8 =	simm.s32 $0x0;
	s20 =	sshll.u32 s6, $0x1;
	s6 =	sadd.s32 s21, s4  }
0xa3: {  	[timem:s8], [sflag:s22] =	dma.local [hbm:s6], s20  }
0xa4: {  	_ =	swait.ge [sflag:s22], s20  }
0xa5: {  	s5 =	ssub.s32 $0x0, s20;
	[sflag:s22] =	ssyncset.done $0x0  }
0xa6: {  	[sflag:s22] =	ssyncadd.s32 s5;
	_ =	sdelay $0x1  }
0xa7: {  	s23 =	simm.s32 $0x1B8B  }
0xa8: {  	_ =	swait.ge [sflag:s23], $0x1  }
0xa9: {  	[sflag:s23] =	ssyncset.done $0x0  }
0xaa: {  	s25 =	simm.s32 $0x1B8E;
	s24 =	sld [smem:$0x3FFE];
	[sflag:s23] =	ssyncadd.s32 $0xFFFFFFFF  }
0xab: {  	s26 =	simm.s32 $execute0_lowered;
	[smem:$0x3FD2] =	sst s25  }
0xac: {  	s6 =	sshll.u32 s26, $0x1;
	_ =	strace $0x80000046;
	[dreg:$0x1] =	wrdreg $0xFFFFFFFF  }
0xad: {  	s28 =	simm.s32 $_size_execute0_lowered;
	s4 =	sadd.s32 s4, s6;
	[dreg:$0x0] =	wrdreg $0x0  }
0xae: {  	s6 =	sshll.u32 s28, $0x1;
	[dreg:$0x2] =	wrdreg s4  }
0xaf: {  	[dreg:$0x3] =	wrdreg s6  }
0xb0: {  	[dreg:$0x4] =	wrdreg $0xC0  }
0xb1: {  	_ =	task [dreg:s8], $0x5FFFF  }
0xb2: {  	[dreg:$0x1] =	wrdreg $0xFFFFFFFF  }
0xb3: {  	[dreg:$0x0] =	wrdreg $0x60  }
0xb4: {  	[dreg:$0x2] =	wrdreg s15  }
0xb5: {  	[dreg:$0x3] =	wrdreg s16  }
0xb6: {  	[dreg:$0x4] =	wrdreg s24  }
0xb7: {  	[dreg:$0x5] =	wrdreg $0x9  }
0xb8: {  	_ =	task.clear_ibuf [dreg:s8], $0x6FFFF;
	_ =	strace $0x90000046  }
0xb9: {  	s29 =	simm.s32 $0x9;
	_ =	strace $0x80000048  }
0xba: {  	_ =	swait.ge [sflag:s29], $0x1  }
0xbb: {  	[sflag:s29] =	ssyncadd.s32 $0xFFFFFFFF  }
0xbc: {  	_ =	strace $0x90000048  }
0xbd: {  	_ =	sfence  }
0xbe: {  	s30 =	sld [smem:$0x0];
	_ =	sdelay $0x2  }
0xbf: {  	s31 =	sshll.u32 s1, $0xD;
	s1 =	sshrl.u32 s1, $0x2  }
0xc0: {  	s3 =	sand.u32 $0x4000, s31;
	s1 =	sadd.s32 s1, s30  }
0xc1: {  	s0 =	sor.u32 s3, s0;
	s1 =	sshll.u32 s1, $0x11  }
0xc2: {  	s0 =	sor.u32 s1, s0  }
0xc3: {  	s0 =	sadd.s32 $0x8F2B, s0  }
0xc4: {  	[sflag:s0] =	ssyncadd.remote.s32 $0x1  }
0xc5: {  	_ =	sfence.sel $0xFFFF  }
0xc6: {  	[dreg:$0x0] =	wrdreg $0xFFFFFFFF;
	(pc) =	sbr.abs _section_cstart, $3  }
0xc7: {  	[dreg:$0x1] =	wrdreg $0xFFFFFFFF  }
0xc8: {  	_ =	task.clear_ibuf [dreg:s8], $0x2FFFF;
	_ =	strace $0x9FFFFFFF  }
0xc9: {  	(tm) =	ssettm $0x7FFFFFFF  }
tec
execute0_lowered:
.L_overlay_start_1:
0x0: {  	(tag) =	ssettag $0x1  }
0x1: {  	s1 =	rddreg [dreg:$0x0]  }
0x2: {  	s0 =	stileid.u32;
	s6 =	rddreg [dreg:$0x1]  }
0x3: {  	s2 =	srdreg.scid;
	s7 =	rddreg [dreg:$0x2]  }
0x4: {  	s3 =	simm.s32 $0x0;
	s11 =	simm.s32 $0x0;
	s4 =	smul.u32 $0x4E200, s0  }
0x5: {  	s5 =	sand.u32 $0x1, s2;
	s2 =	rddreg [dreg:$0x3];
	s9 =	smul.u32 $0x4E20, s0  }
0x6: {  	[smem:$0x7FF] =	sst s3;
	s8 =	smul.u32 $0x27100, s5;
	s10 =	ssub.s32 $0x2, s5  }
0x7: {  	s5 =	smul.u32 $0x2710, s5;
	s4 =	sadd.s32 s4, s7;
	s30 =	sshrl.u32 s10, $0x1  }
0x8: {  	_ =	strace $0x80000047;
	s7 =	ssub.s32 s10, s30;
	s8 =	sadd.s32 s8, s4  }
0x9: {  	s9 =	sadd.s32 s5, s9;
	s10 =	simm.s32 $0x1;
	s4 =	smax.u32 s7, $0x1  }
0xa: {  	s5 =	sadd.s32 $0xD000, s8;
	s31 =	sshrl.u32 s9, $0x3;
	s7 =	simm.s32 $0x2  }
0xb: {  	s8 =	simm.s32 $0x3E8;
	s9 =	simm.s32 $0x400;
	s6 =	sadd.s32 s31, s6  }
.LBB2_1:
0xc: {  	s12 =	sadd.s32 $0x0, s6  }
0xd: {  	[tilespmem:s3], [sflag:$0x2] =	stream.linear.gather [hbm4b:s12+s3], $0x3E8, $0x38;
	[tilespmem:$0x1F800] =	vst v63  }
0xe: {  	_ =	swait.ge [sflag:s7], $0x3E8  }
0xf: {  	[sflag:s7] =	ssyncset.done $0x0  }
0x10: {  	[sflag:s7] =	ssyncadd.s32 $0xFFFFFC18  }
0x11: {  	[tilespmem:s9], [sflag:$0x1] =	stream.indirect.gather [hbm4b:s1+s8], $0x80, s3, s8, $0xb8;
	[tilespmem:$0x1F800] =	vst v63  }
0x12: {  	_ =	swait.ge [sflag:s10], $0x1F400  }
0x13: {  	[sflag:s10] =	ssyncset.done $0x0  }
0x14: {  	[sflag:s10] =	ssyncadd.s32 $0xFFFE0C00  }
0x15: {  	[hbm4b:s5+s3] =	stream.linear.scatter [tilespmem:s9], [sflag:$0x2], $0x1F400, $0x38;
	[tilespmem:$0x1F800] =	vst v63  }
0x16: {  	s13 =	simm.s32 $0x7D;
	_ =	swait.ge [sflag:s7], $0x1F400  }
0x17: {  	s14 =	simm.s32 $0xFA;
	s12 =	sadd.s32 $0x3E80, s5;
	[sflag:s7] =	ssyncset.done $0x0  }
.LBB2_2:
0x18: {  	s15 =	sadd.s32 s13, s6  }
0x19: {  	[sflag:s7] =	ssyncadd.s32 $0xFFFE0C00;
	s13 =	smov.u32 s14;
	s16 =	sadd.s32 $0x7D, s14  }
0x1a: {  	[tilespmem:s3], [sflag:$0x2] =	stream.linear.gather [hbm4b:s15+s3], $0x3E8, $0x38;
	[tilespmem:$0x1F800] =	vst v63  }
0x1b: {  	p0 =	sne.s32 s14, $0x465;
	_ =	swait.ge [sflag:s7], $0x3E8  }
0x1c: {  	[sflag:s7] =	ssyncset.done $0x0  }
0x1d: {  	[sflag:s7] =	ssyncadd.s32 $0xFFFFFC18  }
0x1e: {  	[tilespmem:s9], [sflag:$0x1] =	stream.indirect.gather [hbm4b:s1+s8], $0x80, s3, s8, $0xb8;
	[tilespmem:$0x1F800] =	vst v63  }
0x1f: {  	_ =	swait.ge [sflag:s10], $0x1F400  }
.Ltmp0:
0x20: {  	[sflag:s10] =	ssyncset.done $0x0;
	(pc) =	sbr.rel @p0 .LBB2_2-.Ltmp0, $4  }
0x21: {  	[sflag:s10] =	ssyncadd.s32 $0xFFFE0C00  }
0x22: {  	[hbm4b:s12+s3] =	stream.linear.scatter [tilespmem:s9], [sflag:$0x2], $0x1F400, $0x38;
	[tilespmem:$0x1F800] =	vst v63  }
0x23: {  	_ =	swait.ge [sflag:s7], $0x1F400  }
0x24: {  	s14 =	smov.u32 s16;
	s12 =	sadd.s32 $0x3E80, s12;
	[sflag:s7] =	ssyncset.done $0x0  }
0x25: {  	s13 =	sadd.s32 s13, s6;
	[sflag:s7] =	ssyncadd.s32 $0xFFFE0C00  }
0x26: {  	[tilespmem:s3], [sflag:$0x2] =	stream.linear.gather [hbm4b:s13+s3], $0x3E8, $0x38;
	[tilespmem:$0x1F800] =	vst v63  }
0x27: {  	_ =	swait.ge [sflag:s7], $0x3E8  }
0x28: {  	[sflag:s7] =	ssyncset.done $0x0  }
0x29: {  	[sflag:s7] =	ssyncadd.s32 $0xFFFFFC18  }
0x2a: {  	[tilespmem:s9], [sflag:$0x1] =	stream.indirect.gather [hbm4b:s1+s8], $0x80, s3, s8, $0xb8;
	[tilespmem:$0x1F800] =	vst v63  }
0x2b: {  	s11 =	sadd.s32 $0x1, s11;
	_ =	swait.ge [sflag:s10], $0x1F400  }
0x2c: {  	p0 =	sne.s32 s11, s4;
	[sflag:s10] =	ssyncset.done $0x0  }
.Ltmp1:
0x2d: {  	[sflag:s10] =	ssyncadd.s32 $0xFFFE0C00;
	(pc) =	sbr.rel @p0 .LBB2_1-.Ltmp1, $4  }
0x2e: {  	[hbm4b:s12+s3] =	stream.linear.scatter [tilespmem:s9], [sflag:$0x2], $0x1F400, $0x38;
	[tilespmem:$0x1F800] =	vst v63  }
0x2f: {  	_ =	swait.ge [sflag:s7], $0x1F400  }
0x30: {  	[sflag:s7] =	ssyncset.done $0x0  }
0x31: {  	[sflag:s7] =	ssyncadd.s32 $0xFFFE0C00  }
0x32: {  	_ =	sfence.sel $0x180000  }
0x33: {  	[bflag:$0x0] =	sbarrier.arrive $0xFFFF  }
0x34: {  	p0 =	sne.s32 s0, $0x0;
	_ =	strace $0x90000047  }
0x35: {  	s0 =	sadd.s32 @!p0 $0x100000, s2;
	[bflag:$0x2] =	sbarrier.arrive $0xFFFF  }
0x36: {  	[sflag:s0] =	ssyncadd.tile.s32 @!p0 $0x1;
	_ =	shalt  }
.Lfunc_end2:
_tile_overlayer_lowered:
.L_overlay_start_2:
0x37: {  	(tag) =	ssettag $0x2  }
0x38: {  	s0 =	rddreg [dreg:$0x0];
	s2 =	stileid.u32  }
0x39: {  	s1 =	rddreg [dreg:$0x1];
	p0 =	sne.s32 s2, $0x0  }
0x3a: {  	s3 =	rddreg [dreg:$0x2];
	[bflag:$0x3] =	sbarrier.arrive $0xFFFF;
	s2 =	simm.s32 @!p0 $0x1C02  }
0x3b: {  	[timem:s3], [sflag:s2] =	dma.local @!p0 [hbm:s0], s1  }
0x3c: {  	s0 =	simm.s32 @!p0 $0x2  }
0x3d: {  	_ =	swait.ge @!p0 [sflag:s0], s1  }
0x3e: {  	s1 =	ssub.s32 @!p0 $0x0, s1;
	[sflag:s0] =	ssyncset.done @!p0 $0x0  }
0x3f: {  	[sflag:s0] =	ssyncadd.s32 @!p0 s1  }
0x40: {  	[bflag:$0x3] =	sbarrier.arrive $0xFFFF  }
0x41: {  	_ =	shalt  }

</sc_bundles>
